<compile_context>
chip_gen: v7x
topology: tpu7x:2x2x1
jax: 0.10.2.dev20260603
libtpu: 0.0.44.dev20260713+nightly
codegen_flags: <defaults>
</compile_context>

<pallas_src>
import dataclasses
import functools

import jax
import jax.numpy as jnp
from jax import lax
from jax.experimental import pallas as pl
from jax.experimental.pallas import tpu as pltpu
from jax.experimental.pallas import tpu_sc as plsc

_NC = 2
_NS = 16
_LANES = 16


def _sc_params():
  cp = pltpu.CompilerParams()
  if "needs_layout_passes" in pltpu.CompilerParams.__dataclass_fields__:
    cp = dataclasses.replace(cp, needs_layout_passes=False)
  return cp


def _sc_degree(dst, n_pad):
  e = dst.shape[0]
  nw = _NC * _NS
  per = e // nw
  col = n_pad // _NS
  assert per * nw == e and per % _LANES == 0 and col % 128 == 0
  mesh = plsc.VectorSubcoreMesh(core_axis_name="c", subcore_axis_name="s")

  @functools.partial(
      pl.kernel,
      out_type=jax.ShapeDtypeStruct((_NC * n_pad,), jnp.float32),
      mesh=mesh,
      scratch_types=[
          pltpu.VMEM((n_pad,), jnp.float32),
          pltpu.VMEM((per,), jnp.int32),
          pltpu.VMEM((_NS, col), jnp.float32),
          pltpu.VMEM_SHARED((_NS, n_pad), jnp.float32),
      ],
      compiler_params=_sc_params(),
  )
  def k(dst_hbm, out_hbm, hist_v, idx_v, comb_v, sh):
    c = lax.axis_index("c")
    s = lax.axis_index("s")
    w = c * _NS + s

    @pl.loop(0, n_pad // _LANES)
    def _(i):
      hist_v[pl.ds(i * _LANES, _LANES)] = jnp.zeros((_LANES,), jnp.float32)

    pltpu.sync_copy(dst_hbm.at[pl.ds(w * per, per)], idx_v)
    ones = jnp.ones((_LANES,), jnp.float32)

    @pl.loop(0, per // _LANES, unroll=4)
    def _(i):
      idx = idx_v[pl.ds(i * _LANES, _LANES)]
      plsc.addupdate_scatter(hist_v, [idx], ones)

    pltpu.sync_copy(hist_v, sh.at[s])
    plsc.subcore_barrier()
    pltpu.sync_copy(sh.at[:, pl.ds(s * col, col)], comb_v)

    @pl.loop(0, col // _LANES, unroll=4)
    def _(j):
      acc = comb_v[0, pl.ds(j * _LANES, _LANES)]
      for r in range(1, _NS):
        acc = acc + comb_v[r, pl.ds(j * _LANES, _LANES)]
      comb_v[0, pl.ds(j * _LANES, _LANES)] = acc

    pltpu.sync_copy(comb_v.at[0],
                    out_hbm.at[pl.ds(c * n_pad + s * col, col)])

  return k(dst)


def _sc_scatter(y, src, dst):
  n, d = y.shape
  e = src.shape[0]
  nw = _NC * _NS
  per = e // nw
  k_ch = 80
  nch = per // k_ch
  assert per * nw == e and nch * k_ch == per and (nch - 5) % 3 == 0
  rpt = (n // _NS) // 8 * 8
  rem = n - rpt * _NS
  assert rem % 8 == 0
  zr = 48
  nz = rpt // zr
  assert zr * nz == rpt and rem <= zr
  mesh = plsc.VectorSubcoreMesh(core_axis_name="c", subcore_axis_name="s")

  @functools.partial(
      pl.kernel,
      out_type=jax.ShapeDtypeStruct((_NC, n, d), jnp.float32),
      mesh=mesh,
      scratch_types=[
          pltpu.VMEM((per,), jnp.int32),
          pltpu.VMEM((k_ch,), jnp.int32),
          pltpu.VMEM((k_ch,), jnp.int32),
          pltpu.VMEM((k_ch,), jnp.int32),
          pltpu.VMEM((k_ch, d), jnp.float32),
          pltpu.VMEM((k_ch, d), jnp.float32),
          pltpu.VMEM((k_ch, d), jnp.float32),
          pltpu.VMEM((zr, d), jnp.float32),
          pltpu.VMEM_SHARED((n, d), jnp.float32),
          pltpu.SemaphoreType.DMA,
          pltpu.SemaphoreType.DMA,
          pltpu.SemaphoreType.DMA,
          pltpu.SemaphoreType.DMA,
          pltpu.SemaphoreType.DMA,
          pltpu.SemaphoreType.DMA,
          pltpu.SemaphoreType.DMA,
          pltpu.SemaphoreType.DMA,
          pltpu.SemaphoreType.DMA,
          pltpu.SemaphoreType.DMA,
      ],
      compiler_params=_sc_params(),
  )
  def k(y_hbm, src_hbm, dst_hbm, out_hbm, src_v, dst_a, dst_b, dst_c,
        buf_a, buf_b, buf_c, zero_v, acc_sh,
        gsem_a, gsem_b, gsem_c, ssem_a, ssem_b, ssem_c,
        dsem_a, dsem_b, dsem_c, zsem):
    c = lax.axis_index("c")
    s = lax.axis_index("s")
    w = c * _NS + s
    bufs = (buf_a, buf_b, buf_c)
    dsts = (dst_a, dst_b, dst_c)
    gsems = (gsem_a, gsem_b, gsem_c)
    ssems = (ssem_a, ssem_b, ssem_c)
    dsems = (dsem_a, dsem_b, dsem_c)

    base0 = w * per
    pltpu.sync_copy(src_hbm.at[pl.ds(base0, per)], src_v)

    def g_start(i, p):
      pltpu.async_copy(y_hbm.at[src_v.at[pl.ds(i * k_ch, k_ch)]],
                       bufs[p], gsems[p])

    def g_wait(p):
      pltpu.make_async_copy(y_hbm.at[src_v.at[pl.ds(0, k_ch)]],
                            bufs[p], gsems[p]).wait()

    def d_start(i, p):
      pltpu.async_copy(dst_hbm.at[pl.ds(base0 + i * k_ch, k_ch)],
                       dsts[p], dsems[p])

    def d_wait(p):
      pltpu.make_async_copy(dst_hbm.at[pl.ds(base0, k_ch)],
                            dsts[p], dsems[p]).wait()

    def s_start(p):
      pltpu.async_copy(bufs[p], acc_sh.at[dsts[p]], ssems[p], add=True)

    def s_wait(p):
      pltpu.make_async_copy(bufs[p], acc_sh.at[dsts[p]], ssems[p]).wait()

    d_start(0, 0)
    g_start(0, 0)
    d_start(1, 1)
    g_start(1, 1)

    @pl.loop(0, zr)
    def _(i):
      for j in range(d // _LANES):
        zero_v[i, pl.ds(j * _LANES, _LANES)] = jnp.zeros((_LANES,), jnp.float32)

    for t in range(nz):
      pltpu.async_copy(zero_v, acc_sh.at[pl.ds(s * rpt + t * zr, zr)], zsem)
    for t in range(nz):
      pltpu.make_async_copy(zero_v, acc_sh.at[pl.ds(s * rpt, zr)], zsem).wait()

    @pl.when(s == 0)
    def _():
      pltpu.async_copy(zero_v.at[pl.ds(0, rem)],
                       acc_sh.at[pl.ds(_NS * rpt, rem)], zsem)
      pltpu.make_async_copy(zero_v.at[pl.ds(0, rem)],
                            acc_sh.at[pl.ds(_NS * rpt, rem)], zsem).wait()

    plsc.subcore_barrier()

    def step(i, p, first_round):
      g_wait(p)
      q = (p + 2) % 3
      if not (first_round and q == 2):
        s_wait(q)
      d_start(i + 2, q)
      g_start(i + 2, q)
      d_wait(p)
      s_start(p)

    step(0, 0, True)
    step(1, 1, True)
    step(2, 2, False)

    @pl.loop(0, (nch - 5) // 3)
    def _(j):
      base = 3 + 3 * j
      step(base + 0, 0, False)
      step(base + 1, 1, False)
      step(base + 2, 2, False)

    g_wait(0)
    d_wait(0)
    s_start(0)
    g_wait(1)
    d_wait(1)
    s_start(1)
    s_wait(0)
    s_wait(1)
    s_wait(2)

    plsc.subcore_barrier()
    pltpu.sync_copy(
        acc_sh.at[pl.ds(s * rpt, rpt)],
        out_hbm.at[c, pl.ds(s * rpt, rpt)],
    )

    @pl.when(s == 0)
    def _():
      pltpu.sync_copy(
          acc_sh.at[pl.ds(_NS * rpt, rem)],
          out_hbm.at[c, pl.ds(_NS * rpt, rem)],
      )

  return k(y, src, dst)


_BLK = 2000


def _tc_matmul(h, w):
  n, d_in = h.shape
  d_out = w.shape[1]

  def body(h_ref, w_ref, y_ref):
    y_ref[...] = jnp.dot(h_ref[...], w_ref[...],
                         preferred_element_type=jnp.float32)

  return pl.pallas_call(
      body,
      grid=(n // _BLK,),
      in_specs=[
          pl.BlockSpec((_BLK, d_in), lambda i: (i, 0)),
          pl.BlockSpec((d_in, d_out), lambda i: (0, 0)),
      ],
      out_specs=pl.BlockSpec((_BLK, d_out), lambda i: (i, 0)),
      out_shape=jax.ShapeDtypeStruct((n, d_out), jnp.float32),
  )(h, w)


def _tc_dis_scale(deg_t, mm):
  n, d = mm.shape
  nw = deg_t.shape[1]

  def body(deg_ref, mm_ref, dis_ref, y_ref):
    deg = jnp.sum(deg_ref[...], axis=1, keepdims=True) + 1.0
    dis = lax.rsqrt(deg)
    dis_ref[...] = dis
    y_ref[...] = mm_ref[...] * dis

  return pl.pallas_call(
      body,
      grid=(n // _BLK,),
      in_specs=[
          pl.BlockSpec((_BLK, nw), lambda i: (i, 0)),
          pl.BlockSpec((_BLK, d), lambda i: (i, 0)),
      ],
      out_specs=(
          pl.BlockSpec((_BLK, 1), lambda i: (i, 0)),
          pl.BlockSpec((_BLK, d), lambda i: (i, 0)),
      ),
      out_shape=(
          jax.ShapeDtypeStruct((n, 1), jnp.float32),
          jax.ShapeDtypeStruct((n, d), jnp.float32),
      ),
  )(deg_t, mm)


def _tc_layer(parts, y, dis, b, w_next):
  n, d = y.shape

  def body(p_ref, y_ref, d_ref, b_ref, w_ref, o_ref):
    t = (p_ref[0] + p_ref[1] + y_ref[...]) * d_ref[...] + b_ref[...]
    z = jnp.maximum(t, 0.0)
    o_ref[...] = (
        jnp.dot(z, w_ref[...], preferred_element_type=jnp.float32) * d_ref[...]
    )

  return pl.pallas_call(
      body,
      grid=(n // _BLK,),
      in_specs=[
          pl.BlockSpec((_NC, _BLK, d), lambda i: (0, i, 0)),
          pl.BlockSpec((_BLK, d), lambda i: (i, 0)),
          pl.BlockSpec((_BLK, 1), lambda i: (i, 0)),
          pl.BlockSpec((1, d), lambda i: (0, 0)),
          pl.BlockSpec((d, d), lambda i: (0, 0)),
      ],
      out_specs=pl.BlockSpec((_BLK, d), lambda i: (i, 0)),
      out_shape=jax.ShapeDtypeStruct((n, d), jnp.float32),
  )(parts, y, dis, b, w_next)


def _tc_final(parts, y, dis, b, batch_row, batch_col, gstats,
              a_mean, a_max, a_sum, a_st, mb1, m2, mb2, num_graphs):
  n, d = y.shape
  g = num_graphs
  mh = m2.shape[0]
  blk = 400
  nb = n // blk
  assert nb * blk == n

  def body(p_ref, y_ref, d_ref, b_ref, br_ref, bc_ref, gs_ref,
           am_ref, ax_ref, as_ref, ast_ref, mb1_ref, m2_ref, mb2_ref, o_ref,
           ssum_sc, smax_sc, cnt_sc):
    i = pl.program_id(0)

    @pl.when(i == 0)
    def _():
      ssum_sc[...] = jnp.zeros_like(ssum_sc)
      smax_sc[...] = jnp.full_like(smax_sc, -jnp.inf)
      cnt_sc[...] = jnp.zeros_like(cnt_sc)

    t = (p_ref[0] + p_ref[1] + y_ref[...]) * d_ref[...] + b_ref[...]
    h = jnp.maximum(t, 0.0)

    gid = lax.broadcasted_iota(jnp.int32, (g, 1), 0)
    oh = (br_ref[0] == gid).astype(jnp.float32)
    ssum_sc[...] += jnp.dot(oh, h, preferred_element_type=jnp.float32)
    cnt_sc[...] += jnp.sum(oh, axis=1, keepdims=True)

    bc = bc_ref[...]
    neg = jnp.float32(-jnp.inf)
    mx_rows = []
    for gg in range(g):
      m = jnp.where(bc == gg, h, neg)
      mx_rows.append(jnp.max(m, axis=0, keepdims=True))
    smax_sc[...] = jnp.maximum(smax_sc[...], jnp.concatenate(mx_rows, axis=0))

    @pl.when(i == nb - 1)
    def _():
      ssum = ssum_sc[...]
      mean = ssum / jnp.maximum(cnt_sc[...], 1.0)
      zpre = (
          jnp.dot(mean, am_ref[...], preferred_element_type=jnp.float32)
          + jnp.dot(smax_sc[...], ax_ref[...],
                    preferred_element_type=jnp.float32)
          + jnp.dot(ssum, as_ref[...], preferred_element_type=jnp.float32)
          + mb1_ref[...]
      )
      gs = gs_ref[...]
      for kk in range(gs.shape[1]):
        zpre = zpre + gs[:, kk:kk + 1] * ast_ref[kk:kk + 1, :]
      z = jnp.maximum(zpre, 0.0)
      o_ref[...] = (
          jnp.dot(z, m2_ref[...], preferred_element_type=jnp.float32)
          + mb2_ref[...]
      )

  return pl.pallas_call(
      body,
      grid=(nb,),
      in_specs=[
          pl.BlockSpec((_NC, blk, d), lambda i: (0, i, 0)),
          pl.BlockSpec((blk, d), lambda i: (i, 0)),
          pl.BlockSpec((blk, 1), lambda i: (i, 0)),
          pl.BlockSpec((1, d), lambda i: (0, 0)),
          pl.BlockSpec((1, 1, blk), lambda i: (i, 0, 0)),
          pl.BlockSpec((blk, 1), lambda i: (i, 0)),
          pl.BlockSpec((g, 3), lambda i: (0, 0)),
          pl.BlockSpec((d, mh), lambda i: (0, 0)),
          pl.BlockSpec((d, mh), lambda i: (0, 0)),
          pl.BlockSpec((d, mh), lambda i: (0, 0)),
          pl.BlockSpec((3, mh), lambda i: (0, 0)),
          pl.BlockSpec((1, mh), lambda i: (0, 0)),
          pl.BlockSpec((mh, 1), lambda i: (0, 0)),
          pl.BlockSpec((1, 1), lambda i: (0, 0)),
      ],
      out_specs=pl.BlockSpec((g, 1), lambda i: (0, 0)),
      out_shape=jax.ShapeDtypeStruct((g, 1), jnp.float32),
      scratch_shapes=[
          pltpu.VMEM((g, d), jnp.float32),
          pltpu.VMEM((g, d), jnp.float32),
          pltpu.VMEM((g, 1), jnp.float32),
      ],
  )(parts, y, dis, b, batch_row, batch_col, gstats,
    a_mean, a_max, a_sum, a_st, mb1, m2, mb2)


def kernel(x, edge_index, batch, graph_stats, W1, b1, W2, b2, W3, b3,
           M1, mb1, M2, mb2):
  n, d_in = x.shape
  h = W1.shape[1]
  g = graph_stats.shape[0]
  src = edge_index[0].astype(jnp.int32)
  dst = edge_index[1].astype(jnp.int32)

  n_pad = ((n + 16 * _LANES - 1) // (16 * _LANES)) * (16 * _LANES)
  deg_parts = _sc_degree(dst, n_pad)
  deg_t = deg_parts.reshape(_NC, n_pad).T

  mm = _tc_matmul(x, W1)
  dis, y = _tc_dis_scale(deg_t, mm)

  parts = _sc_scatter(y, src, dst)
  y = _tc_layer(parts, y, dis, b1.reshape(1, h), W2)
  parts = _sc_scatter(y, src, dst)
  y = _tc_layer(parts, y, dis, b2.reshape(1, h), W3)
  parts = _sc_scatter(y, src, dst)

  a_mean = M1[:h]
  a_max = M1[h:2 * h]
  a_sum = M1[2 * h:3 * h]
  a_st = M1[3 * h:]
  out = _tc_final(
      parts, y, dis, b3.reshape(1, h),
      batch.astype(jnp.int32).reshape(-1, 1, 400),
      batch.astype(jnp.int32).reshape(n, 1),
      graph_stats,
      a_mean, a_max, a_sum, a_st,
      mb1.reshape(1, -1), M2, mb2.reshape(1, 1), g,
  )
  return jnp.squeeze(out)

# --- scband reference (transcript-rebuilt; emitter-appended) ---
"""Pipeline reference for scband-jcig-gnn-83004537962757 (READ-ONLY COPY).

The authoritative reference and input builder live on the scoring server;
editing this copy changes nothing except your own understanding.
"""

import jax, jax.numpy as jnp
import numpy as np

N = 10000
E = 320000
G = 16
D_IN = 128
H = 128
MH = 64


def setup_inputs(seed: int = 0) -> dict:
    key = jax.random.key(seed)
    ks = jax.random.split(key, 16)
    inp = {}
    inp['x'] = jax.random.normal(ks[0], (N, D_IN), dtype=jnp.float32)
    inp['edge_index'] = jax.random.randint(ks[1], (2, E), 0, N)
    inp['batch'] = jnp.sort(jax.random.randint(ks[2], (N,), 0, G))
    inp['graph_stats'] = jax.random.normal(ks[3], (G, 3), dtype=jnp.float32)
    inp['W1'] = jax.random.normal(ks[4], (D_IN, H), dtype=jnp.float32) * 0.05
    inp['b1'] = jnp.zeros((H,), dtype=jnp.float32)
    inp['W2'] = jax.random.normal(ks[5], (H, H), dtype=jnp.float32) * 0.05
    inp['b2'] = jnp.zeros((H,), dtype=jnp.float32)
    inp['W3'] = jax.random.normal(ks[6], (H, H), dtype=jnp.float32) * 0.05
    inp['b3'] = jnp.zeros((H,), dtype=jnp.float32)
    inp['M1'] = jax.random.normal(ks[7], (3 * H + 3, MH), dtype=jnp.float32) * 0.05
    inp['mb1'] = jnp.zeros((MH,), dtype=jnp.float32)
    inp['M2'] = jax.random.normal(ks[8], (MH, 1), dtype=jnp.float32) * 0.05
    inp['mb2'] = jnp.zeros((1,), dtype=jnp.float32)
    return inp


def _gcn_conv(x, src, dst, W, b):
    # GCNConv: x' = D^{-1/2} (A + I) D^{-1/2} X W + b (self loops already in src/dst)
    h = x @ W
    deg = jnp.zeros((N,), h.dtype).at[dst].add(1.0)
    dis = jnp.where(deg > 0, jax.lax.rsqrt(jnp.maximum(deg, 1e-12)), 0.0)
    norm = dis[src] * dis[dst]
    msg = h[src] * norm[:, None]
    out = jnp.zeros((N, h.shape[1]), h.dtype).at[dst].add(msg)
    return out + b


def _forward(x, edge_index, batch, graph_stats, W1, b1, W2, b2, W3, b3, M1, mb1, M2, mb2):
    sl = jnp.arange(N, dtype=edge_index.dtype)
    src = jnp.concatenate([edge_index[0], sl])
    dst = jnp.concatenate([edge_index[1], sl])
    h = jax.nn.relu(_gcn_conv(x, src, dst, W1, b1))
    # dropout is identity in eval mode
    h = jax.nn.relu(_gcn_conv(h, src, dst, W2, b2))
    h = jax.nn.relu(_gcn_conv(h, src, dst, W3, b3))
    s = jax.ops.segment_sum(h, batch, num_segments=G)
    cnt = jax.ops.segment_sum(jnp.ones((N,), h.dtype), batch, num_segments=G)
    mean = s / jnp.clip(cnt, 1.0)[:, None]
    mx = jax.ops.segment_max(h, batch, num_segments=G)
    feat = jnp.concatenate([mean, mx, s, graph_stats.astype(h.dtype)], axis=1)
    z = jax.nn.relu(feat @ M1 + mb1)
    out = z @ M2 + mb2
    return jnp.squeeze(out)


def reference(x, edge_index, batch, graph_stats, W1, b1, W2, b2, W3, b3, M1, mb1, M2, mb2):
    return _forward(x, edge_index, batch, graph_stats, W1, b1, W2, b2, W3, b3, M1, mb1, M2, mb2)

if __name__ == "__main__":
    import jax
    _d = setup_inputs()
    print(jax.jit(kernel)(*tuple(_d.values())))

</pallas_src>

<mosaic_0001>
#map = affine_map<(d0, d1) -> (0)>
module attributes {stable_mosaic.version = 14 : i64} {
  func.func @k(%arg0: i32, %arg1: i32, %arg2: memref<320000xi32, #tpu.memory_space<hbm>>, %arg3: memref<20480xf32, #tpu.memory_space<hbm>>, %arg4: memref<10240xf32, #tpu.memory_space<vmem>>, %arg5: memref<10000xi32, #tpu.memory_space<vmem>>, %arg6: memref<16x640xf32, #tpu.memory_space<vmem>>, %arg7: memref<16x10240xf32, #tpu.memory_space<vmem_shared>>) attributes {dimension_semantics = [#tpu.dimension_semantics<core_parallel>, #tpu.dimension_semantics<subcore_parallel>], iteration_bounds = array<i64: 2, 16>, scalar_prefetch = 0 : i64, scratch_operands = 4 : i64, tpu.core_type = #tpu.core_type<sc_vector_subcore>, window_params = [{transform_indices = #map}, {transform_indices = #map}]} {
    %mul3A = arith.constant 16 : i32
    %mul3A_0 = arith.muli %arg0, %mul3A : i32
    %add3A = arith.addi %mul3A_0, %arg1 : i32
    %scan3A = arith.constant 0 : i32
    %scan3A_1 = arith.constant 640 : i32
    %scan3A_2 = arith.addi %scan3A, %scan3A_1 : i32
    %scan3A_3 = arith.constant 1 : i32
    scf.for %scan3A_34 = %scan3A to %scan3A_2 step %scan3A_3  : i32 {
      %mul3A_35 = arith.constant 1 : i32
      %mul3A_36 = arith.muli %scan3A_34, %mul3A_35 : i32
      %add3A_37 = arith.constant 0 : i32
      %add3A_38 = arith.addi %add3A_37, %mul3A_36 : i32
      %broadcast_in_dim3A_39 = arith.constant 0.000000e+00 : f32
      %broadcast_in_dim3A_40 = vector.broadcast %broadcast_in_dim3A_39 : f32 to vector<16xf32>
      %mul3A_41 = arith.constant 16 : i32
      %mul3A_42 = arith.muli %add3A_38, %mul3A_41 : i32
      %swap3A = arith.index_cast %mul3A_42 : i32 to index
      %swap3A_43 = tpu.vector_load %arg4[%swap3A] {strides = array<i32>} : memref<10240xf32, #tpu.memory_space<vmem>>, vector<16xf32>,
      tpu.vector_store %arg4[%swap3A], %broadcast_in_dim3A_40 {strides = array<i32>} : memref<10240xf32, #tpu.memory_space<vmem>>, vector<16xf32>,
    }
    %scan3A_4 = arith.constant 640 : i32
    %mul3A_5 = arith.constant 10000 : i32
    %mul3A_6 = arith.muli %add3A, %mul3A_5 : i32
    "tpu.region"() ({
      %run_scoped3A_34 = tpu.sem_alloc : memref<!tpu.dma_semaphore, #tpu.memory_space<semaphore_mem>>
      %dma_start3A = tpu.memref_slice %arg2[%mul3A_6] : memref<320000xi32, #tpu.memory_space<hbm>> -> memref<10000xi32, #tpu.memory_space<hbm>>
      %dma_start3A_35 = tpu.memref_slice %arg2[%mul3A_6] : memref<320000xi32, #tpu.memory_space<hbm>> -> memref<10000xi32, #tpu.memory_space<hbm>>
      tpu.enqueue_dma source(%dma_start3A_35 : memref<10000xi32, #tpu.memory_space<hbm>>) target(%arg5 : memref<10000xi32, #tpu.memory_space<vmem>>) target_semaphore(%run_scoped3A_34 : memref<!tpu.dma_semaphore, #tpu.memory_space<semaphore_mem>>)
      %dma_wait3A = tpu.memref_slice %arg2[%mul3A_6] : memref<320000xi32, #tpu.memory_space<hbm>> -> memref<10000xi32, #tpu.memory_space<hbm>>
      %dma_wait3A_36 = tpu.memref_slice %arg2[%mul3A_6] : memref<320000xi32, #tpu.memory_space<hbm>> -> memref<10000xi32, #tpu.memory_space<hbm>>
      tpu.wait_dma2 semaphore(%run_scoped3A_34 : memref<!tpu.dma_semaphore, #tpu.memory_space<semaphore_mem>>) src(%dma_wait3A_36 : memref<10000xi32, #tpu.memory_space<hbm>>) dst(%arg5 : memref<10000xi32, #tpu.memory_space<vmem>>)
      tpu.yield
    }) : () -> ()
    %broadcast_in_dim3A = arith.constant 1.000000e+00 : f32
    %broadcast_in_dim3A_7 = vector.broadcast %broadcast_in_dim3A : f32 to vector<16xf32>
    %scan3A_8 = arith.constant 0 : i32
    %scan3A_9 = arith.constant 624 : i32
    %scan3A_10 = arith.addi %scan3A_8, %scan3A_9 : i32
    %scan3A_11 = arith.constant 4 : i32
    scf.for %scan3A_34 = %scan3A_8 to %scan3A_10 step %scan3A_11  : i32 {
      %mul3A_35 = arith.constant 1 : i32
      %mul3A_36 = arith.muli %scan3A_34, %mul3A_35 : i32
      %add3A_37 = arith.constant 0 : i32
      %add3A_38 = arith.addi %add3A_37, %mul3A_36 : i32
      %mul3A_39 = arith.constant 16 : i32
      %mul3A_40 = arith.muli %add3A_38, %mul3A_39 : i32
      %get3A_41 = arith.index_cast %mul3A_40 : i32 to index
      %get3A_42 = tpu.vector_load %arg5[%get3A_41] {strides = array<i32>} : memref<10000xi32, #tpu.memory_space<vmem>>, vector<16xi32>,
      tpu.vector_store_idx %arg4[%get3A_42], %broadcast_in_dim3A_7 {add = true} : memref<10240xf32, #tpu.memory_space<vmem>>[vector<16xi32>], vector<16xf32>,
      %scan3A_43 = arith.constant 1 : i32
      %scan3A_44 = arith.addi %scan3A_34, %scan3A_43 : i32
      %mul3A_45 = arith.constant 1 : i32
      %mul3A_46 = arith.muli %scan3A_44, %mul3A_45 : i32
      %add3A_47 = arith.constant 0 : i32
      %add3A_48 = arith.addi %add3A_47, %mul3A_46 : i32
      %mul3A_49 = arith.constant 16 : i32
      %mul3A_50 = arith.muli %add3A_48, %mul3A_49 : i32
      %get3A_51 = arith.index_cast %mul3A_50 : i32 to index
      %get3A_52 = tpu.vector_load %arg5[%get3A_51] {strides = array<i32>} : memref<10000xi32, #tpu.memory_space<vmem>>, vector<16xi32>,
      tpu.vector_store_idx %arg4[%get3A_52], %broadcast_in_dim3A_7 {add = true} : memref<10240xf32, #tpu.memory_space<vmem>>[vector<16xi32>], vector<16xf32>,
      %scan3A_53 = arith.constant 2 : i32
      %scan3A_54 = arith.addi %scan3A_34, %scan3A_53 : i32
      %mul3A_55 = arith.constant 1 : i32
      %mul3A_56 = arith.muli %scan3A_54, %mul3A_55 : i32
      %add3A_57 = arith.constant 0 : i32
      %add3A_58 = arith.addi %add3A_57, %mul3A_56 : i32
      %mul3A_59 = arith.constant 16 : i32
      %mul3A_60 = arith.muli %add3A_58, %mul3A_59 : i32
      %get3A_61 = arith.index_cast %mul3A_60 : i32 to index
      %get3A_62 = tpu.vector_load %arg5[%get3A_61] {strides = array<i32>} : memref<10000xi32, #tpu.memory_space<vmem>>, vector<16xi32>,
      tpu.vector_store_idx %arg4[%get3A_62], %broadcast_in_dim3A_7 {add = true} : memref<10240xf32, #tpu.memory_space<vmem>>[vector<16xi32>], vector<16xf32>,
      %scan3A_63 = arith.constant 3 : i32
      %scan3A_64 = arith.addi %scan3A_34, %scan3A_63 : i32
      %mul3A_65 = arith.constant 1 : i32
      %mul3A_66 = arith.muli %scan3A_64, %mul3A_65 : i32
      %add3A_67 = arith.constant 0 : i32
      %add3A_68 = arith.addi %add3A_67, %mul3A_66 : i32
      %mul3A_69 = arith.constant 16 : i32
      %mul3A_70 = arith.muli %add3A_68, %mul3A_69 : i32
      %get3A_71 = arith.index_cast %mul3A_70 : i32 to index
      %get3A_72 = tpu.vector_load %arg5[%get3A_71] {strides = array<i32>} : memref<10000xi32, #tpu.memory_space<vmem>>, vector<16xi32>,
      tpu.vector_store_idx %arg4[%get3A_72], %broadcast_in_dim3A_7 {add = true} : memref<10240xf32, #tpu.memory_space<vmem>>[vector<16xi32>], vector<16xf32>,
    }
    %scan3A_12 = arith.constant 624 : i32
    %scan3A_13 = arith.addi %scan3A_8, %scan3A_12 : i32
    %mul3A_14 = arith.constant 1 : i32
    %mul3A_15 = arith.muli %scan3A_13, %mul3A_14 : i32
    %add3A_16 = arith.constant 0 : i32
    %add3A_17 = arith.addi %add3A_16, %mul3A_15 : i32
    %mul3A_18 = arith.constant 16 : i32
    %mul3A_19 = arith.muli %add3A_17, %mul3A_18 : i32
    %get3A = arith.index_cast %mul3A_19 : i32 to index
    %get3A_20 = tpu.vector_load %arg5[%get3A] {strides = array<i32>} : memref<10000xi32, #tpu.memory_space<vmem>>, vector<16xi32>,
    tpu.vector_store_idx %arg4[%get3A_20], %broadcast_in_dim3A_7 {add = true} : memref<10240xf32, #tpu.memory_space<vmem>>[vector<16xi32>], vector<16xf32>,
    %scan3A_21 = arith.constant 625 : i32
    "tpu.region"() ({
      %run_scoped3A_34 = tpu.sem_alloc : memref<!tpu.dma_semaphore, #tpu.memory_space<semaphore_mem>>
      %dma_start3A = arith.constant 0 : i32
      %dma_start3A_35 = tpu.memref_slice %arg7[%arg1, %dma_start3A] : memref<16x10240xf32, #tpu.memory_space<vmem_shared>> -> memref<1x10240xf32, #tpu.memory_space<vmem_shared>>
      %dma_start3A_36 = tpu.memref_squeeze %dma_start3A_35 : memref<1x10240xf32, #tpu.memory_space<vmem_shared>> -> memref<10240xf32, #tpu.memory_space<vmem_shared>>
      %dma_start3A_37 = arith.constant 0 : i32
      %dma_start3A_38 = tpu.memref_slice %arg7[%arg1, %dma_start3A_37] : memref<16x10240xf32, #tpu.memory_space<vmem_shared>> -> memref<1x10240xf32, #tpu.memory_space<vmem_shared>>
      %dma_start3A_39 = tpu.memref_squeeze %dma_start3A_38 : memref<1x10240xf32, #tpu.memory_space<vmem_shared>> -> memref<10240xf32, #tpu.memory_space<vmem_shared>>
      tpu.enqueue_dma source(%arg4 : memref<10240xf32, #tpu.memory_space<vmem>>) target(%dma_start3A_39 : memref<10240xf32, #tpu.memory_space<vmem_shared>>) target_semaphore(%run_scoped3A_34 : memref<!tpu.dma_semaphore, #tpu.memory_space<semaphore_mem>>)
      %dma_wait3A = arith.constant 0 : i32
      %dma_wait3A_40 = tpu.memref_slice %arg7[%arg1, %dma_wait3A] : memref<16x10240xf32, #tpu.memory_space<vmem_shared>> -> memref<1x10240xf32, #tpu.memory_space<vmem_shared>>
      %dma_wait3A_41 = tpu.memref_squeeze %dma_wait3A_40 : memref<1x10240xf32, #tpu.memory_space<vmem_shared>> -> memref<10240xf32, #tpu.memory_space<vmem_shared>>
      %dma_wait3A_42 = arith.constant 0 : i32
      %dma_wait3A_43 = tpu.memref_slice %arg7[%arg1, %dma_wait3A_42] : memref<16x10240xf32, #tpu.memory_space<vmem_shared>> -> memref<1x10240xf32, #tpu.memory_space<vmem_shared>>
      %dma_wait3A_44 = tpu.memref_squeeze %dma_wait3A_43 : memref<1x10240xf32, #tpu.memory_space<vmem_shared>> -> memref<10240xf32, #tpu.memory_space<vmem_shared>>
      tpu.wait_dma2 semaphore(%run_scoped3A_34 : memref<!tpu.dma_semaphore, #tpu.memory_space<semaphore_mem>>) src(%arg4 : memref<10240xf32, #tpu.memory_space<vmem>>) dst(%dma_wait3A_44 : memref<10240xf32, #tpu.memory_space<vmem_shared>>)
      tpu.yield
    }) : () -> ()
    %barrier3A = arith.constant 0 : index
    tpu.barrier barrier_id(%barrier3A)
    %mul3A_22 = arith.constant 640 : i32
    %mul3A_23 = arith.muli %arg1, %mul3A_22 : i32
    "tpu.region"() ({
      %run_scoped3A_34 = tpu.sem_alloc : memref<!tpu.dma_semaphore, #tpu.memory_space<semaphore_mem>>
      %dma_start3A = arith.constant 0 : i32
      %dma_start3A_35 = tpu.memref_slice %arg7[%dma_start3A, %mul3A_23] : memref<16x10240xf32, #tpu.memory_space<vmem_shared>> -> memref<16x640xf32, #tpu.memory_space<vmem_shared>>
      %dma_start3A_36 = arith.constant 0 : i32
      %dma_start3A_37 = tpu.memref_slice %arg7[%dma_start3A_36, %mul3A_23] : memref<16x10240xf32, #tpu.memory_space<vmem_shared>> -> memref<16x640xf32, #tpu.memory_space<vmem_shared>>
      tpu.enqueue_dma source(%dma_start3A_37 : memref<16x640xf32, #tpu.memory_space<vmem_shared>>) target(%arg6 : memref<16x640xf32, #tpu.memory_space<vmem>>) target_semaphore(%run_scoped3A_34 : memref<!tpu.dma_semaphore, #tpu.memory_space<semaphore_mem>>)
      %dma_wait3A = arith.constant 0 : i32
      %dma_wait3A_38 = tpu.memref_slice %arg7[%dma_wait3A, %mul3A_23] : memref<16x10240xf32, #tpu.memory_space<vmem_shared>> -> memref<16x640xf32, #tpu.memory_space<vmem_shared>>
      %dma_wait3A_39 = arith.constant 0 : i32
      %dma_wait3A_40 = tpu.memref_slice %arg7[%dma_wait3A_39, %mul3A_23] : memref<16x10240xf32, #tpu.memory_space<vmem_shared>> -> memref<16x640xf32, #tpu.memory_space<vmem_shared>>
      tpu.wait_dma2 semaphore(%run_scoped3A_34 : memref<!tpu.dma_semaphore, #tpu.memory_space<semaphore_mem>>) src(%dma_wait3A_40 : memref<16x640xf32, #tpu.memory_space<vmem_shared>>) dst(%arg6 : memref<16x640xf32, #tpu.memory_space<vmem>>)
      tpu.yield
    }) : () -> ()
    %scan3A_24 = arith.constant 0 : i32
    %scan3A_25 = arith.constant 40 : i32
    %scan3A_26 = arith.addi %scan3A_24, %scan3A_25 : i32
    %scan3A_27 = arith.constant 4 : i32
    scf.for %scan3A_34 = %scan3A_24 to %scan3A_26 step %scan3A_27  : i32 {
      %mul3A_35 = arith.constant 1 : i32
      %mul3A_36 = arith.muli %scan3A_34, %mul3A_35 : i32
      %add3A_37 = arith.constant 0 : i32
      %add3A_38 = arith.addi %add3A_37, %mul3A_36 : i32
      %mul3A_39 = arith.constant 16 : i32
      %mul3A_40 = arith.muli %add3A_38, %mul3A_39 : i32
      %get3A_41 = arith.constant 0 : i32
      %get3A_42 = arith.index_cast %get3A_41 : i32 to index
      %get3A_43 = arith.index_cast %mul3A_40 : i32 to index
      %get3A_44 = tpu.vector_load %arg6[%get3A_42, %get3A_43] {strides = array<i32>} : memref<16x640xf32, #tpu.memory_space<vmem>>, vector<16xf32>,
      %mul3A_45 = arith.constant 16 : i32
      %mul3A_46 = arith.muli %add3A_38, %mul3A_45 : i32
      %get3A_47 = arith.constant 1 : i32
      %get3A_48 = arith.index_cast %get3A_47 : i32 to index
      %get3A_49 = arith.index_cast %mul3A_46 : i32 to index
      %get3A_50 = tpu.vector_load %arg6[%get3A_48, %get3A_49] {strides = array<i32>} : memref<16x640xf32, #tpu.memory_space<vmem>>, vector<16xf32>,
      %add3A_51 = arith.addf %get3A_44, %get3A_50 : vector<16xf32>
      %mul3A_52 = arith.constant 16 : i32
      %mul3A_53 = arith.muli %add3A_38, %mul3A_52 : i32
      %get3A_54 = arith.constant 2 : i32
      %get3A_55 = arith.index_cast %get3A_54 : i32 to index
      %get3A_56 = arith.index_cast %mul3A_53 : i32 to index
      %get3A_57 = tpu.vector_load %arg6[%get3A_55, %get3A_56] {strides = array<i32>} : memref<16x640xf32, #tpu.memory_space<vmem>>, vector<16xf32>,
      %add3A_58 = arith.addf %add3A_51, %get3A_57 : vector<16xf32>
      %mul3A_59 = arith.constant 16 : i32
      %mul3A_60 = arith.muli %add3A_38, %mul3A_59 : i32
      %get3A_61 = arith.constant 3 : i32
      %get3A_62 = arith.index_cast %get3A_61 : i32 to index
      %get3A_63 = arith.index_cast %mul3A_60 : i32 to index
      %get3A_64 = tpu.vector_load %arg6[%get3A_62, %get3A_63] {strides = array<i32>} : memref<16x640xf32, #tpu.memory_space<vmem>>, vector<16xf32>,
      %add3A_65 = arith.addf %add3A_58, %get3A_64 : vector<16xf32>
      %mul3A_66 = arith.constant 16 : i32
      %mul3A_67 = arith.muli %add3A_38, %mul3A_66 : i32
      %get3A_68 = arith.constant 4 : i32
      %get3A_69 = arith.index_cast %get3A_68 : i32 to index
      %get3A_70 = arith.index_cast %mul3A_67 : i32 to index
      %get3A_71 = tpu.vector_load %arg6[%get3A_69, %get3A_70] {strides = array<i32>} : memref<16x640xf32, #tpu.memory_space<vmem>>, vector<16xf32>,
      %add3A_72 = arith.addf %add3A_65, %get3A_71 : vector<16xf32>
      %mul3A_73 = arith.constant 16 : i32
      %mul3A_74 = arith.muli %add3A_38, %mul3A_73 : i32
      %get3A_75 = arith.constant 5 : i32
      %get3A_76 = arith.index_cast %get3A_75 : i32 to index
      %get3A_77 = arith.index_cast %mul3A_74 : i32 to index
      %get3A_78 = tpu.vector_load %arg6[%get3A_76, %get3A_77] {strides = array<i32>} : memref<16x640xf32, #tpu.memory_space<vmem>>, vector<16xf32>,
      %add3A_79 = arith.addf %add3A_72, %get3A_78 : vector<16xf32>
      %mul3A_80 = arith.constant 16 : i32
      %mul3A_81 = arith.muli %add3A_38, %mul3A_80 : i32
      %get3A_82 = arith.constant 6 : i32
      %get3A_83 = arith.index_cast %get3A_82 : i32 to index
      %get3A_84 = arith.index_cast %mul3A_81 : i32 to index
      %get3A_85 = tpu.vector_load %arg6[%get3A_83, %get3A_84] {strides = array<i32>} : memref<16x640xf32, #tpu.memory_space<vmem>>, vector<16xf32>,
      %add3A_86 = arith.addf %add3A_79, %get3A_85 : vector<16xf32>
      %mul3A_87 = arith.constant 16 : i32
      %mul3A_88 = arith.muli %add3A_38, %mul3A_87 : i32
      %get3A_89 = arith.constant 7 : i32
      %get3A_90 = arith.index_cast %get3A_89 : i32 to index
      %get3A_91 = arith.index_cast %mul3A_88 : i32 to index
      %get3A_92 = tpu.vector_load %arg6[%get3A_90, %get3A_91] {strides = array<i32>} : memref<16x640xf32, #tpu.memory_space<vmem>>, vector<16xf32>,
      %add3A_93 = arith.addf %add3A_86, %get3A_92 : vector<16xf32>
      %mul3A_94 = arith.constant 16 : i32
      %mul3A_95 = arith.muli %add3A_38, %mul3A_94 : i32
      %get3A_96 = arith.constant 8 : i32
      %get3A_97 = arith.index_cast %get3A_96 : i32 to index
      %get3A_98 = arith.index_cast %mul3A_95 : i32 to index
      %get3A_99 = tpu.vector_load %arg6[%get3A_97, %get3A_98] {strides = array<i32>} : memref<16x640xf32, #tpu.memory_space<vmem>>, vector<16xf32>,
      %add3A_100 = arith.addf %add3A_93, %get3A_99 : vector<16xf32>
      %mul3A_101 = arith.constant 16 : i32
      %mul3A_102 = arith.muli %add3A_38, %mul3A_101 : i32
      %get3A_103 = arith.constant 9 : i32
      %get3A_104 = arith.index_cast %get3A_103 : i32 to index
      %get3A_105 = arith.index_cast %mul3A_102 : i32 to index
      %get3A_106 = tpu.vector_load %arg6[%get3A_104, %get3A_105] {strides = array<i32>} : memref<16x640xf32, #tpu.memory_space<vmem>>, vector<16xf32>,
      %add3A_107 = arith.addf %add3A_100, %get3A_106 : vector<16xf32>
      %mul3A_108 = arith.constant 16 : i32
      %mul3A_109 = arith.muli %add3A_38, %mul3A_108 : i32
      %get3A_110 = arith.constant 10 : i32
      %get3A_111 = arith.index_cast %get3A_110 : i32 to index
      %get3A_112 = arith.index_cast %mul3A_109 : i32 to index
      %get3A_113 = tpu.vector_load %arg6[%get3A_111, %get3A_112] {strides = array<i32>} : memref<16x640xf32, #tpu.memory_space<vmem>>, vector<16xf32>,
      %add3A_114 = arith.addf %add3A_107, %get3A_113 : vector<16xf32>
      %mul3A_115 = arith.constant 16 : i32
      %mul3A_116 = arith.muli %add3A_38, %mul3A_115 : i32
      %get3A_117 = arith.constant 11 : i32
      %get3A_118 = arith.index_cast %get3A_117 : i32 to index
      %get3A_119 = arith.index_cast %mul3A_116 : i32 to index
      %get3A_120 = tpu.vector_load %arg6[%get3A_118, %get3A_119] {strides = array<i32>} : memref<16x640xf32, #tpu.memory_space<vmem>>, vector<16xf32>,
      %add3A_121 = arith.addf %add3A_114, %get3A_120 : vector<16xf32>
      %mul3A_122 = arith.constant 16 : i32
      %mul3A_123 = arith.muli %add3A_38, %mul3A_122 : i32
      %get3A_124 = arith.constant 12 : i32
      %get3A_125 = arith.index_cast %get3A_124 : i32 to index
      %get3A_126 = arith.index_cast %mul3A_123 : i32 to index
      %get3A_127 = tpu.vector_load %arg6[%get3A_125, %get3A_126] {strides = array<i32>} : memref<16x640xf32, #tpu.memory_space<vmem>>, vector<16xf32>,
      %add3A_128 = arith.addf %add3A_121, %get3A_127 : vector<16xf32>
      %mul3A_129 = arith.constant 16 : i32
      %mul3A_130 = arith.muli %add3A_38, %mul3A_129 : i32
      %get3A_131 = arith.constant 13 : i32
      %get3A_132 = arith.index_cast %get3A_131 : i32 to index
      %get3A_133 = arith.index_cast %mul3A_130 : i32 to index
      %get3A_134 = tpu.vector_load %arg6[%get3A_132, %get3A_133] {strides = array<i32>} : memref<16x640xf32, #tpu.memory_space<vmem>>, vector<16xf32>,
      %add3A_135 = arith.addf %add3A_128, %get3A_134 : vector<16xf32>
      %mul3A_136 = arith.constant 16 : i32
      %mul3A_137 = arith.muli %add3A_38, %mul3A_136 : i32
      %get3A_138 = arith.constant 14 : i32
      %get3A_139 = arith.index_cast %get3A_138 : i32 to index
      %get3A_140 = arith.index_cast %mul3A_137 : i32 to index
      %get3A_141 = tpu.vector_load %arg6[%get3A_139, %get3A_140] {strides = array<i32>} : memref<16x640xf32, #tpu.memory_space<vmem>>, vector<16xf32>,
      %add3A_142 = arith.addf %add3A_135, %get3A_141 : vector<16xf32>
      %mul3A_143 = arith.constant 16 : i32
      %mul3A_144 = arith.muli %add3A_38, %mul3A_143 : i32
      %get3A_145 = arith.constant 15 : i32
      %get3A_146 = arith.index_cast %get3A_145 : i32 to index
      %get3A_147 = arith.index_cast %mul3A_144 : i32 to index
      %get3A_148 = tpu.vector_load %arg6[%get3A_146, %get3A_147] {strides = array<i32>} : memref<16x640xf32, #tpu.memory_space<vmem>>, vector<16xf32>,
      %add3A_149 = arith.addf %add3A_142, %get3A_148 : vector<16xf32>
      %mul3A_150 = arith.constant 16 : i32
      %mul3A_151 = arith.muli %add3A_38, %mul3A_150 : i32
      %swap3A = arith.constant 0 : i32
      %swap3A_152 = arith.index_cast %swap3A : i32 to index
      %swap3A_153 = arith.index_cast %mul3A_151 : i32 to index
      %swap3A_154 = tpu.vector_load %arg6[%swap3A_152, %swap3A_153] {strides = array<i32>} : memref<16x640xf32, #tpu.memory_space<vmem>>, vector<16xf32>,
      tpu.vector_store %arg6[%swap3A_152, %swap3A_153], %add3A_149 {strides = array<i32>} : memref<16x640xf32, #tpu.memory_space<vmem>>, vector<16xf32>,
      %scan3A_155 = arith.constant 1 : i32
      %scan3A_156 = arith.addi %scan3A_34, %scan3A_155 : i32
      %mul3A_157 = arith.constant 1 : i32
      %mul3A_158 = arith.muli %scan3A_156, %mul3A_157 : i32
      %add3A_159 = arith.constant 0 : i32
      %add3A_160 = arith.addi %add3A_159, %mul3A_158 : i32
      %mul3A_161 = arith.constant 16 : i32
      %mul3A_162 = arith.muli %add3A_160, %mul3A_161 : i32
      %get3A_163 = arith.constant 0 : i32
      %get3A_164 = arith.index_cast %get3A_163 : i32 to index
      %get3A_165 = arith.index_cast %mul3A_162 : i32 to index
      %get3A_166 = tpu.vector_load %arg6[%get3A_164, %get3A_165] {strides = array<i32>} : memref<16x640xf32, #tpu.memory_space<vmem>>, vector<16xf32>,
      %mul3A_167 = arith.constant 16 : i32
      %mul3A_168 = arith.muli %add3A_160, %mul3A_167 : i32
      %get3A_169 = arith.constant 1 : i32
      %get3A_170 = arith.index_cast %get3A_169 : i32 to index
      %get3A_171 = arith.index_cast %mul3A_168 : i32 to index
      %get3A_172 = tpu.vector_load %arg6[%get3A_170, %get3A_171] {strides = array<i32>} : memref<16x640xf32, #tpu.memory_space<vmem>>, vector<16xf32>,
      %add3A_173 = arith.addf %get3A_166, %get3A_172 : vector<16xf32>
      %mul3A_174 = arith.constant 16 : i32
      %mul3A_175 = arith.muli %add3A_160, %mul3A_174 : i32
      %get3A_176 = arith.constant 2 : i32
      %get3A_177 = arith.index_cast %get3A_176 : i32 to index
      %get3A_178 = arith.index_cast %mul3A_175 : i32 to index
      %get3A_179 = tpu.vector_load %arg6[%get3A_177, %get3A_178] {strides = array<i32>} : memref<16x640xf32, #tpu.memory_space<vmem>>, vector<16xf32>,
      %add3A_180 = arith.addf %add3A_173, %get3A_179 : vector<16xf32>
      %mul3A_181 = arith.constant 16 : i32
      %mul3A_182 = arith.muli %add3A_160, %mul3A_181 : i32
      %get3A_183 = arith.constant 3 : i32
      %get3A_184 = arith.index_cast %get3A_183 : i32 to index
      %get3A_185 = arith.index_cast %mul3A_182 : i32 to index
      %get3A_186 = tpu.vector_load %arg6[%get3A_184, %get3A_185] {strides = array<i32>} : memref<16x640xf32, #tpu.memory_space<vmem>>, vector<16xf32>,
      %add3A_187 = arith.addf %add3A_180, %get3A_186 : vector<16xf32>
      %mul3A_188 = arith.constant 16 : i32
      %mul3A_189 = arith.muli %add3A_160, %mul3A_188 : i32
      %get3A_190 = arith.constant 4 : i32
      %get3A_191 = arith.index_cast %get3A_190 : i32 to index
      %get3A_192 = arith.index_cast %mul3A_189 : i32 to index
      %get3A_193 = tpu.vector_load %arg6[%get3A_191, %get3A_192] {strides = array<i32>} : memref<16x640xf32, #tpu.memory_space<vmem>>, vector<16xf32>,
      %add3A_194 = arith.addf %add3A_187, %get3A_193 : vector<16xf32>
      %mul3A_195 = arith.constant 16 : i32
      %mul3A_196 = arith.muli %add3A_160, %mul3A_195 : i32
      %get3A_197 = arith.constant 5 : i32
      %get3A_198 = arith.index_cast %get3A_197 : i32 to index
      %get3A_199 = arith.index_cast %mul3A_196 : i32 to index
      %get3A_200 = tpu.vector_load %arg6[%get3A_198, %get3A_199] {strides = array<i32>} : memref<16x640xf32, #tpu.memory_space<vmem>>, vector<16xf32>,
      %add3A_201 = arith.addf %add3A_194, %get3A_200 : vector<16xf32>
      %mul3A_202 = arith.constant 16 : i32
      %mul3A_203 = arith.muli %add3A_160, %mul3A_202 : i32
      %get3A_204 = arith.constant 6 : i32
      %get3A_205 = arith.index_cast %get3A_204 : i32 to index
      %get3A_206 = arith.index_cast %mul3A_203 : i32 to index
      %get3A_207 = tpu.vector_load %arg6[%get3A_205, %get3A_206] {strides = array<i32>} : memref<16x640xf32, #tpu.memory_space<vmem>>, vector<16xf32>,
      %add3A_208 = arith.addf %add3A_201, %get3A_207 : vector<16xf32>
      %mul3A_209 = arith.constant 16 : i32
      %mul3A_210 = arith.muli %add3A_160, %mul3A_209 : i32
      %get3A_211 = arith.constant 7 : i32
      %get3A_212 = arith.index_cast %get3A_211 : i32 to index
      %get3A_213 = arith.index_cast %mul3A_210 : i32 to index
      %get3A_214 = tpu.vector_load %arg6[%get3A_212, %get3A_213] {strides = array<i32>} : memref<16x640xf32, #tpu.memory_space<vmem>>, vector<16xf32>,
      %add3A_215 = arith.addf %add3A_208, %get3A_214 : vector<16xf32>
      %mul3A_216 = arith.constant 16 : i32
      %mul3A_217 = arith.muli %add3A_160, %mul3A_216 : i32
      %get3A_218 = arith.constant 8 : i32
      %get3A_219 = arith.index_cast %get3A_218 : i32 to index
      %get3A_220 = arith.index_cast %mul3A_217 : i32 to index
      %get3A_221 = tpu.vector_load %arg6[%get3A_219, %get3A_220] {strides = array<i32>} : memref<16x640xf32, #tpu.memory_space<vmem>>, vector<16xf32>,
      %add3A_222 = arith.addf %add3A_215, %get3A_221 : vector<16xf32>
      %mul3A_223 = arith.constant 16 : i32
      %mul3A_224 = arith.muli %add3A_160, %mul3A_223 : i32
      %get3A_225 = arith.constant 9 : i32
      %get3A_226 = arith.index_cast %get3A_225 : i32 to index
      %get3A_227 = arith.index_cast %mul3A_224 : i32 to index
      %get3A_228 = tpu.vector_load %arg6[%get3A_226, %get3A_227] {strides = array<i32>} : memref<16x640xf32, #tpu.memory_space<vmem>>, vector<16xf32>,
      %add3A_229 = arith.addf %add3A_222, %get3A_228 : vector<16xf32>
      %mul3A_230 = arith.constant 16 : i32
      %mul3A_231 = arith.muli %add3A_160, %mul3A_230 : i32
      %get3A_232 = arith.constant 10 : i32
      %get3A_233 = arith.index_cast %get3A_232 : i32 to index
      %get3A_234 = arith.index_cast %mul3A_231 : i32 to index
      %get3A_235 = tpu.vector_load %arg6[%get3A_233, %get3A_234] {strides = array<i32>} : memref<16x640xf32, #tpu.memory_space<vmem>>, vector<16xf32>,
      %add3A_236 = arith.addf %add3A_229, %get3A_235 : vector<16xf32>
      %mul3A_237 = arith.constant 16 : i32
      %mul3A_238 = arith.muli %add3A_160, %mul3A_237 : i32
      %get3A_239 = arith.constant 11 : i32
      %get3A_240 = arith.index_cast %get3A_239 : i32 to index
      %get3A_241 = arith.index_cast %mul3A_238 : i32 to index
      %get3A_242 = tpu.vector_load %arg6[%get3A_240, %get3A_241] {strides = array<i32>} : memref<16x640xf32, #tpu.memory_space<vmem>>, vector<16xf32>,
      %add3A_243 = arith.addf %add3A_236, %get3A_242 : vector<16xf32>
      %mul3A_244 = arith.constant 16 : i32
      %mul3A_245 = arith.muli %add3A_160, %mul3A_244 : i32
      %get3A_246 = arith.constant 12 : i32
      %get3A_247 = arith.index_cast %get3A_246 : i32 to index
      %get3A_248 = arith.index_cast %mul3A_245 : i32 to index
      %get3A_249 = tpu.vector_load %arg6[%get3A_247, %get3A_248] {strides = array<i32>} : memref<16x640xf32, #tpu.memory_space<vmem>>, vector<16xf32>,
      %add3A_250 = arith.addf %add3A_243, %get3A_249 : vector<16xf32>
      %mul3A_251 = arith.constant 16 : i32
      %mul3A_252 = arith.muli %add3A_160, %mul3A_251 : i32
      %get3A_253 = arith.constant 13 : i32
      %get3A_254 = arith.index_cast %get3A_253 : i32 to index
      %get3A_255 = arith.index_cast %mul3A_252 : i32 to index
      %get3A_256 = tpu.vector_load %arg6[%get3A_254, %get3A_255] {strides = array<i32>} : memref<16x640xf32, #tpu.memory_space<vmem>>, vector<16xf32>,
      %add3A_257 = arith.addf %add3A_250, %get3A_256 : vector<16xf32>
      %mul3A_258 = arith.constant 16 : i32
      %mul3A_259 = arith.muli %add3A_160, %mul3A_258 : i32
      %get3A_260 = arith.constant 14 : i32
      %get3A_261 = arith.index_cast %get3A_260 : i32 to index
      %get3A_262 = arith.index_cast %mul3A_259 : i32 to index
      %get3A_263 = tpu.vector_load %arg6[%get3A_261, %get3A_262] {strides = array<i32>} : memref<16x640xf32, #tpu.memory_space<vmem>>, vector<16xf32>,
      %add3A_264 = arith.addf %add3A_257, %get3A_263 : vector<16xf32>
      %mul3A_265 = arith.constant 16 : i32
      %mul3A_266 = arith.muli %add3A_160, %mul3A_265 : i32
      %get3A_267 = arith.constant 15 : i32
      %get3A_268 = arith.index_cast %get3A_267 : i32 to index
      %get3A_269 = arith.index_cast %mul3A_266 : i32 to index
      %get3A_270 = tpu.vector_load %arg6[%get3A_268, %get3A_269] {strides = array<i32>} : memref<16x640xf32, #tpu.memory_space<vmem>>, vector<16xf32>,
      %add3A_271 = arith.addf %add3A_264, %get3A_270 : vector<16xf32>
      %mul3A_272 = arith.constant 16 : i32
      %mul3A_273 = arith.muli %add3A_160, %mul3A_272 : i32
      %swap3A_274 = arith.constant 0 : i32
      %swap3A_275 = arith.index_cast %swap3A_274 : i32 to index
      %swap3A_276 = arith.index_cast %mul3A_273 : i32 to index
      %swap3A_277 = tpu.vector_load %arg6[%swap3A_275, %swap3A_276] {strides = array<i32>} : memref<16x640xf32, #tpu.memory_space<vmem>>, vector<16xf32>,
      tpu.vector_store %arg6[%swap3A_275, %swap3A_276], %add3A_271 {strides = array<i32>} : memref<16x640xf32, #tpu.memory_space<vmem>>, vector<16xf32>,
      %scan3A_278 = arith.constant 2 : i32
      %scan3A_279 = arith.addi %scan3A_34, %scan3A_278 : i32
      %mul3A_280 = arith.constant 1 : i32
      %mul3A_281 = arith.muli %scan3A_279, %mul3A_280 : i32
      %add3A_282 = arith.constant 0 : i32
      %add3A_283 = arith.addi %add3A_282, %mul3A_281 : i32
      %mul3A_284 = arith.constant 16 : i32
      %mul3A_285 = arith.muli %add3A_283, %mul3A_284 : i32
      %get3A_286 = arith.constant 0 : i32
      %get3A_287 = arith.index_cast %get3A_286 : i32 to index
      %get3A_288 = arith.index_cast %mul3A_285 : i32 to index
      %get3A_289 = tpu.vector_load %arg6[%get3A_287, %get3A_288] {strides = array<i32>} : memref<16x640xf32, #tpu.memory_space<vmem>>, vector<16xf32>,
      %mul3A_290 = arith.constant 16 : i32
      %mul3A_291 = arith.muli %add3A_283, %mul3A_290 : i32
      %get3A_292 = arith.constant 1 : i32
      %get3A_293 = arith.index_cast %get3A_292 : i32 to index
      %get3A_294 = arith.index_cast %mul3A_291 : i32 to index
      %get3A_295 = tpu.vector_load %arg6[%get3A_293, %get3A_294] {strides = array<i32>} : memref<16x640xf32, #tpu.memory_space<vmem>>, vector<16xf32>,
      %add3A_296 = arith.addf %get3A_289, %get3A_295 : vector<16xf32>
      %mul3A_297 = arith.constant 16 : i32
      %mul3A_298 = arith.muli %add3A_283, %mul3A_297 : i32
      %get3A_299 = arith.constant 2 : i32
      %get3A_300 = arith.index_cast %get3A_299 : i32 to index
      %get3A_301 = arith.index_cast %mul3A_298 : i32 to index
      %get3A_302 = tpu.vector_load %arg6[%get3A_300, %get3A_301] {strides = array<i32>} : memref<16x640xf32, #tpu.memory_space<vmem>>, vector<16xf32>,
      %add3A_303 = arith.addf %add3A_296, %get3A_302 : vector<16xf32>
      %mul3A_304 = arith.constant 16 : i32
      %mul3A_305 = arith.muli %add3A_283, %mul3A_304 : i32
      %get3A_306 = arith.constant 3 : i32
      %get3A_307 = arith.index_cast %get3A_306 : i32 to index
      %get3A_308 = arith.index_cast %mul3A_305 : i32 to index
      %get3A_309 = tpu.vector_load %arg6[%get3A_307, %get3A_308] {strides = array<i32>} : memref<16x640xf32, #tpu.memory_space<vmem>>, vector<16xf32>,
      %add3A_310 = arith.addf %add3A_303, %get3A_309 : vector<16xf32>
      %mul3A_311 = arith.constant 16 : i32
      %mul3A_312 = arith.muli %add3A_283, %mul3A_311 : i32
      %get3A_313 = arith.constant 4 : i32
      %get3A_314 = arith.index_cast %get3A_313 : i32 to index
      %get3A_315 = arith.index_cast %mul3A_312 : i32 to index
      %get3A_316 = tpu.vector_load %arg6[%get3A_314, %get3A_315] {strides = array<i32>} : memref<16x640xf32, #tpu.memory_space<vmem>>, vector<16xf32>,
      %add3A_317 = arith.addf %add3A_310, %get3A_316 : vector<16xf32>
      %mul3A_318 = arith.constant 16 : i32
      %mul3A_319 = arith.muli %add3A_283, %mul3A_318 : i32
      %get3A_320 = arith.constant 5 : i32
      %get3A_321 = arith.index_cast %get3A_320 : i32 to index
      %get3A_322 = arith.index_cast %mul3A_319 : i32 to index
      %get3A_323 = tpu.vector_load %arg6[%get3A_321, %get3A_322] {strides = array<i32>} : memref<16x640xf32, #tpu.memory_space<vmem>>, vector<16xf32>,
      %add3A_324 = arith.addf %add3A_317, %get3A_323 : vector<16xf32>
      %mul3A_325 = arith.constant 16 : i32
      %mul3A_326 = arith.muli %add3A_283, %mul3A_325 : i32
      %get3A_327 = arith.constant 6 : i32
      %get3A_328 = arith.index_cast %get3A_327 : i32 to index
      %get3A_329 = arith.index_cast %mul3A_326 : i32 to index
      %get3A_330 = tpu.vector_load %arg6[%get3A_328, %get3A_329] {strides = array<i32>} : memref<16x640xf32, #tpu.memory_space<vmem>>, vector<16xf32>,
      %add3A_331 = arith.addf %add3A_324, %get3A_330 : vector<16xf32>
      %mul3A_332 = arith.constant 16 : i32
      %mul3A_333 = arith.muli %add3A_283, %mul3A_332 : i32
      %get3A_334 = arith.constant 7 : i32
      %get3A_335 = arith.index_cast %get3A_334 : i32 to index
      %get3A_336 = arith.index_cast %mul3A_333 : i32 to index
      %get3A_337 = tpu.vector_load %arg6[%get3A_335, %get3A_336] {strides = array<i32>} : memref<16x640xf32, #tpu.memory_space<vmem>>, vector<16xf32>,
      %add3A_338 = arith.addf %add3A_331, %get3A_337 : vector<16xf32>
      %mul3A_339 = arith.constant 16 : i32
      %mul3A_340 = arith.muli %add3A_283, %mul3A_339 : i32
      %get3A_341 = arith.constant 8 : i32
      %get3A_342 = arith.index_cast %get3A_341 : i32 to index
      %get3A_343 = arith.index_cast %mul3A_340 : i32 to index
      %get3A_344 = tpu.vector_load %arg6[%get3A_342, %get3A_343] {strides = array<i32>} : memref<16x640xf32, #tpu.memory_space<vmem>>, vector<16xf32>,
      %add3A_345 = arith.addf %add3A_338, %get3A_344 : vector<16xf32>
      %mul3A_346 = arith.constant 16 : i32
      %mul3A_347 = arith.muli %add3A_283, %mul3A_346 : i32
      %get3A_348 = arith.constant 9 : i32
      %get3A_349 = arith.index_cast %get3A_348 : i32 to index
      %get3A_350 = arith.index_cast %mul3A_347 : i32 to index
      %get3A_351 = tpu.vector_load %arg6[%get3A_349, %get3A_350] {strides = array<i32>} : memref<16x640xf32, #tpu.memory_space<vmem>>, vector<16xf32>,
      %add3A_352 = arith.addf %add3A_345, %get3A_351 : vector<16xf32>
      %mul3A_353 = arith.constant 16 : i32
      %mul3A_354 = arith.muli %add3A_283, %mul3A_353 : i32
      %get3A_355 = arith.constant 10 : i32
      %get3A_356 = arith.index_cast %get3A_355 : i32 to index
      %get3A_357 = arith.index_cast %mul3A_354 : i32 to index
      %get3A_358 = tpu.vector_load %arg6[%get3A_356, %get3A_357] {strides = array<i32>} : memref<16x640xf32, #tpu.memory_space<vmem>>, vector<16xf32>,
      %add3A_359 = arith.addf %add3A_352, %get3A_358 : vector<16xf32>
      %mul3A_360 = arith.constant 16 : i32
      %mul3A_361 = arith.muli %add3A_283, %mul3A_360 : i32
      %get3A_362 = arith.constant 11 : i32
      %get3A_363 = arith.index_cast %get3A_362 : i32 to index
      %get3A_364 = arith.index_cast %mul3A_361 : i32 to index
      %get3A_365 = tpu.vector_load %arg6[%get3A_363, %get3A_364] {strides = array<i32>} : memref<16x640xf32, #tpu.memory_space<vmem>>, vector<16xf32>,
      %add3A_366 = arith.addf %add3A_359, %get3A_365 : vector<16xf32>
      %mul3A_367 = arith.constant 16 : i32
      %mul3A_368 = arith.muli %add3A_283, %mul3A_367 : i32
      %get3A_369 = arith.constant 12 : i32
      %get3A_370 = arith.index_cast %get3A_369 : i32 to index
      %get3A_371 = arith.index_cast %mul3A_368 : i32 to index
      %get3A_372 = tpu.vector_load %arg6[%get3A_370, %get3A_371] {strides = array<i32>} : memref<16x640xf32, #tpu.memory_space<vmem>>, vector<16xf32>,
      %add3A_373 = arith.addf %add3A_366, %get3A_372 : vector<16xf32>
      %mul3A_374 = arith.constant 16 : i32
      %mul3A_375 = arith.muli %add3A_283, %mul3A_374 : i32
      %get3A_376 = arith.constant 13 : i32
      %get3A_377 = arith.index_cast %get3A_376 : i32 to index
      %get3A_378 = arith.index_cast %mul3A_375 : i32 to index
      %get3A_379 = tpu.vector_load %arg6[%get3A_377, %get3A_378] {strides = array<i32>} : memref<16x640xf32, #tpu.memory_space<vmem>>, vector<16xf32>,
      %add3A_380 = arith.addf %add3A_373, %get3A_379 : vector<16xf32>
      %mul3A_381 = arith.constant 16 : i32
      %mul3A_382 = arith.muli %add3A_283, %mul3A_381 : i32
      %get3A_383 = arith.constant 14 : i32
      %get3A_384 = arith.index_cast %get3A_383 : i32 to index
      %get3A_385 = arith.index_cast %mul3A_382 : i32 to index
      %get3A_386 = tpu.vector_load %arg6[%get3A_384, %get3A_385] {strides = array<i32>} : memref<16x640xf32, #tpu.memory_space<vmem>>, vector<16xf32>,
      %add3A_387 = arith.addf %add3A_380, %get3A_386 : vector<16xf32>
      %mul3A_388 = arith.constant 16 : i32
      %mul3A_389 = arith.muli %add3A_283, %mul3A_388 : i32
      %get3A_390 = arith.constant 15 : i32
      %get3A_391 = arith.index_cast %get3A_390 : i32 to index
      %get3A_392 = arith.index_cast %mul3A_389 : i32 to index
      %get3A_393 = tpu.vector_load %arg6[%get3A_391, %get3A_392] {strides = array<i32>} : memref<16x640xf32, #tpu.memory_space<vmem>>, vector<16xf32>,
      %add3A_394 = arith.addf %add3A_387, %get3A_393 : vector<16xf32>
      %mul3A_395 = arith.constant 16 : i32
      %mul3A_396 = arith.muli %add3A_283, %mul3A_395 : i32
      %swap3A_397 = arith.constant 0 : i32
      %swap3A_398 = arith.index_cast %swap3A_397 : i32 to index
      %swap3A_399 = arith.index_cast %mul3A_396 : i32 to index
      %swap3A_400 = tpu.vector_load %arg6[%swap3A_398, %swap3A_399] {strides = array<i32>} : memref<16x640xf32, #tpu.memory_space<vmem>>, vector<16xf32>,
      tpu.vector_store %arg6[%swap3A_398, %swap3A_399], %add3A_394 {strides = array<i32>} : memref<16x640xf32, #tpu.memory_space<vmem>>, vector<16xf32>,
      %scan3A_401 = arith.constant 3 : i32
      %scan3A_402 = arith.addi %scan3A_34, %scan3A_401 : i32
      %mul3A_403 = arith.constant 1 : i32
      %mul3A_404 = arith.muli %scan3A_402, %mul3A_403 : i32
      %add3A_405 = arith.constant 0 : i32
      %add3A_406 = arith.addi %add3A_405, %mul3A_404 : i32
      %mul3A_407 = arith.constant 16 : i32
      %mul3A_408 = arith.muli %add3A_406, %mul3A_407 : i32
      %get3A_409 = arith.constant 0 : i32
      %get3A_410 = arith.index_cast %get3A_409 : i32 to index
      %get3A_411 = arith.index_cast %mul3A_408 : i32 to index
      %get3A_412 = tpu.vector_load %arg6[%get3A_410, %get3A_411] {strides = array<i32>} : memref<16x640xf32, #tpu.memory_space<vmem>>, vector<16xf32>,
      %mul3A_413 = arith.constant 16 : i32
      %mul3A_414 = arith.muli %add3A_406, %mul3A_413 : i32
      %get3A_415 = arith.constant 1 : i32
      %get3A_416 = arith.index_cast %get3A_415 : i32 to index
      %get3A_417 = arith.index_cast %mul3A_414 : i32 to index
      %get3A_418 = tpu.vector_load %arg6[%get3A_416, %get3A_417] {strides = array<i32>} : memref<16x640xf32, #tpu.memory_space<vmem>>, vector<16xf32>,
      %add3A_419 = arith.addf %get3A_412, %get3A_418 : vector<16xf32>
      %mul3A_420 = arith.constant 16 : i32
      %mul3A_421 = arith.muli %add3A_406, %mul3A_420 : i32
      %get3A_422 = arith.constant 2 : i32
      %get3A_423 = arith.index_cast %get3A_422 : i32 to index
      %get3A_424 = arith.index_cast %mul3A_421 : i32 to index
      %get3A_425 = tpu.vector_load %arg6[%get3A_423, %get3A_424] {strides = array<i32>} : memref<16x640xf32, #tpu.memory_space<vmem>>, vector<16xf32>,
      %add3A_426 = arith.addf %add3A_419, %get3A_425 : vector<16xf32>
      %mul3A_427 = arith.constant 16 : i32
      %mul3A_428 = arith.muli %add3A_406, %mul3A_427 : i32
      %get3A_429 = arith.constant 3 : i32
      %get3A_430 = arith.index_cast %get3A_429 : i32 to index
      %get3A_431 = arith.index_cast %mul3A_428 : i32 to index
      %get3A_432 = tpu.vector_load %arg6[%get3A_430, %get3A_431] {strides = array<i32>} : memref<16x640xf32, #tpu.memory_space<vmem>>, vector<16xf32>,
      %add3A_433 = arith.addf %add3A_426, %get3A_432 : vector<16xf32>
      %mul3A_434 = arith.constant 16 : i32
      %mul3A_435 = arith.muli %add3A_406, %mul3A_434 : i32
      %get3A_436 = arith.constant 4 : i32
      %get3A_437 = arith.index_cast %get3A_436 : i32 to index
      %get3A_438 = arith.index_cast %mul3A_435 : i32 to index
      %get3A_439 = tpu.vector_load %arg6[%get3A_437, %get3A_438] {strides = array<i32>} : memref<16x640xf32, #tpu.memory_space<vmem>>, vector<16xf32>,
      %add3A_440 = arith.addf %add3A_433, %get3A_439 : vector<16xf32>
      %mul3A_441 = arith.constant 16 : i32
      %mul3A_442 = arith.muli %add3A_406, %mul3A_441 : i32
      %get3A_443 = arith.constant 5 : i32
      %get3A_444 = arith.index_cast %get3A_443 : i32 to index
      %get3A_445 = arith.index_cast %mul3A_442 : i32 to index
      %get3A_446 = tpu.vector_load %arg6[%get3A_444, %get3A_445] {strides = array<i32>} : memref<16x640xf32, #tpu.memory_space<vmem>>, vector<16xf32>,
      %add3A_447 = arith.addf %add3A_440, %get3A_446 : vector<16xf32>
      %mul3A_448 = arith.constant 16 : i32
      %mul3A_449 = arith.muli %add3A_406, %mul3A_448 : i32
      %get3A_450 = arith.constant 6 : i32
      %get3A_451 = arith.index_cast %get3A_450 : i32 to index
      %get3A_452 = arith.index_cast %mul3A_449 : i32 to index
      %get3A_453 = tpu.vector_load %arg6[%get3A_451, %get3A_452] {strides = array<i32>} : memref<16x640xf32, #tpu.memory_space<vmem>>, vector<16xf32>,
      %add3A_454 = arith.addf %add3A_447, %get3A_453 : vector<16xf32>
      %mul3A_455 = arith.constant 16 : i32
      %mul3A_456 = arith.muli %add3A_406, %mul3A_455 : i32
      %get3A_457 = arith.constant 7 : i32
      %get3A_458 = arith.index_cast %get3A_457 : i32 to index
      %get3A_459 = arith.index_cast %mul3A_456 : i32 to index
      %get3A_460 = tpu.vector_load %arg6[%get3A_458, %get3A_459] {strides = array<i32>} : memref<16x640xf32, #tpu.memory_space<vmem>>, vector<16xf32>,
      %add3A_461 = arith.addf %add3A_454, %get3A_460 : vector<16xf32>
      %mul3A_462 = arith.constant 16 : i32
      %mul3A_463 = arith.muli %add3A_406, %mul3A_462 : i32
      %get3A_464 = arith.constant 8 : i32
      %get3A_465 = arith.index_cast %get3A_464 : i32 to index
      %get3A_466 = arith.index_cast %mul3A_463 : i32 to index
      %get3A_467 = tpu.vector_load %arg6[%get3A_465, %get3A_466] {strides = array<i32>} : memref<16x640xf32, #tpu.memory_space<vmem>>, vector<16xf32>,
      %add3A_468 = arith.addf %add3A_461, %get3A_467 : vector<16xf32>
      %mul3A_469 = arith.constant 16 : i32
      %mul3A_470 = arith.muli %add3A_406, %mul3A_469 : i32
      %get3A_471 = arith.constant 9 : i32
      %get3A_472 = arith.index_cast %get3A_471 : i32 to index
      %get3A_473 = arith.index_cast %mul3A_470 : i32 to index
      %get3A_474 = tpu.vector_load %arg6[%get3A_472, %get3A_473] {strides = array<i32>} : memref<16x640xf32, #tpu.memory_space<vmem>>, vector<16xf32>,
      %add3A_475 = arith.addf %add3A_468, %get3A_474 : vector<16xf32>
      %mul3A_476 = arith.constant 16 : i32
      %mul3A_477 = arith.muli %add3A_406, %mul3A_476 : i32
      %get3A_478 = arith.constant 10 : i32
      %get3A_479 = arith.index_cast %get3A_478 : i32 to index
      %get3A_480 = arith.index_cast %mul3A_477 : i32 to index
      %get3A_481 = tpu.vector_load %arg6[%get3A_479, %get3A_480] {strides = array<i32>} : memref<16x640xf32, #tpu.memory_space<vmem>>, vector<16xf32>,
      %add3A_482 = arith.addf %add3A_475, %get3A_481 : vector<16xf32>
      %mul3A_483 = arith.constant 16 : i32
      %mul3A_484 = arith.muli %add3A_406, %mul3A_483 : i32
      %get3A_485 = arith.constant 11 : i32
      %get3A_486 = arith.index_cast %get3A_485 : i32 to index
      %get3A_487 = arith.index_cast %mul3A_484 : i32 to index
      %get3A_488 = tpu.vector_load %arg6[%get3A_486, %get3A_487] {strides = array<i32>} : memref<16x640xf32, #tpu.memory_space<vmem>>, vector<16xf32>,
      %add3A_489 = arith.addf %add3A_482, %get3A_488 : vector<16xf32>
      %mul3A_490 = arith.constant 16 : i32
      %mul3A_491 = arith.muli %add3A_406, %mul3A_490 : i32
      %get3A_492 = arith.constant 12 : i32
      %get3A_493 = arith.index_cast %get3A_492 : i32 to index
      %get3A_494 = arith.index_cast %mul3A_491 : i32 to index
      %get3A_495 = tpu.vector_load %arg6[%get3A_493, %get3A_494] {strides = array<i32>} : memref<16x640xf32, #tpu.memory_space<vmem>>, vector<16xf32>,
      %add3A_496 = arith.addf %add3A_489, %get3A_495 : vector<16xf32>
      %mul3A_497 = arith.constant 16 : i32
      %mul3A_498 = arith.muli %add3A_406, %mul3A_497 : i32
      %get3A_499 = arith.constant 13 : i32
      %get3A_500 = arith.index_cast %get3A_499 : i32 to index
      %get3A_501 = arith.index_cast %mul3A_498 : i32 to index
      %get3A_502 = tpu.vector_load %arg6[%get3A_500, %get3A_501] {strides = array<i32>} : memref<16x640xf32, #tpu.memory_space<vmem>>, vector<16xf32>,
      %add3A_503 = arith.addf %add3A_496, %get3A_502 : vector<16xf32>
      %mul3A_504 = arith.constant 16 : i32
      %mul3A_505 = arith.muli %add3A_406, %mul3A_504 : i32
      %get3A_506 = arith.constant 14 : i32
      %get3A_507 = arith.index_cast %get3A_506 : i32 to index
      %get3A_508 = arith.index_cast %mul3A_505 : i32 to index
      %get3A_509 = tpu.vector_load %arg6[%get3A_507, %get3A_508] {strides = array<i32>} : memref<16x640xf32, #tpu.memory_space<vmem>>, vector<16xf32>,
      %add3A_510 = arith.addf %add3A_503, %get3A_509 : vector<16xf32>
      %mul3A_511 = arith.constant 16 : i32
      %mul3A_512 = arith.muli %add3A_406, %mul3A_511 : i32
      %get3A_513 = arith.constant 15 : i32
      %get3A_514 = arith.index_cast %get3A_513 : i32 to index
      %get3A_515 = arith.index_cast %mul3A_512 : i32 to index
      %get3A_516 = tpu.vector_load %arg6[%get3A_514, %get3A_515] {strides = array<i32>} : memref<16x640xf32, #tpu.memory_space<vmem>>, vector<16xf32>,
      %add3A_517 = arith.addf %add3A_510, %get3A_516 : vector<16xf32>
      %mul3A_518 = arith.constant 16 : i32
      %mul3A_519 = arith.muli %add3A_406, %mul3A_518 : i32
      %swap3A_520 = arith.constant 0 : i32
      %swap3A_521 = arith.index_cast %swap3A_520 : i32 to index
      %swap3A_522 = arith.index_cast %mul3A_519 : i32 to index
      %swap3A_523 = tpu.vector_load %arg6[%swap3A_521, %swap3A_522] {strides = array<i32>} : memref<16x640xf32, #tpu.memory_space<vmem>>, vector<16xf32>,
      tpu.vector_store %arg6[%swap3A_521, %swap3A_522], %add3A_517 {strides = array<i32>} : memref<16x640xf32, #tpu.memory_space<vmem>>, vector<16xf32>,
    }
    %scan3A_28 = arith.constant 40 : i32
    %mul3A_29 = arith.constant 10240 : i32
    %mul3A_30 = arith.muli %arg0, %mul3A_29 : i32
    %mul3A_31 = arith.constant 640 : i32
    %mul3A_32 = arith.muli %arg1, %mul3A_31 : i32
    %add3A_33 = arith.addi %mul3A_30, %mul3A_32 : i32
    %run_scoped3A = arith.constant 0 : i32
    "tpu.region"() ({
      %run_scoped3A_34 = tpu.sem_alloc : memref<!tpu.dma_semaphore, #tpu.memory_space<semaphore_mem>>
      %dma_start3A = arith.constant 0 : i32
      %dma_start3A_35 = tpu.memref_slice %arg6[%run_scoped3A, %dma_start3A] : memref<16x640xf32, #tpu.memory_space<vmem>> -> memref<1x640xf32, #tpu.memory_space<vmem>>
      %dma_start3A_36 = tpu.memref_squeeze %dma_start3A_35 : memref<1x640xf32, #tpu.memory_space<vmem>> -> memref<640xf32, #tpu.memory_space<vmem>>
      %dma_start3A_37 = tpu.memref_slice %arg3[%add3A_33] : memref<20480xf32, #tpu.memory_space<hbm>> -> memref<640xf32, #tpu.memory_space<hbm>>
      %dma_start3A_38 = tpu.memref_slice %arg3[%add3A_33] : memref<20480xf32, #tpu.memory_space<hbm>> -> memref<640xf32, #tpu.memory_space<hbm>>
      %dma_start3A_39 = arith.constant 0 : i32
      %dma_start3A_40 = tpu.memref_slice %arg6[%run_scoped3A, %dma_start3A_39] : memref<16x640xf32, #tpu.memory_space<vmem>> -> memref<1x640xf32, #tpu.memory_space<vmem>>
      %dma_start3A_41 = tpu.memref_squeeze %dma_start3A_40 : memref<1x640xf32, #tpu.memory_space<vmem>> -> memref<640xf32, #tpu.memory_space<vmem>>
      tpu.enqueue_dma source(%dma_start3A_41 : memref<640xf32, #tpu.memory_space<vmem>>) target(%dma_start3A_38 : memref<640xf32, #tpu.memory_space<hbm>>) target_semaphore(%run_scoped3A_34 : memref<!tpu.dma_semaphore, #tpu.memory_space<semaphore_mem>>)
      %dma_wait3A = arith.constant 0 : i32
      %dma_wait3A_42 = tpu.memref_slice %arg6[%run_scoped3A, %dma_wait3A] : memref<16x640xf32, #tpu.memory_space<vmem>> -> memref<1x640xf32, #tpu.memory_space<vmem>>
      %dma_wait3A_43 = tpu.memref_squeeze %dma_wait3A_42 : memref<1x640xf32, #tpu.memory_space<vmem>> -> memref<640xf32, #tpu.memory_space<vmem>>
      %dma_wait3A_44 = tpu.memref_slice %arg3[%add3A_33] : memref<20480xf32, #tpu.memory_space<hbm>> -> memref<640xf32, #tpu.memory_space<hbm>>
      %dma_wait3A_45 = tpu.memref_slice %arg3[%add3A_33] : memref<20480xf32, #tpu.memory_space<hbm>> -> memref<640xf32, #tpu.memory_space<hbm>>
      %dma_wait3A_46 = arith.constant 0 : i32
      %dma_wait3A_47 = tpu.memref_slice %arg6[%run_scoped3A, %dma_wait3A_46] : memref<16x640xf32, #tpu.memory_space<vmem>> -> memref<1x640xf32, #tpu.memory_space<vmem>>
      %dma_wait3A_48 = tpu.memref_squeeze %dma_wait3A_47 : memref<1x640xf32, #tpu.memory_space<vmem>> -> memref<640xf32, #tpu.memory_space<vmem>>
      tpu.wait_dma2 semaphore(%run_scoped3A_34 : memref<!tpu.dma_semaphore, #tpu.memory_space<semaphore_mem>>) src(%dma_wait3A_48 : memref<640xf32, #tpu.memory_space<vmem>>) dst(%dma_wait3A_45 : memref<640xf32, #tpu.memory_space<hbm>>)
      tpu.yield
    }) : () -> ()
    return
  }
}

#map = affine_map<(d0, d1) -> (0, 0)>
#map1 = affine_map<(d0, d1) -> (0)>
#map2 = affine_map<(d0, d1) -> (0, 0, 0)>
module attributes {stable_mosaic.version = 14 : i64} {
  func.func @k(%arg0: i32, %arg1: i32, %arg2: memref<10000x128xf32, #tpu.memory_space<hbm>>, %arg3: memref<320000xi32, #tpu.memory_space<hbm>>, %arg4: memref<320000xi32, #tpu.memory_space<hbm>>, %arg5: memref<2x10000x128xf32, #tpu.memory_space<hbm>>, %arg6: memref<10000xi32, #tpu.memory_space<vmem>>, %arg7: memref<80xi32, #tpu.memory_space<vmem>>, %arg8: memref<80xi32, #tpu.memory_space<vmem>>, %arg9: memref<80xi32, #tpu.memory_space<vmem>>, %arg10: memref<80x128xf32, #tpu.memory_space<vmem>>, %arg11: memref<80x128xf32, #tpu.memory_space<vmem>>, %arg12: memref<80x128xf32, #tpu.memory_space<vmem>>, %arg13: memref<48x128xf32, #tpu.memory_space<vmem>>, %arg14: memref<10000x128xf32, #tpu.memory_space<vmem_shared>>, %arg15: memref<!tpu.dma_semaphore, #tpu.memory_space<semaphore_mem>>, %arg16: memref<!tpu.dma_semaphore, #tpu.memory_space<semaphore_mem>>, %arg17: memref<!tpu.dma_semaphore, #tpu.memory_space<semaphore_mem>>, %arg18: memref<!tpu.dma_semaphore, #tpu.memory_space<semaphore_mem>>, %arg19: memref<!tpu.dma_semaphore, #tpu.memory_space<semaphore_mem>>, %arg20: memref<!tpu.dma_semaphore, #tpu.memory_space<semaphore_mem>>, %arg21: memref<!tpu.dma_semaphore, #tpu.memory_space<semaphore_mem>>, %arg22: memref<!tpu.dma_semaphore, #tpu.memory_space<semaphore_mem>>, %arg23: memref<!tpu.dma_semaphore, #tpu.memory_space<semaphore_mem>>, %arg24: memref<!tpu.dma_semaphore, #tpu.memory_space<semaphore_mem>>) attributes {dimension_semantics = [#tpu.dimension_semantics<core_parallel>, #tpu.dimension_semantics<subcore_parallel>], iteration_bounds = array<i64: 2, 16>, scalar_prefetch = 0 : i64, scratch_operands = 19 : i64, tpu.core_type = #tpu.core_type<sc_vector_subcore>, window_params = [{transform_indices = #map}, {transform_indices = #map1}, {transform_indices = #map1}, {transform_indices = #map2}]} {
    %mul3A = arith.constant 16 : i32
    %mul3A_0 = arith.muli %arg0, %mul3A : i32
    %add3A = arith.addi %mul3A_0, %arg1 : i32
    %mul3A_1 = arith.constant 10000 : i32
    %mul3A_2 = arith.muli %add3A, %mul3A_1 : i32
    "tpu.region"() ({
      %run_scoped3A = tpu.sem_alloc : memref<!tpu.dma_semaphore, #tpu.memory_space<semaphore_mem>>
      %dma_start3A_314 = tpu.memref_slice %arg3[%mul3A_2] : memref<320000xi32, #tpu.memory_space<hbm>> -> memref<10000xi32, #tpu.memory_space<hbm>>
      %dma_start3A_315 = tpu.memref_slice %arg3[%mul3A_2] : memref<320000xi32, #tpu.memory_space<hbm>> -> memref<10000xi32, #tpu.memory_space<hbm>>
      tpu.enqueue_dma source(%dma_start3A_315 : memref<10000xi32, #tpu.memory_space<hbm>>) target(%arg6 : memref<10000xi32, #tpu.memory_space<vmem>>) target_semaphore(%run_scoped3A : memref<!tpu.dma_semaphore, #tpu.memory_space<semaphore_mem>>)
      %dma_wait3A_316 = tpu.memref_slice %arg3[%mul3A_2] : memref<320000xi32, #tpu.memory_space<hbm>> -> memref<10000xi32, #tpu.memory_space<hbm>>
      %dma_wait3A_317 = tpu.memref_slice %arg3[%mul3A_2] : memref<320000xi32, #tpu.memory_space<hbm>> -> memref<10000xi32, #tpu.memory_space<hbm>>
      tpu.wait_dma2 semaphore(%run_scoped3A : memref<!tpu.dma_semaphore, #tpu.memory_space<semaphore_mem>>) src(%dma_wait3A_317 : memref<10000xi32, #tpu.memory_space<hbm>>) dst(%arg6 : memref<10000xi32, #tpu.memory_space<vmem>>)
      tpu.yield
    }) : () -> ()
    %add3A_3 = arith.constant 0 : i32
    %add3A_4 = arith.addi %mul3A_2, %add3A_3 : i32
    %dma_start3A = tpu.memref_slice %arg4[%add3A_4] : memref<320000xi32, #tpu.memory_space<hbm>> -> memref<80xi32, #tpu.memory_space<hbm>>
    %dma_start3A_5 = tpu.memref_slice %arg4[%add3A_4] : memref<320000xi32, #tpu.memory_space<hbm>> -> memref<80xi32, #tpu.memory_space<hbm>>
    tpu.enqueue_dma source(%dma_start3A_5 : memref<80xi32, #tpu.memory_space<hbm>>) target(%arg7 : memref<80xi32, #tpu.memory_space<vmem>>) target_semaphore(%arg21 : memref<!tpu.dma_semaphore, #tpu.memory_space<semaphore_mem>>)
    %dma_start3A_6 = arith.constant 0 : i32
    %dma_start3A_7 = tpu.memref_slice %arg6[%dma_start3A_6] : memref<10000xi32, #tpu.memory_space<vmem>> -> memref<80xi32, #tpu.memory_space<vmem>>
    %dma_start3A_8 = arith.constant 0 : i32
    %dma_start3A_9 = arith.constant 0 : i32
    %dma_start3A_10 = tpu.memref_slice %arg2[%dma_start3A_8, %dma_start3A_9] : memref<10000x128xf32, #tpu.memory_space<hbm>> -> memref<10000x128xf32, #tpu.memory_space<hbm>>
    tpu.enqueue_indirect_dma source(%dma_start3A_10 : memref<10000x128xf32, #tpu.memory_space<hbm>>) target(%arg10 : memref<80x128xf32, #tpu.memory_space<vmem>>) offsets(%dma_start3A_7 : memref<80xi32, #tpu.memory_space<vmem>>) semaphore(%arg15 : memref<!tpu.dma_semaphore, #tpu.memory_space<semaphore_mem>>)
    %add3A_11 = arith.constant 80 : i32
    %add3A_12 = arith.addi %mul3A_2, %add3A_11 : i32
    %dma_start3A_13 = tpu.memref_slice %arg4[%add3A_12] : memref<320000xi32, #tpu.memory_space<hbm>> -> memref<80xi32, #tpu.memory_space<hbm>>
    %dma_start3A_14 = tpu.memref_slice %arg4[%add3A_12] : memref<320000xi32, #tpu.memory_space<hbm>> -> memref<80xi32, #tpu.memory_space<hbm>>
    tpu.enqueue_dma source(%dma_start3A_14 : memref<80xi32, #tpu.memory_space<hbm>>) target(%arg8 : memref<80xi32, #tpu.memory_space<vmem>>) target_semaphore(%arg22 : memref<!tpu.dma_semaphore, #tpu.memory_space<semaphore_mem>>)
    %dma_start3A_15 = arith.constant 80 : i32
    %dma_start3A_16 = tpu.memref_slice %arg6[%dma_start3A_15] : memref<10000xi32, #tpu.memory_space<vmem>> -> memref<80xi32, #tpu.memory_space<vmem>>
    %dma_start3A_17 = arith.constant 0 : i32
    %dma_start3A_18 = arith.constant 0 : i32
    %dma_start3A_19 = tpu.memref_slice %arg2[%dma_start3A_17, %dma_start3A_18] : memref<10000x128xf32, #tpu.memory_space<hbm>> -> memref<10000x128xf32, #tpu.memory_space<hbm>>
    tpu.enqueue_indirect_dma source(%dma_start3A_19 : memref<10000x128xf32, #tpu.memory_space<hbm>>) target(%arg11 : memref<80x128xf32, #tpu.memory_space<vmem>>) offsets(%dma_start3A_16 : memref<80xi32, #tpu.memory_space<vmem>>) semaphore(%arg16 : memref<!tpu.dma_semaphore, #tpu.memory_space<semaphore_mem>>)
    %scan3A = arith.constant 0 : i32
    %scan3A_20 = arith.constant 48 : i32
    %scan3A_21 = arith.addi %scan3A, %scan3A_20 : i32
    %scan3A_22 = arith.constant 1 : i32
    scf.for %scan3A_314 = %scan3A to %scan3A_21 step %scan3A_22  : i32 {
      %mul3A_315 = arith.constant 1 : i32
      %mul3A_316 = arith.muli %scan3A_314, %mul3A_315 : i32
      %add3A_317 = arith.constant 0 : i32
      %add3A_318 = arith.addi %add3A_317, %mul3A_316 : i32
      %broadcast_in_dim3A = arith.constant 0.000000e+00 : f32
      %broadcast_in_dim3A_319 = vector.broadcast %broadcast_in_dim3A : f32 to vector<16xf32>
      %swap3A = arith.index_cast %add3A_318 : i32 to index
      %swap3A_320 = arith.constant 0 : index
      %swap3A_321 = tpu.vector_load %arg13[%swap3A, %swap3A_320] {strides = array<i32>} : memref<48x128xf32, #tpu.memory_space<vmem>>, vector<16xf32>,
      tpu.vector_store %arg13[%swap3A, %swap3A_320], %broadcast_in_dim3A_319 {strides = array<i32>} : memref<48x128xf32, #tpu.memory_space<vmem>>, vector<16xf32>,
      %broadcast_in_dim3A_322 = arith.constant 0.000000e+00 : f32
      %broadcast_in_dim3A_323 = vector.broadcast %broadcast_in_dim3A_322 : f32 to vector<16xf32>
      %swap3A_324 = arith.index_cast %add3A_318 : i32 to index
      %swap3A_325 = arith.constant 16 : index
      %swap3A_326 = tpu.vector_load %arg13[%swap3A_324, %swap3A_325] {strides = array<i32>} : memref<48x128xf32, #tpu.memory_space<vmem>>, vector<16xf32>,
      tpu.vector_store %arg13[%swap3A_324, %swap3A_325], %broadcast_in_dim3A_323 {strides = array<i32>} : memref<48x128xf32, #tpu.memory_space<vmem>>, vector<16xf32>,
      %broadcast_in_dim3A_327 = arith.constant 0.000000e+00 : f32
      %broadcast_in_dim3A_328 = vector.broadcast %broadcast_in_dim3A_327 : f32 to vector<16xf32>
      %swap3A_329 = arith.index_cast %add3A_318 : i32 to index
      %swap3A_330 = arith.constant 32 : index
      %swap3A_331 = tpu.vector_load %arg13[%swap3A_329, %swap3A_330] {strides = array<i32>} : memref<48x128xf32, #tpu.memory_space<vmem>>, vector<16xf32>,
      tpu.vector_store %arg13[%swap3A_329, %swap3A_330], %broadcast_in_dim3A_328 {strides = array<i32>} : memref<48x128xf32, #tpu.memory_space<vmem>>, vector<16xf32>,
      %broadcast_in_dim3A_332 = arith.constant 0.000000e+00 : f32
      %broadcast_in_dim3A_333 = vector.broadcast %broadcast_in_dim3A_332 : f32 to vector<16xf32>
      %swap3A_334 = arith.index_cast %add3A_318 : i32 to index
      %swap3A_335 = arith.constant 48 : index
      %swap3A_336 = tpu.vector_load %arg13[%swap3A_334, %swap3A_335] {strides = array<i32>} : memref<48x128xf32, #tpu.memory_space<vmem>>, vector<16xf32>,
      tpu.vector_store %arg13[%swap3A_334, %swap3A_335], %broadcast_in_dim3A_333 {strides = array<i32>} : memref<48x128xf32, #tpu.memory_space<vmem>>, vector<16xf32>,
      %broadcast_in_dim3A_337 = arith.constant 0.000000e+00 : f32
      %broadcast_in_dim3A_338 = vector.broadcast %broadcast_in_dim3A_337 : f32 to vector<16xf32>
      %swap3A_339 = arith.index_cast %add3A_318 : i32 to index
      %swap3A_340 = arith.constant 64 : index
      %swap3A_341 = tpu.vector_load %arg13[%swap3A_339, %swap3A_340] {strides = array<i32>} : memref<48x128xf32, #tpu.memory_space<vmem>>, vector<16xf32>,
      tpu.vector_store %arg13[%swap3A_339, %swap3A_340], %broadcast_in_dim3A_338 {strides = array<i32>} : memref<48x128xf32, #tpu.memory_space<vmem>>, vector<16xf32>,
      %broadcast_in_dim3A_342 = arith.constant 0.000000e+00 : f32
      %broadcast_in_dim3A_343 = vector.broadcast %broadcast_in_dim3A_342 : f32 to vector<16xf32>
      %swap3A_344 = arith.index_cast %add3A_318 : i32 to index
      %swap3A_345 = arith.constant 80 : index
      %swap3A_346 = tpu.vector_load %arg13[%swap3A_344, %swap3A_345] {strides = array<i32>} : memref<48x128xf32, #tpu.memory_space<vmem>>, vector<16xf32>,
      tpu.vector_store %arg13[%swap3A_344, %swap3A_345], %broadcast_in_dim3A_343 {strides = array<i32>} : memref<48x128xf32, #tpu.memory_space<vmem>>, vector<16xf32>,
      %broadcast_in_dim3A_347 = arith.constant 0.000000e+00 : f32
      %broadcast_in_dim3A_348 = vector.broadcast %broadcast_in_dim3A_347 : f32 to vector<16xf32>
      %swap3A_349 = arith.index_cast %add3A_318 : i32 to index
      %swap3A_350 = arith.constant 96 : index
      %swap3A_351 = tpu.vector_load %arg13[%swap3A_349, %swap3A_350] {strides = array<i32>} : memref<48x128xf32, #tpu.memory_space<vmem>>, vector<16xf32>,
      tpu.vector_store %arg13[%swap3A_349, %swap3A_350], %broadcast_in_dim3A_348 {strides = array<i32>} : memref<48x128xf32, #tpu.memory_space<vmem>>, vector<16xf32>,
      %broadcast_in_dim3A_352 = arith.constant 0.000000e+00 : f32
      %broadcast_in_dim3A_353 = vector.broadcast %broadcast_in_dim3A_352 : f32 to vector<16xf32>
      %swap3A_354 = arith.index_cast %add3A_318 : i32 to index
      %swap3A_355 = arith.constant 112 : index
      %swap3A_356 = tpu.vector_load %arg13[%swap3A_354, %swap3A_355] {strides = array<i32>} : memref<48x128xf32, #tpu.memory_space<vmem>>, vector<16xf32>,
      tpu.vector_store %arg13[%swap3A_354, %swap3A_355], %broadcast_in_dim3A_353 {strides = array<i32>} : memref<48x128xf32, #tpu.memory_space<vmem>>, vector<16xf32>,
    }
    %scan3A_23 = arith.constant 48 : i32
    %mul3A_24 = arith.constant 624 : i32
    %mul3A_25 = arith.muli %arg1, %mul3A_24 : i32
    %add3A_26 = arith.constant 0 : i32
    %add3A_27 = arith.addi %mul3A_25, %add3A_26 : i32
    %dma_start3A_28 = arith.constant 0 : i32
    %dma_start3A_29 = tpu.memref_slice %arg14[%add3A_27, %dma_start3A_28] : memref<10000x128xf32, #tpu.memory_space<vmem_shared>> -> memref<48x128xf32, #tpu.memory_space<vmem_shared>>
    %dma_start3A_30 = arith.constant 0 : i32
    %dma_start3A_31 = tpu.memref_slice %arg14[%add3A_27, %dma_start3A_30] : memref<10000x128xf32, #tpu.memory_space<vmem_shared>> -> memref<48x128xf32, #tpu.memory_space<vmem_shared>>
    tpu.enqueue_dma source(%arg13 : memref<48x128xf32, #tpu.memory_space<vmem>>) target(%dma_start3A_31 : memref<48x128xf32, #tpu.memory_space<vmem_shared>>) target_semaphore(%arg24 : memref<!tpu.dma_semaphore, #tpu.memory_space<semaphore_mem>>)
    %mul3A_32 = arith.constant 624 : i32
    %mul3A_33 = arith.muli %arg1, %mul3A_32 : i32
    %add3A_34 = arith.constant 48 : i32
    %add3A_35 = arith.addi %mul3A_33, %add3A_34 : i32
    %dma_start3A_36 = arith.constant 0 : i32
    %dma_start3A_37 = tpu.memref_slice %arg14[%add3A_35, %dma_start3A_36] : memref<10000x128xf32, #tpu.memory_space<vmem_shared>> -> memref<48x128xf32, #tpu.memory_space<vmem_shared>>
    %dma_start3A_38 = arith.constant 0 : i32
    %dma_start3A_39 = tpu.memref_slice %arg14[%add3A_35, %dma_start3A_38] : memref<10000x128xf32, #tpu.memory_space<vmem_shared>> -> memref<48x128xf32, #tpu.memory_space<vmem_shared>>
    tpu.enqueue_dma source(%arg13 : memref<48x128xf32, #tpu.memory_space<vmem>>) target(%dma_start3A_39 : memref<48x128xf32, #tpu.memory_space<vmem_shared>>) target_semaphore(%arg24 : memref<!tpu.dma_semaphore, #tpu.memory_space<semaphore_mem>>)
    %mul3A_40 = arith.constant 624 : i32
    %mul3A_41 = arith.muli %arg1, %mul3A_40 : i32
    %add3A_42 = arith.constant 96 : i32
    %add3A_43 = arith.addi %mul3A_41, %add3A_42 : i32
    %dma_start3A_44 = arith.constant 0 : i32
    %dma_start3A_45 = tpu.memref_slice %arg14[%add3A_43, %dma_start3A_44] : memref<10000x128xf32, #tpu.memory_space<vmem_shared>> -> memref<48x128xf32, #tpu.memory_space<vmem_shared>>
    %dma_start3A_46 = arith.constant 0 : i32
    %dma_start3A_47 = tpu.memref_slice %arg14[%add3A_43, %dma_start3A_46] : memref<10000x128xf32, #tpu.memory_space<vmem_shared>> -> memref<48x128xf32, #tpu.memory_space<vmem_shared>>
    tpu.enqueue_dma source(%arg13 : memref<48x128xf32, #tpu.memory_space<vmem>>) target(%dma_start3A_47 : memref<48x128xf32, #tpu.memory_space<vmem_shared>>) target_semaphore(%arg24 : memref<!tpu.dma_semaphore, #tpu.memory_space<semaphore_mem>>)
    %mul3A_48 = arith.constant 624 : i32
    %mul3A_49 = arith.muli %arg1, %mul3A_48 : i32
    %add3A_50 = arith.constant 144 : i32
    %add3A_51 = arith.addi %mul3A_49, %add3A_50 : i32
    %dma_start3A_52 = arith.constant 0 : i32
    %dma_start3A_53 = tpu.memref_slice %arg14[%add3A_51, %dma_start3A_52] : memref<10000x128xf32, #tpu.memory_space<vmem_shared>> -> memref<48x128xf32, #tpu.memory_space<vmem_shared>>
    %dma_start3A_54 = arith.constant 0 : i32
    %dma_start3A_55 = tpu.memref_slice %arg14[%add3A_51, %dma_start3A_54] : memref<10000x128xf32, #tpu.memory_space<vmem_shared>> -> memref<48x128xf32, #tpu.memory_space<vmem_shared>>
    tpu.enqueue_dma source(%arg13 : memref<48x128xf32, #tpu.memory_space<vmem>>) target(%dma_start3A_55 : memref<48x128xf32, #tpu.memory_space<vmem_shared>>) target_semaphore(%arg24 : memref<!tpu.dma_semaphore, #tpu.memory_space<semaphore_mem>>)
    %mul3A_56 = arith.constant 624 : i32
    %mul3A_57 = arith.muli %arg1, %mul3A_56 : i32
    %add3A_58 = arith.constant 192 : i32
    %add3A_59 = arith.addi %mul3A_57, %add3A_58 : i32
    %dma_start3A_60 = arith.constant 0 : i32
    %dma_start3A_61 = tpu.memref_slice %arg14[%add3A_59, %dma_start3A_60] : memref<10000x128xf32, #tpu.memory_space<vmem_shared>> -> memref<48x128xf32, #tpu.memory_space<vmem_shared>>
    %dma_start3A_62 = arith.constant 0 : i32
    %dma_start3A_63 = tpu.memref_slice %arg14[%add3A_59, %dma_start3A_62] : memref<10000x128xf32, #tpu.memory_space<vmem_shared>> -> memref<48x128xf32, #tpu.memory_space<vmem_shared>>
    tpu.enqueue_dma source(%arg13 : memref<48x128xf32, #tpu.memory_space<vmem>>) target(%dma_start3A_63 : memref<48x128xf32, #tpu.memory_space<vmem_shared>>) target_semaphore(%arg24 : memref<!tpu.dma_semaphore, #tpu.memory_space<semaphore_mem>>)
    %mul3A_64 = arith.constant 624 : i32
    %mul3A_65 = arith.muli %arg1, %mul3A_64 : i32
    %add3A_66 = arith.constant 240 : i32
    %add3A_67 = arith.addi %mul3A_65, %add3A_66 : i32
    %dma_start3A_68 = arith.constant 0 : i32
    %dma_start3A_69 = tpu.memref_slice %arg14[%add3A_67, %dma_start3A_68] : memref<10000x128xf32, #tpu.memory_space<vmem_shared>> -> memref<48x128xf32, #tpu.memory_space<vmem_shared>>
    %dma_start3A_70 = arith.constant 0 : i32
    %dma_start3A_71 = tpu.memref_slice %arg14[%add3A_67, %dma_start3A_70] : memref<10000x128xf32, #tpu.memory_space<vmem_shared>> -> memref<48x128xf32, #tpu.memory_space<vmem_shared>>
    tpu.enqueue_dma source(%arg13 : memref<48x128xf32, #tpu.memory_space<vmem>>) target(%dma_start3A_71 : memref<48x128xf32, #tpu.memory_space<vmem_shared>>) target_semaphore(%arg24 : memref<!tpu.dma_semaphore, #tpu.memory_space<semaphore_mem>>)
    %mul3A_72 = arith.constant 624 : i32
    %mul3A_73 = arith.muli %arg1, %mul3A_72 : i32
    %add3A_74 = arith.constant 288 : i32
    %add3A_75 = arith.addi %mul3A_73, %add3A_74 : i32
    %dma_start3A_76 = arith.constant 0 : i32
    %dma_start3A_77 = tpu.memref_slice %arg14[%add3A_75, %dma_start3A_76] : memref<10000x128xf32, #tpu.memory_space<vmem_shared>> -> memref<48x128xf32, #tpu.memory_space<vmem_shared>>
    %dma_start3A_78 = arith.constant 0 : i32
    %dma_start3A_79 = tpu.memref_slice %arg14[%add3A_75, %dma_start3A_78] : memref<10000x128xf32, #tpu.memory_space<vmem_shared>> -> memref<48x128xf32, #tpu.memory_space<vmem_shared>>
    tpu.enqueue_dma source(%arg13 : memref<48x128xf32, #tpu.memory_space<vmem>>) target(%dma_start3A_79 : memref<48x128xf32, #tpu.memory_space<vmem_shared>>) target_semaphore(%arg24 : memref<!tpu.dma_semaphore, #tpu.memory_space<semaphore_mem>>)
    %mul3A_80 = arith.constant 624 : i32
    %mul3A_81 = arith.muli %arg1, %mul3A_80 : i32
    %add3A_82 = arith.constant 336 : i32
    %add3A_83 = arith.addi %mul3A_81, %add3A_82 : i32
    %dma_start3A_84 = arith.constant 0 : i32
    %dma_start3A_85 = tpu.memref_slice %arg14[%add3A_83, %dma_start3A_84] : memref<10000x128xf32, #tpu.memory_space<vmem_shared>> -> memref<48x128xf32, #tpu.memory_space<vmem_shared>>
    %dma_start3A_86 = arith.constant 0 : i32
    %dma_start3A_87 = tpu.memref_slice %arg14[%add3A_83, %dma_start3A_86] : memref<10000x128xf32, #tpu.memory_space<vmem_shared>> -> memref<48x128xf32, #tpu.memory_space<vmem_shared>>
    tpu.enqueue_dma source(%arg13 : memref<48x128xf32, #tpu.memory_space<vmem>>) target(%dma_start3A_87 : memref<48x128xf32, #tpu.memory_space<vmem_shared>>) target_semaphore(%arg24 : memref<!tpu.dma_semaphore, #tpu.memory_space<semaphore_mem>>)
    %mul3A_88 = arith.constant 624 : i32
    %mul3A_89 = arith.muli %arg1, %mul3A_88 : i32
    %add3A_90 = arith.constant 384 : i32
    %add3A_91 = arith.addi %mul3A_89, %add3A_90 : i32
    %dma_start3A_92 = arith.constant 0 : i32
    %dma_start3A_93 = tpu.memref_slice %arg14[%add3A_91, %dma_start3A_92] : memref<10000x128xf32, #tpu.memory_space<vmem_shared>> -> memref<48x128xf32, #tpu.memory_space<vmem_shared>>
    %dma_start3A_94 = arith.constant 0 : i32
    %dma_start3A_95 = tpu.memref_slice %arg14[%add3A_91, %dma_start3A_94] : memref<10000x128xf32, #tpu.memory_space<vmem_shared>> -> memref<48x128xf32, #tpu.memory_space<vmem_shared>>
    tpu.enqueue_dma source(%arg13 : memref<48x128xf32, #tpu.memory_space<vmem>>) target(%dma_start3A_95 : memref<48x128xf32, #tpu.memory_space<vmem_shared>>) target_semaphore(%arg24 : memref<!tpu.dma_semaphore, #tpu.memory_space<semaphore_mem>>)
    %mul3A_96 = arith.constant 624 : i32
    %mul3A_97 = arith.muli %arg1, %mul3A_96 : i32
    %add3A_98 = arith.constant 432 : i32
    %add3A_99 = arith.addi %mul3A_97, %add3A_98 : i32
    %dma_start3A_100 = arith.constant 0 : i32
    %dma_start3A_101 = tpu.memref_slice %arg14[%add3A_99, %dma_start3A_100] : memref<10000x128xf32, #tpu.memory_space<vmem_shared>> -> memref<48x128xf32, #tpu.memory_space<vmem_shared>>
    %dma_start3A_102 = arith.constant 0 : i32
    %dma_start3A_103 = tpu.memref_slice %arg14[%add3A_99, %dma_start3A_102] : memref<10000x128xf32, #tpu.memory_space<vmem_shared>> -> memref<48x128xf32, #tpu.memory_space<vmem_shared>>
    tpu.enqueue_dma source(%arg13 : memref<48x128xf32, #tpu.memory_space<vmem>>) target(%dma_start3A_103 : memref<48x128xf32, #tpu.memory_space<vmem_shared>>) target_semaphore(%arg24 : memref<!tpu.dma_semaphore, #tpu.memory_space<semaphore_mem>>)
    %mul3A_104 = arith.constant 624 : i32
    %mul3A_105 = arith.muli %arg1, %mul3A_104 : i32
    %add3A_106 = arith.constant 480 : i32
    %add3A_107 = arith.addi %mul3A_105, %add3A_106 : i32
    %dma_start3A_108 = arith.constant 0 : i32
    %dma_start3A_109 = tpu.memref_slice %arg14[%add3A_107, %dma_start3A_108] : memref<10000x128xf32, #tpu.memory_space<vmem_shared>> -> memref<48x128xf32, #tpu.memory_space<vmem_shared>>
    %dma_start3A_110 = arith.constant 0 : i32
    %dma_start3A_111 = tpu.memref_slice %arg14[%add3A_107, %dma_start3A_110] : memref<10000x128xf32, #tpu.memory_space<vmem_shared>> -> memref<48x128xf32, #tpu.memory_space<vmem_shared>>
    tpu.enqueue_dma source(%arg13 : memref<48x128xf32, #tpu.memory_space<vmem>>) target(%dma_start3A_111 : memref<48x128xf32, #tpu.memory_space<vmem_shared>>) target_semaphore(%arg24 : memref<!tpu.dma_semaphore, #tpu.memory_space<semaphore_mem>>)
    %mul3A_112 = arith.constant 624 : i32
    %mul3A_113 = arith.muli %arg1, %mul3A_112 : i32
    %add3A_114 = arith.constant 528 : i32
    %add3A_115 = arith.addi %mul3A_113, %add3A_114 : i32
    %dma_start3A_116 = arith.constant 0 : i32
    %dma_start3A_117 = tpu.memref_slice %arg14[%add3A_115, %dma_start3A_116] : memref<10000x128xf32, #tpu.memory_space<vmem_shared>> -> memref<48x128xf32, #tpu.memory_space<vmem_shared>>
    %dma_start3A_118 = arith.constant 0 : i32
    %dma_start3A_119 = tpu.memref_slice %arg14[%add3A_115, %dma_start3A_118] : memref<10000x128xf32, #tpu.memory_space<vmem_shared>> -> memref<48x128xf32, #tpu.memory_space<vmem_shared>>
    tpu.enqueue_dma source(%arg13 : memref<48x128xf32, #tpu.memory_space<vmem>>) target(%dma_start3A_119 : memref<48x128xf32, #tpu.memory_space<vmem_shared>>) target_semaphore(%arg24 : memref<!tpu.dma_semaphore, #tpu.memory_space<semaphore_mem>>)
    %mul3A_120 = arith.constant 624 : i32
    %mul3A_121 = arith.muli %arg1, %mul3A_120 : i32
    %add3A_122 = arith.constant 576 : i32
    %add3A_123 = arith.addi %mul3A_121, %add3A_122 : i32
    %dma_start3A_124 = arith.constant 0 : i32
    %dma_start3A_125 = tpu.memref_slice %arg14[%add3A_123, %dma_start3A_124] : memref<10000x128xf32, #tpu.memory_space<vmem_shared>> -> memref<48x128xf32, #tpu.memory_space<vmem_shared>>
    %dma_start3A_126 = arith.constant 0 : i32
    %dma_start3A_127 = tpu.memref_slice %arg14[%add3A_123, %dma_start3A_126] : memref<10000x128xf32, #tpu.memory_space<vmem_shared>> -> memref<48x128xf32, #tpu.memory_space<vmem_shared>>
    tpu.enqueue_dma source(%arg13 : memref<48x128xf32, #tpu.memory_space<vmem>>) target(%dma_start3A_127 : memref<48x128xf32, #tpu.memory_space<vmem_shared>>) target_semaphore(%arg24 : memref<!tpu.dma_semaphore, #tpu.memory_space<semaphore_mem>>)
    %mul3A_128 = arith.constant 624 : i32
    %mul3A_129 = arith.muli %arg1, %mul3A_128 : i32
    %dma_wait3A = arith.constant 0 : i32
    %dma_wait3A_130 = tpu.memref_slice %arg14[%mul3A_129, %dma_wait3A] : memref<10000x128xf32, #tpu.memory_space<vmem_shared>> -> memref<48x128xf32, #tpu.memory_space<vmem_shared>>
    %dma_wait3A_131 = arith.constant 0 : i32
    %dma_wait3A_132 = tpu.memref_slice %arg14[%mul3A_129, %dma_wait3A_131] : memref<10000x128xf32, #tpu.memory_space<vmem_shared>> -> memref<48x128xf32, #tpu.memory_space<vmem_shared>>
    tpu.wait_dma2 semaphore(%arg24 : memref<!tpu.dma_semaphore, #tpu.memory_space<semaphore_mem>>) src(%arg13 : memref<48x128xf32, #tpu.memory_space<vmem>>) dst(%dma_wait3A_132 : memref<48x128xf32, #tpu.memory_space<vmem_shared>>)
    %mul3A_133 = arith.constant 624 : i32
    %mul3A_134 = arith.muli %arg1, %mul3A_133 : i32
    %dma_wait3A_135 = arith.constant 0 : i32
    %dma_wait3A_136 = tpu.memref_slice %arg14[%mul3A_134, %dma_wait3A_135] : memref<10000x128xf32, #tpu.memory_space<vmem_shared>> -> memref<48x128xf32, #tpu.memory_space<vmem_shared>>
    %dma_wait3A_137 = arith.constant 0 : i32
    %dma_wait3A_138 = tpu.memref_slice %arg14[%mul3A_134, %dma_wait3A_137] : memref<10000x128xf32, #tpu.memory_space<vmem_shared>> -> memref<48x128xf32, #tpu.memory_space<vmem_shared>>
    tpu.wait_dma2 semaphore(%arg24 : memref<!tpu.dma_semaphore, #tpu.memory_space<semaphore_mem>>) src(%arg13 : memref<48x128xf32, #tpu.memory_space<vmem>>) dst(%dma_wait3A_138 : memref<48x128xf32, #tpu.memory_space<vmem_shared>>)
    %mul3A_139 = arith.constant 624 : i32
    %mul3A_140 = arith.muli %arg1, %mul3A_139 : i32
    %dma_wait3A_141 = arith.constant 0 : i32
    %dma_wait3A_142 = tpu.memref_slice %arg14[%mul3A_140, %dma_wait3A_141] : memref<10000x128xf32, #tpu.memory_space<vmem_shared>> -> memref<48x128xf32, #tpu.memory_space<vmem_shared>>
    %dma_wait3A_143 = arith.constant 0 : i32
    %dma_wait3A_144 = tpu.memref_slice %arg14[%mul3A_140, %dma_wait3A_143] : memref<10000x128xf32, #tpu.memory_space<vmem_shared>> -> memref<48x128xf32, #tpu.memory_space<vmem_shared>>
    tpu.wait_dma2 semaphore(%arg24 : memref<!tpu.dma_semaphore, #tpu.memory_space<semaphore_mem>>) src(%arg13 : memref<48x128xf32, #tpu.memory_space<vmem>>) dst(%dma_wait3A_144 : memref<48x128xf32, #tpu.memory_space<vmem_shared>>)
    %mul3A_145 = arith.constant 624 : i32
    %mul3A_146 = arith.muli %arg1, %mul3A_145 : i32
    %dma_wait3A_147 = arith.constant 0 : i32
    %dma_wait3A_148 = tpu.memref_slice %arg14[%mul3A_146, %dma_wait3A_147] : memref<10000x128xf32, #tpu.memory_space<vmem_shared>> -> memref<48x128xf32, #tpu.memory_space<vmem_shared>>
    %dma_wait3A_149 = arith.constant 0 : i32
    %dma_wait3A_150 = tpu.memref_slice %arg14[%mul3A_146, %dma_wait3A_149] : memref<10000x128xf32, #tpu.memory_space<vmem_shared>> -> memref<48x128xf32, #tpu.memory_space<vmem_shared>>
    tpu.wait_dma2 semaphore(%arg24 : memref<!tpu.dma_semaphore, #tpu.memory_space<semaphore_mem>>) src(%arg13 : memref<48x128xf32, #tpu.memory_space<vmem>>) dst(%dma_wait3A_150 : memref<48x128xf32, #tpu.memory_space<vmem_shared>>)
    %mul3A_151 = arith.constant 624 : i32
    %mul3A_152 = arith.muli %arg1, %mul3A_151 : i32
    %dma_wait3A_153 = arith.constant 0 : i32
    %dma_wait3A_154 = tpu.memref_slice %arg14[%mul3A_152, %dma_wait3A_153] : memref<10000x128xf32, #tpu.memory_space<vmem_shared>> -> memref<48x128xf32, #tpu.memory_space<vmem_shared>>
    %dma_wait3A_155 = arith.constant 0 : i32
    %dma_wait3A_156 = tpu.memref_slice %arg14[%mul3A_152, %dma_wait3A_155] : memref<10000x128xf32, #tpu.memory_space<vmem_shared>> -> memref<48x128xf32, #tpu.memory_space<vmem_shared>>
    tpu.wait_dma2 semaphore(%arg24 : memref<!tpu.dma_semaphore, #tpu.memory_space<semaphore_mem>>) src(%arg13 : memref<48x128xf32, #tpu.memory_space<vmem>>) dst(%dma_wait3A_156 : memref<48x128xf32, #tpu.memory_space<vmem_shared>>)
    %mul3A_157 = arith.constant 624 : i32
    %mul3A_158 = arith.muli %arg1, %mul3A_157 : i32
    %dma_wait3A_159 = arith.constant 0 : i32
    %dma_wait3A_160 = tpu.memref_slice %arg14[%mul3A_158, %dma_wait3A_159] : memref<10000x128xf32, #tpu.memory_space<vmem_shared>> -> memref<48x128xf32, #tpu.memory_space<vmem_shared>>
    %dma_wait3A_161 = arith.constant 0 : i32
    %dma_wait3A_162 = tpu.memref_slice %arg14[%mul3A_158, %dma_wait3A_161] : memref<10000x128xf32, #tpu.memory_space<vmem_shared>> -> memref<48x128xf32, #tpu.memory_space<vmem_shared>>
    tpu.wait_dma2 semaphore(%arg24 : memref<!tpu.dma_semaphore, #tpu.memory_space<semaphore_mem>>) src(%arg13 : memref<48x128xf32, #tpu.memory_space<vmem>>) dst(%dma_wait3A_162 : memref<48x128xf32, #tpu.memory_space<vmem_shared>>)
    %mul3A_163 = arith.constant 624 : i32
    %mul3A_164 = arith.muli %arg1, %mul3A_163 : i32
    %dma_wait3A_165 = arith.constant 0 : i32
    %dma_wait3A_166 = tpu.memref_slice %arg14[%mul3A_164, %dma_wait3A_165] : memref<10000x128xf32, #tpu.memory_space<vmem_shared>> -> memref<48x128xf32, #tpu.memory_space<vmem_shared>>
    %dma_wait3A_167 = arith.constant 0 : i32
    %dma_wait3A_168 = tpu.memref_slice %arg14[%mul3A_164, %dma_wait3A_167] : memref<10000x128xf32, #tpu.memory_space<vmem_shared>> -> memref<48x128xf32, #tpu.memory_space<vmem_shared>>
    tpu.wait_dma2 semaphore(%arg24 : memref<!tpu.dma_semaphore, #tpu.memory_space<semaphore_mem>>) src(%arg13 : memref<48x128xf32, #tpu.memory_space<vmem>>) dst(%dma_wait3A_168 : memref<48x128xf32, #tpu.memory_space<vmem_shared>>)
    %mul3A_169 = arith.constant 624 : i32
    %mul3A_170 = arith.muli %arg1, %mul3A_169 : i32
    %dma_wait3A_171 = arith.constant 0 : i32
    %dma_wait3A_172 = tpu.memref_slice %arg14[%mul3A_170, %dma_wait3A_171] : memref<10000x128xf32, #tpu.memory_space<vmem_shared>> -> memref<48x128xf32, #tpu.memory_space<vmem_shared>>
    %dma_wait3A_173 = arith.constant 0 : i32
    %dma_wait3A_174 = tpu.memref_slice %arg14[%mul3A_170, %dma_wait3A_173] : memref<10000x128xf32, #tpu.memory_space<vmem_shared>> -> memref<48x128xf32, #tpu.memory_space<vmem_shared>>
    tpu.wait_dma2 semaphore(%arg24 : memref<!tpu.dma_semaphore, #tpu.memory_space<semaphore_mem>>) src(%arg13 : memref<48x128xf32, #tpu.memory_space<vmem>>) dst(%dma_wait3A_174 : memref<48x128xf32, #tpu.memory_space<vmem_shared>>)
    %mul3A_175 = arith.constant 624 : i32
    %mul3A_176 = arith.muli %arg1, %mul3A_175 : i32
    %dma_wait3A_177 = arith.constant 0 : i32
    %dma_wait3A_178 = tpu.memref_slice %arg14[%mul3A_176, %dma_wait3A_177] : memref<10000x128xf32, #tpu.memory_space<vmem_shared>> -> memref<48x128xf32, #tpu.memory_space<vmem_shared>>
    %dma_wait3A_179 = arith.constant 0 : i32
    %dma_wait3A_180 = tpu.memref_slice %arg14[%mul3A_176, %dma_wait3A_179] : memref<10000x128xf32, #tpu.memory_space<vmem_shared>> -> memref<48x128xf32, #tpu.memory_space<vmem_shared>>
    tpu.wait_dma2 semaphore(%arg24 : memref<!tpu.dma_semaphore, #tpu.memory_space<semaphore_mem>>) src(%arg13 : memref<48x128xf32, #tpu.memory_space<vmem>>) dst(%dma_wait3A_180 : memref<48x128xf32, #tpu.memory_space<vmem_shared>>)
    %mul3A_181 = arith.constant 624 : i32
    %mul3A_182 = arith.muli %arg1, %mul3A_181 : i32
    %dma_wait3A_183 = arith.constant 0 : i32
    %dma_wait3A_184 = tpu.memref_slice %arg14[%mul3A_182, %dma_wait3A_183] : memref<10000x128xf32, #tpu.memory_space<vmem_shared>> -> memref<48x128xf32, #tpu.memory_space<vmem_shared>>
    %dma_wait3A_185 = arith.constant 0 : i32
    %dma_wait3A_186 = tpu.memref_slice %arg14[%mul3A_182, %dma_wait3A_185] : memref<10000x128xf32, #tpu.memory_space<vmem_shared>> -> memref<48x128xf32, #tpu.memory_space<vmem_shared>>
    tpu.wait_dma2 semaphore(%arg24 : memref<!tpu.dma_semaphore, #tpu.memory_space<semaphore_mem>>) src(%arg13 : memref<48x128xf32, #tpu.memory_space<vmem>>) dst(%dma_wait3A_186 : memref<48x128xf32, #tpu.memory_space<vmem_shared>>)
    %mul3A_187 = arith.constant 624 : i32
    %mul3A_188 = arith.muli %arg1, %mul3A_187 : i32
    %dma_wait3A_189 = arith.constant 0 : i32
    %dma_wait3A_190 = tpu.memref_slice %arg14[%mul3A_188, %dma_wait3A_189] : memref<10000x128xf32, #tpu.memory_space<vmem_shared>> -> memref<48x128xf32, #tpu.memory_space<vmem_shared>>
    %dma_wait3A_191 = arith.constant 0 : i32
    %dma_wait3A_192 = tpu.memref_slice %arg14[%mul3A_188, %dma_wait3A_191] : memref<10000x128xf32, #tpu.memory_space<vmem_shared>> -> memref<48x128xf32, #tpu.memory_space<vmem_shared>>
    tpu.wait_dma2 semaphore(%arg24 : memref<!tpu.dma_semaphore, #tpu.memory_space<semaphore_mem>>) src(%arg13 : memref<48x128xf32, #tpu.memory_space<vmem>>) dst(%dma_wait3A_192 : memref<48x128xf32, #tpu.memory_space<vmem_shared>>)
    %mul3A_193 = arith.constant 624 : i32
    %mul3A_194 = arith.muli %arg1, %mul3A_193 : i32
    %dma_wait3A_195 = arith.constant 0 : i32
    %dma_wait3A_196 = tpu.memref_slice %arg14[%mul3A_194, %dma_wait3A_195] : memref<10000x128xf32, #tpu.memory_space<vmem_shared>> -> memref<48x128xf32, #tpu.memory_space<vmem_shared>>
    %dma_wait3A_197 = arith.constant 0 : i32
    %dma_wait3A_198 = tpu.memref_slice %arg14[%mul3A_194, %dma_wait3A_197] : memref<10000x128xf32, #tpu.memory_space<vmem_shared>> -> memref<48x128xf32, #tpu.memory_space<vmem_shared>>
    tpu.wait_dma2 semaphore(%arg24 : memref<!tpu.dma_semaphore, #tpu.memory_space<semaphore_mem>>) src(%arg13 : memref<48x128xf32, #tpu.memory_space<vmem>>) dst(%dma_wait3A_198 : memref<48x128xf32, #tpu.memory_space<vmem_shared>>)
    %mul3A_199 = arith.constant 624 : i32
    %mul3A_200 = arith.muli %arg1, %mul3A_199 : i32
    %dma_wait3A_201 = arith.constant 0 : i32
    %dma_wait3A_202 = tpu.memref_slice %arg14[%mul3A_200, %dma_wait3A_201] : memref<10000x128xf32, #tpu.memory_space<vmem_shared>> -> memref<48x128xf32, #tpu.memory_space<vmem_shared>>
    %dma_wait3A_203 = arith.constant 0 : i32
    %dma_wait3A_204 = tpu.memref_slice %arg14[%mul3A_200, %dma_wait3A_203] : memref<10000x128xf32, #tpu.memory_space<vmem_shared>> -> memref<48x128xf32, #tpu.memory_space<vmem_shared>>
    tpu.wait_dma2 semaphore(%arg24 : memref<!tpu.dma_semaphore, #tpu.memory_space<semaphore_mem>>) src(%arg13 : memref<48x128xf32, #tpu.memory_space<vmem>>) dst(%dma_wait3A_204 : memref<48x128xf32, #tpu.memory_space<vmem_shared>>)
    %eq3A = arith.constant 0 : i32
    %eq3A_205 = arith.cmpi eq, %arg1, %eq3A : i32
    %convert_element_type3A = arith.extui %eq3A_205 : i1 to i32
    %cond3A = arith.constant 0 : i32
    %cond3A_206 = arith.cmpi ne, %convert_element_type3A, %cond3A : i32
    scf.if %cond3A_206 {
      %dma_start3A_314 = arith.constant 0 : i32
      %dma_start3A_315 = arith.constant 0 : i32
      %dma_start3A_316 = tpu.memref_slice %arg13[%dma_start3A_314, %dma_start3A_315] : memref<48x128xf32, #tpu.memory_space<vmem>> -> memref<16x128xf32, #tpu.memory_space<vmem>>
      %dma_start3A_317 = arith.constant 9984 : i32
      %dma_start3A_318 = arith.constant 0 : i32
      %dma_start3A_319 = tpu.memref_slice %arg14[%dma_start3A_317, %dma_start3A_318] : memref<10000x128xf32, #tpu.memory_space<vmem_shared>> -> memref<16x128xf32, #tpu.memory_space<vmem_shared>>
      %dma_start3A_320 = arith.constant 9984 : i32
      %dma_start3A_321 = arith.constant 0 : i32
      %dma_start3A_322 = tpu.memref_slice %arg14[%dma_start3A_320, %dma_start3A_321] : memref<10000x128xf32, #tpu.memory_space<vmem_shared>> -> memref<16x128xf32, #tpu.memory_space<vmem_shared>>
      %dma_start3A_323 = arith.constant 0 : i32
      %dma_start3A_324 = arith.constant 0 : i32
      %dma_start3A_325 = tpu.memref_slice %arg13[%dma_start3A_323, %dma_start3A_324] : memref<48x128xf32, #tpu.memory_space<vmem>> -> memref<16x128xf32, #tpu.memory_space<vmem>>
      tpu.enqueue_dma source(%dma_start3A_325 : memref<16x128xf32, #tpu.memory_space<vmem>>) target(%dma_start3A_322 : memref<16x128xf32, #tpu.memory_space<vmem_shared>>) target_semaphore(%arg24 : memref<!tpu.dma_semaphore, #tpu.memory_space<semaphore_mem>>)
      %dma_wait3A_326 = arith.constant 0 : i32
      %dma_wait3A_327 = arith.constant 0 : i32
      %dma_wait3A_328 = tpu.memref_slice %arg13[%dma_wait3A_326, %dma_wait3A_327] : memref<48x128xf32, #tpu.memory_space<vmem>> -> memref<16x128xf32, #tpu.memory_space<vmem>>
      %dma_wait3A_329 = arith.constant 9984 : i32
      %dma_wait3A_330 = arith.constant 0 : i32
      %dma_wait3A_331 = tpu.memref_slice %arg14[%dma_wait3A_329, %dma_wait3A_330] : memref<10000x128xf32, #tpu.memory_space<vmem_shared>> -> memref<16x128xf32, #tpu.memory_space<vmem_shared>>
      %dma_wait3A_332 = arith.constant 9984 : i32
      %dma_wait3A_333 = arith.constant 0 : i32
      %dma_wait3A_334 = tpu.memref_slice %arg14[%dma_wait3A_332, %dma_wait3A_333] : memref<10000x128xf32, #tpu.memory_space<vmem_shared>> -> memref<16x128xf32, #tpu.memory_space<vmem_shared>>
      %dma_wait3A_335 = arith.constant 0 : i32
      %dma_wait3A_336 = arith.constant 0 : i32
      %dma_wait3A_337 = tpu.memref_slice %arg13[%dma_wait3A_335, %dma_wait3A_336] : memref<48x128xf32, #tpu.memory_space<vmem>> -> memref<16x128xf32, #tpu.memory_space<vmem>>
      tpu.wait_dma2 semaphore(%arg24 : memref<!tpu.dma_semaphore, #tpu.memory_space<semaphore_mem>>) src(%dma_wait3A_337 : memref<16x128xf32, #tpu.memory_space<vmem>>) dst(%dma_wait3A_334 : memref<16x128xf32, #tpu.memory_space<vmem_shared>>)
    } else {
    }
    %barrier3A = arith.constant 0 : index
    tpu.barrier barrier_id(%barrier3A)
    %dma_wait3A_207 = arith.constant 0 : i32
    %dma_wait3A_208 = tpu.memref_slice %arg6[%dma_wait3A_207] : memref<10000xi32, #tpu.memory_space<vmem>> -> memref<80xi32, #tpu.memory_space<vmem>>
    %dma_wait3A_209 = arith.constant 0 : i32
    %dma_wait3A_210 = arith.constant 0 : i32
    %dma_wait3A_211 = tpu.memref_slice %arg2[%dma_wait3A_209, %dma_wait3A_210] : memref<10000x128xf32, #tpu.memory_space<hbm>> -> memref<10000x128xf32, #tpu.memory_space<hbm>>
    tpu.wait_indirect_dma semaphore(%arg15 : memref<!tpu.dma_semaphore, #tpu.memory_space<semaphore_mem>>) src(%dma_wait3A_211 : memref<10000x128xf32, #tpu.memory_space<hbm>>) dst(%arg10 : memref<80x128xf32, #tpu.memory_space<vmem>>)
    %add3A_212 = arith.constant 160 : i32
    %add3A_213 = arith.addi %mul3A_2, %add3A_212 : i32
    %dma_start3A_214 = tpu.memref_slice %arg4[%add3A_213] : memref<320000xi32, #tpu.memory_space<hbm>> -> memref<80xi32, #tpu.memory_space<hbm>>
    %dma_start3A_215 = tpu.memref_slice %arg4[%add3A_213] : memref<320000xi32, #tpu.memory_space<hbm>> -> memref<80xi32, #tpu.memory_space<hbm>>
    tpu.enqueue_dma source(%dma_start3A_215 : memref<80xi32, #tpu.memory_space<hbm>>) target(%arg9 : memref<80xi32, #tpu.memory_space<vmem>>) target_semaphore(%arg23 : memref<!tpu.dma_semaphore, #tpu.memory_space<semaphore_mem>>)
    %dma_start3A_216 = arith.constant 160 : i32
    %dma_start3A_217 = tpu.memref_slice %arg6[%dma_start3A_216] : memref<10000xi32, #tpu.memory_space<vmem>> -> memref<80xi32, #tpu.memory_space<vmem>>
    %dma_start3A_218 = arith.constant 0 : i32
    %dma_start3A_219 = arith.constant 0 : i32
    %dma_start3A_220 = tpu.memref_slice %arg2[%dma_start3A_218, %dma_start3A_219] : memref<10000x128xf32, #tpu.memory_space<hbm>> -> memref<10000x128xf32, #tpu.memory_space<hbm>>
    tpu.enqueue_indirect_dma source(%dma_start3A_220 : memref<10000x128xf32, #tpu.memory_space<hbm>>) target(%arg12 : memref<80x128xf32, #tpu.memory_space<vmem>>) offsets(%dma_start3A_217 : memref<80xi32, #tpu.memory_space<vmem>>) semaphore(%arg17 : memref<!tpu.dma_semaphore, #tpu.memory_space<semaphore_mem>>)
    %dma_wait3A_221 = tpu.memref_slice %arg4[%mul3A_2] : memref<320000xi32, #tpu.memory_space<hbm>> -> memref<80xi32, #tpu.memory_space<hbm>>
    %dma_wait3A_222 = tpu.memref_slice %arg4[%mul3A_2] : memref<320000xi32, #tpu.memory_space<hbm>> -> memref<80xi32, #tpu.memory_space<hbm>>
    tpu.wait_dma2 semaphore(%arg21 : memref<!tpu.dma_semaphore, #tpu.memory_space<semaphore_mem>>) src(%dma_wait3A_222 : memref<80xi32, #tpu.memory_space<hbm>>) dst(%arg7 : memref<80xi32, #tpu.memory_space<vmem>>)
    %dma_start3A_223 = arith.constant 0 : i32
    %dma_start3A_224 = arith.constant 0 : i32
    %dma_start3A_225 = tpu.memref_slice %arg14[%dma_start3A_223, %dma_start3A_224] : memref<10000x128xf32, #tpu.memory_space<vmem_shared>> -> memref<10000x128xf32, #tpu.memory_space<vmem_shared>>
    tpu.enqueue_indirect_dma source(%arg10 : memref<80x128xf32, #tpu.memory_space<vmem>>) target(%dma_start3A_225 : memref<10000x128xf32, #tpu.memory_space<vmem_shared>>) offsets(%arg7 : memref<80xi32, #tpu.memory_space<vmem>>) semaphore(%arg18 : memref<!tpu.dma_semaphore, #tpu.memory_space<semaphore_mem>>) {add = true}
    %dma_wait3A_226 = arith.constant 0 : i32
    %dma_wait3A_227 = tpu.memref_slice %arg6[%dma_wait3A_226] : memref<10000xi32, #tpu.memory_space<vmem>> -> memref<80xi32, #tpu.memory_space<vmem>>
    %dma_wait3A_228 = arith.constant 0 : i32
    %dma_wait3A_229 = arith.constant 0 : i32
    %dma_wait3A_230 = tpu.memref_slice %arg2[%dma_wait3A_228, %dma_wait3A_229] : memref<10000x128xf32, #tpu.memory_space<hbm>> -> memref<10000x128xf32, #tpu.memory_space<hbm>>
    tpu.wait_indirect_dma semaphore(%arg16 : memref<!tpu.dma_semaphore, #tpu.memory_space<semaphore_mem>>) src(%dma_wait3A_230 : memref<10000x128xf32, #tpu.memory_space<hbm>>) dst(%arg11 : memref<80x128xf32, #tpu.memory_space<vmem>>)
    %dma_wait3A_231 = arith.constant 0 : i32
    %dma_wait3A_232 = arith.constant 0 : i32
    %dma_wait3A_233 = tpu.memref_slice %arg14[%dma_wait3A_231, %dma_wait3A_232] : memref<10000x128xf32, #tpu.memory_space<vmem_shared>> -> memref<10000x128xf32, #tpu.memory_space<vmem_shared>>
    tpu.wait_indirect_dma semaphore(%arg18 : memref<!tpu.dma_semaphore, #tpu.memory_space<semaphore_mem>>) src(%arg10 : memref<80x128xf32, #tpu.memory_space<vmem>>) dst(%dma_wait3A_233 : memref<10000x128xf32, #tpu.memory_space<vmem_shared>>)
    %add3A_234 = arith.constant 240 : i32
    %add3A_235 = arith.addi %mul3A_2, %add3A_234 : i32
    %dma_start3A_236 = tpu.memref_slice %arg4[%add3A_235] : memref<320000xi32, #tpu.memory_space<hbm>> -> memref<80xi32, #tpu.memory_space<hbm>>
    %dma_start3A_237 = tpu.memref_slice %arg4[%add3A_235] : memref<320000xi32, #tpu.memory_space<hbm>> -> memref<80xi32, #tpu.memory_space<hbm>>
    tpu.enqueue_dma source(%dma_start3A_237 : memref<80xi32, #tpu.memory_space<hbm>>) target(%arg7 : memref<80xi32, #tpu.memory_space<vmem>>) target_semaphore(%arg21 : memref<!tpu.dma_semaphore, #tpu.memory_space<semaphore_mem>>)
    %dma_start3A_238 = arith.constant 240 : i32
    %dma_start3A_239 = tpu.memref_slice %arg6[%dma_start3A_238] : memref<10000xi32, #tpu.memory_space<vmem>> -> memref<80xi32, #tpu.memory_space<vmem>>
    %dma_start3A_240 = arith.constant 0 : i32
    %dma_start3A_241 = arith.constant 0 : i32
    %dma_start3A_242 = tpu.memref_slice %arg2[%dma_start3A_240, %dma_start3A_241] : memref<10000x128xf32, #tpu.memory_space<hbm>> -> memref<10000x128xf32, #tpu.memory_space<hbm>>
    tpu.enqueue_indirect_dma source(%dma_start3A_242 : memref<10000x128xf32, #tpu.memory_space<hbm>>) target(%arg10 : memref<80x128xf32, #tpu.memory_space<vmem>>) offsets(%dma_start3A_239 : memref<80xi32, #tpu.memory_space<vmem>>) semaphore(%arg15 : memref<!tpu.dma_semaphore, #tpu.memory_space<semaphore_mem>>)
    %dma_wait3A_243 = tpu.memref_slice %arg4[%mul3A_2] : memref<320000xi32, #tpu.memory_space<hbm>> -> memref<80xi32, #tpu.memory_space<hbm>>
    %dma_wait3A_244 = tpu.memref_slice %arg4[%mul3A_2] : memref<320000xi32, #tpu.memory_space<hbm>> -> memref<80xi32, #tpu.memory_space<hbm>>
    tpu.wait_dma2 semaphore(%arg22 : memref<!tpu.dma_semaphore, #tpu.memory_space<semaphore_mem>>) src(%dma_wait3A_244 : memref<80xi32, #tpu.memory_space<hbm>>) dst(%arg8 : memref<80xi32, #tpu.memory_space<vmem>>)
    %dma_start3A_245 = arith.constant 0 : i32
    %dma_start3A_246 = arith.constant 0 : i32
    %dma_start3A_247 = tpu.memref_slice %arg14[%dma_start3A_245, %dma_start3A_246] : memref<10000x128xf32, #tpu.memory_space<vmem_shared>> -> memref<10000x128xf32, #tpu.memory_space<vmem_shared>>
    tpu.enqueue_indirect_dma source(%arg11 : memref<80x128xf32, #tpu.memory_space<vmem>>) target(%dma_start3A_247 : memref<10000x128xf32, #tpu.memory_space<vmem_shared>>) offsets(%arg8 : memref<80xi32, #tpu.memory_space<vmem>>) semaphore(%arg19 : memref<!tpu.dma_semaphore, #tpu.memory_space<semaphore_mem>>) {add = true}
    %dma_wait3A_248 = arith.constant 0 : i32
    %dma_wait3A_249 = tpu.memref_slice %arg6[%dma_wait3A_248] : memref<10000xi32, #tpu.memory_space<vmem>> -> memref<80xi32, #tpu.memory_space<vmem>>
    %dma_wait3A_250 = arith.constant 0 : i32
    %dma_wait3A_251 = arith.constant 0 : i32
    %dma_wait3A_252 = tpu.memref_slice %arg2[%dma_wait3A_250, %dma_wait3A_251] : memref<10000x128xf32, #tpu.memory_space<hbm>> -> memref<10000x128xf32, #tpu.memory_space<hbm>>
    tpu.wait_indirect_dma semaphore(%arg17 : memref<!tpu.dma_semaphore, #tpu.memory_space<semaphore_mem>>) src(%dma_wait3A_252 : memref<10000x128xf32, #tpu.memory_space<hbm>>) dst(%arg12 : memref<80x128xf32, #tpu.memory_space<vmem>>)
    %dma_wait3A_253 = arith.constant 0 : i32
    %dma_wait3A_254 = arith.constant 0 : i32
    %dma_wait3A_255 = tpu.memref_slice %arg14[%dma_wait3A_253, %dma_wait3A_254] : memref<10000x128xf32, #tpu.memory_space<vmem_shared>> -> memref<10000x128xf32, #tpu.memory_space<vmem_shared>>
    tpu.wait_indirect_dma semaphore(%arg19 : memref<!tpu.dma_semaphore, #tpu.memory_space<semaphore_mem>>) src(%arg11 : memref<80x128xf32, #tpu.memory_space<vmem>>) dst(%dma_wait3A_255 : memref<10000x128xf32, #tpu.memory_space<vmem_shared>>)
    %add3A_256 = arith.constant 320 : i32
    %add3A_257 = arith.addi %mul3A_2, %add3A_256 : i32
    %dma_start3A_258 = tpu.memref_slice %arg4[%add3A_257] : memref<320000xi32, #tpu.memory_space<hbm>> -> memref<80xi32, #tpu.memory_space<hbm>>
    %dma_start3A_259 = tpu.memref_slice %arg4[%add3A_257] : memref<320000xi32, #tpu.memory_space<hbm>> -> memref<80xi32, #tpu.memory_space<hbm>>
    tpu.enqueue_dma source(%dma_start3A_259 : memref<80xi32, #tpu.memory_space<hbm>>) target(%arg8 : memref<80xi32, #tpu.memory_space<vmem>>) target_semaphore(%arg22 : memref<!tpu.dma_semaphore, #tpu.memory_space<semaphore_mem>>)
    %dma_start3A_260 = arith.constant 320 : i32
    %dma_start3A_261 = tpu.memref_slice %arg6[%dma_start3A_260] : memref<10000xi32, #tpu.memory_space<vmem>> -> memref<80xi32, #tpu.memory_space<vmem>>
    %dma_start3A_262 = arith.constant 0 : i32
    %dma_start3A_263 = arith.constant 0 : i32
    %dma_start3A_264 = tpu.memref_slice %arg2[%dma_start3A_262, %dma_start3A_263] : memref<10000x128xf32, #tpu.memory_space<hbm>> -> memref<10000x128xf32, #tpu.memory_space<hbm>>
    tpu.enqueue_indirect_dma source(%dma_start3A_264 : memref<10000x128xf32, #tpu.memory_space<hbm>>) target(%arg11 : memref<80x128xf32, #tpu.memory_space<vmem>>) offsets(%dma_start3A_261 : memref<80xi32, #tpu.memory_space<vmem>>) semaphore(%arg16 : memref<!tpu.dma_semaphore, #tpu.memory_space<semaphore_mem>>)
    %dma_wait3A_265 = tpu.memref_slice %arg4[%mul3A_2] : memref<320000xi32, #tpu.memory_space<hbm>> -> memref<80xi32, #tpu.memory_space<hbm>>
    %dma_wait3A_266 = tpu.memref_slice %arg4[%mul3A_2] : memref<320000xi32, #tpu.memory_space<hbm>> -> memref<80xi32, #tpu.memory_space<hbm>>
    tpu.wait_dma2 semaphore(%arg23 : memref<!tpu.dma_semaphore, #tpu.memory_space<semaphore_mem>>) src(%dma_wait3A_266 : memref<80xi32, #tpu.memory_space<hbm>>) dst(%arg9 : memref<80xi32, #tpu.memory_space<vmem>>)
    %dma_start3A_267 = arith.constant 0 : i32
    %dma_start3A_268 = arith.constant 0 : i32
    %dma_start3A_269 = tpu.memref_slice %arg14[%dma_start3A_267, %dma_start3A_268] : memref<10000x128xf32, #tpu.memory_space<vmem_shared>> -> memref<10000x128xf32, #tpu.memory_space<vmem_shared>>
    tpu.enqueue_indirect_dma source(%arg12 : memref<80x128xf32, #tpu.memory_space<vmem>>) target(%dma_start3A_269 : memref<10000x128xf32, #tpu.memory_space<vmem_shared>>) offsets(%arg9 : memref<80xi32, #tpu.memory_space<vmem>>) semaphore(%arg20 : memref<!tpu.dma_semaphore, #tpu.memory_space<semaphore_mem>>) {add = true}
    %scan3A_270 = arith.constant 0 : i32
    %scan3A_271 = arith.constant 40 : i32
    %scan3A_272 = arith.addi %scan3A_270, %scan3A_271 : i32
    %scan3A_273 = arith.constant 1 : i32
    scf.for %scan3A_314 = %scan3A_270 to %scan3A_272 step %scan3A_273  : i32 {
      %mul3A_315 = arith.constant 1 : i32
      %mul3A_316 = arith.muli %scan3A_314, %mul3A_315 : i32
      %add3A_317 = arith.constant 0 : i32
      %add3A_318 = arith.addi %add3A_317, %mul3A_316 : i32
      %mul3A_319 = arith.constant 3 : i32
      %mul3A_320 = arith.muli %mul3A_319, %add3A_318 : i32
      %add3A_321 = arith.constant 3 : i32
      %add3A_322 = arith.addi %add3A_321, %mul3A_320 : i32
      %add3A_323 = arith.constant 0 : i32
      %add3A_324 = arith.addi %add3A_322, %add3A_323 : i32
      %dma_wait3A_325 = arith.constant 0 : i32
      %dma_wait3A_326 = tpu.memref_slice %arg6[%dma_wait3A_325] : memref<10000xi32, #tpu.memory_space<vmem>> -> memref<80xi32, #tpu.memory_space<vmem>>
      %dma_wait3A_327 = arith.constant 0 : i32
      %dma_wait3A_328 = arith.constant 0 : i32
      %dma_wait3A_329 = tpu.memref_slice %arg2[%dma_wait3A_327, %dma_wait3A_328] : memref<10000x128xf32, #tpu.memory_space<hbm>> -> memref<10000x128xf32, #tpu.memory_space<hbm>>
      tpu.wait_indirect_dma semaphore(%arg15 : memref<!tpu.dma_semaphore, #tpu.memory_space<semaphore_mem>>) src(%dma_wait3A_329 : memref<10000x128xf32, #tpu.memory_space<hbm>>) dst(%arg10 : memref<80x128xf32, #tpu.memory_space<vmem>>)
      %dma_wait3A_330 = arith.constant 0 : i32
      %dma_wait3A_331 = arith.constant 0 : i32
      %dma_wait3A_332 = tpu.memref_slice %arg14[%dma_wait3A_330, %dma_wait3A_331] : memref<10000x128xf32, #tpu.memory_space<vmem_shared>> -> memref<10000x128xf32, #tpu.memory_space<vmem_shared>>
      tpu.wait_indirect_dma semaphore(%arg20 : memref<!tpu.dma_semaphore, #tpu.memory_space<semaphore_mem>>) src(%arg12 : memref<80x128xf32, #tpu.memory_space<vmem>>) dst(%dma_wait3A_332 : memref<10000x128xf32, #tpu.memory_space<vmem_shared>>)
      %add3A_333 = arith.constant 2 : i32
      %add3A_334 = arith.addi %add3A_324, %add3A_333 : i32
      %mul3A_335 = arith.constant 80 : i32
      %mul3A_336 = arith.muli %add3A_334, %mul3A_335 : i32
      %add3A_337 = arith.addi %mul3A_2, %mul3A_336 : i32
      %dma_start3A_338 = tpu.memref_slice %arg4[%add3A_337] : memref<320000xi32, #tpu.memory_space<hbm>> -> memref<80xi32, #tpu.memory_space<hbm>>
      %dma_start3A_339 = tpu.memref_slice %arg4[%add3A_337] : memref<320000xi32, #tpu.memory_space<hbm>> -> memref<80xi32, #tpu.memory_space<hbm>>
      tpu.enqueue_dma source(%dma_start3A_339 : memref<80xi32, #tpu.memory_space<hbm>>) target(%arg9 : memref<80xi32, #tpu.memory_space<vmem>>) target_semaphore(%arg23 : memref<!tpu.dma_semaphore, #tpu.memory_space<semaphore_mem>>)
      %add3A_340 = arith.constant 2 : i32
      %add3A_341 = arith.addi %add3A_324, %add3A_340 : i32
      %mul3A_342 = arith.constant 80 : i32
      %mul3A_343 = arith.muli %add3A_341, %mul3A_342 : i32
      %dma_start3A_344 = tpu.memref_slice %arg6[%mul3A_343] : memref<10000xi32, #tpu.memory_space<vmem>> -> memref<80xi32, #tpu.memory_space<vmem>>
      %dma_start3A_345 = arith.constant 0 : i32
      %dma_start3A_346 = arith.constant 0 : i32
      %dma_start3A_347 = tpu.memref_slice %arg2[%dma_start3A_345, %dma_start3A_346] : memref<10000x128xf32, #tpu.memory_space<hbm>> -> memref<10000x128xf32, #tpu.memory_space<hbm>>
      tpu.enqueue_indirect_dma source(%dma_start3A_347 : memref<10000x128xf32, #tpu.memory_space<hbm>>) target(%arg12 : memref<80x128xf32, #tpu.memory_space<vmem>>) offsets(%dma_start3A_344 : memref<80xi32, #tpu.memory_space<vmem>>) semaphore(%arg17 : memref<!tpu.dma_semaphore, #tpu.memory_space<semaphore_mem>>)
      %dma_wait3A_348 = tpu.memref_slice %arg4[%mul3A_2] : memref<320000xi32, #tpu.memory_space<hbm>> -> memref<80xi32, #tpu.memory_space<hbm>>
      %dma_wait3A_349 = tpu.memref_slice %arg4[%mul3A_2] : memref<320000xi32, #tpu.memory_space<hbm>> -> memref<80xi32, #tpu.memory_space<hbm>>
      tpu.wait_dma2 semaphore(%arg21 : memref<!tpu.dma_semaphore, #tpu.memory_space<semaphore_mem>>) src(%dma_wait3A_349 : memref<80xi32, #tpu.memory_space<hbm>>) dst(%arg7 : memref<80xi32, #tpu.memory_space<vmem>>)
      %dma_start3A_350 = arith.constant 0 : i32
      %dma_start3A_351 = arith.constant 0 : i32
      %dma_start3A_352 = tpu.memref_slice %arg14[%dma_start3A_350, %dma_start3A_351] : memref<10000x128xf32, #tpu.memory_space<vmem_shared>> -> memref<10000x128xf32, #tpu.memory_space<vmem_shared>>
      tpu.enqueue_indirect_dma source(%arg10 : memref<80x128xf32, #tpu.memory_space<vmem>>) target(%dma_start3A_352 : memref<10000x128xf32, #tpu.memory_space<vmem_shared>>) offsets(%arg7 : memref<80xi32, #tpu.memory_space<vmem>>) semaphore(%arg18 : memref<!tpu.dma_semaphore, #tpu.memory_space<semaphore_mem>>) {add = true}
      %add3A_353 = arith.constant 1 : i32
      %add3A_354 = arith.addi %add3A_322, %add3A_353 : i32
      %dma_wait3A_355 = arith.constant 0 : i32
      %dma_wait3A_356 = tpu.memref_slice %arg6[%dma_wait3A_355] : memref<10000xi32, #tpu.memory_space<vmem>> -> memref<80xi32, #tpu.memory_space<vmem>>
      %dma_wait3A_357 = arith.constant 0 : i32
      %dma_wait3A_358 = arith.constant 0 : i32
      %dma_wait3A_359 = tpu.memref_slice %arg2[%dma_wait3A_357, %dma_wait3A_358] : memref<10000x128xf32, #tpu.memory_space<hbm>> -> memref<10000x128xf32, #tpu.memory_space<hbm>>
      tpu.wait_indirect_dma semaphore(%arg16 : memref<!tpu.dma_semaphore, #tpu.memory_space<semaphore_mem>>) src(%dma_wait3A_359 : memref<10000x128xf32, #tpu.memory_space<hbm>>) dst(%arg11 : memref<80x128xf32, #tpu.memory_space<vmem>>)
      %dma_wait3A_360 = arith.constant 0 : i32
      %dma_wait3A_361 = arith.constant 0 : i32
      %dma_wait3A_362 = tpu.memref_slice %arg14[%dma_wait3A_360, %dma_wait3A_361] : memref<10000x128xf32, #tpu.memory_space<vmem_shared>> -> memref<10000x128xf32, #tpu.memory_space<vmem_shared>>
      tpu.wait_indirect_dma semaphore(%arg18 : memref<!tpu.dma_semaphore, #tpu.memory_space<semaphore_mem>>) src(%arg10 : memref<80x128xf32, #tpu.memory_space<vmem>>) dst(%dma_wait3A_362 : memref<10000x128xf32, #tpu.memory_space<vmem_shared>>)
      %add3A_363 = arith.constant 2 : i32
      %add3A_364 = arith.addi %add3A_354, %add3A_363 : i32
      %mul3A_365 = arith.constant 80 : i32
      %mul3A_366 = arith.muli %add3A_364, %mul3A_365 : i32
      %add3A_367 = arith.addi %mul3A_2, %mul3A_366 : i32
      %dma_start3A_368 = tpu.memref_slice %arg4[%add3A_367] : memref<320000xi32, #tpu.memory_space<hbm>> -> memref<80xi32, #tpu.memory_space<hbm>>
      %dma_start3A_369 = tpu.memref_slice %arg4[%add3A_367] : memref<320000xi32, #tpu.memory_space<hbm>> -> memref<80xi32, #tpu.memory_space<hbm>>
      tpu.enqueue_dma source(%dma_start3A_369 : memref<80xi32, #tpu.memory_space<hbm>>) target(%arg7 : memref<80xi32, #tpu.memory_space<vmem>>) target_semaphore(%arg21 : memref<!tpu.dma_semaphore, #tpu.memory_space<semaphore_mem>>)
      %add3A_370 = arith.constant 2 : i32
      %add3A_371 = arith.addi %add3A_354, %add3A_370 : i32
      %mul3A_372 = arith.constant 80 : i32
      %mul3A_373 = arith.muli %add3A_371, %mul3A_372 : i32
      %dma_start3A_374 = tpu.memref_slice %arg6[%mul3A_373] : memref<10000xi32, #tpu.memory_space<vmem>> -> memref<80xi32, #tpu.memory_space<vmem>>
      %dma_start3A_375 = arith.constant 0 : i32
      %dma_start3A_376 = arith.constant 0 : i32
      %dma_start3A_377 = tpu.memref_slice %arg2[%dma_start3A_375, %dma_start3A_376] : memref<10000x128xf32, #tpu.memory_space<hbm>> -> memref<10000x128xf32, #tpu.memory_space<hbm>>
      tpu.enqueue_indirect_dma source(%dma_start3A_377 : memref<10000x128xf32, #tpu.memory_space<hbm>>) target(%arg10 : memref<80x128xf32, #tpu.memory_space<vmem>>) offsets(%dma_start3A_374 : memref<80xi32, #tpu.memory_space<vmem>>) semaphore(%arg15 : memref<!tpu.dma_semaphore, #tpu.memory_space<semaphore_mem>>)
      %dma_wait3A_378 = tpu.memref_slice %arg4[%mul3A_2] : memref<320000xi32, #tpu.memory_space<hbm>> -> memref<80xi32, #tpu.memory_space<hbm>>
      %dma_wait3A_379 = tpu.memref_slice %arg4[%mul3A_2] : memref<320000xi32, #tpu.memory_space<hbm>> -> memref<80xi32, #tpu.memory_space<hbm>>
      tpu.wait_dma2 semaphore(%arg22 : memref<!tpu.dma_semaphore, #tpu.memory_space<semaphore_mem>>) src(%dma_wait3A_379 : memref<80xi32, #tpu.memory_space<hbm>>) dst(%arg8 : memref<80xi32, #tpu.memory_space<vmem>>)
      %dma_start3A_380 = arith.constant 0 : i32
      %dma_start3A_381 = arith.constant 0 : i32
      %dma_start3A_382 = tpu.memref_slice %arg14[%dma_start3A_380, %dma_start3A_381] : memref<10000x128xf32, #tpu.memory_space<vmem_shared>> -> memref<10000x128xf32, #tpu.memory_space<vmem_shared>>
      tpu.enqueue_indirect_dma source(%arg11 : memref<80x128xf32, #tpu.memory_space<vmem>>) target(%dma_start3A_382 : memref<10000x128xf32, #tpu.memory_space<vmem_shared>>) offsets(%arg8 : memref<80xi32, #tpu.memory_space<vmem>>) semaphore(%arg19 : memref<!tpu.dma_semaphore, #tpu.memory_space<semaphore_mem>>) {add = true}
      %add3A_383 = arith.constant 2 : i32
      %add3A_384 = arith.addi %add3A_322, %add3A_383 : i32
      %dma_wait3A_385 = arith.constant 0 : i32
      %dma_wait3A_386 = tpu.memref_slice %arg6[%dma_wait3A_385] : memref<10000xi32, #tpu.memory_space<vmem>> -> memref<80xi32, #tpu.memory_space<vmem>>
      %dma_wait3A_387 = arith.constant 0 : i32
      %dma_wait3A_388 = arith.constant 0 : i32
      %dma_wait3A_389 = tpu.memref_slice %arg2[%dma_wait3A_387, %dma_wait3A_388] : memref<10000x128xf32, #tpu.memory_space<hbm>> -> memref<10000x128xf32, #tpu.memory_space<hbm>>
      tpu.wait_indirect_dma semaphore(%arg17 : memref<!tpu.dma_semaphore, #tpu.memory_space<semaphore_mem>>) src(%dma_wait3A_389 : memref<10000x128xf32, #tpu.memory_space<hbm>>) dst(%arg12 : memref<80x128xf32, #tpu.memory_space<vmem>>)
      %dma_wait3A_390 = arith.constant 0 : i32
      %dma_wait3A_391 = arith.constant 0 : i32
      %dma_wait3A_392 = tpu.memref_slice %arg14[%dma_wait3A_390, %dma_wait3A_391] : memref<10000x128xf32, #tpu.memory_space<vmem_shared>> -> memref<10000x128xf32, #tpu.memory_space<vmem_shared>>
      tpu.wait_indirect_dma semaphore(%arg19 : memref<!tpu.dma_semaphore, #tpu.memory_space<semaphore_mem>>) src(%arg11 : memref<80x128xf32, #tpu.memory_space<vmem>>) dst(%dma_wait3A_392 : memref<10000x128xf32, #tpu.memory_space<vmem_shared>>)
      %add3A_393 = arith.constant 2 : i32
      %add3A_394 = arith.addi %add3A_384, %add3A_393 : i32
      %mul3A_395 = arith.constant 80 : i32
      %mul3A_396 = arith.muli %add3A_394, %mul3A_395 : i32
      %add3A_397 = arith.addi %mul3A_2, %mul3A_396 : i32
      %dma_start3A_398 = tpu.memref_slice %arg4[%add3A_397] : memref<320000xi32, #tpu.memory_space<hbm>> -> memref<80xi32, #tpu.memory_space<hbm>>
      %dma_start3A_399 = tpu.memref_slice %arg4[%add3A_397] : memref<320000xi32, #tpu.memory_space<hbm>> -> memref<80xi32, #tpu.memory_space<hbm>>
      tpu.enqueue_dma source(%dma_start3A_399 : memref<80xi32, #tpu.memory_space<hbm>>) target(%arg8 : memref<80xi32, #tpu.memory_space<vmem>>) target_semaphore(%arg22 : memref<!tpu.dma_semaphore, #tpu.memory_space<semaphore_mem>>)
      %add3A_400 = arith.constant 2 : i32
      %add3A_401 = arith.addi %add3A_384, %add3A_400 : i32
      %mul3A_402 = arith.constant 80 : i32
      %mul3A_403 = arith.muli %add3A_401, %mul3A_402 : i32
      %dma_start3A_404 = tpu.memref_slice %arg6[%mul3A_403] : memref<10000xi32, #tpu.memory_space<vmem>> -> memref<80xi32, #tpu.memory_space<vmem>>
      %dma_start3A_405 = arith.constant 0 : i32
      %dma_start3A_406 = arith.constant 0 : i32
      %dma_start3A_407 = tpu.memref_slice %arg2[%dma_start3A_405, %dma_start3A_406] : memref<10000x128xf32, #tpu.memory_space<hbm>> -> memref<10000x128xf32, #tpu.memory_space<hbm>>
      tpu.enqueue_indirect_dma source(%dma_start3A_407 : memref<10000x128xf32, #tpu.memory_space<hbm>>) target(%arg11 : memref<80x128xf32, #tpu.memory_space<vmem>>) offsets(%dma_start3A_404 : memref<80xi32, #tpu.memory_space<vmem>>) semaphore(%arg16 : memref<!tpu.dma_semaphore, #tpu.memory_space<semaphore_mem>>)
      %dma_wait3A_408 = tpu.memref_slice %arg4[%mul3A_2] : memref<320000xi32, #tpu.memory_space<hbm>> -> memref<80xi32, #tpu.memory_space<hbm>>
      %dma_wait3A_409 = tpu.memref_slice %arg4[%mul3A_2] : memref<320000xi32, #tpu.memory_space<hbm>> -> memref<80xi32, #tpu.memory_space<hbm>>
      tpu.wait_dma2 semaphore(%arg23 : memref<!tpu.dma_semaphore, #tpu.memory_space<semaphore_mem>>) src(%dma_wait3A_409 : memref<80xi32, #tpu.memory_space<hbm>>) dst(%arg9 : memref<80xi32, #tpu.memory_space<vmem>>)
      %dma_start3A_410 = arith.constant 0 : i32
      %dma_start3A_411 = arith.constant 0 : i32
      %dma_start3A_412 = tpu.memref_slice %arg14[%dma_start3A_410, %dma_start3A_411] : memref<10000x128xf32, #tpu.memory_space<vmem_shared>> -> memref<10000x128xf32, #tpu.memory_space<vmem_shared>>
      tpu.enqueue_indirect_dma source(%arg12 : memref<80x128xf32, #tpu.memory_space<vmem>>) target(%dma_start3A_412 : memref<10000x128xf32, #tpu.memory_space<vmem_shared>>) offsets(%arg9 : memref<80xi32, #tpu.memory_space<vmem>>) semaphore(%arg20 : memref<!tpu.dma_semaphore, #tpu.memory_space<semaphore_mem>>) {add = true}
    }
    %scan3A_274 = arith.constant 40 : i32
    %dma_wait3A_275 = arith.constant 0 : i32
    %dma_wait3A_276 = tpu.memref_slice %arg6[%dma_wait3A_275] : memref<10000xi32, #tpu.memory_space<vmem>> -> memref<80xi32, #tpu.memory_space<vmem>>
    %dma_wait3A_277 = arith.constant 0 : i32
    %dma_wait3A_278 = arith.constant 0 : i32
    %dma_wait3A_279 = tpu.memref_slice %arg2[%dma_wait3A_277, %dma_wait3A_278] : memref<10000x128xf32, #tpu.memory_space<hbm>> -> memref<10000x128xf32, #tpu.memory_space<hbm>>
    tpu.wait_indirect_dma semaphore(%arg15 : memref<!tpu.dma_semaphore, #tpu.memory_space<semaphore_mem>>) src(%dma_wait3A_279 : memref<10000x128xf32, #tpu.memory_space<hbm>>) dst(%arg10 : memref<80x128xf32, #tpu.memory_space<vmem>>)
    %dma_wait3A_280 = tpu.memref_slice %arg4[%mul3A_2] : memref<320000xi32, #tpu.memory_space<hbm>> -> memref<80xi32, #tpu.memory_space<hbm>>
    %dma_wait3A_281 = tpu.memref_slice %arg4[%mul3A_2] : memref<320000xi32, #tpu.memory_space<hbm>> -> memref<80xi32, #tpu.memory_space<hbm>>
    tpu.wait_dma2 semaphore(%arg21 : memref<!tpu.dma_semaphore, #tpu.memory_space<semaphore_mem>>) src(%dma_wait3A_281 : memref<80xi32, #tpu.memory_space<hbm>>) dst(%arg7 : memref<80xi32, #tpu.memory_space<vmem>>)
    %dma_start3A_282 = arith.constant 0 : i32
    %dma_start3A_283 = arith.constant 0 : i32
    %dma_start3A_284 = tpu.memref_slice %arg14[%dma_start3A_282, %dma_start3A_283] : memref<10000x128xf32, #tpu.memory_space<vmem_shared>> -> memref<10000x128xf32, #tpu.memory_space<vmem_shared>>
    tpu.enqueue_indirect_dma source(%arg10 : memref<80x128xf32, #tpu.memory_space<vmem>>) target(%dma_start3A_284 : memref<10000x128xf32, #tpu.memory_space<vmem_shared>>) offsets(%arg7 : memref<80xi32, #tpu.memory_space<vmem>>) semaphore(%arg18 : memref<!tpu.dma_semaphore, #tpu.memory_space<semaphore_mem>>) {add = true}
    %dma_wait3A_285 = arith.constant 0 : i32
    %dma_wait3A_286 = tpu.memref_slice %arg6[%dma_wait3A_285] : memref<10000xi32, #tpu.memory_space<vmem>> -> memref<80xi32, #tpu.memory_space<vmem>>
    %dma_wait3A_287 = arith.constant 0 : i32
    %dma_wait3A_288 = arith.constant 0 : i32
    %dma_wait3A_289 = tpu.memref_slice %arg2[%dma_wait3A_287, %dma_wait3A_288] : memref<10000x128xf32, #tpu.memory_space<hbm>> -> memref<10000x128xf32, #tpu.memory_space<hbm>>
    tpu.wait_indirect_dma semaphore(%arg16 : memref<!tpu.dma_semaphore, #tpu.memory_space<semaphore_mem>>) src(%dma_wait3A_289 : memref<10000x128xf32, #tpu.memory_space<hbm>>) dst(%arg11 : memref<80x128xf32, #tpu.memory_space<vmem>>)
    %dma_wait3A_290 = tpu.memref_slice %arg4[%mul3A_2] : memref<320000xi32, #tpu.memory_space<hbm>> -> memref<80xi32, #tpu.memory_space<hbm>>
    %dma_wait3A_291 = tpu.memref_slice %arg4[%mul3A_2] : memref<320000xi32, #tpu.memory_space<hbm>> -> memref<80xi32, #tpu.memory_space<hbm>>
    tpu.wait_dma2 semaphore(%arg22 : memref<!tpu.dma_semaphore, #tpu.memory_space<semaphore_mem>>) src(%dma_wait3A_291 : memref<80xi32, #tpu.memory_space<hbm>>) dst(%arg8 : memref<80xi32, #tpu.memory_space<vmem>>)
    %dma_start3A_292 = arith.constant 0 : i32
    %dma_start3A_293 = arith.constant 0 : i32
    %dma_start3A_294 = tpu.memref_slice %arg14[%dma_start3A_292, %dma_start3A_293] : memref<10000x128xf32, #tpu.memory_space<vmem_shared>> -> memref<10000x128xf32, #tpu.memory_space<vmem_shared>>
    tpu.enqueue_indirect_dma source(%arg11 : memref<80x128xf32, #tpu.memory_space<vmem>>) target(%dma_start3A_294 : memref<10000x128xf32, #tpu.memory_space<vmem_shared>>) offsets(%arg8 : memref<80xi32, #tpu.memory_space<vmem>>) semaphore(%arg19 : memref<!tpu.dma_semaphore, #tpu.memory_space<semaphore_mem>>) {add = true}
    %dma_wait3A_295 = arith.constant 0 : i32
    %dma_wait3A_296 = arith.constant 0 : i32
    %dma_wait3A_297 = tpu.memref_slice %arg14[%dma_wait3A_295, %dma_wait3A_296] : memref<10000x128xf32, #tpu.memory_space<vmem_shared>> -> memref<10000x128xf32, #tpu.memory_space<vmem_shared>>
    tpu.wait_indirect_dma semaphore(%arg18 : memref<!tpu.dma_semaphore, #tpu.memory_space<semaphore_mem>>) src(%arg10 : memref<80x128xf32, #tpu.memory_space<vmem>>) dst(%dma_wait3A_297 : memref<10000x128xf32, #tpu.memory_space<vmem_shared>>)
    %dma_wait3A_298 = arith.constant 0 : i32
    %dma_wait3A_299 = arith.constant 0 : i32
    %dma_wait3A_300 = tpu.memref_slice %arg14[%dma_wait3A_298, %dma_wait3A_299] : memref<10000x128xf32, #tpu.memory_space<vmem_shared>> -> memref<10000x128xf32, #tpu.memory_space<vmem_shared>>
    tpu.wait_indirect_dma semaphore(%arg19 : memref<!tpu.dma_semaphore, #tpu.memory_space<semaphore_mem>>) src(%arg11 : memref<80x128xf32, #tpu.memory_space<vmem>>) dst(%dma_wait3A_300 : memref<10000x128xf32, #tpu.memory_space<vmem_shared>>)
    %dma_wait3A_301 = arith.constant 0 : i32
    %dma_wait3A_302 = arith.constant 0 : i32
    %dma_wait3A_303 = tpu.memref_slice %arg14[%dma_wait3A_301, %dma_wait3A_302] : memref<10000x128xf32, #tpu.memory_space<vmem_shared>> -> memref<10000x128xf32, #tpu.memory_space<vmem_shared>>
    tpu.wait_indirect_dma semaphore(%arg20 : memref<!tpu.dma_semaphore, #tpu.memory_space<semaphore_mem>>) src(%arg12 : memref<80x128xf32, #tpu.memory_space<vmem>>) dst(%dma_wait3A_303 : memref<10000x128xf32, #tpu.memory_space<vmem_shared>>)
    %barrier3A_304 = arith.constant 0 : index
    tpu.barrier barrier_id(%barrier3A_304)
    %mul3A_305 = arith.constant 624 : i32
    %mul3A_306 = arith.muli %arg1, %mul3A_305 : i32
    %mul3A_307 = arith.constant 624 : i32
    %mul3A_308 = arith.muli %arg1, %mul3A_307 : i32
    "tpu.region"() ({
      %run_scoped3A = tpu.sem_alloc : memref<!tpu.dma_semaphore, #tpu.memory_space<semaphore_mem>>
      %dma_start3A_314 = arith.constant 0 : i32
      %dma_start3A_315 = tpu.memref_slice %arg5[%arg0, %mul3A_308, %dma_start3A_314] : memref<2x10000x128xf32, #tpu.memory_space<hbm>> -> memref<1x624x128xf32, #tpu.memory_space<hbm>>
      %dma_start3A_316 = tpu.memref_squeeze %dma_start3A_315 : memref<1x624x128xf32, #tpu.memory_space<hbm>> -> memref<624x128xf32, #tpu.memory_space<hbm>>
      %dma_start3A_317 = arith.constant 0 : i32
      %dma_start3A_318 = tpu.memref_slice %arg14[%mul3A_306, %dma_start3A_317] : memref<10000x128xf32, #tpu.memory_space<vmem_shared>> -> memref<624x128xf32, #tpu.memory_space<vmem_shared>>
      tpu.enqueue_dma source(%dma_start3A_318 : memref<624x128xf32, #tpu.memory_space<vmem_shared>>) target(%dma_start3A_316 : memref<624x128xf32, #tpu.memory_space<hbm>>) target_semaphore(%run_scoped3A : memref<!tpu.dma_semaphore, #tpu.memory_space<semaphore_mem>>)
      %dma_wait3A_319 = arith.constant 0 : i32
      %dma_wait3A_320 = tpu.memref_slice %arg5[%arg0, %mul3A_308, %dma_wait3A_319] : memref<2x10000x128xf32, #tpu.memory_space<hbm>> -> memref<1x624x128xf32, #tpu.memory_space<hbm>>
      %dma_wait3A_321 = tpu.memref_squeeze %dma_wait3A_320 : memref<1x624x128xf32, #tpu.memory_space<hbm>> -> memref<624x128xf32, #tpu.memory_space<hbm>>
      %dma_wait3A_322 = arith.constant 0 : i32
      %dma_wait3A_323 = tpu.memref_slice %arg14[%mul3A_306, %dma_wait3A_322] : memref<10000x128xf32, #tpu.memory_space<vmem_shared>> -> memref<624x128xf32, #tpu.memory_space<vmem_shared>>
      tpu.wait_dma2 semaphore(%run_scoped3A : memref<!tpu.dma_semaphore, #tpu.memory_space<semaphore_mem>>) src(%dma_wait3A_323 : memref<624x128xf32, #tpu.memory_space<vmem_shared>>) dst(%dma_wait3A_321 : memref<624x128xf32, #tpu.memory_space<hbm>>)
      tpu.yield
    }) : () -> ()
    %eq3A_309 = arith.constant 0 : i32
    %eq3A_310 = arith.cmpi eq, %arg1, %eq3A_309 : i32
    %convert_element_type3A_311 = arith.extui %eq3A_310 : i1 to i32
    %cond3A_312 = arith.constant 0 : i32
    %cond3A_313 = arith.cmpi ne, %convert_element_type3A_311, %cond3A_312 : i32
    scf.if %cond3A_313 {
      "tpu.region"() ({
        %run_scoped3A = tpu.sem_alloc : memref<!tpu.dma_semaphore, #tpu.memory_space<semaphore_mem>>
        %dma_start3A_314 = arith.constant 9984 : i32
        %dma_start3A_315 = arith.constant 0 : i32
        %dma_start3A_316 = tpu.memref_slice %arg5[%arg0, %dma_start3A_314, %dma_start3A_315] : memref<2x10000x128xf32, #tpu.memory_space<hbm>> -> memref<1x16x128xf32, #tpu.memory_space<hbm>>
        %dma_start3A_317 = tpu.memref_squeeze %dma_start3A_316 : memref<1x16x128xf32, #tpu.memory_space<hbm>> -> memref<16x128xf32, #tpu.memory_space<hbm>>
        %dma_start3A_318 = arith.constant 9984 : i32
        %dma_start3A_319 = arith.constant 0 : i32
        %dma_start3A_320 = tpu.memref_slice %arg14[%dma_start3A_318, %dma_start3A_319] : memref<10000x128xf32, #tpu.memory_space<vmem_shared>> -> memref<16x128xf32, #tpu.memory_space<vmem_shared>>
        tpu.enqueue_dma source(%dma_start3A_320 : memref<16x128xf32, #tpu.memory_space<vmem_shared>>) target(%dma_start3A_317 : memref<16x128xf32, #tpu.memory_space<hbm>>) target_semaphore(%run_scoped3A : memref<!tpu.dma_semaphore, #tpu.memory_space<semaphore_mem>>)
        %dma_wait3A_321 = arith.constant 9984 : i32
        %dma_wait3A_322 = arith.constant 0 : i32
        %dma_wait3A_323 = tpu.memref_slice %arg5[%arg0, %dma_wait3A_321, %dma_wait3A_322] : memref<2x10000x128xf32, #tpu.memory_space<hbm>> -> memref<1x16x128xf32, #tpu.memory_space<hbm>>
        %dma_wait3A_324 = tpu.memref_squeeze %dma_wait3A_323 : memref<1x16x128xf32, #tpu.memory_space<hbm>> -> memref<16x128xf32, #tpu.memory_space<hbm>>
        %dma_wait3A_325 = arith.constant 9984 : i32
        %dma_wait3A_326 = arith.constant 0 : i32
        %dma_wait3A_327 = tpu.memref_slice %arg14[%dma_wait3A_325, %dma_wait3A_326] : memref<10000x128xf32, #tpu.memory_space<vmem_shared>> -> memref<16x128xf32, #tpu.memory_space<vmem_shared>>
        tpu.wait_dma2 semaphore(%run_scoped3A : memref<!tpu.dma_semaphore, #tpu.memory_space<semaphore_mem>>) src(%dma_wait3A_327 : memref<16x128xf32, #tpu.memory_space<vmem_shared>>) dst(%dma_wait3A_324 : memref<16x128xf32, #tpu.memory_space<hbm>>)
        tpu.yield
      }) : () -> ()
    } else {
    }
    return
  }
}

#map = affine_map<(d0, d1) -> (0, 0)>
#map1 = affine_map<(d0, d1) -> (0)>
#map2 = affine_map<(d0, d1) -> (0, 0, 0)>
module attributes {stable_mosaic.version = 14 : i64} {
  func.func @k(%arg0: i32, %arg1: i32, %arg2: memref<10000x128xf32, #tpu.memory_space<hbm>>, %arg3: memref<320000xi32, #tpu.memory_space<hbm>>, %arg4: memref<320000xi32, #tpu.memory_space<hbm>>, %arg5: memref<2x10000x128xf32, #tpu.memory_space<hbm>>, %arg6: memref<10000xi32, #tpu.memory_space<vmem>>, %arg7: memref<80xi32, #tpu.memory_space<vmem>>, %arg8: memref<80xi32, #tpu.memory_space<vmem>>, %arg9: memref<80xi32, #tpu.memory_space<vmem>>, %arg10: memref<80x128xf32, #tpu.memory_space<vmem>>, %arg11: memref<80x128xf32, #tpu.memory_space<vmem>>, %arg12: memref<80x128xf32, #tpu.memory_space<vmem>>, %arg13: memref<48x128xf32, #tpu.memory_space<vmem>>, %arg14: memref<10000x128xf32, #tpu.memory_space<vmem_shared>>, %arg15: memref<!tpu.dma_semaphore, #tpu.memory_space<semaphore_mem>>, %arg16: memref<!tpu.dma_semaphore, #tpu.memory_space<semaphore_mem>>, %arg17: memref<!tpu.dma_semaphore, #tpu.memory_space<semaphore_mem>>, %arg18: memref<!tpu.dma_semaphore, #tpu.memory_space<semaphore_mem>>, %arg19: memref<!tpu.dma_semaphore, #tpu.memory_space<semaphore_mem>>, %arg20: memref<!tpu.dma_semaphore, #tpu.memory_space<semaphore_mem>>, %arg21: memref<!tpu.dma_semaphore, #tpu.memory_space<semaphore_mem>>, %arg22: memref<!tpu.dma_semaphore, #tpu.memory_space<semaphore_mem>>, %arg23: memref<!tpu.dma_semaphore, #tpu.memory_space<semaphore_mem>>, %arg24: memref<!tpu.dma_semaphore, #tpu.memory_space<semaphore_mem>>) attributes {dimension_semantics = [#tpu.dimension_semantics<core_parallel>, #tpu.dimension_semantics<subcore_parallel>], iteration_bounds = array<i64: 2, 16>, scalar_prefetch = 0 : i64, scratch_operands = 19 : i64, tpu.core_type = #tpu.core_type<sc_vector_subcore>, window_params = [{transform_indices = #map}, {transform_indices = #map1}, {transform_indices = #map1}, {transform_indices = #map2}]} {
    %mul3A = arith.constant 16 : i32
    %mul3A_0 = arith.muli %arg0, %mul3A : i32
    %add3A = arith.addi %mul3A_0, %arg1 : i32
    %mul3A_1 = arith.constant 10000 : i32
    %mul3A_2 = arith.muli %add3A, %mul3A_1 : i32
    "tpu.region"() ({
      %run_scoped3A = tpu.sem_alloc : memref<!tpu.dma_semaphore, #tpu.memory_space<semaphore_mem>>
      %dma_start3A_314 = tpu.memref_slice %arg3[%mul3A_2] : memref<320000xi32, #tpu.memory_space<hbm>> -> memref<10000xi32, #tpu.memory_space<hbm>>
      %dma_start3A_315 = tpu.memref_slice %arg3[%mul3A_2] : memref<320000xi32, #tpu.memory_space<hbm>> -> memref<10000xi32, #tpu.memory_space<hbm>>
      tpu.enqueue_dma source(%dma_start3A_315 : memref<10000xi32, #tpu.memory_space<hbm>>) target(%arg6 : memref<10000xi32, #tpu.memory_space<vmem>>) target_semaphore(%run_scoped3A : memref<!tpu.dma_semaphore, #tpu.memory_space<semaphore_mem>>)
      %dma_wait3A_316 = tpu.memref_slice %arg3[%mul3A_2] : memref<320000xi32, #tpu.memory_space<hbm>> -> memref<10000xi32, #tpu.memory_space<hbm>>
      %dma_wait3A_317 = tpu.memref_slice %arg3[%mul3A_2] : memref<320000xi32, #tpu.memory_space<hbm>> -> memref<10000xi32, #tpu.memory_space<hbm>>
      tpu.wait_dma2 semaphore(%run_scoped3A : memref<!tpu.dma_semaphore, #tpu.memory_space<semaphore_mem>>) src(%dma_wait3A_317 : memref<10000xi32, #tpu.memory_space<hbm>>) dst(%arg6 : memref<10000xi32, #tpu.memory_space<vmem>>)
      tpu.yield
    }) : () -> ()
    %add3A_3 = arith.constant 0 : i32
    %add3A_4 = arith.addi %mul3A_2, %add3A_3 : i32
    %dma_start3A = tpu.memref_slice %arg4[%add3A_4] : memref<320000xi32, #tpu.memory_space<hbm>> -> memref<80xi32, #tpu.memory_space<hbm>>
    %dma_start3A_5 = tpu.memref_slice %arg4[%add3A_4] : memref<320000xi32, #tpu.memory_space<hbm>> -> memref<80xi32, #tpu.memory_space<hbm>>
    tpu.enqueue_dma source(%dma_start3A_5 : memref<80xi32, #tpu.memory_space<hbm>>) target(%arg7 : memref<80xi32, #tpu.memory_space<vmem>>) target_semaphore(%arg21 : memref<!tpu.dma_semaphore, #tpu.memory_space<semaphore_mem>>)
    %dma_start3A_6 = arith.constant 0 : i32
    %dma_start3A_7 = tpu.memref_slice %arg6[%dma_start3A_6] : memref<10000xi32, #tpu.memory_space<vmem>> -> memref<80xi32, #tpu.memory_space<vmem>>
    %dma_start3A_8 = arith.constant 0 : i32
    %dma_start3A_9 = arith.constant 0 : i32
    %dma_start3A_10 = tpu.memref_slice %arg2[%dma_start3A_8, %dma_start3A_9] : memref<10000x128xf32, #tpu.memory_space<hbm>> -> memref<10000x128xf32, #tpu.memory_space<hbm>>
    tpu.enqueue_indirect_dma source(%dma_start3A_10 : memref<10000x128xf32, #tpu.memory_space<hbm>>) target(%arg10 : memref<80x128xf32, #tpu.memory_space<vmem>>) offsets(%dma_start3A_7 : memref<80xi32, #tpu.memory_space<vmem>>) semaphore(%arg15 : memref<!tpu.dma_semaphore, #tpu.memory_space<semaphore_mem>>)
    %add3A_11 = arith.constant 80 : i32
    %add3A_12 = arith.addi %mul3A_2, %add3A_11 : i32
    %dma_start3A_13 = tpu.memref_slice %arg4[%add3A_12] : memref<320000xi32, #tpu.memory_space<hbm>> -> memref<80xi32, #tpu.memory_space<hbm>>
    %dma_start3A_14 = tpu.memref_slice %arg4[%add3A_12] : memref<320000xi32, #tpu.memory_space<hbm>> -> memref<80xi32, #tpu.memory_space<hbm>>
    tpu.enqueue_dma source(%dma_start3A_14 : memref<80xi32, #tpu.memory_space<hbm>>) target(%arg8 : memref<80xi32, #tpu.memory_space<vmem>>) target_semaphore(%arg22 : memref<!tpu.dma_semaphore, #tpu.memory_space<semaphore_mem>>)
    %dma_start3A_15 = arith.constant 80 : i32
    %dma_start3A_16 = tpu.memref_slice %arg6[%dma_start3A_15] : memref<10000xi32, #tpu.memory_space<vmem>> -> memref<80xi32, #tpu.memory_space<vmem>>
    %dma_start3A_17 = arith.constant 0 : i32
    %dma_start3A_18 = arith.constant 0 : i32
    %dma_start3A_19 = tpu.memref_slice %arg2[%dma_start3A_17, %dma_start3A_18] : memref<10000x128xf32, #tpu.memory_space<hbm>> -> memref<10000x128xf32, #tpu.memory_space<hbm>>
    tpu.enqueue_indirect_dma source(%dma_start3A_19 : memref<10000x128xf32, #tpu.memory_space<hbm>>) target(%arg11 : memref<80x128xf32, #tpu.memory_space<vmem>>) offsets(%dma_start3A_16 : memref<80xi32, #tpu.memory_space<vmem>>) semaphore(%arg16 : memref<!tpu.dma_semaphore, #tpu.memory_space<semaphore_mem>>)
    %scan3A = arith.constant 0 : i32
    %scan3A_20 = arith.constant 48 : i32
    %scan3A_21 = arith.addi %scan3A, %scan3A_20 : i32
    %scan3A_22 = arith.constant 1 : i32
    scf.for %scan3A_314 = %scan3A to %scan3A_21 step %scan3A_22  : i32 {
      %mul3A_315 = arith.constant 1 : i32
      %mul3A_316 = arith.muli %scan3A_314, %mul3A_315 : i32
      %add3A_317 = arith.constant 0 : i32
      %add3A_318 = arith.addi %add3A_317, %mul3A_316 : i32
      %broadcast_in_dim3A = arith.constant 0.000000e+00 : f32
      %broadcast_in_dim3A_319 = vector.broadcast %broadcast_in_dim3A : f32 to vector<16xf32>
      %swap3A = arith.index_cast %add3A_318 : i32 to index
      %swap3A_320 = arith.constant 0 : index
      %swap3A_321 = tpu.vector_load %arg13[%swap3A, %swap3A_320] {strides = array<i32>} : memref<48x128xf32, #tpu.memory_space<vmem>>, vector<16xf32>,
      tpu.vector_store %arg13[%swap3A, %swap3A_320], %broadcast_in_dim3A_319 {strides = array<i32>} : memref<48x128xf32, #tpu.memory_space<vmem>>, vector<16xf32>,
      %broadcast_in_dim3A_322 = arith.constant 0.000000e+00 : f32
      %broadcast_in_dim3A_323 = vector.broadcast %broadcast_in_dim3A_322 : f32 to vector<16xf32>
      %swap3A_324 = arith.index_cast %add3A_318 : i32 to index
      %swap3A_325 = arith.constant 16 : index
      %swap3A_326 = tpu.vector_load %arg13[%swap3A_324, %swap3A_325] {strides = array<i32>} : memref<48x128xf32, #tpu.memory_space<vmem>>, vector<16xf32>,
      tpu.vector_store %arg13[%swap3A_324, %swap3A_325], %broadcast_in_dim3A_323 {strides = array<i32>} : memref<48x128xf32, #tpu.memory_space<vmem>>, vector<16xf32>,
      %broadcast_in_dim3A_327 = arith.constant 0.000000e+00 : f32
      %broadcast_in_dim3A_328 = vector.broadcast %broadcast_in_dim3A_327 : f32 to vector<16xf32>
      %swap3A_329 = arith.index_cast %add3A_318 : i32 to index
      %swap3A_330 = arith.constant 32 : index
      %swap3A_331 = tpu.vector_load %arg13[%swap3A_329, %swap3A_330] {strides = array<i32>} : memref<48x128xf32, #tpu.memory_space<vmem>>, vector<16xf32>,
      tpu.vector_store %arg13[%swap3A_329, %swap3A_330], %broadcast_in_dim3A_328 {strides = array<i32>} : memref<48x128xf32, #tpu.memory_space<vmem>>, vector<16xf32>,
      %broadcast_in_dim3A_332 = arith.constant 0.000000e+00 : f32
      %broadcast_in_dim3A_333 = vector.broadcast %broadcast_in_dim3A_332 : f32 to vector<16xf32>
      %swap3A_334 = arith.index_cast %add3A_318 : i32 to index
      %swap3A_335 = arith.constant 48 : index
      %swap3A_336 = tpu.vector_load %arg13[%swap3A_334, %swap3A_335] {strides = array<i32>} : memref<48x128xf32, #tpu.memory_space<vmem>>, vector<16xf32>,
      tpu.vector_store %arg13[%swap3A_334, %swap3A_335], %broadcast_in_dim3A_333 {strides = array<i32>} : memref<48x128xf32, #tpu.memory_space<vmem>>, vector<16xf32>,
      %broadcast_in_dim3A_337 = arith.constant 0.000000e+00 : f32
      %broadcast_in_dim3A_338 = vector.broadcast %broadcast_in_dim3A_337 : f32 to vector<16xf32>
      %swap3A_339 = arith.index_cast %add3A_318 : i32 to index
      %swap3A_340 = arith.constant 64 : index
      %swap3A_341 = tpu.vector_load %arg13[%swap3A_339, %swap3A_340] {strides = array<i32>} : memref<48x128xf32, #tpu.memory_space<vmem>>, vector<16xf32>,
      tpu.vector_store %arg13[%swap3A_339, %swap3A_340], %broadcast_in_dim3A_338 {strides = array<i32>} : memref<48x128xf32, #tpu.memory_space<vmem>>, vector<16xf32>,
      %broadcast_in_dim3A_342 = arith.constant 0.000000e+00 : f32
      %broadcast_in_dim3A_343 = vector.broadcast %broadcast_in_dim3A_342 : f32 to vector<16xf32>
      %swap3A_344 = arith.index_cast %add3A_318 : i32 to index
      %swap3A_345 = arith.constant 80 : index
      %swap3A_346 = tpu.vector_load %arg13[%swap3A_344, %swap3A_345] {strides = array<i32>} : memref<48x128xf32, #tpu.memory_space<vmem>>, vector<16xf32>,
      tpu.vector_store %arg13[%swap3A_344, %swap3A_345], %broadcast_in_dim3A_343 {strides = array<i32>} : memref<48x128xf32, #tpu.memory_space<vmem>>, vector<16xf32>,
      %broadcast_in_dim3A_347 = arith.constant 0.000000e+00 : f32
      %broadcast_in_dim3A_348 = vector.broadcast %broadcast_in_dim3A_347 : f32 to vector<16xf32>
      %swap3A_349 = arith.index_cast %add3A_318 : i32 to index
      %swap3A_350 = arith.constant 96 : index
      %swap3A_351 = tpu.vector_load %arg13[%swap3A_349, %swap3A_350] {strides = array<i32>} : memref<48x128xf32, #tpu.memory_space<vmem>>, vector<16xf32>,
      tpu.vector_store %arg13[%swap3A_349, %swap3A_350], %broadcast_in_dim3A_348 {strides = array<i32>} : memref<48x128xf32, #tpu.memory_space<vmem>>, vector<16xf32>,
      %broadcast_in_dim3A_352 = arith.constant 0.000000e+00 : f32
      %broadcast_in_dim3A_353 = vector.broadcast %broadcast_in_dim3A_352 : f32 to vector<16xf32>
      %swap3A_354 = arith.index_cast %add3A_318 : i32 to index
      %swap3A_355 = arith.constant 112 : index
      %swap3A_356 = tpu.vector_load %arg13[%swap3A_354, %swap3A_355] {strides = array<i32>} : memref<48x128xf32, #tpu.memory_space<vmem>>, vector<16xf32>,
      tpu.vector_store %arg13[%swap3A_354, %swap3A_355], %broadcast_in_dim3A_353 {strides = array<i32>} : memref<48x128xf32, #tpu.memory_space<vmem>>, vector<16xf32>,
    }
    %scan3A_23 = arith.constant 48 : i32
    %mul3A_24 = arith.constant 624 : i32
    %mul3A_25 = arith.muli %arg1, %mul3A_24 : i32
    %add3A_26 = arith.constant 0 : i32
    %add3A_27 = arith.addi %mul3A_25, %add3A_26 : i32
    %dma_start3A_28 = arith.constant 0 : i32
    %dma_start3A_29 = tpu.memref_slice %arg14[%add3A_27, %dma_start3A_28] : memref<10000x128xf32, #tpu.memory_space<vmem_shared>> -> memref<48x128xf32, #tpu.memory_space<vmem_shared>>
    %dma_start3A_30 = arith.constant 0 : i32
    %dma_start3A_31 = tpu.memref_slice %arg14[%add3A_27, %dma_start3A_30] : memref<10000x128xf32, #tpu.memory_space<vmem_shared>> -> memref<48x128xf32, #tpu.memory_space<vmem_shared>>
    tpu.enqueue_dma source(%arg13 : memref<48x128xf32, #tpu.memory_space<vmem>>) target(%dma_start3A_31 : memref<48x128xf32, #tpu.memory_space<vmem_shared>>) target_semaphore(%arg24 : memref<!tpu.dma_semaphore, #tpu.memory_space<semaphore_mem>>)
    %mul3A_32 = arith.constant 624 : i32
    %mul3A_33 = arith.muli %arg1, %mul3A_32 : i32
    %add3A_34 = arith.constant 48 : i32
    %add3A_35 = arith.addi %mul3A_33, %add3A_34 : i32
    %dma_start3A_36 = arith.constant 0 : i32
    %dma_start3A_37 = tpu.memref_slice %arg14[%add3A_35, %dma_start3A_36] : memref<10000x128xf32, #tpu.memory_space<vmem_shared>> -> memref<48x128xf32, #tpu.memory_space<vmem_shared>>
    %dma_start3A_38 = arith.constant 0 : i32
    %dma_start3A_39 = tpu.memref_slice %arg14[%add3A_35, %dma_start3A_38] : memref<10000x128xf32, #tpu.memory_space<vmem_shared>> -> memref<48x128xf32, #tpu.memory_space<vmem_shared>>
    tpu.enqueue_dma source(%arg13 : memref<48x128xf32, #tpu.memory_space<vmem>>) target(%dma_start3A_39 : memref<48x128xf32, #tpu.memory_space<vmem_shared>>) target_semaphore(%arg24 : memref<!tpu.dma_semaphore, #tpu.memory_space<semaphore_mem>>)
    %mul3A_40 = arith.constant 624 : i32
    %mul3A_41 = arith.muli %arg1, %mul3A_40 : i32
    %add3A_42 = arith.constant 96 : i32
    %add3A_43 = arith.addi %mul3A_41, %add3A_42 : i32
    %dma_start3A_44 = arith.constant 0 : i32
    %dma_start3A_45 = tpu.memref_slice %arg14[%add3A_43, %dma_start3A_44] : memref<10000x128xf32, #tpu.memory_space<vmem_shared>> -> memref<48x128xf32, #tpu.memory_space<vmem_shared>>
    %dma_start3A_46 = arith.constant 0 : i32
    %dma_start3A_47 = tpu.memref_slice %arg14[%add3A_43, %dma_start3A_46] : memref<10000x128xf32, #tpu.memory_space<vmem_shared>> -> memref<48x128xf32, #tpu.memory_space<vmem_shared>>
    tpu.enqueue_dma source(%arg13 : memref<48x128xf32, #tpu.memory_space<vmem>>) target(%dma_start3A_47 : memref<48x128xf32, #tpu.memory_space<vmem_shared>>) target_semaphore(%arg24 : memref<!tpu.dma_semaphore, #tpu.memory_space<semaphore_mem>>)
    %mul3A_48 = arith.constant 624 : i32
    %mul3A_49 = arith.muli %arg1, %mul3A_48 : i32
    %add3A_50 = arith.constant 144 : i32
    %add3A_51 = arith.addi %mul3A_49, %add3A_50 : i32
    %dma_start3A_52 = arith.constant 0 : i32
    %dma_start3A_53 = tpu.memref_slice %arg14[%add3A_51, %dma_start3A_52] : memref<10000x128xf32, #tpu.memory_space<vmem_shared>> -> memref<48x128xf32, #tpu.memory_space<vmem_shared>>
    %dma_start3A_54 = arith.constant 0 : i32
    %dma_start3A_55 = tpu.memref_slice %arg14[%add3A_51, %dma_start3A_54] : memref<10000x128xf32, #tpu.memory_space<vmem_shared>> -> memref<48x128xf32, #tpu.memory_space<vmem_shared>>
    tpu.enqueue_dma source(%arg13 : memref<48x128xf32, #tpu.memory_space<vmem>>) target(%dma_start3A_55 : memref<48x128xf32, #tpu.memory_space<vmem_shared>>) target_semaphore(%arg24 : memref<!tpu.dma_semaphore, #tpu.memory_space<semaphore_mem>>)
    %mul3A_56 = arith.constant 624 : i32
    %mul3A_57 = arith.muli %arg1, %mul3A_56 : i32
    %add3A_58 = arith.constant 192 : i32
    %add3A_59 = arith.addi %mul3A_57, %add3A_58 : i32
    %dma_start3A_60 = arith.constant 0 : i32
    %dma_start3A_61 = tpu.memref_slice %arg14[%add3A_59, %dma_start3A_60] : memref<10000x128xf32, #tpu.memory_space<vmem_shared>> -> memref<48x128xf32, #tpu.memory_space<vmem_shared>>
    %dma_start3A_62 = arith.constant 0 : i32
    %dma_start3A_63 = tpu.memref_slice %arg14[%add3A_59, %dma_start3A_62] : memref<10000x128xf32, #tpu.memory_space<vmem_shared>> -> memref<48x128xf32, #tpu.memory_space<vmem_shared>>
    tpu.enqueue_dma source(%arg13 : memref<48x128xf32, #tpu.memory_space<vmem>>) target(%dma_start3A_63 : memref<48x128xf32, #tpu.memory_space<vmem_shared>>) target_semaphore(%arg24 : memref<!tpu.dma_semaphore, #tpu.memory_space<semaphore_mem>>)
    %mul3A_64 = arith.constant 624 : i32
    %mul3A_65 = arith.muli %arg1, %mul3A_64 : i32
    %add3A_66 = arith.constant 240 : i32
    %add3A_67 = arith.addi %mul3A_65, %add3A_66 : i32
    %dma_start3A_68 = arith.constant 0 : i32
    %dma_start3A_69 = tpu.memref_slice %arg14[%add3A_67, %dma_start3A_68] : memref<10000x128xf32, #tpu.memory_space<vmem_shared>> -> memref<48x128xf32, #tpu.memory_space<vmem_shared>>
    %dma_start3A_70 = arith.constant 0 : i32
    %dma_start3A_71 = tpu.memref_slice %arg14[%add3A_67, %dma_start3A_70] : memref<10000x128xf32, #tpu.memory_space<vmem_shared>> -> memref<48x128xf32, #tpu.memory_space<vmem_shared>>
    tpu.enqueue_dma source(%arg13 : memref<48x128xf32, #tpu.memory_space<vmem>>) target(%dma_start3A_71 : memref<48x128xf32, #tpu.memory_space<vmem_shared>>) target_semaphore(%arg24 : memref<!tpu.dma_semaphore, #tpu.memory_space<semaphore_mem>>)
    %mul3A_72 = arith.constant 624 : i32
    %mul3A_73 = arith.muli %arg1, %mul3A_72 : i32
    %add3A_74 = arith.constant 288 : i32
    %add3A_75 = arith.addi %mul3A_73, %add3A_74 : i32
    %dma_start3A_76 = arith.constant 0 : i32
    %dma_start3A_77 = tpu.memref_slice %arg14[%add3A_75, %dma_start3A_76] : memref<10000x128xf32, #tpu.memory_space<vmem_shared>> -> memref<48x128xf32, #tpu.memory_space<vmem_shared>>
    %dma_start3A_78 = arith.constant 0 : i32
    %dma_start3A_79 = tpu.memref_slice %arg14[%add3A_75, %dma_start3A_78] : memref<10000x128xf32, #tpu.memory_space<vmem_shared>> -> memref<48x128xf32, #tpu.memory_space<vmem_shared>>
    tpu.enqueue_dma source(%arg13 : memref<48x128xf32, #tpu.memory_space<vmem>>) target(%dma_start3A_79 : memref<48x128xf32, #tpu.memory_space<vmem_shared>>) target_semaphore(%arg24 : memref<!tpu.dma_semaphore, #tpu.memory_space<semaphore_mem>>)
    %mul3A_80 = arith.constant 624 : i32
    %mul3A_81 = arith.muli %arg1, %mul3A_80 : i32
    %add3A_82 = arith.constant 336 : i32
    %add3A_83 = arith.addi %mul3A_81, %add3A_82 : i32
    %dma_start3A_84 = arith.constant 0 : i32
    %dma_start3A_85 = tpu.memref_slice %arg14[%add3A_83, %dma_start3A_84] : memref<10000x128xf32, #tpu.memory_space<vmem_shared>> -> memref<48x128xf32, #tpu.memory_space<vmem_shared>>
    %dma_start3A_86 = arith.constant 0 : i32
    %dma_start3A_87 = tpu.memref_slice %arg14[%add3A_83, %dma_start3A_86] : memref<10000x128xf32, #tpu.memory_space<vmem_shared>> -> memref<48x128xf32, #tpu.memory_space<vmem_shared>>
    tpu.enqueue_dma source(%arg13 : memref<48x128xf32, #tpu.memory_space<vmem>>) target(%dma_start3A_87 : memref<48x128xf32, #tpu.memory_space<vmem_shared>>) target_semaphore(%arg24 : memref<!tpu.dma_semaphore, #tpu.memory_space<semaphore_mem>>)
    %mul3A_88 = arith.constant 624 : i32
    %mul3A_89 = arith.muli %arg1, %mul3A_88 : i32
    %add3A_90 = arith.constant 384 : i32
    %add3A_91 = arith.addi %mul3A_89, %add3A_90 : i32
    %dma_start3A_92 = arith.constant 0 : i32
    %dma_start3A_93 = tpu.memref_slice %arg14[%add3A_91, %dma_start3A_92] : memref<10000x128xf32, #tpu.memory_space<vmem_shared>> -> memref<48x128xf32, #tpu.memory_space<vmem_shared>>
    %dma_start3A_94 = arith.constant 0 : i32
    %dma_start3A_95 = tpu.memref_slice %arg14[%add3A_91, %dma_start3A_94] : memref<10000x128xf32, #tpu.memory_space<vmem_shared>> -> memref<48x128xf32, #tpu.memory_space<vmem_shared>>
    tpu.enqueue_dma source(%arg13 : memref<48x128xf32, #tpu.memory_space<vmem>>) target(%dma_start3A_95 : memref<48x128xf32, #tpu.memory_space<vmem_shared>>) target_semaphore(%arg24 : memref<!tpu.dma_semaphore, #tpu.memory_space<semaphore_mem>>)
    %mul3A_96 = arith.constant 624 : i32
    %mul3A_97 = arith.muli %arg1, %mul3A_96 : i32
    %add3A_98 = arith.constant 432 : i32
    %add3A_99 = arith.addi %mul3A_97, %add3A_98 : i32
    %dma_start3A_100 = arith.constant 0 : i32
    %dma_start3A_101 = tpu.memref_slice %arg14[%add3A_99, %dma_start3A_100] : memref<10000x128xf32, #tpu.memory_space<vmem_shared>> -> memref<48x128xf32, #tpu.memory_space<vmem_shared>>
    %dma_start3A_102 = arith.constant 0 : i32
    %dma_start3A_103 = tpu.memref_slice %arg14[%add3A_99, %dma_start3A_102] : memref<10000x128xf32, #tpu.memory_space<vmem_shared>> -> memref<48x128xf32, #tpu.memory_space<vmem_shared>>
    tpu.enqueue_dma source(%arg13 : memref<48x128xf32, #tpu.memory_space<vmem>>) target(%dma_start3A_103 : memref<48x128xf32, #tpu.memory_space<vmem_shared>>) target_semaphore(%arg24 : memref<!tpu.dma_semaphore, #tpu.memory_space<semaphore_mem>>)
    %mul3A_104 = arith.constant 624 : i32
    %mul3A_105 = arith.muli %arg1, %mul3A_104 : i32
    %add3A_106 = arith.constant 480 : i32
    %add3A_107 = arith.addi %mul3A_105, %add3A_106 : i32
    %dma_start3A_108 = arith.constant 0 : i32
    %dma_start3A_109 = tpu.memref_slice %arg14[%add3A_107, %dma_start3A_108] : memref<10000x128xf32, #tpu.memory_space<vmem_shared>> -> memref<48x128xf32, #tpu.memory_space<vmem_shared>>
    %dma_start3A_110 = arith.constant 0 : i32
    %dma_start3A_111 = tpu.memref_slice %arg14[%add3A_107, %dma_start3A_110] : memref<10000x128xf32, #tpu.memory_space<vmem_shared>> -> memref<48x128xf32, #tpu.memory_space<vmem_shared>>
    tpu.enqueue_dma source(%arg13 : memref<48x128xf32, #tpu.memory_space<vmem>>) target(%dma_start3A_111 : memref<48x128xf32, #tpu.memory_space<vmem_shared>>) target_semaphore(%arg24 : memref<!tpu.dma_semaphore, #tpu.memory_space<semaphore_mem>>)
    %mul3A_112 = arith.constant 624 : i32
    %mul3A_113 = arith.muli %arg1, %mul3A_112 : i32
    %add3A_114 = arith.constant 528 : i32
    %add3A_115 = arith.addi %mul3A_113, %add3A_114 : i32
    %dma_start3A_116 = arith.constant 0 : i32
    %dma_start3A_117 = tpu.memref_slice %arg14[%add3A_115, %dma_start3A_116] : memref<10000x128xf32, #tpu.memory_space<vmem_shared>> -> memref<48x128xf32, #tpu.memory_space<vmem_shared>>
    %dma_start3A_118 = arith.constant 0 : i32
    %dma_start3A_119 = tpu.memref_slice %arg14[%add3A_115, %dma_start3A_118] : memref<10000x128xf32, #tpu.memory_space<vmem_shared>> -> memref<48x128xf32, #tpu.memory_space<vmem_shared>>
    tpu.enqueue_dma source(%arg13 : memref<48x128xf32, #tpu.memory_space<vmem>>) target(%dma_start3A_119 : memref<48x128xf32, #tpu.memory_space<vmem_shared>>) target_semaphore(%arg24 : memref<!tpu.dma_semaphore, #tpu.memory_space<semaphore_mem>>)
    %mul3A_120 = arith.constant 624 : i32
    %mul3A_121 = arith.muli %arg1, %mul3A_120 : i32
    %add3A_122 = arith.constant 576 : i32
    %add3A_123 = arith.addi %mul3A_121, %add3A_122 : i32
    %dma_start3A_124 = arith.constant 0 : i32
    %dma_start3A_125 = tpu.memref_slice %arg14[%add3A_123, %dma_start3A_124] : memref<10000x128xf32, #tpu.memory_space<vmem_shared>> -> memref<48x128xf32, #tpu.memory_space<vmem_shared>>
    %dma_start3A_126 = arith.constant 0 : i32
    %dma_start3A_127 = tpu.memref_slice %arg14[%add3A_123, %dma_start3A_126] : memref<10000x128xf32, #tpu.memory_space<vmem_shared>> -> memref<48x128xf32, #tpu.memory_space<vmem_shared>>
    tpu.enqueue_dma source(%arg13 : memref<48x128xf32, #tpu.memory_space<vmem>>) target(%dma_start3A_127 : memref<48x128xf32, #tpu.memory_space<vmem_shared>>) target_semaphore(%arg24 : memref<!tpu.dma_semaphore, #tpu.memory_space<semaphore_mem>>)
    %mul3A_128 = arith.constant 624 : i32
    %mul3A_129 = arith.muli %arg1, %mul3A_128 : i32
    %dma_wait3A = arith.constant 0 : i32
    %dma_wait3A_130 = tpu.memref_slice %arg14[%mul3A_129, %dma_wait3A] : memref<10000x128xf32, #tpu.memory_space<vmem_shared>> -> memref<48x128xf32, #tpu.memory_space<vmem_shared>>
    %dma_wait3A_131 = arith.constant 0 : i32
    %dma_wait3A_132 = tpu.memref_slice %arg14[%mul3A_129, %dma_wait3A_131] : memref<10000x128xf32, #tpu.memory_space<vmem_shared>> -> memref<48x128xf32, #tpu.memory_space<vmem_shared>>
    tpu.wait_dma2 semaphore(%arg24 : memref<!tpu.dma_semaphore, #tpu.memory_space<semaphore_mem>>) src(%arg13 : memref<48x128xf32, #tpu.memory_space<vmem>>) dst(%dma_wait3A_132 : memref<48x128xf32, #tpu.memory_space<vmem_shared>>)
    %mul3A_133 = arith.constant 624 : i32
    %mul3A_134 = arith.muli %arg1, %mul3A_133 : i32
    %dma_wait3A_135 = arith.constant 0 : i32
    %dma_wait3A_136 = tpu.memref_slice %arg14[%mul3A_134, %dma_wait3A_135] : memref<10000x128xf32, #tpu.memory_space<vmem_shared>> -> memref<48x128xf32, #tpu.memory_space<vmem_shared>>
    %dma_wait3A_137 = arith.constant 0 : i32
    %dma_wait3A_138 = tpu.memref_slice %arg14[%mul3A_134, %dma_wait3A_137] : memref<10000x128xf32, #tpu.memory_space<vmem_shared>> -> memref<48x128xf32, #tpu.memory_space<vmem_shared>>
    tpu.wait_dma2 semaphore(%arg24 : memref<!tpu.dma_semaphore, #tpu.memory_space<semaphore_mem>>) src(%arg13 : memref<48x128xf32, #tpu.memory_space<vmem>>) dst(%dma_wait3A_138 : memref<48x128xf32, #tpu.memory_space<vmem_shared>>)
    %mul3A_139 = arith.constant 624 : i32
    %mul3A_140 = arith.muli %arg1, %mul3A_139 : i32
    %dma_wait3A_141 = arith.constant 0 : i32
    %dma_wait3A_142 = tpu.memref_slice %arg14[%mul3A_140, %dma_wait3A_141] : memref<10000x128xf32, #tpu.memory_space<vmem_shared>> -> memref<48x128xf32, #tpu.memory_space<vmem_shared>>
    %dma_wait3A_143 = arith.constant 0 : i32
    %dma_wait3A_144 = tpu.memref_slice %arg14[%mul3A_140, %dma_wait3A_143] : memref<10000x128xf32, #tpu.memory_space<vmem_shared>> -> memref<48x128xf32, #tpu.memory_space<vmem_shared>>
    tpu.wait_dma2 semaphore(%arg24 : memref<!tpu.dma_semaphore, #tpu.memory_space<semaphore_mem>>) src(%arg13 : memref<48x128xf32, #tpu.memory_space<vmem>>) dst(%dma_wait3A_144 : memref<48x128xf32, #tpu.memory_space<vmem_shared>>)
    %mul3A_145 = arith.constant 624 : i32
    %mul3A_146 = arith.muli %arg1, %mul3A_145 : i32
    %dma_wait3A_147 = arith.constant 0 : i32
    %dma_wait3A_148 = tpu.memref_slice %arg14[%mul3A_146, %dma_wait3A_147] : memref<10000x128xf32, #tpu.memory_space<vmem_shared>> -> memref<48x128xf32, #tpu.memory_space<vmem_shared>>
    %dma_wait3A_149 = arith.constant 0 : i32
    %dma_wait3A_150 = tpu.memref_slice %arg14[%mul3A_146, %dma_wait3A_149] : memref<10000x128xf32, #tpu.memory_space<vmem_shared>> -> memref<48x128xf32, #tpu.memory_space<vmem_shared>>
    tpu.wait_dma2 semaphore(%arg24 : memref<!tpu.dma_semaphore, #tpu.memory_space<semaphore_mem>>) src(%arg13 : memref<48x128xf32, #tpu.memory_space<vmem>>) dst(%dma_wait3A_150 : memref<48x128xf32, #tpu.memory_space<vmem_shared>>)
    %mul3A_151 = arith.constant 624 : i32
    %mul3A_152 = arith.muli %arg1, %mul3A_151 : i32
    %dma_wait3A_153 = arith.constant 0 : i32
    %dma_wait3A_154 = tpu.memref_slice %arg14[%mul3A_152, %dma_wait3A_153] : memref<10000x128xf32, #tpu.memory_space<vmem_shared>> -> memref<48x128xf32, #tpu.memory_space<vmem_shared>>
    %dma_wait3A_155 = arith.constant 0 : i32
    %dma_wait3A_156 = tpu.memref_slice %arg14[%mul3A_152, %dma_wait3A_155] : memref<10000x128xf32, #tpu.memory_space<vmem_shared>> -> memref<48x128xf32, #tpu.memory_space<vmem_shared>>
    tpu.wait_dma2 semaphore(%arg24 : memref<!tpu.dma_semaphore, #tpu.memory_space<semaphore_mem>>) src(%arg13 : memref<48x128xf32, #tpu.memory_space<vmem>>) dst(%dma_wait3A_156 : memref<48x128xf32, #tpu.memory_space<vmem_shared>>)
    %mul3A_157 = arith.constant 624 : i32
    %mul3A_158 = arith.muli %arg1, %mul3A_157 : i32
    %dma_wait3A_159 = arith.constant 0 : i32
    %dma_wait3A_160 = tpu.memref_slice %arg14[%mul3A_158, %dma_wait3A_159] : memref<10000x128xf32, #tpu.memory_space<vmem_shared>> -> memref<48x128xf32, #tpu.memory_space<vmem_shared>>
    %dma_wait3A_161 = arith.constant 0 : i32
    %dma_wait3A_162 = tpu.memref_slice %arg14[%mul3A_158, %dma_wait3A_161] : memref<10000x128xf32, #tpu.memory_space<vmem_shared>> -> memref<48x128xf32, #tpu.memory_space<vmem_shared>>
    tpu.wait_dma2 semaphore(%arg24 : memref<!tpu.dma_semaphore, #tpu.memory_space<semaphore_mem>>) src(%arg13 : memref<48x128xf32, #tpu.memory_space<vmem>>) dst(%dma_wait3A_162 : memref<48x128xf32, #tpu.memory_space<vmem_shared>>)
    %mul3A_163 = arith.constant 624 : i32
    %mul3A_164 = arith.muli %arg1, %mul3A_163 : i32
    %dma_wait3A_165 = arith.constant 0 : i32
    %dma_wait3A_166 = tpu.memref_slice %arg14[%mul3A_164, %dma_wait3A_165] : memref<10000x128xf32, #tpu.memory_space<vmem_shared>> -> memref<48x128xf32, #tpu.memory_space<vmem_shared>>
    %dma_wait3A_167 = arith.constant 0 : i32
    %dma_wait3A_168 = tpu.memref_slice %arg14[%mul3A_164, %dma_wait3A_167] : memref<10000x128xf32, #tpu.memory_space<vmem_shared>> -> memref<48x128xf32, #tpu.memory_space<vmem_shared>>
    tpu.wait_dma2 semaphore(%arg24 : memref<!tpu.dma_semaphore, #tpu.memory_space<semaphore_mem>>) src(%arg13 : memref<48x128xf32, #tpu.memory_space<vmem>>) dst(%dma_wait3A_168 : memref<48x128xf32, #tpu.memory_space<vmem_shared>>)
    %mul3A_169 = arith.constant 624 : i32
    %mul3A_170 = arith.muli %arg1, %mul3A_169 : i32
    %dma_wait3A_171 = arith.constant 0 : i32
    %dma_wait3A_172 = tpu.memref_slice %arg14[%mul3A_170, %dma_wait3A_171] : memref<10000x128xf32, #tpu.memory_space<vmem_shared>> -> memref<48x128xf32, #tpu.memory_space<vmem_shared>>
    %dma_wait3A_173 = arith.constant 0 : i32
    %dma_wait3A_174 = tpu.memref_slice %arg14[%mul3A_170, %dma_wait3A_173] : memref<10000x128xf32, #tpu.memory_space<vmem_shared>> -> memref<48x128xf32, #tpu.memory_space<vmem_shared>>
    tpu.wait_dma2 semaphore(%arg24 : memref<!tpu.dma_semaphore, #tpu.memory_space<semaphore_mem>>) src(%arg13 : memref<48x128xf32, #tpu.memory_space<vmem>>) dst(%dma_wait3A_174 : memref<48x128xf32, #tpu.memory_space<vmem_shared>>)
    %mul3A_175 = arith.constant 624 : i32
    %mul3A_176 = arith.muli %arg1, %mul3A_175 : i32
    %dma_wait3A_177 = arith.constant 0 : i32
    %dma_wait3A_178 = tpu.memref_slice %arg14[%mul3A_176, %dma_wait3A_177] : memref<10000x128xf32, #tpu.memory_space<vmem_shared>> -> memref<48x128xf32, #tpu.memory_space<vmem_shared>>
    %dma_wait3A_179 = arith.constant 0 : i32
    %dma_wait3A_180 = tpu.memref_slice %arg14[%mul3A_176, %dma_wait3A_179] : memref<10000x128xf32, #tpu.memory_space<vmem_shared>> -> memref<48x128xf32, #tpu.memory_space<vmem_shared>>
    tpu.wait_dma2 semaphore(%arg24 : memref<!tpu.dma_semaphore, #tpu.memory_space<semaphore_mem>>) src(%arg13 : memref<48x128xf32, #tpu.memory_space<vmem>>) dst(%dma_wait3A_180 : memref<48x128xf32, #tpu.memory_space<vmem_shared>>)
    %mul3A_181 = arith.constant 624 : i32
    %mul3A_182 = arith.muli %arg1, %mul3A_181 : i32
    %dma_wait3A_183 = arith.constant 0 : i32
    %dma_wait3A_184 = tpu.memref_slice %arg14[%mul3A_182, %dma_wait3A_183] : memref<10000x128xf32, #tpu.memory_space<vmem_shared>> -> memref<48x128xf32, #tpu.memory_space<vmem_shared>>
    %dma_wait3A_185 = arith.constant 0 : i32
    %dma_wait3A_186 = tpu.memref_slice %arg14[%mul3A_182, %dma_wait3A_185] : memref<10000x128xf32, #tpu.memory_space<vmem_shared>> -> memref<48x128xf32, #tpu.memory_space<vmem_shared>>
    tpu.wait_dma2 semaphore(%arg24 : memref<!tpu.dma_semaphore, #tpu.memory_space<semaphore_mem>>) src(%arg13 : memref<48x128xf32, #tpu.memory_space<vmem>>) dst(%dma_wait3A_186 : memref<48x128xf32, #tpu.memory_space<vmem_shared>>)
    %mul3A_187 = arith.constant 624 : i32
    %mul3A_188 = arith.muli %arg1, %mul3A_187 : i32
    %dma_wait3A_189 = arith.constant 0 : i32
    %dma_wait3A_190 = tpu.memref_slice %arg14[%mul3A_188, %dma_wait3A_189] : memref<10000x128xf32, #tpu.memory_space<vmem_shared>> -> memref<48x128xf32, #tpu.memory_space<vmem_shared>>
    %dma_wait3A_191 = arith.constant 0 : i32
    %dma_wait3A_192 = tpu.memref_slice %arg14[%mul3A_188, %dma_wait3A_191] : memref<10000x128xf32, #tpu.memory_space<vmem_shared>> -> memref<48x128xf32, #tpu.memory_space<vmem_shared>>
    tpu.wait_dma2 semaphore(%arg24 : memref<!tpu.dma_semaphore, #tpu.memory_space<semaphore_mem>>) src(%arg13 : memref<48x128xf32, #tpu.memory_space<vmem>>) dst(%dma_wait3A_192 : memref<48x128xf32, #tpu.memory_space<vmem_shared>>)
    %mul3A_193 = arith.constant 624 : i32
    %mul3A_194 = arith.muli %arg1, %mul3A_193 : i32
    %dma_wait3A_195 = arith.constant 0 : i32
    %dma_wait3A_196 = tpu.memref_slice %arg14[%mul3A_194, %dma_wait3A_195] : memref<10000x128xf32, #tpu.memory_space<vmem_shared>> -> memref<48x128xf32, #tpu.memory_space<vmem_shared>>
    %dma_wait3A_197 = arith.constant 0 : i32
    %dma_wait3A_198 = tpu.memref_slice %arg14[%mul3A_194, %dma_wait3A_197] : memref<10000x128xf32, #tpu.memory_space<vmem_shared>> -> memref<48x128xf32, #tpu.memory_space<vmem_shared>>
    tpu.wait_dma2 semaphore(%arg24 : memref<!tpu.dma_semaphore, #tpu.memory_space<semaphore_mem>>) src(%arg13 : memref<48x128xf32, #tpu.memory_space<vmem>>) dst(%dma_wait3A_198 : memref<48x128xf32, #tpu.memory_space<vmem_shared>>)
    %mul3A_199 = arith.constant 624 : i32
    %mul3A_200 = arith.muli %arg1, %mul3A_199 : i32
    %dma_wait3A_201 = arith.constant 0 : i32
    %dma_wait3A_202 = tpu.memref_slice %arg14[%mul3A_200, %dma_wait3A_201] : memref<10000x128xf32, #tpu.memory_space<vmem_shared>> -> memref<48x128xf32, #tpu.memory_space<vmem_shared>>
    %dma_wait3A_203 = arith.constant 0 : i32
    %dma_wait3A_204 = tpu.memref_slice %arg14[%mul3A_200, %dma_wait3A_203] : memref<10000x128xf32, #tpu.memory_space<vmem_shared>> -> memref<48x128xf32, #tpu.memory_space<vmem_shared>>
    tpu.wait_dma2 semaphore(%arg24 : memref<!tpu.dma_semaphore, #tpu.memory_space<semaphore_mem>>) src(%arg13 : memref<48x128xf32, #tpu.memory_space<vmem>>) dst(%dma_wait3A_204 : memref<48x128xf32, #tpu.memory_space<vmem_shared>>)
    %eq3A = arith.constant 0 : i32
    %eq3A_205 = arith.cmpi eq, %arg1, %eq3A : i32
    %convert_element_type3A = arith.extui %eq3A_205 : i1 to i32
    %cond3A = arith.constant 0 : i32
    %cond3A_206 = arith.cmpi ne, %convert_element_type3A, %cond3A : i32
    scf.if %cond3A_206 {
      %dma_start3A_314 = arith.constant 0 : i32
      %dma_start3A_315 = arith.constant 0 : i32
      %dma_start3A_316 = tpu.memref_slice %arg13[%dma_start3A_314, %dma_start3A_315] : memref<48x128xf32, #tpu.memory_space<vmem>> -> memref<16x128xf32, #tpu.memory_space<vmem>>
      %dma_start3A_317 = arith.constant 9984 : i32
      %dma_start3A_318 = arith.constant 0 : i32
      %dma_start3A_319 = tpu.memref_slice %arg14[%dma_start3A_317, %dma_start3A_318] : memref<10000x128xf32, #tpu.memory_space<vmem_shared>> -> memref<16x128xf32, #tpu.memory_space<vmem_shared>>
      %dma_start3A_320 = arith.constant 9984 : i32
      %dma_start3A_321 = arith.constant 0 : i32
      %dma_start3A_322 = tpu.memref_slice %arg14[%dma_start3A_320, %dma_start3A_321] : memref<10000x128xf32, #tpu.memory_space<vmem_shared>> -> memref<16x128xf32, #tpu.memory_space<vmem_shared>>
      %dma_start3A_323 = arith.constant 0 : i32
      %dma_start3A_324 = arith.constant 0 : i32
      %dma_start3A_325 = tpu.memref_slice %arg13[%dma_start3A_323, %dma_start3A_324] : memref<48x128xf32, #tpu.memory_space<vmem>> -> memref<16x128xf32, #tpu.memory_space<vmem>>
      tpu.enqueue_dma source(%dma_start3A_325 : memref<16x128xf32, #tpu.memory_space<vmem>>) target(%dma_start3A_322 : memref<16x128xf32, #tpu.memory_space<vmem_shared>>) target_semaphore(%arg24 : memref<!tpu.dma_semaphore, #tpu.memory_space<semaphore_mem>>)
      %dma_wait3A_326 = arith.constant 0 : i32
      %dma_wait3A_327 = arith.constant 0 : i32
      %dma_wait3A_328 = tpu.memref_slice %arg13[%dma_wait3A_326, %dma_wait3A_327] : memref<48x128xf32, #tpu.memory_space<vmem>> -> memref<16x128xf32, #tpu.memory_space<vmem>>
      %dma_wait3A_329 = arith.constant 9984 : i32
      %dma_wait3A_330 = arith.constant 0 : i32
      %dma_wait3A_331 = tpu.memref_slice %arg14[%dma_wait3A_329, %dma_wait3A_330] : memref<10000x128xf32, #tpu.memory_space<vmem_shared>> -> memref<16x128xf32, #tpu.memory_space<vmem_shared>>
      %dma_wait3A_332 = arith.constant 9984 : i32
      %dma_wait3A_333 = arith.constant 0 : i32
      %dma_wait3A_334 = tpu.memref_slice %arg14[%dma_wait3A_332, %dma_wait3A_333] : memref<10000x128xf32, #tpu.memory_space<vmem_shared>> -> memref<16x128xf32, #tpu.memory_space<vmem_shared>>
      %dma_wait3A_335 = arith.constant 0 : i32
      %dma_wait3A_336 = arith.constant 0 : i32
      %dma_wait3A_337 = tpu.memref_slice %arg13[%dma_wait3A_335, %dma_wait3A_336] : memref<48x128xf32, #tpu.memory_space<vmem>> -> memref<16x128xf32, #tpu.memory_space<vmem>>
      tpu.wait_dma2 semaphore(%arg24 : memref<!tpu.dma_semaphore, #tpu.memory_space<semaphore_mem>>) src(%dma_wait3A_337 : memref<16x128xf32, #tpu.memory_space<vmem>>) dst(%dma_wait3A_334 : memref<16x128xf32, #tpu.memory_space<vmem_shared>>)
    } else {
    }
    %barrier3A = arith.constant 0 : index
    tpu.barrier barrier_id(%barrier3A)
    %dma_wait3A_207 = arith.constant 0 : i32
    %dma_wait3A_208 = tpu.memref_slice %arg6[%dma_wait3A_207] : memref<10000xi32, #tpu.memory_space<vmem>> -> memref<80xi32, #tpu.memory_space<vmem>>
    %dma_wait3A_209 = arith.constant 0 : i32
    %dma_wait3A_210 = arith.constant 0 : i32
    %dma_wait3A_211 = tpu.memref_slice %arg2[%dma_wait3A_209, %dma_wait3A_210] : memref<10000x128xf32, #tpu.memory_space<hbm>> -> memref<10000x128xf32, #tpu.memory_space<hbm>>
    tpu.wait_indirect_dma semaphore(%arg15 : memref<!tpu.dma_semaphore, #tpu.memory_space<semaphore_mem>>) src(%dma_wait3A_211 : memref<10000x128xf32, #tpu.memory_space<hbm>>) dst(%arg10 : memref<80x128xf32, #tpu.memory_space<vmem>>)
    %add3A_212 = arith.constant 160 : i32
    %add3A_213 = arith.addi %mul3A_2, %add3A_212 : i32
    %dma_start3A_214 = tpu.memref_slice %arg4[%add3A_213] : memref<320000xi32, #tpu.memory_space<hbm>> -> memref<80xi32, #tpu.memory_space<hbm>>
    %dma_start3A_215 = tpu.memref_slice %arg4[%add3A_213] : memref<320000xi32, #tpu.memory_space<hbm>> -> memref<80xi32, #tpu.memory_space<hbm>>
    tpu.enqueue_dma source(%dma_start3A_215 : memref<80xi32, #tpu.memory_space<hbm>>) target(%arg9 : memref<80xi32, #tpu.memory_space<vmem>>) target_semaphore(%arg23 : memref<!tpu.dma_semaphore, #tpu.memory_space<semaphore_mem>>)
    %dma_start3A_216 = arith.constant 160 : i32
    %dma_start3A_217 = tpu.memref_slice %arg6[%dma_start3A_216] : memref<10000xi32, #tpu.memory_space<vmem>> -> memref<80xi32, #tpu.memory_space<vmem>>
    %dma_start3A_218 = arith.constant 0 : i32
    %dma_start3A_219 = arith.constant 0 : i32
    %dma_start3A_220 = tpu.memref_slice %arg2[%dma_start3A_218, %dma_start3A_219] : memref<10000x128xf32, #tpu.memory_space<hbm>> -> memref<10000x128xf32, #tpu.memory_space<hbm>>
    tpu.enqueue_indirect_dma source(%dma_start3A_220 : memref<10000x128xf32, #tpu.memory_space<hbm>>) target(%arg12 : memref<80x128xf32, #tpu.memory_space<vmem>>) offsets(%dma_start3A_217 : memref<80xi32, #tpu.memory_space<vmem>>) semaphore(%arg17 : memref<!tpu.dma_semaphore, #tpu.memory_space<semaphore_mem>>)
    %dma_wait3A_221 = tpu.memref_slice %arg4[%mul3A_2] : memref<320000xi32, #tpu.memory_space<hbm>> -> memref<80xi32, #tpu.memory_space<hbm>>
    %dma_wait3A_222 = tpu.memref_slice %arg4[%mul3A_2] : memref<320000xi32, #tpu.memory_space<hbm>> -> memref<80xi32, #tpu.memory_space<hbm>>
    tpu.wait_dma2 semaphore(%arg21 : memref<!tpu.dma_semaphore, #tpu.memory_space<semaphore_mem>>) src(%dma_wait3A_222 : memref<80xi32, #tpu.memory_space<hbm>>) dst(%arg7 : memref<80xi32, #tpu.memory_space<vmem>>)
    %dma_start3A_223 = arith.constant 0 : i32
    %dma_start3A_224 = arith.constant 0 : i32
    %dma_start3A_225 = tpu.memref_slice %arg14[%dma_start3A_223, %dma_start3A_224] : memref<10000x128xf32, #tpu.memory_space<vmem_shared>> -> memref<10000x128xf32, #tpu.memory_space<vmem_shared>>
    tpu.enqueue_indirect_dma source(%arg10 : memref<80x128xf32, #tpu.memory_space<vmem>>) target(%dma_start3A_225 : memref<10000x128xf32, #tpu.memory_space<vmem_shared>>) offsets(%arg7 : memref<80xi32, #tpu.memory_space<vmem>>) semaphore(%arg18 : memref<!tpu.dma_semaphore, #tpu.memory_space<semaphore_mem>>) {add = true}
    %dma_wait3A_226 = arith.constant 0 : i32
    %dma_wait3A_227 = tpu.memref_slice %arg6[%dma_wait3A_226] : memref<10000xi32, #tpu.memory_space<vmem>> -> memref<80xi32, #tpu.memory_space<vmem>>
    %dma_wait3A_228 = arith.constant 0 : i32
    %dma_wait3A_229 = arith.constant 0 : i32
    %dma_wait3A_230 = tpu.memref_slice %arg2[%dma_wait3A_228, %dma_wait3A_229] : memref<10000x128xf32, #tpu.memory_space<hbm>> -> memref<10000x128xf32, #tpu.memory_space<hbm>>
    tpu.wait_indirect_dma semaphore(%arg16 : memref<!tpu.dma_semaphore, #tpu.memory_space<semaphore_mem>>) src(%dma_wait3A_230 : memref<10000x128xf32, #tpu.memory_space<hbm>>) dst(%arg11 : memref<80x128xf32, #tpu.memory_space<vmem>>)
    %dma_wait3A_231 = arith.constant 0 : i32
    %dma_wait3A_232 = arith.constant 0 : i32
    %dma_wait3A_233 = tpu.memref_slice %arg14[%dma_wait3A_231, %dma_wait3A_232] : memref<10000x128xf32, #tpu.memory_space<vmem_shared>> -> memref<10000x128xf32, #tpu.memory_space<vmem_shared>>
    tpu.wait_indirect_dma semaphore(%arg18 : memref<!tpu.dma_semaphore, #tpu.memory_space<semaphore_mem>>) src(%arg10 : memref<80x128xf32, #tpu.memory_space<vmem>>) dst(%dma_wait3A_233 : memref<10000x128xf32, #tpu.memory_space<vmem_shared>>)
    %add3A_234 = arith.constant 240 : i32
    %add3A_235 = arith.addi %mul3A_2, %add3A_234 : i32
    %dma_start3A_236 = tpu.memref_slice %arg4[%add3A_235] : memref<320000xi32, #tpu.memory_space<hbm>> -> memref<80xi32, #tpu.memory_space<hbm>>
    %dma_start3A_237 = tpu.memref_slice %arg4[%add3A_235] : memref<320000xi32, #tpu.memory_space<hbm>> -> memref<80xi32, #tpu.memory_space<hbm>>
    tpu.enqueue_dma source(%dma_start3A_237 : memref<80xi32, #tpu.memory_space<hbm>>) target(%arg7 : memref<80xi32, #tpu.memory_space<vmem>>) target_semaphore(%arg21 : memref<!tpu.dma_semaphore, #tpu.memory_space<semaphore_mem>>)
    %dma_start3A_238 = arith.constant 240 : i32
    %dma_start3A_239 = tpu.memref_slice %arg6[%dma_start3A_238] : memref<10000xi32, #tpu.memory_space<vmem>> -> memref<80xi32, #tpu.memory_space<vmem>>
    %dma_start3A_240 = arith.constant 0 : i32
    %dma_start3A_241 = arith.constant 0 : i32
    %dma_start3A_242 = tpu.memref_slice %arg2[%dma_start3A_240, %dma_start3A_241] : memref<10000x128xf32, #tpu.memory_space<hbm>> -> memref<10000x128xf32, #tpu.memory_space<hbm>>
    tpu.enqueue_indirect_dma source(%dma_start3A_242 : memref<10000x128xf32, #tpu.memory_space<hbm>>) target(%arg10 : memref<80x128xf32, #tpu.memory_space<vmem>>) offsets(%dma_start3A_239 : memref<80xi32, #tpu.memory_space<vmem>>) semaphore(%arg15 : memref<!tpu.dma_semaphore, #tpu.memory_space<semaphore_mem>>)
    %dma_wait3A_243 = tpu.memref_slice %arg4[%mul3A_2] : memref<320000xi32, #tpu.memory_space<hbm>> -> memref<80xi32, #tpu.memory_space<hbm>>
    %dma_wait3A_244 = tpu.memref_slice %arg4[%mul3A_2] : memref<320000xi32, #tpu.memory_space<hbm>> -> memref<80xi32, #tpu.memory_space<hbm>>
    tpu.wait_dma2 semaphore(%arg22 : memref<!tpu.dma_semaphore, #tpu.memory_space<semaphore_mem>>) src(%dma_wait3A_244 : memref<80xi32, #tpu.memory_space<hbm>>) dst(%arg8 : memref<80xi32, #tpu.memory_space<vmem>>)
    %dma_start3A_245 = arith.constant 0 : i32
    %dma_start3A_246 = arith.constant 0 : i32
    %dma_start3A_247 = tpu.memref_slice %arg14[%dma_start3A_245, %dma_start3A_246] : memref<10000x128xf32, #tpu.memory_space<vmem_shared>> -> memref<10000x128xf32, #tpu.memory_space<vmem_shared>>
    tpu.enqueue_indirect_dma source(%arg11 : memref<80x128xf32, #tpu.memory_space<vmem>>) target(%dma_start3A_247 : memref<10000x128xf32, #tpu.memory_space<vmem_shared>>) offsets(%arg8 : memref<80xi32, #tpu.memory_space<vmem>>) semaphore(%arg19 : memref<!tpu.dma_semaphore, #tpu.memory_space<semaphore_mem>>) {add = true}
    %dma_wait3A_248 = arith.constant 0 : i32
    %dma_wait3A_249 = tpu.memref_slice %arg6[%dma_wait3A_248] : memref<10000xi32, #tpu.memory_space<vmem>> -> memref<80xi32, #tpu.memory_space<vmem>>
    %dma_wait3A_250 = arith.constant 0 : i32
    %dma_wait3A_251 = arith.constant 0 : i32
    %dma_wait3A_252 = tpu.memref_slice %arg2[%dma_wait3A_250, %dma_wait3A_251] : memref<10000x128xf32, #tpu.memory_space<hbm>> -> memref<10000x128xf32, #tpu.memory_space<hbm>>
    tpu.wait_indirect_dma semaphore(%arg17 : memref<!tpu.dma_semaphore, #tpu.memory_space<semaphore_mem>>) src(%dma_wait3A_252 : memref<10000x128xf32, #tpu.memory_space<hbm>>) dst(%arg12 : memref<80x128xf32, #tpu.memory_space<vmem>>)
    %dma_wait3A_253 = arith.constant 0 : i32
    %dma_wait3A_254 = arith.constant 0 : i32
    %dma_wait3A_255 = tpu.memref_slice %arg14[%dma_wait3A_253, %dma_wait3A_254] : memref<10000x128xf32, #tpu.memory_space<vmem_shared>> -> memref<10000x128xf32, #tpu.memory_space<vmem_shared>>
    tpu.wait_indirect_dma semaphore(%arg19 : memref<!tpu.dma_semaphore, #tpu.memory_space<semaphore_mem>>) src(%arg11 : memref<80x128xf32, #tpu.memory_space<vmem>>) dst(%dma_wait3A_255 : memref<10000x128xf32, #tpu.memory_space<vmem_shared>>)
    %add3A_256 = arith.constant 320 : i32
    %add3A_257 = arith.addi %mul3A_2, %add3A_256 : i32
    %dma_start3A_258 = tpu.memref_slice %arg4[%add3A_257] : memref<320000xi32, #tpu.memory_space<hbm>> -> memref<80xi32, #tpu.memory_space<hbm>>
    %dma_start3A_259 = tpu.memref_slice %arg4[%add3A_257] : memref<320000xi32, #tpu.memory_space<hbm>> -> memref<80xi32, #tpu.memory_space<hbm>>
    tpu.enqueue_dma source(%dma_start3A_259 : memref<80xi32, #tpu.memory_space<hbm>>) target(%arg8 : memref<80xi32, #tpu.memory_space<vmem>>) target_semaphore(%arg22 : memref<!tpu.dma_semaphore, #tpu.memory_space<semaphore_mem>>)
    %dma_start3A_260 = arith.constant 320 : i32
    %dma_start3A_261 = tpu.memref_slice %arg6[%dma_start3A_260] : memref<10000xi32, #tpu.memory_space<vmem>> -> memref<80xi32, #tpu.memory_space<vmem>>
    %dma_start3A_262 = arith.constant 0 : i32
    %dma_start3A_263 = arith.constant 0 : i32
    %dma_start3A_264 = tpu.memref_slice %arg2[%dma_start3A_262, %dma_start3A_263] : memref<10000x128xf32, #tpu.memory_space<hbm>> -> memref<10000x128xf32, #tpu.memory_space<hbm>>
    tpu.enqueue_indirect_dma source(%dma_start3A_264 : memref<10000x128xf32, #tpu.memory_space<hbm>>) target(%arg11 : memref<80x128xf32, #tpu.memory_space<vmem>>) offsets(%dma_start3A_261 : memref<80xi32, #tpu.memory_space<vmem>>) semaphore(%arg16 : memref<!tpu.dma_semaphore, #tpu.memory_space<semaphore_mem>>)
    %dma_wait3A_265 = tpu.memref_slice %arg4[%mul3A_2] : memref<320000xi32, #tpu.memory_space<hbm>> -> memref<80xi32, #tpu.memory_space<hbm>>
    %dma_wait3A_266 = tpu.memref_slice %arg4[%mul3A_2] : memref<320000xi32, #tpu.memory_space<hbm>> -> memref<80xi32, #tpu.memory_space<hbm>>
    tpu.wait_dma2 semaphore(%arg23 : memref<!tpu.dma_semaphore, #tpu.memory_space<semaphore_mem>>) src(%dma_wait3A_266 : memref<80xi32, #tpu.memory_space<hbm>>) dst(%arg9 : memref<80xi32, #tpu.memory_space<vmem>>)
    %dma_start3A_267 = arith.constant 0 : i32
    %dma_start3A_268 = arith.constant 0 : i32
    %dma_start3A_269 = tpu.memref_slice %arg14[%dma_start3A_267, %dma_start3A_268] : memref<10000x128xf32, #tpu.memory_space<vmem_shared>> -> memref<10000x128xf32, #tpu.memory_space<vmem_shared>>
    tpu.enqueue_indirect_dma source(%arg12 : memref<80x128xf32, #tpu.memory_space<vmem>>) target(%dma_start3A_269 : memref<10000x128xf32, #tpu.memory_space<vmem_shared>>) offsets(%arg9 : memref<80xi32, #tpu.memory_space<vmem>>) semaphore(%arg20 : memref<!tpu.dma_semaphore, #tpu.memory_space<semaphore_mem>>) {add = true}
    %scan3A_270 = arith.constant 0 : i32
    %scan3A_271 = arith.constant 40 : i32
    %scan3A_272 = arith.addi %scan3A_270, %scan3A_271 : i32
    %scan3A_273 = arith.constant 1 : i32
    scf.for %scan3A_314 = %scan3A_270 to %scan3A_272 step %scan3A_273  : i32 {
      %mul3A_315 = arith.constant 1 : i32
      %mul3A_316 = arith.muli %scan3A_314, %mul3A_315 : i32
      %add3A_317 = arith.constant 0 : i32
      %add3A_318 = arith.addi %add3A_317, %mul3A_316 : i32
      %mul3A_319 = arith.constant 3 : i32
      %mul3A_320 = arith.muli %mul3A_319, %add3A_318 : i32
      %add3A_321 = arith.constant 3 : i32
      %add3A_322 = arith.addi %add3A_321, %mul3A_320 : i32
      %add3A_323 = arith.constant 0 : i32
      %add3A_324 = arith.addi %add3A_322, %add3A_323 : i32
      %dma_wait3A_325 = arith.constant 0 : i32
      %dma_wait3A_326 = tpu.memref_slice %arg6[%dma_wait3A_325] : memref<10000xi32, #tpu.memory_space<vmem>> -> memref<80xi32, #tpu.memory_space<vmem>>
      %dma_wait3A_327 = arith.constant 0 : i32
      %dma_wait3A_328 = arith.constant 0 : i32
      %dma_wait3A_329 = tpu.memref_slice %arg2[%dma_wait3A_327, %dma_wait3A_328] : memref<10000x128xf32, #tpu.memory_space<hbm>> -> memref<10000x128xf32, #tpu.memory_space<hbm>>
      tpu.wait_indirect_dma semaphore(%arg15 : memref<!tpu.dma_semaphore, #tpu.memory_space<semaphore_mem>>) src(%dma_wait3A_329 : memref<10000x128xf32, #tpu.memory_space<hbm>>) dst(%arg10 : memref<80x128xf32, #tpu.memory_space<vmem>>)
      %dma_wait3A_330 = arith.constant 0 : i32
      %dma_wait3A_331 = arith.constant 0 : i32
      %dma_wait3A_332 = tpu.memref_slice %arg14[%dma_wait3A_330, %dma_wait3A_331] : memref<10000x128xf32, #tpu.memory_space<vmem_shared>> -> memref<10000x128xf32, #tpu.memory_space<vmem_shared>>
      tpu.wait_indirect_dma semaphore(%arg20 : memref<!tpu.dma_semaphore, #tpu.memory_space<semaphore_mem>>) src(%arg12 : memref<80x128xf32, #tpu.memory_space<vmem>>) dst(%dma_wait3A_332 : memref<10000x128xf32, #tpu.memory_space<vmem_shared>>)
      %add3A_333 = arith.constant 2 : i32
      %add3A_334 = arith.addi %add3A_324, %add3A_333 : i32
      %mul3A_335 = arith.constant 80 : i32
      %mul3A_336 = arith.muli %add3A_334, %mul3A_335 : i32
      %add3A_337 = arith.addi %mul3A_2, %mul3A_336 : i32
      %dma_start3A_338 = tpu.memref_slice %arg4[%add3A_337] : memref<320000xi32, #tpu.memory_space<hbm>> -> memref<80xi32, #tpu.memory_space<hbm>>
      %dma_start3A_339 = tpu.memref_slice %arg4[%add3A_337] : memref<320000xi32, #tpu.memory_space<hbm>> -> memref<80xi32, #tpu.memory_space<hbm>>
      tpu.enqueue_dma source(%dma_start3A_339 : memref<80xi32, #tpu.memory_space<hbm>>) target(%arg9 : memref<80xi32, #tpu.memory_space<vmem>>) target_semaphore(%arg23 : memref<!tpu.dma_semaphore, #tpu.memory_space<semaphore_mem>>)
      %add3A_340 = arith.constant 2 : i32
      %add3A_341 = arith.addi %add3A_324, %add3A_340 : i32
      %mul3A_342 = arith.constant 80 : i32
      %mul3A_343 = arith.muli %add3A_341, %mul3A_342 : i32
      %dma_start3A_344 = tpu.memref_slice %arg6[%mul3A_343] : memref<10000xi32, #tpu.memory_space<vmem>> -> memref<80xi32, #tpu.memory_space<vmem>>
      %dma_start3A_345 = arith.constant 0 : i32
      %dma_start3A_346 = arith.constant 0 : i32
      %dma_start3A_347 = tpu.memref_slice %arg2[%dma_start3A_345, %dma_start3A_346] : memref<10000x128xf32, #tpu.memory_space<hbm>> -> memref<10000x128xf32, #tpu.memory_space<hbm>>
      tpu.enqueue_indirect_dma source(%dma_start3A_347 : memref<10000x128xf32, #tpu.memory_space<hbm>>) target(%arg12 : memref<80x128xf32, #tpu.memory_space<vmem>>) offsets(%dma_start3A_344 : memref<80xi32, #tpu.memory_space<vmem>>) semaphore(%arg17 : memref<!tpu.dma_semaphore, #tpu.memory_space<semaphore_mem>>)
      %dma_wait3A_348 = tpu.memref_slice %arg4[%mul3A_2] : memref<320000xi32, #tpu.memory_space<hbm>> -> memref<80xi32, #tpu.memory_space<hbm>>
      %dma_wait3A_349 = tpu.memref_slice %arg4[%mul3A_2] : memref<320000xi32, #tpu.memory_space<hbm>> -> memref<80xi32, #tpu.memory_space<hbm>>
      tpu.wait_dma2 semaphore(%arg21 : memref<!tpu.dma_semaphore, #tpu.memory_space<semaphore_mem>>) src(%dma_wait3A_349 : memref<80xi32, #tpu.memory_space<hbm>>) dst(%arg7 : memref<80xi32, #tpu.memory_space<vmem>>)
      %dma_start3A_350 = arith.constant 0 : i32
      %dma_start3A_351 = arith.constant 0 : i32
      %dma_start3A_352 = tpu.memref_slice %arg14[%dma_start3A_350, %dma_start3A_351] : memref<10000x128xf32, #tpu.memory_space<vmem_shared>> -> memref<10000x128xf32, #tpu.memory_space<vmem_shared>>
      tpu.enqueue_indirect_dma source(%arg10 : memref<80x128xf32, #tpu.memory_space<vmem>>) target(%dma_start3A_352 : memref<10000x128xf32, #tpu.memory_space<vmem_shared>>) offsets(%arg7 : memref<80xi32, #tpu.memory_space<vmem>>) semaphore(%arg18 : memref<!tpu.dma_semaphore, #tpu.memory_space<semaphore_mem>>) {add = true}
      %add3A_353 = arith.constant 1 : i32
      %add3A_354 = arith.addi %add3A_322, %add3A_353 : i32
      %dma_wait3A_355 = arith.constant 0 : i32
      %dma_wait3A_356 = tpu.memref_slice %arg6[%dma_wait3A_355] : memref<10000xi32, #tpu.memory_space<vmem>> -> memref<80xi32, #tpu.memory_space<vmem>>
      %dma_wait3A_357 = arith.constant 0 : i32
      %dma_wait3A_358 = arith.constant 0 : i32
      %dma_wait3A_359 = tpu.memref_slice %arg2[%dma_wait3A_357, %dma_wait3A_358] : memref<10000x128xf32, #tpu.memory_space<hbm>> -> memref<10000x128xf32, #tpu.memory_space<hbm>>
      tpu.wait_indirect_dma semaphore(%arg16 : memref<!tpu.dma_semaphore, #tpu.memory_space<semaphore_mem>>) src(%dma_wait3A_359 : memref<10000x128xf32, #tpu.memory_space<hbm>>) dst(%arg11 : memref<80x128xf32, #tpu.memory_space<vmem>>)
      %dma_wait3A_360 = arith.constant 0 : i32
      %dma_wait3A_361 = arith.constant 0 : i32
      %dma_wait3A_362 = tpu.memref_slice %arg14[%dma_wait3A_360, %dma_wait3A_361] : memref<10000x128xf32, #tpu.memory_space<vmem_shared>> -> memref<10000x128xf32, #tpu.memory_space<vmem_shared>>
      tpu.wait_indirect_dma semaphore(%arg18 : memref<!tpu.dma_semaphore, #tpu.memory_space<semaphore_mem>>) src(%arg10 : memref<80x128xf32, #tpu.memory_space<vmem>>) dst(%dma_wait3A_362 : memref<10000x128xf32, #tpu.memory_space<vmem_shared>>)
      %add3A_363 = arith.constant 2 : i32
      %add3A_364 = arith.addi %add3A_354, %add3A_363 : i32
      %mul3A_365 = arith.constant 80 : i32
      %mul3A_366 = arith.muli %add3A_364, %mul3A_365 : i32
      %add3A_367 = arith.addi %mul3A_2, %mul3A_366 : i32
      %dma_start3A_368 = tpu.memref_slice %arg4[%add3A_367] : memref<320000xi32, #tpu.memory_space<hbm>> -> memref<80xi32, #tpu.memory_space<hbm>>
      %dma_start3A_369 = tpu.memref_slice %arg4[%add3A_367] : memref<320000xi32, #tpu.memory_space<hbm>> -> memref<80xi32, #tpu.memory_space<hbm>>
      tpu.enqueue_dma source(%dma_start3A_369 : memref<80xi32, #tpu.memory_space<hbm>>) target(%arg7 : memref<80xi32, #tpu.memory_space<vmem>>) target_semaphore(%arg21 : memref<!tpu.dma_semaphore, #tpu.memory_space<semaphore_mem>>)
      %add3A_370 = arith.constant 2 : i32
      %add3A_371 = arith.addi %add3A_354, %add3A_370 : i32
      %mul3A_372 = arith.constant 80 : i32
      %mul3A_373 = arith.muli %add3A_371, %mul3A_372 : i32
      %dma_start3A_374 = tpu.memref_slice %arg6[%mul3A_373] : memref<10000xi32, #tpu.memory_space<vmem>> -> memref<80xi32, #tpu.memory_space<vmem>>
      %dma_start3A_375 = arith.constant 0 : i32
      %dma_start3A_376 = arith.constant 0 : i32
      %dma_start3A_377 = tpu.memref_slice %arg2[%dma_start3A_375, %dma_start3A_376] : memref<10000x128xf32, #tpu.memory_space<hbm>> -> memref<10000x128xf32, #tpu.memory_space<hbm>>
      tpu.enqueue_indirect_dma source(%dma_start3A_377 : memref<10000x128xf32, #tpu.memory_space<hbm>>) target(%arg10 : memref<80x128xf32, #tpu.memory_space<vmem>>) offsets(%dma_start3A_374 : memref<80xi32, #tpu.memory_space<vmem>>) semaphore(%arg15 : memref<!tpu.dma_semaphore, #tpu.memory_space<semaphore_mem>>)
      %dma_wait3A_378 = tpu.memref_slice %arg4[%mul3A_2] : memref<320000xi32, #tpu.memory_space<hbm>> -> memref<80xi32, #tpu.memory_space<hbm>>
      %dma_wait3A_379 = tpu.memref_slice %arg4[%mul3A_2] : memref<320000xi32, #tpu.memory_space<hbm>> -> memref<80xi32, #tpu.memory_space<hbm>>
      tpu.wait_dma2 semaphore(%arg22 : memref<!tpu.dma_semaphore, #tpu.memory_space<semaphore_mem>>) src(%dma_wait3A_379 : memref<80xi32, #tpu.memory_space<hbm>>) dst(%arg8 : memref<80xi32, #tpu.memory_space<vmem>>)
      %dma_start3A_380 = arith.constant 0 : i32
      %dma_start3A_381 = arith.constant 0 : i32
      %dma_start3A_382 = tpu.memref_slice %arg14[%dma_start3A_380, %dma_start3A_381] : memref<10000x128xf32, #tpu.memory_space<vmem_shared>> -> memref<10000x128xf32, #tpu.memory_space<vmem_shared>>
      tpu.enqueue_indirect_dma source(%arg11 : memref<80x128xf32, #tpu.memory_space<vmem>>) target(%dma_start3A_382 : memref<10000x128xf32, #tpu.memory_space<vmem_shared>>) offsets(%arg8 : memref<80xi32, #tpu.memory_space<vmem>>) semaphore(%arg19 : memref<!tpu.dma_semaphore, #tpu.memory_space<semaphore_mem>>) {add = true}
      %add3A_383 = arith.constant 2 : i32
      %add3A_384 = arith.addi %add3A_322, %add3A_383 : i32
      %dma_wait3A_385 = arith.constant 0 : i32
      %dma_wait3A_386 = tpu.memref_slice %arg6[%dma_wait3A_385] : memref<10000xi32, #tpu.memory_space<vmem>> -> memref<80xi32, #tpu.memory_space<vmem>>
      %dma_wait3A_387 = arith.constant 0 : i32
      %dma_wait3A_388 = arith.constant 0 : i32
      %dma_wait3A_389 = tpu.memref_slice %arg2[%dma_wait3A_387, %dma_wait3A_388] : memref<10000x128xf32, #tpu.memory_space<hbm>> -> memref<10000x128xf32, #tpu.memory_space<hbm>>
      tpu.wait_indirect_dma semaphore(%arg17 : memref<!tpu.dma_semaphore, #tpu.memory_space<semaphore_mem>>) src(%dma_wait3A_389 : memref<10000x128xf32, #tpu.memory_space<hbm>>) dst(%arg12 : memref<80x128xf32, #tpu.memory_space<vmem>>)
      %dma_wait3A_390 = arith.constant 0 : i32
      %dma_wait3A_391 = arith.constant 0 : i32
      %dma_wait3A_392 = tpu.memref_slice %arg14[%dma_wait3A_390, %dma_wait3A_391] : memref<10000x128xf32, #tpu.memory_space<vmem_shared>> -> memref<10000x128xf32, #tpu.memory_space<vmem_shared>>
      tpu.wait_indirect_dma semaphore(%arg19 : memref<!tpu.dma_semaphore, #tpu.memory_space<semaphore_mem>>) src(%arg11 : memref<80x128xf32, #tpu.memory_space<vmem>>) dst(%dma_wait3A_392 : memref<10000x128xf32, #tpu.memory_space<vmem_shared>>)
      %add3A_393 = arith.constant 2 : i32
      %add3A_394 = arith.addi %add3A_384, %add3A_393 : i32
      %mul3A_395 = arith.constant 80 : i32
      %mul3A_396 = arith.muli %add3A_394, %mul3A_395 : i32
      %add3A_397 = arith.addi %mul3A_2, %mul3A_396 : i32
      %dma_start3A_398 = tpu.memref_slice %arg4[%add3A_397] : memref<320000xi32, #tpu.memory_space<hbm>> -> memref<80xi32, #tpu.memory_space<hbm>>
      %dma_start3A_399 = tpu.memref_slice %arg4[%add3A_397] : memref<320000xi32, #tpu.memory_space<hbm>> -> memref<80xi32, #tpu.memory_space<hbm>>
      tpu.enqueue_dma source(%dma_start3A_399 : memref<80xi32, #tpu.memory_space<hbm>>) target(%arg8 : memref<80xi32, #tpu.memory_space<vmem>>) target_semaphore(%arg22 : memref<!tpu.dma_semaphore, #tpu.memory_space<semaphore_mem>>)
      %add3A_400 = arith.constant 2 : i32
      %add3A_401 = arith.addi %add3A_384, %add3A_400 : i32
      %mul3A_402 = arith.constant 80 : i32
      %mul3A_403 = arith.muli %add3A_401, %mul3A_402 : i32
      %dma_start3A_404 = tpu.memref_slice %arg6[%mul3A_403] : memref<10000xi32, #tpu.memory_space<vmem>> -> memref<80xi32, #tpu.memory_space<vmem>>
      %dma_start3A_405 = arith.constant 0 : i32
      %dma_start3A_406 = arith.constant 0 : i32
      %dma_start3A_407 = tpu.memref_slice %arg2[%dma_start3A_405, %dma_start3A_406] : memref<10000x128xf32, #tpu.memory_space<hbm>> -> memref<10000x128xf32, #tpu.memory_space<hbm>>
      tpu.enqueue_indirect_dma source(%dma_start3A_407 : memref<10000x128xf32, #tpu.memory_space<hbm>>) target(%arg11 : memref<80x128xf32, #tpu.memory_space<vmem>>) offsets(%dma_start3A_404 : memref<80xi32, #tpu.memory_space<vmem>>) semaphore(%arg16 : memref<!tpu.dma_semaphore, #tpu.memory_space<semaphore_mem>>)
      %dma_wait3A_408 = tpu.memref_slice %arg4[%mul3A_2] : memref<320000xi32, #tpu.memory_space<hbm>> -> memref<80xi32, #tpu.memory_space<hbm>>
      %dma_wait3A_409 = tpu.memref_slice %arg4[%mul3A_2] : memref<320000xi32, #tpu.memory_space<hbm>> -> memref<80xi32, #tpu.memory_space<hbm>>
      tpu.wait_dma2 semaphore(%arg23 : memref<!tpu.dma_semaphore, #tpu.memory_space<semaphore_mem>>) src(%dma_wait3A_409 : memref<80xi32, #tpu.memory_space<hbm>>) dst(%arg9 : memref<80xi32, #tpu.memory_space<vmem>>)
      %dma_start3A_410 = arith.constant 0 : i32
      %dma_start3A_411 = arith.constant 0 : i32
      %dma_start3A_412 = tpu.memref_slice %arg14[%dma_start3A_410, %dma_start3A_411] : memref<10000x128xf32, #tpu.memory_space<vmem_shared>> -> memref<10000x128xf32, #tpu.memory_space<vmem_shared>>
      tpu.enqueue_indirect_dma source(%arg12 : memref<80x128xf32, #tpu.memory_space<vmem>>) target(%dma_start3A_412 : memref<10000x128xf32, #tpu.memory_space<vmem_shared>>) offsets(%arg9 : memref<80xi32, #tpu.memory_space<vmem>>) semaphore(%arg20 : memref<!tpu.dma_semaphore, #tpu.memory_space<semaphore_mem>>) {add = true}
    }
    %scan3A_274 = arith.constant 40 : i32
    %dma_wait3A_275 = arith.constant 0 : i32
    %dma_wait3A_276 = tpu.memref_slice %arg6[%dma_wait3A_275] : memref<10000xi32, #tpu.memory_space<vmem>> -> memref<80xi32, #tpu.memory_space<vmem>>
    %dma_wait3A_277 = arith.constant 0 : i32
    %dma_wait3A_278 = arith.constant 0 : i32
    %dma_wait3A_279 = tpu.memref_slice %arg2[%dma_wait3A_277, %dma_wait3A_278] : memref<10000x128xf32, #tpu.memory_space<hbm>> -> memref<10000x128xf32, #tpu.memory_space<hbm>>
    tpu.wait_indirect_dma semaphore(%arg15 : memref<!tpu.dma_semaphore, #tpu.memory_space<semaphore_mem>>) src(%dma_wait3A_279 : memref<10000x128xf32, #tpu.memory_space<hbm>>) dst(%arg10 : memref<80x128xf32, #tpu.memory_space<vmem>>)
    %dma_wait3A_280 = tpu.memref_slice %arg4[%mul3A_2] : memref<320000xi32, #tpu.memory_space<hbm>> -> memref<80xi32, #tpu.memory_space<hbm>>
    %dma_wait3A_281 = tpu.memref_slice %arg4[%mul3A_2] : memref<320000xi32, #tpu.memory_space<hbm>> -> memref<80xi32, #tpu.memory_space<hbm>>
    tpu.wait_dma2 semaphore(%arg21 : memref<!tpu.dma_semaphore, #tpu.memory_space<semaphore_mem>>) src(%dma_wait3A_281 : memref<80xi32, #tpu.memory_space<hbm>>) dst(%arg7 : memref<80xi32, #tpu.memory_space<vmem>>)
    %dma_start3A_282 = arith.constant 0 : i32
    %dma_start3A_283 = arith.constant 0 : i32
    %dma_start3A_284 = tpu.memref_slice %arg14[%dma_start3A_282, %dma_start3A_283] : memref<10000x128xf32, #tpu.memory_space<vmem_shared>> -> memref<10000x128xf32, #tpu.memory_space<vmem_shared>>
    tpu.enqueue_indirect_dma source(%arg10 : memref<80x128xf32, #tpu.memory_space<vmem>>) target(%dma_start3A_284 : memref<10000x128xf32, #tpu.memory_space<vmem_shared>>) offsets(%arg7 : memref<80xi32, #tpu.memory_space<vmem>>) semaphore(%arg18 : memref<!tpu.dma_semaphore, #tpu.memory_space<semaphore_mem>>) {add = true}
    %dma_wait3A_285 = arith.constant 0 : i32
    %dma_wait3A_286 = tpu.memref_slice %arg6[%dma_wait3A_285] : memref<10000xi32, #tpu.memory_space<vmem>> -> memref<80xi32, #tpu.memory_space<vmem>>
    %dma_wait3A_287 = arith.constant 0 : i32
    %dma_wait3A_288 = arith.constant 0 : i32
    %dma_wait3A_289 = tpu.memref_slice %arg2[%dma_wait3A_287, %dma_wait3A_288] : memref<10000x128xf32, #tpu.memory_space<hbm>> -> memref<10000x128xf32, #tpu.memory_space<hbm>>
    tpu.wait_indirect_dma semaphore(%arg16 : memref<!tpu.dma_semaphore, #tpu.memory_space<semaphore_mem>>) src(%dma_wait3A_289 : memref<10000x128xf32, #tpu.memory_space<hbm>>) dst(%arg11 : memref<80x128xf32, #tpu.memory_space<vmem>>)
    %dma_wait3A_290 = tpu.memref_slice %arg4[%mul3A_2] : memref<320000xi32, #tpu.memory_space<hbm>> -> memref<80xi32, #tpu.memory_space<hbm>>
    %dma_wait3A_291 = tpu.memref_slice %arg4[%mul3A_2] : memref<320000xi32, #tpu.memory_space<hbm>> -> memref<80xi32, #tpu.memory_space<hbm>>
    tpu.wait_dma2 semaphore(%arg22 : memref<!tpu.dma_semaphore, #tpu.memory_space<semaphore_mem>>) src(%dma_wait3A_291 : memref<80xi32, #tpu.memory_space<hbm>>) dst(%arg8 : memref<80xi32, #tpu.memory_space<vmem>>)
    %dma_start3A_292 = arith.constant 0 : i32
    %dma_start3A_293 = arith.constant 0 : i32
    %dma_start3A_294 = tpu.memref_slice %arg14[%dma_start3A_292, %dma_start3A_293] : memref<10000x128xf32, #tpu.memory_space<vmem_shared>> -> memref<10000x128xf32, #tpu.memory_space<vmem_shared>>
    tpu.enqueue_indirect_dma source(%arg11 : memref<80x128xf32, #tpu.memory_space<vmem>>) target(%dma_start3A_294 : memref<10000x128xf32, #tpu.memory_space<vmem_shared>>) offsets(%arg8 : memref<80xi32, #tpu.memory_space<vmem>>) semaphore(%arg19 : memref<!tpu.dma_semaphore, #tpu.memory_space<semaphore_mem>>) {add = true}
    %dma_wait3A_295 = arith.constant 0 : i32
    %dma_wait3A_296 = arith.constant 0 : i32
    %dma_wait3A_297 = tpu.memref_slice %arg14[%dma_wait3A_295, %dma_wait3A_296] : memref<10000x128xf32, #tpu.memory_space<vmem_shared>> -> memref<10000x128xf32, #tpu.memory_space<vmem_shared>>
    tpu.wait_indirect_dma semaphore(%arg18 : memref<!tpu.dma_semaphore, #tpu.memory_space<semaphore_mem>>) src(%arg10 : memref<80x128xf32, #tpu.memory_space<vmem>>) dst(%dma_wait3A_297 : memref<10000x128xf32, #tpu.memory_space<vmem_shared>>)
    %dma_wait3A_298 = arith.constant 0 : i32
    %dma_wait3A_299 = arith.constant 0 : i32
    %dma_wait3A_300 = tpu.memref_slice %arg14[%dma_wait3A_298, %dma_wait3A_299] : memref<10000x128xf32, #tpu.memory_space<vmem_shared>> -> memref<10000x128xf32, #tpu.memory_space<vmem_shared>>
    tpu.wait_indirect_dma semaphore(%arg19 : memref<!tpu.dma_semaphore, #tpu.memory_space<semaphore_mem>>) src(%arg11 : memref<80x128xf32, #tpu.memory_space<vmem>>) dst(%dma_wait3A_300 : memref<10000x128xf32, #tpu.memory_space<vmem_shared>>)
    %dma_wait3A_301 = arith.constant 0 : i32
    %dma_wait3A_302 = arith.constant 0 : i32
    %dma_wait3A_303 = tpu.memref_slice %arg14[%dma_wait3A_301, %dma_wait3A_302] : memref<10000x128xf32, #tpu.memory_space<vmem_shared>> -> memref<10000x128xf32, #tpu.memory_space<vmem_shared>>
    tpu.wait_indirect_dma semaphore(%arg20 : memref<!tpu.dma_semaphore, #tpu.memory_space<semaphore_mem>>) src(%arg12 : memref<80x128xf32, #tpu.memory_space<vmem>>) dst(%dma_wait3A_303 : memref<10000x128xf32, #tpu.memory_space<vmem_shared>>)
    %barrier3A_304 = arith.constant 0 : index
    tpu.barrier barrier_id(%barrier3A_304)
    %mul3A_305 = arith.constant 624 : i32
    %mul3A_306 = arith.muli %arg1, %mul3A_305 : i32
    %mul3A_307 = arith.constant 624 : i32
    %mul3A_308 = arith.muli %arg1, %mul3A_307 : i32
    "tpu.region"() ({
      %run_scoped3A = tpu.sem_alloc : memref<!tpu.dma_semaphore, #tpu.memory_space<semaphore_mem>>
      %dma_start3A_314 = arith.constant 0 : i32
      %dma_start3A_315 = tpu.memref_slice %arg5[%arg0, %mul3A_308, %dma_start3A_314] : memref<2x10000x128xf32, #tpu.memory_space<hbm>> -> memref<1x624x128xf32, #tpu.memory_space<hbm>>
      %dma_start3A_316 = tpu.memref_squeeze %dma_start3A_315 : memref<1x624x128xf32, #tpu.memory_space<hbm>> -> memref<624x128xf32, #tpu.memory_space<hbm>>
      %dma_start3A_317 = arith.constant 0 : i32
      %dma_start3A_318 = tpu.memref_slice %arg14[%mul3A_306, %dma_start3A_317] : memref<10000x128xf32, #tpu.memory_space<vmem_shared>> -> memref<624x128xf32, #tpu.memory_space<vmem_shared>>
      tpu.enqueue_dma source(%dma_start3A_318 : memref<624x128xf32, #tpu.memory_space<vmem_shared>>) target(%dma_start3A_316 : memref<624x128xf32, #tpu.memory_space<hbm>>) target_semaphore(%run_scoped3A : memref<!tpu.dma_semaphore, #tpu.memory_space<semaphore_mem>>)
      %dma_wait3A_319 = arith.constant 0 : i32
      %dma_wait3A_320 = tpu.memref_slice %arg5[%arg0, %mul3A_308, %dma_wait3A_319] : memref<2x10000x128xf32, #tpu.memory_space<hbm>> -> memref<1x624x128xf32, #tpu.memory_space<hbm>>
      %dma_wait3A_321 = tpu.memref_squeeze %dma_wait3A_320 : memref<1x624x128xf32, #tpu.memory_space<hbm>> -> memref<624x128xf32, #tpu.memory_space<hbm>>
      %dma_wait3A_322 = arith.constant 0 : i32
      %dma_wait3A_323 = tpu.memref_slice %arg14[%mul3A_306, %dma_wait3A_322] : memref<10000x128xf32, #tpu.memory_space<vmem_shared>> -> memref<624x128xf32, #tpu.memory_space<vmem_shared>>
      tpu.wait_dma2 semaphore(%run_scoped3A : memref<!tpu.dma_semaphore, #tpu.memory_space<semaphore_mem>>) src(%dma_wait3A_323 : memref<624x128xf32, #tpu.memory_space<vmem_shared>>) dst(%dma_wait3A_321 : memref<624x128xf32, #tpu.memory_space<hbm>>)
      tpu.yield
    }) : () -> ()
    %eq3A_309 = arith.constant 0 : i32
    %eq3A_310 = arith.cmpi eq, %arg1, %eq3A_309 : i32
    %convert_element_type3A_311 = arith.extui %eq3A_310 : i1 to i32
    %cond3A_312 = arith.constant 0 : i32
    %cond3A_313 = arith.cmpi ne, %convert_element_type3A_311, %cond3A_312 : i32
    scf.if %cond3A_313 {
      "tpu.region"() ({
        %run_scoped3A = tpu.sem_alloc : memref<!tpu.dma_semaphore, #tpu.memory_space<semaphore_mem>>
        %dma_start3A_314 = arith.constant 9984 : i32
        %dma_start3A_315 = arith.constant 0 : i32
        %dma_start3A_316 = tpu.memref_slice %arg5[%arg0, %dma_start3A_314, %dma_start3A_315] : memref<2x10000x128xf32, #tpu.memory_space<hbm>> -> memref<1x16x128xf32, #tpu.memory_space<hbm>>
        %dma_start3A_317 = tpu.memref_squeeze %dma_start3A_316 : memref<1x16x128xf32, #tpu.memory_space<hbm>> -> memref<16x128xf32, #tpu.memory_space<hbm>>
        %dma_start3A_318 = arith.constant 9984 : i32
        %dma_start3A_319 = arith.constant 0 : i32
        %dma_start3A_320 = tpu.memref_slice %arg14[%dma_start3A_318, %dma_start3A_319] : memref<10000x128xf32, #tpu.memory_space<vmem_shared>> -> memref<16x128xf32, #tpu.memory_space<vmem_shared>>
        tpu.enqueue_dma source(%dma_start3A_320 : memref<16x128xf32, #tpu.memory_space<vmem_shared>>) target(%dma_start3A_317 : memref<16x128xf32, #tpu.memory_space<hbm>>) target_semaphore(%run_scoped3A : memref<!tpu.dma_semaphore, #tpu.memory_space<semaphore_mem>>)
        %dma_wait3A_321 = arith.constant 9984 : i32
        %dma_wait3A_322 = arith.constant 0 : i32
        %dma_wait3A_323 = tpu.memref_slice %arg5[%arg0, %dma_wait3A_321, %dma_wait3A_322] : memref<2x10000x128xf32, #tpu.memory_space<hbm>> -> memref<1x16x128xf32, #tpu.memory_space<hbm>>
        %dma_wait3A_324 = tpu.memref_squeeze %dma_wait3A_323 : memref<1x16x128xf32, #tpu.memory_space<hbm>> -> memref<16x128xf32, #tpu.memory_space<hbm>>
        %dma_wait3A_325 = arith.constant 9984 : i32
        %dma_wait3A_326 = arith.constant 0 : i32
        %dma_wait3A_327 = tpu.memref_slice %arg14[%dma_wait3A_325, %dma_wait3A_326] : memref<10000x128xf32, #tpu.memory_space<vmem_shared>> -> memref<16x128xf32, #tpu.memory_space<vmem_shared>>
        tpu.wait_dma2 semaphore(%run_scoped3A : memref<!tpu.dma_semaphore, #tpu.memory_space<semaphore_mem>>) src(%dma_wait3A_327 : memref<16x128xf32, #tpu.memory_space<vmem_shared>>) dst(%dma_wait3A_324 : memref<16x128xf32, #tpu.memory_space<hbm>>)
        tpu.yield
      }) : () -> ()
    } else {
    }
    return
  }
}

#map = affine_map<(d0, d1) -> (0, 0)>
#map1 = affine_map<(d0, d1) -> (0)>
#map2 = affine_map<(d0, d1) -> (0, 0, 0)>
module attributes {stable_mosaic.version = 14 : i64} {
  func.func @k(%arg0: i32, %arg1: i32, %arg2: memref<10000x128xf32, #tpu.memory_space<hbm>>, %arg3: memref<320000xi32, #tpu.memory_space<hbm>>, %arg4: memref<320000xi32, #tpu.memory_space<hbm>>, %arg5: memref<2x10000x128xf32, #tpu.memory_space<hbm>>, %arg6: memref<10000xi32, #tpu.memory_space<vmem>>, %arg7: memref<80xi32, #tpu.memory_space<vmem>>, %arg8: memref<80xi32, #tpu.memory_space<vmem>>, %arg9: memref<80xi32, #tpu.memory_space<vmem>>, %arg10: memref<80x128xf32, #tpu.memory_space<vmem>>, %arg11: memref<80x128xf32, #tpu.memory_space<vmem>>, %arg12: memref<80x128xf32, #tpu.memory_space<vmem>>, %arg13: memref<48x128xf32, #tpu.memory_space<vmem>>, %arg14: memref<10000x128xf32, #tpu.memory_space<vmem_shared>>, %arg15: memref<!tpu.dma_semaphore, #tpu.memory_space<semaphore_mem>>, %arg16: memref<!tpu.dma_semaphore, #tpu.memory_space<semaphore_mem>>, %arg17: memref<!tpu.dma_semaphore, #tpu.memory_space<semaphore_mem>>, %arg18: memref<!tpu.dma_semaphore, #tpu.memory_space<semaphore_mem>>, %arg19: memref<!tpu.dma_semaphore, #tpu.memory_space<semaphore_mem>>, %arg20: memref<!tpu.dma_semaphore, #tpu.memory_space<semaphore_mem>>, %arg21: memref<!tpu.dma_semaphore, #tpu.memory_space<semaphore_mem>>, %arg22: memref<!tpu.dma_semaphore, #tpu.memory_space<semaphore_mem>>, %arg23: memref<!tpu.dma_semaphore, #tpu.memory_space<semaphore_mem>>, %arg24: memref<!tpu.dma_semaphore, #tpu.memory_space<semaphore_mem>>) attributes {dimension_semantics = [#tpu.dimension_semantics<core_parallel>, #tpu.dimension_semantics<subcore_parallel>], iteration_bounds = array<i64: 2, 16>, scalar_prefetch = 0 : i64, scratch_operands = 19 : i64, tpu.core_type = #tpu.core_type<sc_vector_subcore>, window_params = [{transform_indices = #map}, {transform_indices = #map1}, {transform_indices = #map1}, {transform_indices = #map2}]} {
    %mul3A = arith.constant 16 : i32
    %mul3A_0 = arith.muli %arg0, %mul3A : i32
    %add3A = arith.addi %mul3A_0, %arg1 : i32
    %mul3A_1 = arith.constant 10000 : i32
    %mul3A_2 = arith.muli %add3A, %mul3A_1 : i32
    "tpu.region"() ({
      %run_scoped3A = tpu.sem_alloc : memref<!tpu.dma_semaphore, #tpu.memory_space<semaphore_mem>>
      %dma_start3A_314 = tpu.memref_slice %arg3[%mul3A_2] : memref<320000xi32, #tpu.memory_space<hbm>> -> memref<10000xi32, #tpu.memory_space<hbm>>
      %dma_start3A_315 = tpu.memref_slice %arg3[%mul3A_2] : memref<320000xi32, #tpu.memory_space<hbm>> -> memref<10000xi32, #tpu.memory_space<hbm>>
      tpu.enqueue_dma source(%dma_start3A_315 : memref<10000xi32, #tpu.memory_space<hbm>>) target(%arg6 : memref<10000xi32, #tpu.memory_space<vmem>>) target_semaphore(%run_scoped3A : memref<!tpu.dma_semaphore, #tpu.memory_space<semaphore_mem>>)
      %dma_wait3A_316 = tpu.memref_slice %arg3[%mul3A_2] : memref<320000xi32, #tpu.memory_space<hbm>> -> memref<10000xi32, #tpu.memory_space<hbm>>
      %dma_wait3A_317 = tpu.memref_slice %arg3[%mul3A_2] : memref<320000xi32, #tpu.memory_space<hbm>> -> memref<10000xi32, #tpu.memory_space<hbm>>
      tpu.wait_dma2 semaphore(%run_scoped3A : memref<!tpu.dma_semaphore, #tpu.memory_space<semaphore_mem>>) src(%dma_wait3A_317 : memref<10000xi32, #tpu.memory_space<hbm>>) dst(%arg6 : memref<10000xi32, #tpu.memory_space<vmem>>)
      tpu.yield
    }) : () -> ()
    %add3A_3 = arith.constant 0 : i32
    %add3A_4 = arith.addi %mul3A_2, %add3A_3 : i32
    %dma_start3A = tpu.memref_slice %arg4[%add3A_4] : memref<320000xi32, #tpu.memory_space<hbm>> -> memref<80xi32, #tpu.memory_space<hbm>>
    %dma_start3A_5 = tpu.memref_slice %arg4[%add3A_4] : memref<320000xi32, #tpu.memory_space<hbm>> -> memref<80xi32, #tpu.memory_space<hbm>>
    tpu.enqueue_dma source(%dma_start3A_5 : memref<80xi32, #tpu.memory_space<hbm>>) target(%arg7 : memref<80xi32, #tpu.memory_space<vmem>>) target_semaphore(%arg21 : memref<!tpu.dma_semaphore, #tpu.memory_space<semaphore_mem>>)
    %dma_start3A_6 = arith.constant 0 : i32
    %dma_start3A_7 = tpu.memref_slice %arg6[%dma_start3A_6] : memref<10000xi32, #tpu.memory_space<vmem>> -> memref<80xi32, #tpu.memory_space<vmem>>
    %dma_start3A_8 = arith.constant 0 : i32
    %dma_start3A_9 = arith.constant 0 : i32
    %dma_start3A_10 = tpu.memref_slice %arg2[%dma_start3A_8, %dma_start3A_9] : memref<10000x128xf32, #tpu.memory_space<hbm>> -> memref<10000x128xf32, #tpu.memory_space<hbm>>
    tpu.enqueue_indirect_dma source(%dma_start3A_10 : memref<10000x128xf32, #tpu.memory_space<hbm>>) target(%arg10 : memref<80x128xf32, #tpu.memory_space<vmem>>) offsets(%dma_start3A_7 : memref<80xi32, #tpu.memory_space<vmem>>) semaphore(%arg15 : memref<!tpu.dma_semaphore, #tpu.memory_space<semaphore_mem>>)
    %add3A_11 = arith.constant 80 : i32
    %add3A_12 = arith.addi %mul3A_2, %add3A_11 : i32
    %dma_start3A_13 = tpu.memref_slice %arg4[%add3A_12] : memref<320000xi32, #tpu.memory_space<hbm>> -> memref<80xi32, #tpu.memory_space<hbm>>
    %dma_start3A_14 = tpu.memref_slice %arg4[%add3A_12] : memref<320000xi32, #tpu.memory_space<hbm>> -> memref<80xi32, #tpu.memory_space<hbm>>
    tpu.enqueue_dma source(%dma_start3A_14 : memref<80xi32, #tpu.memory_space<hbm>>) target(%arg8 : memref<80xi32, #tpu.memory_space<vmem>>) target_semaphore(%arg22 : memref<!tpu.dma_semaphore, #tpu.memory_space<semaphore_mem>>)
    %dma_start3A_15 = arith.constant 80 : i32
    %dma_start3A_16 = tpu.memref_slice %arg6[%dma_start3A_15] : memref<10000xi32, #tpu.memory_space<vmem>> -> memref<80xi32, #tpu.memory_space<vmem>>
    %dma_start3A_17 = arith.constant 0 : i32
    %dma_start3A_18 = arith.constant 0 : i32
    %dma_start3A_19 = tpu.memref_slice %arg2[%dma_start3A_17, %dma_start3A_18] : memref<10000x128xf32, #tpu.memory_space<hbm>> -> memref<10000x128xf32, #tpu.memory_space<hbm>>
    tpu.enqueue_indirect_dma source(%dma_start3A_19 : memref<10000x128xf32, #tpu.memory_space<hbm>>) target(%arg11 : memref<80x128xf32, #tpu.memory_space<vmem>>) offsets(%dma_start3A_16 : memref<80xi32, #tpu.memory_space<vmem>>) semaphore(%arg16 : memref<!tpu.dma_semaphore, #tpu.memory_space<semaphore_mem>>)
    %scan3A = arith.constant 0 : i32
    %scan3A_20 = arith.constant 48 : i32
    %scan3A_21 = arith.addi %scan3A, %scan3A_20 : i32
    %scan3A_22 = arith.constant 1 : i32
    scf.for %scan3A_314 = %scan3A to %scan3A_21 step %scan3A_22  : i32 {
      %mul3A_315 = arith.constant 1 : i32
      %mul3A_316 = arith.muli %scan3A_314, %mul3A_315 : i32
      %add3A_317 = arith.constant 0 : i32
      %add3A_318 = arith.addi %add3A_317, %mul3A_316 : i32
      %broadcast_in_dim3A = arith.constant 0.000000e+00 : f32
      %broadcast_in_dim3A_319 = vector.broadcast %broadcast_in_dim3A : f32 to vector<16xf32>
      %swap3A = arith.index_cast %add3A_318 : i32 to index
      %swap3A_320 = arith.constant 0 : index
      %swap3A_321 = tpu.vector_load %arg13[%swap3A, %swap3A_320] {strides = array<i32>} : memref<48x128xf32, #tpu.memory_space<vmem>>, vector<16xf32>,
      tpu.vector_store %arg13[%swap3A, %swap3A_320], %broadcast_in_dim3A_319 {strides = array<i32>} : memref<48x128xf32, #tpu.memory_space<vmem>>, vector<16xf32>,
      %broadcast_in_dim3A_322 = arith.constant 0.000000e+00 : f32
      %broadcast_in_dim3A_323 = vector.broadcast %broadcast_in_dim3A_322 : f32 to vector<16xf32>
      %swap3A_324 = arith.index_cast %add3A_318 : i32 to index
      %swap3A_325 = arith.constant 16 : index
      %swap3A_326 = tpu.vector_load %arg13[%swap3A_324, %swap3A_325] {strides = array<i32>} : memref<48x128xf32, #tpu.memory_space<vmem>>, vector<16xf32>,
      tpu.vector_store %arg13[%swap3A_324, %swap3A_325], %broadcast_in_dim3A_323 {strides = array<i32>} : memref<48x128xf32, #tpu.memory_space<vmem>>, vector<16xf32>,
      %broadcast_in_dim3A_327 = arith.constant 0.000000e+00 : f32
      %broadcast_in_dim3A_328 = vector.broadcast %broadcast_in_dim3A_327 : f32 to vector<16xf32>
      %swap3A_329 = arith.index_cast %add3A_318 : i32 to index
      %swap3A_330 = arith.constant 32 : index
      %swap3A_331 = tpu.vector_load %arg13[%swap3A_329, %swap3A_330] {strides = array<i32>} : memref<48x128xf32, #tpu.memory_space<vmem>>, vector<16xf32>,
      tpu.vector_store %arg13[%swap3A_329, %swap3A_330], %broadcast_in_dim3A_328 {strides = array<i32>} : memref<48x128xf32, #tpu.memory_space<vmem>>, vector<16xf32>,
      %broadcast_in_dim3A_332 = arith.constant 0.000000e+00 : f32
      %broadcast_in_dim3A_333 = vector.broadcast %broadcast_in_dim3A_332 : f32 to vector<16xf32>
      %swap3A_334 = arith.index_cast %add3A_318 : i32 to index
      %swap3A_335 = arith.constant 48 : index
      %swap3A_336 = tpu.vector_load %arg13[%swap3A_334, %swap3A_335] {strides = array<i32>} : memref<48x128xf32, #tpu.memory_space<vmem>>, vector<16xf32>,
      tpu.vector_store %arg13[%swap3A_334, %swap3A_335], %broadcast_in_dim3A_333 {strides = array<i32>} : memref<48x128xf32, #tpu.memory_space<vmem>>, vector<16xf32>,
      %broadcast_in_dim3A_337 = arith.constant 0.000000e+00 : f32
      %broadcast_in_dim3A_338 = vector.broadcast %broadcast_in_dim3A_337 : f32 to vector<16xf32>
      %swap3A_339 = arith.index_cast %add3A_318 : i32 to index
      %swap3A_340 = arith.constant 64 : index
      %swap3A_341 = tpu.vector_load %arg13[%swap3A_339, %swap3A_340] {strides = array<i32>} : memref<48x128xf32, #tpu.memory_space<vmem>>, vector<16xf32>,
      tpu.vector_store %arg13[%swap3A_339, %swap3A_340], %broadcast_in_dim3A_338 {strides = array<i32>} : memref<48x128xf32, #tpu.memory_space<vmem>>, vector<16xf32>,
      %broadcast_in_dim3A_342 = arith.constant 0.000000e+00 : f32
      %broadcast_in_dim3A_343 = vector.broadcast %broadcast_in_dim3A_342 : f32 to vector<16xf32>
      %swap3A_344 = arith.index_cast %add3A_318 : i32 to index
      %swap3A_345 = arith.constant 80 : index
      %swap3A_346 = tpu.vector_load %arg13[%swap3A_344, %swap3A_345] {strides = array<i32>} : memref<48x128xf32, #tpu.memory_space<vmem>>, vector<16xf32>,
      tpu.vector_store %arg13[%swap3A_344, %swap3A_345], %broadcast_in_dim3A_343 {strides = array<i32>} : memref<48x128xf32, #tpu.memory_space<vmem>>, vector<16xf32>,
      %broadcast_in_dim3A_347 = arith.constant 0.000000e+00 : f32
      %broadcast_in_dim3A_348 = vector.broadcast %broadcast_in_dim3A_347 : f32 to vector<16xf32>
      %swap3A_349 = arith.index_cast %add3A_318 : i32 to index
      %swap3A_350 = arith.constant 96 : index
      %swap3A_351 = tpu.vector_load %arg13[%swap3A_349, %swap3A_350] {strides = array<i32>} : memref<48x128xf32, #tpu.memory_space<vmem>>, vector<16xf32>,
      tpu.vector_store %arg13[%swap3A_349, %swap3A_350], %broadcast_in_dim3A_348 {strides = array<i32>} : memref<48x128xf32, #tpu.memory_space<vmem>>, vector<16xf32>,
      %broadcast_in_dim3A_352 = arith.constant 0.000000e+00 : f32
      %broadcast_in_dim3A_353 = vector.broadcast %broadcast_in_dim3A_352 : f32 to vector<16xf32>
      %swap3A_354 = arith.index_cast %add3A_318 : i32 to index
      %swap3A_355 = arith.constant 112 : index
      %swap3A_356 = tpu.vector_load %arg13[%swap3A_354, %swap3A_355] {strides = array<i32>} : memref<48x128xf32, #tpu.memory_space<vmem>>, vector<16xf32>,
      tpu.vector_store %arg13[%swap3A_354, %swap3A_355], %broadcast_in_dim3A_353 {strides = array<i32>} : memref<48x128xf32, #tpu.memory_space<vmem>>, vector<16xf32>,
    }
    %scan3A_23 = arith.constant 48 : i32
    %mul3A_24 = arith.constant 624 : i32
    %mul3A_25 = arith.muli %arg1, %mul3A_24 : i32
    %add3A_26 = arith.constant 0 : i32
    %add3A_27 = arith.addi %mul3A_25, %add3A_26 : i32
    %dma_start3A_28 = arith.constant 0 : i32
    %dma_start3A_29 = tpu.memref_slice %arg14[%add3A_27, %dma_start3A_28] : memref<10000x128xf32, #tpu.memory_space<vmem_shared>> -> memref<48x128xf32, #tpu.memory_space<vmem_shared>>
    %dma_start3A_30 = arith.constant 0 : i32
    %dma_start3A_31 = tpu.memref_slice %arg14[%add3A_27, %dma_start3A_30] : memref<10000x128xf32, #tpu.memory_space<vmem_shared>> -> memref<48x128xf32, #tpu.memory_space<vmem_shared>>
    tpu.enqueue_dma source(%arg13 : memref<48x128xf32, #tpu.memory_space<vmem>>) target(%dma_start3A_31 : memref<48x128xf32, #tpu.memory_space<vmem_shared>>) target_semaphore(%arg24 : memref<!tpu.dma_semaphore, #tpu.memory_space<semaphore_mem>>)
    %mul3A_32 = arith.constant 624 : i32
    %mul3A_33 = arith.muli %arg1, %mul3A_32 : i32
    %add3A_34 = arith.constant 48 : i32
    %add3A_35 = arith.addi %mul3A_33, %add3A_34 : i32
    %dma_start3A_36 = arith.constant 0 : i32
    %dma_start3A_37 = tpu.memref_slice %arg14[%add3A_35, %dma_start3A_36] : memref<10000x128xf32, #tpu.memory_space<vmem_shared>> -> memref<48x128xf32, #tpu.memory_space<vmem_shared>>
    %dma_start3A_38 = arith.constant 0 : i32
    %dma_start3A_39 = tpu.memref_slice %arg14[%add3A_35, %dma_start3A_38] : memref<10000x128xf32, #tpu.memory_space<vmem_shared>> -> memref<48x128xf32, #tpu.memory_space<vmem_shared>>
    tpu.enqueue_dma source(%arg13 : memref<48x128xf32, #tpu.memory_space<vmem>>) target(%dma_start3A_39 : memref<48x128xf32, #tpu.memory_space<vmem_shared>>) target_semaphore(%arg24 : memref<!tpu.dma_semaphore, #tpu.memory_space<semaphore_mem>>)
    %mul3A_40 = arith.constant 624 : i32
    %mul3A_41 = arith.muli %arg1, %mul3A_40 : i32
    %add3A_42 = arith.constant 96 : i32
    %add3A_43 = arith.addi %mul3A_41, %add3A_42 : i32
    %dma_start3A_44 = arith.constant 0 : i32
    %dma_start3A_45 = tpu.memref_slice %arg14[%add3A_43, %dma_start3A_44] : memref<10000x128xf32, #tpu.memory_space<vmem_shared>> -> memref<48x128xf32, #tpu.memory_space<vmem_shared>>
    %dma_start3A_46 = arith.constant 0 : i32
    %dma_start3A_47 = tpu.memref_slice %arg14[%add3A_43, %dma_start3A_46] : memref<10000x128xf32, #tpu.memory_space<vmem_shared>> -> memref<48x128xf32, #tpu.memory_space<vmem_shared>>
    tpu.enqueue_dma source(%arg13 : memref<48x128xf32, #tpu.memory_space<vmem>>) target(%dma_start3A_47 : memref<48x128xf32, #tpu.memory_space<vmem_shared>>) target_semaphore(%arg24 : memref<!tpu.dma_semaphore, #tpu.memory_space<semaphore_mem>>)
    %mul3A_48 = arith.constant 624 : i32
    %mul3A_49 = arith.muli %arg1, %mul3A_48 : i32
    %add3A_50 = arith.constant 144 : i32
    %add3A_51 = arith.addi %mul3A_49, %add3A_50 : i32
    %dma_start3A_52 = arith.constant 0 : i32
    %dma_start3A_53 = tpu.memref_slice %arg14[%add3A_51, %dma_start3A_52] : memref<10000x128xf32, #tpu.memory_space<vmem_shared>> -> memref<48x128xf32, #tpu.memory_space<vmem_shared>>
    %dma_start3A_54 = arith.constant 0 : i32
    %dma_start3A_55 = tpu.memref_slice %arg14[%add3A_51, %dma_start3A_54] : memref<10000x128xf32, #tpu.memory_space<vmem_shared>> -> memref<48x128xf32, #tpu.memory_space<vmem_shared>>
    tpu.enqueue_dma source(%arg13 : memref<48x128xf32, #tpu.memory_space<vmem>>) target(%dma_start3A_55 : memref<48x128xf32, #tpu.memory_space<vmem_shared>>) target_semaphore(%arg24 : memref<!tpu.dma_semaphore, #tpu.memory_space<semaphore_mem>>)
    %mul3A_56 = arith.constant 624 : i32
    %mul3A_57 = arith.muli %arg1, %mul3A_56 : i32
    %add3A_58 = arith.constant 192 : i32
    %add3A_59 = arith.addi %mul3A_57, %add3A_58 : i32
    %dma_start3A_60 = arith.constant 0 : i32
    %dma_start3A_61 = tpu.memref_slice %arg14[%add3A_59, %dma_start3A_60] : memref<10000x128xf32, #tpu.memory_space<vmem_shared>> -> memref<48x128xf32, #tpu.memory_space<vmem_shared>>
    %dma_start3A_62 = arith.constant 0 : i32
    %dma_start3A_63 = tpu.memref_slice %arg14[%add3A_59, %dma_start3A_62] : memref<10000x128xf32, #tpu.memory_space<vmem_shared>> -> memref<48x128xf32, #tpu.memory_space<vmem_shared>>
    tpu.enqueue_dma source(%arg13 : memref<48x128xf32, #tpu.memory_space<vmem>>) target(%dma_start3A_63 : memref<48x128xf32, #tpu.memory_space<vmem_shared>>) target_semaphore(%arg24 : memref<!tpu.dma_semaphore, #tpu.memory_space<semaphore_mem>>)
    %mul3A_64 = arith.constant 624 : i32
    %mul3A_65 = arith.muli %arg1, %mul3A_64 : i32
    %add3A_66 = arith.constant 240 : i32
    %add3A_67 = arith.addi %mul3A_65, %add3A_66 : i32
    %dma_start3A_68 = arith.constant 0 : i32
    %dma_start3A_69 = tpu.memref_slice %arg14[%add3A_67, %dma_start3A_68] : memref<10000x128xf32, #tpu.memory_space<vmem_shared>> -> memref<48x128xf32, #tpu.memory_space<vmem_shared>>
    %dma_start3A_70 = arith.constant 0 : i32
    %dma_start3A_71 = tpu.memref_slice %arg14[%add3A_67, %dma_start3A_70] : memref<10000x128xf32, #tpu.memory_space<vmem_shared>> -> memref<48x128xf32, #tpu.memory_space<vmem_shared>>
    tpu.enqueue_dma source(%arg13 : memref<48x128xf32, #tpu.memory_space<vmem>>) target(%dma_start3A_71 : memref<48x128xf32, #tpu.memory_space<vmem_shared>>) target_semaphore(%arg24 : memref<!tpu.dma_semaphore, #tpu.memory_space<semaphore_mem>>)
    %mul3A_72 = arith.constant 624 : i32
    %mul3A_73 = arith.muli %arg1, %mul3A_72 : i32
    %add3A_74 = arith.constant 288 : i32
    %add3A_75 = arith.addi %mul3A_73, %add3A_74 : i32
    %dma_start3A_76 = arith.constant 0 : i32
    %dma_start3A_77 = tpu.memref_slice %arg14[%add3A_75, %dma_start3A_76] : memref<10000x128xf32, #tpu.memory_space<vmem_shared>> -> memref<48x128xf32, #tpu.memory_space<vmem_shared>>
    %dma_start3A_78 = arith.constant 0 : i32
    %dma_start3A_79 = tpu.memref_slice %arg14[%add3A_75, %dma_start3A_78] : memref<10000x128xf32, #tpu.memory_space<vmem_shared>> -> memref<48x128xf32, #tpu.memory_space<vmem_shared>>
    tpu.enqueue_dma source(%arg13 : memref<48x128xf32, #tpu.memory_space<vmem>>) target(%dma_start3A_79 : memref<48x128xf32, #tpu.memory_space<vmem_shared>>) target_semaphore(%arg24 : memref<!tpu.dma_semaphore, #tpu.memory_space<semaphore_mem>>)
    %mul3A_80 = arith.constant 624 : i32
    %mul3A_81 = arith.muli %arg1, %mul3A_80 : i32
    %add3A_82 = arith.constant 336 : i32
    %add3A_83 = arith.addi %mul3A_81, %add3A_82 : i32
    %dma_start3A_84 = arith.constant 0 : i32
    %dma_start3A_85 = tpu.memref_slice %arg14[%add3A_83, %dma_start3A_84] : memref<10000x128xf32, #tpu.memory_space<vmem_shared>> -> memref<48x128xf32, #tpu.memory_space<vmem_shared>>
    %dma_start3A_86 = arith.constant 0 : i32
    %dma_start3A_87 = tpu.memref_slice %arg14[%add3A_83, %dma_start3A_86] : memref<10000x128xf32, #tpu.memory_space<vmem_shared>> -> memref<48x128xf32, #tpu.memory_space<vmem_shared>>
    tpu.enqueue_dma source(%arg13 : memref<48x128xf32, #tpu.memory_space<vmem>>) target(%dma_start3A_87 : memref<48x128xf32, #tpu.memory_space<vmem_shared>>) target_semaphore(%arg24 : memref<!tpu.dma_semaphore, #tpu.memory_space<semaphore_mem>>)
    %mul3A_88 = arith.constant 624 : i32
    %mul3A_89 = arith.muli %arg1, %mul3A_88 : i32
    %add3A_90 = arith.constant 384 : i32
    %add3A_91 = arith.addi %mul3A_89, %add3A_90 : i32
    %dma_start3A_92 = arith.constant 0 : i32
    %dma_start3A_93 = tpu.memref_slice %arg14[%add3A_91, %dma_start3A_92] : memref<10000x128xf32, #tpu.memory_space<vmem_shared>> -> memref<48x128xf32, #tpu.memory_space<vmem_shared>>
    %dma_start3A_94 = arith.constant 0 : i32
    %dma_start3A_95 = tpu.memref_slice %arg14[%add3A_91, %dma_start3A_94] : memref<10000x128xf32, #tpu.memory_space<vmem_shared>> -> memref<48x128xf32, #tpu.memory_space<vmem_shared>>
    tpu.enqueue_dma source(%arg13 : memref<48x128xf32, #tpu.memory_space<vmem>>) target(%dma_start3A_95 : memref<48x128xf32, #tpu.memory_space<vmem_shared>>) target_semaphore(%arg24 : memref<!tpu.dma_semaphore, #tpu.memory_space<semaphore_mem>>)
    %mul3A_96 = arith.constant 624 : i32
    %mul3A_97 = arith.muli %arg1, %mul3A_96 : i32
    %add3A_98 = arith.constant 432 : i32
    %add3A_99 = arith.addi %mul3A_97, %add3A_98 : i32
    %dma_start3A_100 = arith.constant 0 : i32
    %dma_start3A_101 = tpu.memref_slice %arg14[%add3A_99, %dma_start3A_100] : memref<10000x128xf32, #tpu.memory_space<vmem_shared>> -> memref<48x128xf32, #tpu.memory_space<vmem_shared>>
    %dma_start3A_102 = arith.constant 0 : i32
    %dma_start3A_103 = tpu.memref_slice %arg14[%add3A_99, %dma_start3A_102] : memref<10000x128xf32, #tpu.memory_space<vmem_shared>> -> memref<48x128xf32, #tpu.memory_space<vmem_shared>>
    tpu.enqueue_dma source(%arg13 : memref<48x128xf32, #tpu.memory_space<vmem>>) target(%dma_start3A_103 : memref<48x128xf32, #tpu.memory_space<vmem_shared>>) target_semaphore(%arg24 : memref<!tpu.dma_semaphore, #tpu.memory_space<semaphore_mem>>)
    %mul3A_104 = arith.constant 624 : i32
    %mul3A_105 = arith.muli %arg1, %mul3A_104 : i32
    %add3A_106 = arith.constant 480 : i32
    %add3A_107 = arith.addi %mul3A_105, %add3A_106 : i32
    %dma_start3A_108 = arith.constant 0 : i32
    %dma_start3A_109 = tpu.memref_slice %arg14[%add3A_107, %dma_start3A_108] : memref<10000x128xf32, #tpu.memory_space<vmem_shared>> -> memref<48x128xf32, #tpu.memory_space<vmem_shared>>
    %dma_start3A_110 = arith.constant 0 : i32
    %dma_start3A_111 = tpu.memref_slice %arg14[%add3A_107, %dma_start3A_110] : memref<10000x128xf32, #tpu.memory_space<vmem_shared>> -> memref<48x128xf32, #tpu.memory_space<vmem_shared>>
    tpu.enqueue_dma source(%arg13 : memref<48x128xf32, #tpu.memory_space<vmem>>) target(%dma_start3A_111 : memref<48x128xf32, #tpu.memory_space<vmem_shared>>) target_semaphore(%arg24 : memref<!tpu.dma_semaphore, #tpu.memory_space<semaphore_mem>>)
    %mul3A_112 = arith.constant 624 : i32
    %mul3A_113 = arith.muli %arg1, %mul3A_112 : i32
    %add3A_114 = arith.constant 528 : i32
    %add3A_115 = arith.addi %mul3A_113, %add3A_114 : i32
    %dma_start3A_116 = arith.constant 0 : i32
    %dma_start3A_117 = tpu.memref_slice %arg14[%add3A_115, %dma_start3A_116] : memref<10000x128xf32, #tpu.memory_space<vmem_shared>> -> memref<48x128xf32, #tpu.memory_space<vmem_shared>>
    %dma_start3A_118 = arith.constant 0 : i32
    %dma_start3A_119 = tpu.memref_slice %arg14[%add3A_115, %dma_start3A_118] : memref<10000x128xf32, #tpu.memory_space<vmem_shared>> -> memref<48x128xf32, #tpu.memory_space<vmem_shared>>
    tpu.enqueue_dma source(%arg13 : memref<48x128xf32, #tpu.memory_space<vmem>>) target(%dma_start3A_119 : memref<48x128xf32, #tpu.memory_space<vmem_shared>>) target_semaphore(%arg24 : memref<!tpu.dma_semaphore, #tpu.memory_space<semaphore_mem>>)
    %mul3A_120 = arith.constant 624 : i32
    %mul3A_121 = arith.muli %arg1, %mul3A_120 : i32
    %add3A_122 = arith.constant 576 : i32
    %add3A_123 = arith.addi %mul3A_121, %add3A_122 : i32
    %dma_start3A_124 = arith.constant 0 : i32
    %dma_start3A_125 = tpu.memref_slice %arg14[%add3A_123, %dma_start3A_124] : memref<10000x128xf32, #tpu.memory_space<vmem_shared>> -> memref<48x128xf32, #tpu.memory_space<vmem_shared>>
    %dma_start3A_126 = arith.constant 0 : i32
    %dma_start3A_127 = tpu.memref_slice %arg14[%add3A_123, %dma_start3A_126] : memref<10000x128xf32, #tpu.memory_space<vmem_shared>> -> memref<48x128xf32, #tpu.memory_space<vmem_shared>>
    tpu.enqueue_dma source(%arg13 : memref<48x128xf32, #tpu.memory_space<vmem>>) target(%dma_start3A_127 : memref<48x128xf32, #tpu.memory_space<vmem_shared>>) target_semaphore(%arg24 : memref<!tpu.dma_semaphore, #tpu.memory_space<semaphore_mem>>)
    %mul3A_128 = arith.constant 624 : i32
    %mul3A_129 = arith.muli %arg1, %mul3A_128 : i32
    %dma_wait3A = arith.constant 0 : i32
    %dma_wait3A_130 = tpu.memref_slice %arg14[%mul3A_129, %dma_wait3A] : memref<10000x128xf32, #tpu.memory_space<vmem_shared>> -> memref<48x128xf32, #tpu.memory_space<vmem_shared>>
    %dma_wait3A_131 = arith.constant 0 : i32
    %dma_wait3A_132 = tpu.memref_slice %arg14[%mul3A_129, %dma_wait3A_131] : memref<10000x128xf32, #tpu.memory_space<vmem_shared>> -> memref<48x128xf32, #tpu.memory_space<vmem_shared>>
    tpu.wait_dma2 semaphore(%arg24 : memref<!tpu.dma_semaphore, #tpu.memory_space<semaphore_mem>>) src(%arg13 : memref<48x128xf32, #tpu.memory_space<vmem>>) dst(%dma_wait3A_132 : memref<48x128xf32, #tpu.memory_space<vmem_shared>>)
    %mul3A_133 = arith.constant 624 : i32
    %mul3A_134 = arith.muli %arg1, %mul3A_133 : i32
    %dma_wait3A_135 = arith.constant 0 : i32
    %dma_wait3A_136 = tpu.memref_slice %arg14[%mul3A_134, %dma_wait3A_135] : memref<10000x128xf32, #tpu.memory_space<vmem_shared>> -> memref<48x128xf32, #tpu.memory_space<vmem_shared>>
    %dma_wait3A_137 = arith.constant 0 : i32
    %dma_wait3A_138 = tpu.memref_slice %arg14[%mul3A_134, %dma_wait3A_137] : memref<10000x128xf32, #tpu.memory_space<vmem_shared>> -> memref<48x128xf32, #tpu.memory_space<vmem_shared>>
    tpu.wait_dma2 semaphore(%arg24 : memref<!tpu.dma_semaphore, #tpu.memory_space<semaphore_mem>>) src(%arg13 : memref<48x128xf32, #tpu.memory_space<vmem>>) dst(%dma_wait3A_138 : memref<48x128xf32, #tpu.memory_space<vmem_shared>>)
    %mul3A_139 = arith.constant 624 : i32
    %mul3A_140 = arith.muli %arg1, %mul3A_139 : i32
    %dma_wait3A_141 = arith.constant 0 : i32
    %dma_wait3A_142 = tpu.memref_slice %arg14[%mul3A_140, %dma_wait3A_141] : memref<10000x128xf32, #tpu.memory_space<vmem_shared>> -> memref<48x128xf32, #tpu.memory_space<vmem_shared>>
    %dma_wait3A_143 = arith.constant 0 : i32
    %dma_wait3A_144 = tpu.memref_slice %arg14[%mul3A_140, %dma_wait3A_143] : memref<10000x128xf32, #tpu.memory_space<vmem_shared>> -> memref<48x128xf32, #tpu.memory_space<vmem_shared>>
    tpu.wait_dma2 semaphore(%arg24 : memref<!tpu.dma_semaphore, #tpu.memory_space<semaphore_mem>>) src(%arg13 : memref<48x128xf32, #tpu.memory_space<vmem>>) dst(%dma_wait3A_144 : memref<48x128xf32, #tpu.memory_space<vmem_shared>>)
    %mul3A_145 = arith.constant 624 : i32
    %mul3A_146 = arith.muli %arg1, %mul3A_145 : i32
    %dma_wait3A_147 = arith.constant 0 : i32
    %dma_wait3A_148 = tpu.memref_slice %arg14[%mul3A_146, %dma_wait3A_147] : memref<10000x128xf32, #tpu.memory_space<vmem_shared>> -> memref<48x128xf32, #tpu.memory_space<vmem_shared>>
    %dma_wait3A_149 = arith.constant 0 : i32
    %dma_wait3A_150 = tpu.memref_slice %arg14[%mul3A_146, %dma_wait3A_149] : memref<10000x128xf32, #tpu.memory_space<vmem_shared>> -> memref<48x128xf32, #tpu.memory_space<vmem_shared>>
    tpu.wait_dma2 semaphore(%arg24 : memref<!tpu.dma_semaphore, #tpu.memory_space<semaphore_mem>>) src(%arg13 : memref<48x128xf32, #tpu.memory_space<vmem>>) dst(%dma_wait3A_150 : memref<48x128xf32, #tpu.memory_space<vmem_shared>>)
    %mul3A_151 = arith.constant 624 : i32
    %mul3A_152 = arith.muli %arg1, %mul3A_151 : i32
    %dma_wait3A_153 = arith.constant 0 : i32
    %dma_wait3A_154 = tpu.memref_slice %arg14[%mul3A_152, %dma_wait3A_153] : memref<10000x128xf32, #tpu.memory_space<vmem_shared>> -> memref<48x128xf32, #tpu.memory_space<vmem_shared>>
    %dma_wait3A_155 = arith.constant 0 : i32
    %dma_wait3A_156 = tpu.memref_slice %arg14[%mul3A_152, %dma_wait3A_155] : memref<10000x128xf32, #tpu.memory_space<vmem_shared>> -> memref<48x128xf32, #tpu.memory_space<vmem_shared>>
    tpu.wait_dma2 semaphore(%arg24 : memref<!tpu.dma_semaphore, #tpu.memory_space<semaphore_mem>>) src(%arg13 : memref<48x128xf32, #tpu.memory_space<vmem>>) dst(%dma_wait3A_156 : memref<48x128xf32, #tpu.memory_space<vmem_shared>>)
    %mul3A_157 = arith.constant 624 : i32
    %mul3A_158 = arith.muli %arg1, %mul3A_157 : i32
    %dma_wait3A_159 = arith.constant 0 : i32
    %dma_wait3A_160 = tpu.memref_slice %arg14[%mul3A_158, %dma_wait3A_159] : memref<10000x128xf32, #tpu.memory_space<vmem_shared>> -> memref<48x128xf32, #tpu.memory_space<vmem_shared>>
    %dma_wait3A_161 = arith.constant 0 : i32
    %dma_wait3A_162 = tpu.memref_slice %arg14[%mul3A_158, %dma_wait3A_161] : memref<10000x128xf32, #tpu.memory_space<vmem_shared>> -> memref<48x128xf32, #tpu.memory_space<vmem_shared>>
    tpu.wait_dma2 semaphore(%arg24 : memref<!tpu.dma_semaphore, #tpu.memory_space<semaphore_mem>>) src(%arg13 : memref<48x128xf32, #tpu.memory_space<vmem>>) dst(%dma_wait3A_162 : memref<48x128xf32, #tpu.memory_space<vmem_shared>>)
    %mul3A_163 = arith.constant 624 : i32
    %mul3A_164 = arith.muli %arg1, %mul3A_163 : i32
    %dma_wait3A_165 = arith.constant 0 : i32
    %dma_wait3A_166 = tpu.memref_slice %arg14[%mul3A_164, %dma_wait3A_165] : memref<10000x128xf32, #tpu.memory_space<vmem_shared>> -> memref<48x128xf32, #tpu.memory_space<vmem_shared>>
    %dma_wait3A_167 = arith.constant 0 : i32
    %dma_wait3A_168 = tpu.memref_slice %arg14[%mul3A_164, %dma_wait3A_167] : memref<10000x128xf32, #tpu.memory_space<vmem_shared>> -> memref<48x128xf32, #tpu.memory_space<vmem_shared>>
    tpu.wait_dma2 semaphore(%arg24 : memref<!tpu.dma_semaphore, #tpu.memory_space<semaphore_mem>>) src(%arg13 : memref<48x128xf32, #tpu.memory_space<vmem>>) dst(%dma_wait3A_168 : memref<48x128xf32, #tpu.memory_space<vmem_shared>>)
    %mul3A_169 = arith.constant 624 : i32
    %mul3A_170 = arith.muli %arg1, %mul3A_169 : i32
    %dma_wait3A_171 = arith.constant 0 : i32
    %dma_wait3A_172 = tpu.memref_slice %arg14[%mul3A_170, %dma_wait3A_171] : memref<10000x128xf32, #tpu.memory_space<vmem_shared>> -> memref<48x128xf32, #tpu.memory_space<vmem_shared>>
    %dma_wait3A_173 = arith.constant 0 : i32
    %dma_wait3A_174 = tpu.memref_slice %arg14[%mul3A_170, %dma_wait3A_173] : memref<10000x128xf32, #tpu.memory_space<vmem_shared>> -> memref<48x128xf32, #tpu.memory_space<vmem_shared>>
    tpu.wait_dma2 semaphore(%arg24 : memref<!tpu.dma_semaphore, #tpu.memory_space<semaphore_mem>>) src(%arg13 : memref<48x128xf32, #tpu.memory_space<vmem>>) dst(%dma_wait3A_174 : memref<48x128xf32, #tpu.memory_space<vmem_shared>>)
    %mul3A_175 = arith.constant 624 : i32
    %mul3A_176 = arith.muli %arg1, %mul3A_175 : i32
    %dma_wait3A_177 = arith.constant 0 : i32
    %dma_wait3A_178 = tpu.memref_slice %arg14[%mul3A_176, %dma_wait3A_177] : memref<10000x128xf32, #tpu.memory_space<vmem_shared>> -> memref<48x128xf32, #tpu.memory_space<vmem_shared>>
    %dma_wait3A_179 = arith.constant 0 : i32
    %dma_wait3A_180 = tpu.memref_slice %arg14[%mul3A_176, %dma_wait3A_179] : memref<10000x128xf32, #tpu.memory_space<vmem_shared>> -> memref<48x128xf32, #tpu.memory_space<vmem_shared>>
    tpu.wait_dma2 semaphore(%arg24 : memref<!tpu.dma_semaphore, #tpu.memory_space<semaphore_mem>>) src(%arg13 : memref<48x128xf32, #tpu.memory_space<vmem>>) dst(%dma_wait3A_180 : memref<48x128xf32, #tpu.memory_space<vmem_shared>>)
    %mul3A_181 = arith.constant 624 : i32
    %mul3A_182 = arith.muli %arg1, %mul3A_181 : i32
    %dma_wait3A_183 = arith.constant 0 : i32
    %dma_wait3A_184 = tpu.memref_slice %arg14[%mul3A_182, %dma_wait3A_183] : memref<10000x128xf32, #tpu.memory_space<vmem_shared>> -> memref<48x128xf32, #tpu.memory_space<vmem_shared>>
    %dma_wait3A_185 = arith.constant 0 : i32
    %dma_wait3A_186 = tpu.memref_slice %arg14[%mul3A_182, %dma_wait3A_185] : memref<10000x128xf32, #tpu.memory_space<vmem_shared>> -> memref<48x128xf32, #tpu.memory_space<vmem_shared>>
    tpu.wait_dma2 semaphore(%arg24 : memref<!tpu.dma_semaphore, #tpu.memory_space<semaphore_mem>>) src(%arg13 : memref<48x128xf32, #tpu.memory_space<vmem>>) dst(%dma_wait3A_186 : memref<48x128xf32, #tpu.memory_space<vmem_shared>>)
    %mul3A_187 = arith.constant 624 : i32
    %mul3A_188 = arith.muli %arg1, %mul3A_187 : i32
    %dma_wait3A_189 = arith.constant 0 : i32
    %dma_wait3A_190 = tpu.memref_slice %arg14[%mul3A_188, %dma_wait3A_189] : memref<10000x128xf32, #tpu.memory_space<vmem_shared>> -> memref<48x128xf32, #tpu.memory_space<vmem_shared>>
    %dma_wait3A_191 = arith.constant 0 : i32
    %dma_wait3A_192 = tpu.memref_slice %arg14[%mul3A_188, %dma_wait3A_191] : memref<10000x128xf32, #tpu.memory_space<vmem_shared>> -> memref<48x128xf32, #tpu.memory_space<vmem_shared>>
    tpu.wait_dma2 semaphore(%arg24 : memref<!tpu.dma_semaphore, #tpu.memory_space<semaphore_mem>>) src(%arg13 : memref<48x128xf32, #tpu.memory_space<vmem>>) dst(%dma_wait3A_192 : memref<48x128xf32, #tpu.memory_space<vmem_shared>>)
    %mul3A_193 = arith.constant 624 : i32
    %mul3A_194 = arith.muli %arg1, %mul3A_193 : i32
    %dma_wait3A_195 = arith.constant 0 : i32
    %dma_wait3A_196 = tpu.memref_slice %arg14[%mul3A_194, %dma_wait3A_195] : memref<10000x128xf32, #tpu.memory_space<vmem_shared>> -> memref<48x128xf32, #tpu.memory_space<vmem_shared>>
    %dma_wait3A_197 = arith.constant 0 : i32
    %dma_wait3A_198 = tpu.memref_slice %arg14[%mul3A_194, %dma_wait3A_197] : memref<10000x128xf32, #tpu.memory_space<vmem_shared>> -> memref<48x128xf32, #tpu.memory_space<vmem_shared>>
    tpu.wait_dma2 semaphore(%arg24 : memref<!tpu.dma_semaphore, #tpu.memory_space<semaphore_mem>>) src(%arg13 : memref<48x128xf32, #tpu.memory_space<vmem>>) dst(%dma_wait3A_198 : memref<48x128xf32, #tpu.memory_space<vmem_shared>>)
    %mul3A_199 = arith.constant 624 : i32
    %mul3A_200 = arith.muli %arg1, %mul3A_199 : i32
    %dma_wait3A_201 = arith.constant 0 : i32
    %dma_wait3A_202 = tpu.memref_slice %arg14[%mul3A_200, %dma_wait3A_201] : memref<10000x128xf32, #tpu.memory_space<vmem_shared>> -> memref<48x128xf32, #tpu.memory_space<vmem_shared>>
    %dma_wait3A_203 = arith.constant 0 : i32
    %dma_wait3A_204 = tpu.memref_slice %arg14[%mul3A_200, %dma_wait3A_203] : memref<10000x128xf32, #tpu.memory_space<vmem_shared>> -> memref<48x128xf32, #tpu.memory_space<vmem_shared>>
    tpu.wait_dma2 semaphore(%arg24 : memref<!tpu.dma_semaphore, #tpu.memory_space<semaphore_mem>>) src(%arg13 : memref<48x128xf32, #tpu.memory_space<vmem>>) dst(%dma_wait3A_204 : memref<48x128xf32, #tpu.memory_space<vmem_shared>>)
    %eq3A = arith.constant 0 : i32
    %eq3A_205 = arith.cmpi eq, %arg1, %eq3A : i32
    %convert_element_type3A = arith.extui %eq3A_205 : i1 to i32
    %cond3A = arith.constant 0 : i32
    %cond3A_206 = arith.cmpi ne, %convert_element_type3A, %cond3A : i32
    scf.if %cond3A_206 {
      %dma_start3A_314 = arith.constant 0 : i32
      %dma_start3A_315 = arith.constant 0 : i32
      %dma_start3A_316 = tpu.memref_slice %arg13[%dma_start3A_314, %dma_start3A_315] : memref<48x128xf32, #tpu.memory_space<vmem>> -> memref<16x128xf32, #tpu.memory_space<vmem>>
      %dma_start3A_317 = arith.constant 9984 : i32
      %dma_start3A_318 = arith.constant 0 : i32
      %dma_start3A_319 = tpu.memref_slice %arg14[%dma_start3A_317, %dma_start3A_318] : memref<10000x128xf32, #tpu.memory_space<vmem_shared>> -> memref<16x128xf32, #tpu.memory_space<vmem_shared>>
      %dma_start3A_320 = arith.constant 9984 : i32
      %dma_start3A_321 = arith.constant 0 : i32
      %dma_start3A_322 = tpu.memref_slice %arg14[%dma_start3A_320, %dma_start3A_321] : memref<10000x128xf32, #tpu.memory_space<vmem_shared>> -> memref<16x128xf32, #tpu.memory_space<vmem_shared>>
      %dma_start3A_323 = arith.constant 0 : i32
      %dma_start3A_324 = arith.constant 0 : i32
      %dma_start3A_325 = tpu.memref_slice %arg13[%dma_start3A_323, %dma_start3A_324] : memref<48x128xf32, #tpu.memory_space<vmem>> -> memref<16x128xf32, #tpu.memory_space<vmem>>
      tpu.enqueue_dma source(%dma_start3A_325 : memref<16x128xf32, #tpu.memory_space<vmem>>) target(%dma_start3A_322 : memref<16x128xf32, #tpu.memory_space<vmem_shared>>) target_semaphore(%arg24 : memref<!tpu.dma_semaphore, #tpu.memory_space<semaphore_mem>>)
      %dma_wait3A_326 = arith.constant 0 : i32
      %dma_wait3A_327 = arith.constant 0 : i32
      %dma_wait3A_328 = tpu.memref_slice %arg13[%dma_wait3A_326, %dma_wait3A_327] : memref<48x128xf32, #tpu.memory_space<vmem>> -> memref<16x128xf32, #tpu.memory_space<vmem>>
      %dma_wait3A_329 = arith.constant 9984 : i32
      %dma_wait3A_330 = arith.constant 0 : i32
      %dma_wait3A_331 = tpu.memref_slice %arg14[%dma_wait3A_329, %dma_wait3A_330] : memref<10000x128xf32, #tpu.memory_space<vmem_shared>> -> memref<16x128xf32, #tpu.memory_space<vmem_shared>>
      %dma_wait3A_332 = arith.constant 9984 : i32
      %dma_wait3A_333 = arith.constant 0 : i32
      %dma_wait3A_334 = tpu.memref_slice %arg14[%dma_wait3A_332, %dma_wait3A_333] : memref<10000x128xf32, #tpu.memory_space<vmem_shared>> -> memref<16x128xf32, #tpu.memory_space<vmem_shared>>
      %dma_wait3A_335 = arith.constant 0 : i32
      %dma_wait3A_336 = arith.constant 0 : i32
      %dma_wait3A_337 = tpu.memref_slice %arg13[%dma_wait3A_335, %dma_wait3A_336] : memref<48x128xf32, #tpu.memory_space<vmem>> -> memref<16x128xf32, #tpu.memory_space<vmem>>
      tpu.wait_dma2 semaphore(%arg24 : memref<!tpu.dma_semaphore, #tpu.memory_space<semaphore_mem>>) src(%dma_wait3A_337 : memref<16x128xf32, #tpu.memory_space<vmem>>) dst(%dma_wait3A_334 : memref<16x128xf32, #tpu.memory_space<vmem_shared>>)
    } else {
    }
    %barrier3A = arith.constant 0 : index
    tpu.barrier barrier_id(%barrier3A)
    %dma_wait3A_207 = arith.constant 0 : i32
    %dma_wait3A_208 = tpu.memref_slice %arg6[%dma_wait3A_207] : memref<10000xi32, #tpu.memory_space<vmem>> -> memref<80xi32, #tpu.memory_space<vmem>>
    %dma_wait3A_209 = arith.constant 0 : i32
    %dma_wait3A_210 = arith.constant 0 : i32
    %dma_wait3A_211 = tpu.memref_slice %arg2[%dma_wait3A_209, %dma_wait3A_210] : memref<10000x128xf32, #tpu.memory_space<hbm>> -> memref<10000x128xf32, #tpu.memory_space<hbm>>
    tpu.wait_indirect_dma semaphore(%arg15 : memref<!tpu.dma_semaphore, #tpu.memory_space<semaphore_mem>>) src(%dma_wait3A_211 : memref<10000x128xf32, #tpu.memory_space<hbm>>) dst(%arg10 : memref<80x128xf32, #tpu.memory_space<vmem>>)
    %add3A_212 = arith.constant 160 : i32
    %add3A_213 = arith.addi %mul3A_2, %add3A_212 : i32
    %dma_start3A_214 = tpu.memref_slice %arg4[%add3A_213] : memref<320000xi32, #tpu.memory_space<hbm>> -> memref<80xi32, #tpu.memory_space<hbm>>
    %dma_start3A_215 = tpu.memref_slice %arg4[%add3A_213] : memref<320000xi32, #tpu.memory_space<hbm>> -> memref<80xi32, #tpu.memory_space<hbm>>
    tpu.enqueue_dma source(%dma_start3A_215 : memref<80xi32, #tpu.memory_space<hbm>>) target(%arg9 : memref<80xi32, #tpu.memory_space<vmem>>) target_semaphore(%arg23 : memref<!tpu.dma_semaphore, #tpu.memory_space<semaphore_mem>>)
    %dma_start3A_216 = arith.constant 160 : i32
    %dma_start3A_217 = tpu.memref_slice %arg6[%dma_start3A_216] : memref<10000xi32, #tpu.memory_space<vmem>> -> memref<80xi32, #tpu.memory_space<vmem>>
    %dma_start3A_218 = arith.constant 0 : i32
    %dma_start3A_219 = arith.constant 0 : i32
    %dma_start3A_220 = tpu.memref_slice %arg2[%dma_start3A_218, %dma_start3A_219] : memref<10000x128xf32, #tpu.memory_space<hbm>> -> memref<10000x128xf32, #tpu.memory_space<hbm>>
    tpu.enqueue_indirect_dma source(%dma_start3A_220 : memref<10000x128xf32, #tpu.memory_space<hbm>>) target(%arg12 : memref<80x128xf32, #tpu.memory_space<vmem>>) offsets(%dma_start3A_217 : memref<80xi32, #tpu.memory_space<vmem>>) semaphore(%arg17 : memref<!tpu.dma_semaphore, #tpu.memory_space<semaphore_mem>>)
    %dma_wait3A_221 = tpu.memref_slice %arg4[%mul3A_2] : memref<320000xi32, #tpu.memory_space<hbm>> -> memref<80xi32, #tpu.memory_space<hbm>>
    %dma_wait3A_222 = tpu.memref_slice %arg4[%mul3A_2] : memref<320000xi32, #tpu.memory_space<hbm>> -> memref<80xi32, #tpu.memory_space<hbm>>
    tpu.wait_dma2 semaphore(%arg21 : memref<!tpu.dma_semaphore, #tpu.memory_space<semaphore_mem>>) src(%dma_wait3A_222 : memref<80xi32, #tpu.memory_space<hbm>>) dst(%arg7 : memref<80xi32, #tpu.memory_space<vmem>>)
    %dma_start3A_223 = arith.constant 0 : i32
    %dma_start3A_224 = arith.constant 0 : i32
    %dma_start3A_225 = tpu.memref_slice %arg14[%dma_start3A_223, %dma_start3A_224] : memref<10000x128xf32, #tpu.memory_space<vmem_shared>> -> memref<10000x128xf32, #tpu.memory_space<vmem_shared>>
    tpu.enqueue_indirect_dma source(%arg10 : memref<80x128xf32, #tpu.memory_space<vmem>>) target(%dma_start3A_225 : memref<10000x128xf32, #tpu.memory_space<vmem_shared>>) offsets(%arg7 : memref<80xi32, #tpu.memory_space<vmem>>) semaphore(%arg18 : memref<!tpu.dma_semaphore, #tpu.memory_space<semaphore_mem>>) {add = true}
    %dma_wait3A_226 = arith.constant 0 : i32
    %dma_wait3A_227 = tpu.memref_slice %arg6[%dma_wait3A_226] : memref<10000xi32, #tpu.memory_space<vmem>> -> memref<80xi32, #tpu.memory_space<vmem>>
    %dma_wait3A_228 = arith.constant 0 : i32
    %dma_wait3A_229 = arith.constant 0 : i32
    %dma_wait3A_230 = tpu.memref_slice %arg2[%dma_wait3A_228, %dma_wait3A_229] : memref<10000x128xf32, #tpu.memory_space<hbm>> -> memref<10000x128xf32, #tpu.memory_space<hbm>>
    tpu.wait_indirect_dma semaphore(%arg16 : memref<!tpu.dma_semaphore, #tpu.memory_space<semaphore_mem>>) src(%dma_wait3A_230 : memref<10000x128xf32, #tpu.memory_space<hbm>>) dst(%arg11 : memref<80x128xf32, #tpu.memory_space<vmem>>)
    %dma_wait3A_231 = arith.constant 0 : i32
    %dma_wait3A_232 = arith.constant 0 : i32
    %dma_wait3A_233 = tpu.memref_slice %arg14[%dma_wait3A_231, %dma_wait3A_232] : memref<10000x128xf32, #tpu.memory_space<vmem_shared>> -> memref<10000x128xf32, #tpu.memory_space<vmem_shared>>
    tpu.wait_indirect_dma semaphore(%arg18 : memref<!tpu.dma_semaphore, #tpu.memory_space<semaphore_mem>>) src(%arg10 : memref<80x128xf32, #tpu.memory_space<vmem>>) dst(%dma_wait3A_233 : memref<10000x128xf32, #tpu.memory_space<vmem_shared>>)
    %add3A_234 = arith.constant 240 : i32
    %add3A_235 = arith.addi %mul3A_2, %add3A_234 : i32
    %dma_start3A_236 = tpu.memref_slice %arg4[%add3A_235] : memref<320000xi32, #tpu.memory_space<hbm>> -> memref<80xi32, #tpu.memory_space<hbm>>
    %dma_start3A_237 = tpu.memref_slice %arg4[%add3A_235] : memref<320000xi32, #tpu.memory_space<hbm>> -> memref<80xi32, #tpu.memory_space<hbm>>
    tpu.enqueue_dma source(%dma_start3A_237 : memref<80xi32, #tpu.memory_space<hbm>>) target(%arg7 : memref<80xi32, #tpu.memory_space<vmem>>) target_semaphore(%arg21 : memref<!tpu.dma_semaphore, #tpu.memory_space<semaphore_mem>>)
    %dma_start3A_238 = arith.constant 240 : i32
    %dma_start3A_239 = tpu.memref_slice %arg6[%dma_start3A_238] : memref<10000xi32, #tpu.memory_space<vmem>> -> memref<80xi32, #tpu.memory_space<vmem>>
    %dma_start3A_240 = arith.constant 0 : i32
    %dma_start3A_241 = arith.constant 0 : i32
    %dma_start3A_242 = tpu.memref_slice %arg2[%dma_start3A_240, %dma_start3A_241] : memref<10000x128xf32, #tpu.memory_space<hbm>> -> memref<10000x128xf32, #tpu.memory_space<hbm>>
    tpu.enqueue_indirect_dma source(%dma_start3A_242 : memref<10000x128xf32, #tpu.memory_space<hbm>>) target(%arg10 : memref<80x128xf32, #tpu.memory_space<vmem>>) offsets(%dma_start3A_239 : memref<80xi32, #tpu.memory_space<vmem>>) semaphore(%arg15 : memref<!tpu.dma_semaphore, #tpu.memory_space<semaphore_mem>>)
    %dma_wait3A_243 = tpu.memref_slice %arg4[%mul3A_2] : memref<320000xi32, #tpu.memory_space<hbm>> -> memref<80xi32, #tpu.memory_space<hbm>>
    %dma_wait3A_244 = tpu.memref_slice %arg4[%mul3A_2] : memref<320000xi32, #tpu.memory_space<hbm>> -> memref<80xi32, #tpu.memory_space<hbm>>
    tpu.wait_dma2 semaphore(%arg22 : memref<!tpu.dma_semaphore, #tpu.memory_space<semaphore_mem>>) src(%dma_wait3A_244 : memref<80xi32, #tpu.memory_space<hbm>>) dst(%arg8 : memref<80xi32, #tpu.memory_space<vmem>>)
    %dma_start3A_245 = arith.constant 0 : i32
    %dma_start3A_246 = arith.constant 0 : i32
    %dma_start3A_247 = tpu.memref_slice %arg14[%dma_start3A_245, %dma_start3A_246] : memref<10000x128xf32, #tpu.memory_space<vmem_shared>> -> memref<10000x128xf32, #tpu.memory_space<vmem_shared>>
    tpu.enqueue_indirect_dma source(%arg11 : memref<80x128xf32, #tpu.memory_space<vmem>>) target(%dma_start3A_247 : memref<10000x128xf32, #tpu.memory_space<vmem_shared>>) offsets(%arg8 : memref<80xi32, #tpu.memory_space<vmem>>) semaphore(%arg19 : memref<!tpu.dma_semaphore, #tpu.memory_space<semaphore_mem>>) {add = true}
    %dma_wait3A_248 = arith.constant 0 : i32
    %dma_wait3A_249 = tpu.memref_slice %arg6[%dma_wait3A_248] : memref<10000xi32, #tpu.memory_space<vmem>> -> memref<80xi32, #tpu.memory_space<vmem>>
    %dma_wait3A_250 = arith.constant 0 : i32
    %dma_wait3A_251 = arith.constant 0 : i32
    %dma_wait3A_252 = tpu.memref_slice %arg2[%dma_wait3A_250, %dma_wait3A_251] : memref<10000x128xf32, #tpu.memory_space<hbm>> -> memref<10000x128xf32, #tpu.memory_space<hbm>>
    tpu.wait_indirect_dma semaphore(%arg17 : memref<!tpu.dma_semaphore, #tpu.memory_space<semaphore_mem>>) src(%dma_wait3A_252 : memref<10000x128xf32, #tpu.memory_space<hbm>>) dst(%arg12 : memref<80x128xf32, #tpu.memory_space<vmem>>)
    %dma_wait3A_253 = arith.constant 0 : i32
    %dma_wait3A_254 = arith.constant 0 : i32
    %dma_wait3A_255 = tpu.memref_slice %arg14[%dma_wait3A_253, %dma_wait3A_254] : memref<10000x128xf32, #tpu.memory_space<vmem_shared>> -> memref<10000x128xf32, #tpu.memory_space<vmem_shared>>
    tpu.wait_indirect_dma semaphore(%arg19 : memref<!tpu.dma_semaphore, #tpu.memory_space<semaphore_mem>>) src(%arg11 : memref<80x128xf32, #tpu.memory_space<vmem>>) dst(%dma_wait3A_255 : memref<10000x128xf32, #tpu.memory_space<vmem_shared>>)
    %add3A_256 = arith.constant 320 : i32
    %add3A_257 = arith.addi %mul3A_2, %add3A_256 : i32
    %dma_start3A_258 = tpu.memref_slice %arg4[%add3A_257] : memref<320000xi32, #tpu.memory_space<hbm>> -> memref<80xi32, #tpu.memory_space<hbm>>
    %dma_start3A_259 = tpu.memref_slice %arg4[%add3A_257] : memref<320000xi32, #tpu.memory_space<hbm>> -> memref<80xi32, #tpu.memory_space<hbm>>
    tpu.enqueue_dma source(%dma_start3A_259 : memref<80xi32, #tpu.memory_space<hbm>>) target(%arg8 : memref<80xi32, #tpu.memory_space<vmem>>) target_semaphore(%arg22 : memref<!tpu.dma_semaphore, #tpu.memory_space<semaphore_mem>>)
    %dma_start3A_260 = arith.constant 320 : i32
    %dma_start3A_261 = tpu.memref_slice %arg6[%dma_start3A_260] : memref<10000xi32, #tpu.memory_space<vmem>> -> memref<80xi32, #tpu.memory_space<vmem>>
    %dma_start3A_262 = arith.constant 0 : i32
    %dma_start3A_263 = arith.constant 0 : i32
    %dma_start3A_264 = tpu.memref_slice %arg2[%dma_start3A_262, %dma_start3A_263] : memref<10000x128xf32, #tpu.memory_space<hbm>> -> memref<10000x128xf32, #tpu.memory_space<hbm>>
    tpu.enqueue_indirect_dma source(%dma_start3A_264 : memref<10000x128xf32, #tpu.memory_space<hbm>>) target(%arg11 : memref<80x128xf32, #tpu.memory_space<vmem>>) offsets(%dma_start3A_261 : memref<80xi32, #tpu.memory_space<vmem>>) semaphore(%arg16 : memref<!tpu.dma_semaphore, #tpu.memory_space<semaphore_mem>>)
    %dma_wait3A_265 = tpu.memref_slice %arg4[%mul3A_2] : memref<320000xi32, #tpu.memory_space<hbm>> -> memref<80xi32, #tpu.memory_space<hbm>>
    %dma_wait3A_266 = tpu.memref_slice %arg4[%mul3A_2] : memref<320000xi32, #tpu.memory_space<hbm>> -> memref<80xi32, #tpu.memory_space<hbm>>
    tpu.wait_dma2 semaphore(%arg23 : memref<!tpu.dma_semaphore, #tpu.memory_space<semaphore_mem>>) src(%dma_wait3A_266 : memref<80xi32, #tpu.memory_space<hbm>>) dst(%arg9 : memref<80xi32, #tpu.memory_space<vmem>>)
    %dma_start3A_267 = arith.constant 0 : i32
    %dma_start3A_268 = arith.constant 0 : i32
    %dma_start3A_269 = tpu.memref_slice %arg14[%dma_start3A_267, %dma_start3A_268] : memref<10000x128xf32, #tpu.memory_space<vmem_shared>> -> memref<10000x128xf32, #tpu.memory_space<vmem_shared>>
    tpu.enqueue_indirect_dma source(%arg12 : memref<80x128xf32, #tpu.memory_space<vmem>>) target(%dma_start3A_269 : memref<10000x128xf32, #tpu.memory_space<vmem_shared>>) offsets(%arg9 : memref<80xi32, #tpu.memory_space<vmem>>) semaphore(%arg20 : memref<!tpu.dma_semaphore, #tpu.memory_space<semaphore_mem>>) {add = true}
    %scan3A_270 = arith.constant 0 : i32
    %scan3A_271 = arith.constant 40 : i32
    %scan3A_272 = arith.addi %scan3A_270, %scan3A_271 : i32
    %scan3A_273 = arith.constant 1 : i32
    scf.for %scan3A_314 = %scan3A_270 to %scan3A_272 step %scan3A_273  : i32 {
      %mul3A_315 = arith.constant 1 : i32
      %mul3A_316 = arith.muli %scan3A_314, %mul3A_315 : i32
      %add3A_317 = arith.constant 0 : i32
      %add3A_318 = arith.addi %add3A_317, %mul3A_316 : i32
      %mul3A_319 = arith.constant 3 : i32
      %mul3A_320 = arith.muli %mul3A_319, %add3A_318 : i32
      %add3A_321 = arith.constant 3 : i32
      %add3A_322 = arith.addi %add3A_321, %mul3A_320 : i32
      %add3A_323 = arith.constant 0 : i32
      %add3A_324 = arith.addi %add3A_322, %add3A_323 : i32
      %dma_wait3A_325 = arith.constant 0 : i32
      %dma_wait3A_326 = tpu.memref_slice %arg6[%dma_wait3A_325] : memref<10000xi32, #tpu.memory_space<vmem>> -> memref<80xi32, #tpu.memory_space<vmem>>
      %dma_wait3A_327 = arith.constant 0 : i32
      %dma_wait3A_328 = arith.constant 0 : i32
      %dma_wait3A_329 = tpu.memref_slice %arg2[%dma_wait3A_327, %dma_wait3A_328] : memref<10000x128xf32, #tpu.memory_space<hbm>> -> memref<10000x128xf32, #tpu.memory_space<hbm>>
      tpu.wait_indirect_dma semaphore(%arg15 : memref<!tpu.dma_semaphore, #tpu.memory_space<semaphore_mem>>) src(%dma_wait3A_329 : memref<10000x128xf32, #tpu.memory_space<hbm>>) dst(%arg10 : memref<80x128xf32, #tpu.memory_space<vmem>>)
      %dma_wait3A_330 = arith.constant 0 : i32
      %dma_wait3A_331 = arith.constant 0 : i32
      %dma_wait3A_332 = tpu.memref_slice %arg14[%dma_wait3A_330, %dma_wait3A_331] : memref<10000x128xf32, #tpu.memory_space<vmem_shared>> -> memref<10000x128xf32, #tpu.memory_space<vmem_shared>>
      tpu.wait_indirect_dma semaphore(%arg20 : memref<!tpu.dma_semaphore, #tpu.memory_space<semaphore_mem>>) src(%arg12 : memref<80x128xf32, #tpu.memory_space<vmem>>) dst(%dma_wait3A_332 : memref<10000x128xf32, #tpu.memory_space<vmem_shared>>)
      %add3A_333 = arith.constant 2 : i32
      %add3A_334 = arith.addi %add3A_324, %add3A_333 : i32
      %mul3A_335 = arith.constant 80 : i32
      %mul3A_336 = arith.muli %add3A_334, %mul3A_335 : i32
      %add3A_337 = arith.addi %mul3A_2, %mul3A_336 : i32
      %dma_start3A_338 = tpu.memref_slice %arg4[%add3A_337] : memref<320000xi32, #tpu.memory_space<hbm>> -> memref<80xi32, #tpu.memory_space<hbm>>
      %dma_start3A_339 = tpu.memref_slice %arg4[%add3A_337] : memref<320000xi32, #tpu.memory_space<hbm>> -> memref<80xi32, #tpu.memory_space<hbm>>
      tpu.enqueue_dma source(%dma_start3A_339 : memref<80xi32, #tpu.memory_space<hbm>>) target(%arg9 : memref<80xi32, #tpu.memory_space<vmem>>) target_semaphore(%arg23 : memref<!tpu.dma_semaphore, #tpu.memory_space<semaphore_mem>>)
      %add3A_340 = arith.constant 2 : i32
      %add3A_341 = arith.addi %add3A_324, %add3A_340 : i32
      %mul3A_342 = arith.constant 80 : i32
      %mul3A_343 = arith.muli %add3A_341, %mul3A_342 : i32
      %dma_start3A_344 = tpu.memref_slice %arg6[%mul3A_343] : memref<10000xi32, #tpu.memory_space<vmem>> -> memref<80xi32, #tpu.memory_space<vmem>>
      %dma_start3A_345 = arith.constant 0 : i32
      %dma_start3A_346 = arith.constant 0 : i32
      %dma_start3A_347 = tpu.memref_slice %arg2[%dma_start3A_345, %dma_start3A_346] : memref<10000x128xf32, #tpu.memory_space<hbm>> -> memref<10000x128xf32, #tpu.memory_space<hbm>>
      tpu.enqueue_indirect_dma source(%dma_start3A_347 : memref<10000x128xf32, #tpu.memory_space<hbm>>) target(%arg12 : memref<80x128xf32, #tpu.memory_space<vmem>>) offsets(%dma_start3A_344 : memref<80xi32, #tpu.memory_space<vmem>>) semaphore(%arg17 : memref<!tpu.dma_semaphore, #tpu.memory_space<semaphore_mem>>)
      %dma_wait3A_348 = tpu.memref_slice %arg4[%mul3A_2] : memref<320000xi32, #tpu.memory_space<hbm>> -> memref<80xi32, #tpu.memory_space<hbm>>
      %dma_wait3A_349 = tpu.memref_slice %arg4[%mul3A_2] : memref<320000xi32, #tpu.memory_space<hbm>> -> memref<80xi32, #tpu.memory_space<hbm>>
      tpu.wait_dma2 semaphore(%arg21 : memref<!tpu.dma_semaphore, #tpu.memory_space<semaphore_mem>>) src(%dma_wait3A_349 : memref<80xi32, #tpu.memory_space<hbm>>) dst(%arg7 : memref<80xi32, #tpu.memory_space<vmem>>)
      %dma_start3A_350 = arith.constant 0 : i32
      %dma_start3A_351 = arith.constant 0 : i32
      %dma_start3A_352 = tpu.memref_slice %arg14[%dma_start3A_350, %dma_start3A_351] : memref<10000x128xf32, #tpu.memory_space<vmem_shared>> -> memref<10000x128xf32, #tpu.memory_space<vmem_shared>>
      tpu.enqueue_indirect_dma source(%arg10 : memref<80x128xf32, #tpu.memory_space<vmem>>) target(%dma_start3A_352 : memref<10000x128xf32, #tpu.memory_space<vmem_shared>>) offsets(%arg7 : memref<80xi32, #tpu.memory_space<vmem>>) semaphore(%arg18 : memref<!tpu.dma_semaphore, #tpu.memory_space<semaphore_mem>>) {add = true}
      %add3A_353 = arith.constant 1 : i32
      %add3A_354 = arith.addi %add3A_322, %add3A_353 : i32
      %dma_wait3A_355 = arith.constant 0 : i32
      %dma_wait3A_356 = tpu.memref_slice %arg6[%dma_wait3A_355] : memref<10000xi32, #tpu.memory_space<vmem>> -> memref<80xi32, #tpu.memory_space<vmem>>
      %dma_wait3A_357 = arith.constant 0 : i32
      %dma_wait3A_358 = arith.constant 0 : i32
      %dma_wait3A_359 = tpu.memref_slice %arg2[%dma_wait3A_357, %dma_wait3A_358] : memref<10000x128xf32, #tpu.memory_space<hbm>> -> memref<10000x128xf32, #tpu.memory_space<hbm>>
      tpu.wait_indirect_dma semaphore(%arg16 : memref<!tpu.dma_semaphore, #tpu.memory_space<semaphore_mem>>) src(%dma_wait3A_359 : memref<10000x128xf32, #tpu.memory_space<hbm>>) dst(%arg11 : memref<80x128xf32, #tpu.memory_space<vmem>>)
      %dma_wait3A_360 = arith.constant 0 : i32
      %dma_wait3A_361 = arith.constant 0 : i32
      %dma_wait3A_362 = tpu.memref_slice %arg14[%dma_wait3A_360, %dma_wait3A_361] : memref<10000x128xf32, #tpu.memory_space<vmem_shared>> -> memref<10000x128xf32, #tpu.memory_space<vmem_shared>>
      tpu.wait_indirect_dma semaphore(%arg18 : memref<!tpu.dma_semaphore, #tpu.memory_space<semaphore_mem>>) src(%arg10 : memref<80x128xf32, #tpu.memory_space<vmem>>) dst(%dma_wait3A_362 : memref<10000x128xf32, #tpu.memory_space<vmem_shared>>)
      %add3A_363 = arith.constant 2 : i32
      %add3A_364 = arith.addi %add3A_354, %add3A_363 : i32
      %mul3A_365 = arith.constant 80 : i32
      %mul3A_366 = arith.muli %add3A_364, %mul3A_365 : i32
      %add3A_367 = arith.addi %mul3A_2, %mul3A_366 : i32
      %dma_start3A_368 = tpu.memref_slice %arg4[%add3A_367] : memref<320000xi32, #tpu.memory_space<hbm>> -> memref<80xi32, #tpu.memory_space<hbm>>
      %dma_start3A_369 = tpu.memref_slice %arg4[%add3A_367] : memref<320000xi32, #tpu.memory_space<hbm>> -> memref<80xi32, #tpu.memory_space<hbm>>
      tpu.enqueue_dma source(%dma_start3A_369 : memref<80xi32, #tpu.memory_space<hbm>>) target(%arg7 : memref<80xi32, #tpu.memory_space<vmem>>) target_semaphore(%arg21 : memref<!tpu.dma_semaphore, #tpu.memory_space<semaphore_mem>>)
      %add3A_370 = arith.constant 2 : i32
      %add3A_371 = arith.addi %add3A_354, %add3A_370 : i32
      %mul3A_372 = arith.constant 80 : i32
      %mul3A_373 = arith.muli %add3A_371, %mul3A_372 : i32
      %dma_start3A_374 = tpu.memref_slice %arg6[%mul3A_373] : memref<10000xi32, #tpu.memory_space<vmem>> -> memref<80xi32, #tpu.memory_space<vmem>>
      %dma_start3A_375 = arith.constant 0 : i32
      %dma_start3A_376 = arith.constant 0 : i32
      %dma_start3A_377 = tpu.memref_slice %arg2[%dma_start3A_375, %dma_start3A_376] : memref<10000x128xf32, #tpu.memory_space<hbm>> -> memref<10000x128xf32, #tpu.memory_space<hbm>>
      tpu.enqueue_indirect_dma source(%dma_start3A_377 : memref<10000x128xf32, #tpu.memory_space<hbm>>) target(%arg10 : memref<80x128xf32, #tpu.memory_space<vmem>>) offsets(%dma_start3A_374 : memref<80xi32, #tpu.memory_space<vmem>>) semaphore(%arg15 : memref<!tpu.dma_semaphore, #tpu.memory_space<semaphore_mem>>)
      %dma_wait3A_378 = tpu.memref_slice %arg4[%mul3A_2] : memref<320000xi32, #tpu.memory_space<hbm>> -> memref<80xi32, #tpu.memory_space<hbm>>
      %dma_wait3A_379 = tpu.memref_slice %arg4[%mul3A_2] : memref<320000xi32, #tpu.memory_space<hbm>> -> memref<80xi32, #tpu.memory_space<hbm>>
      tpu.wait_dma2 semaphore(%arg22 : memref<!tpu.dma_semaphore, #tpu.memory_space<semaphore_mem>>) src(%dma_wait3A_379 : memref<80xi32, #tpu.memory_space<hbm>>) dst(%arg8 : memref<80xi32, #tpu.memory_space<vmem>>)
      %dma_start3A_380 = arith.constant 0 : i32
      %dma_start3A_381 = arith.constant 0 : i32
      %dma_start3A_382 = tpu.memref_slice %arg14[%dma_start3A_380, %dma_start3A_381] : memref<10000x128xf32, #tpu.memory_space<vmem_shared>> -> memref<10000x128xf32, #tpu.memory_space<vmem_shared>>
      tpu.enqueue_indirect_dma source(%arg11 : memref<80x128xf32, #tpu.memory_space<vmem>>) target(%dma_start3A_382 : memref<10000x128xf32, #tpu.memory_space<vmem_shared>>) offsets(%arg8 : memref<80xi32, #tpu.memory_space<vmem>>) semaphore(%arg19 : memref<!tpu.dma_semaphore, #tpu.memory_space<semaphore_mem>>) {add = true}
      %add3A_383 = arith.constant 2 : i32
      %add3A_384 = arith.addi %add3A_322, %add3A_383 : i32
      %dma_wait3A_385 = arith.constant 0 : i32
      %dma_wait3A_386 = tpu.memref_slice %arg6[%dma_wait3A_385] : memref<10000xi32, #tpu.memory_space<vmem>> -> memref<80xi32, #tpu.memory_space<vmem>>
      %dma_wait3A_387 = arith.constant 0 : i32
      %dma_wait3A_388 = arith.constant 0 : i32
      %dma_wait3A_389 = tpu.memref_slice %arg2[%dma_wait3A_387, %dma_wait3A_388] : memref<10000x128xf32, #tpu.memory_space<hbm>> -> memref<10000x128xf32, #tpu.memory_space<hbm>>
      tpu.wait_indirect_dma semaphore(%arg17 : memref<!tpu.dma_semaphore, #tpu.memory_space<semaphore_mem>>) src(%dma_wait3A_389 : memref<10000x128xf32, #tpu.memory_space<hbm>>) dst(%arg12 : memref<80x128xf32, #tpu.memory_space<vmem>>)
      %dma_wait3A_390 = arith.constant 0 : i32
      %dma_wait3A_391 = arith.constant 0 : i32
      %dma_wait3A_392 = tpu.memref_slice %arg14[%dma_wait3A_390, %dma_wait3A_391] : memref<10000x128xf32, #tpu.memory_space<vmem_shared>> -> memref<10000x128xf32, #tpu.memory_space<vmem_shared>>
      tpu.wait_indirect_dma semaphore(%arg19 : memref<!tpu.dma_semaphore, #tpu.memory_space<semaphore_mem>>) src(%arg11 : memref<80x128xf32, #tpu.memory_space<vmem>>) dst(%dma_wait3A_392 : memref<10000x128xf32, #tpu.memory_space<vmem_shared>>)
      %add3A_393 = arith.constant 2 : i32
      %add3A_394 = arith.addi %add3A_384, %add3A_393 : i32
      %mul3A_395 = arith.constant 80 : i32
      %mul3A_396 = arith.muli %add3A_394, %mul3A_395 : i32
      %add3A_397 = arith.addi %mul3A_2, %mul3A_396 : i32
      %dma_start3A_398 = tpu.memref_slice %arg4[%add3A_397] : memref<320000xi32, #tpu.memory_space<hbm>> -> memref<80xi32, #tpu.memory_space<hbm>>
      %dma_start3A_399 = tpu.memref_slice %arg4[%add3A_397] : memref<320000xi32, #tpu.memory_space<hbm>> -> memref<80xi32, #tpu.memory_space<hbm>>
      tpu.enqueue_dma source(%dma_start3A_399 : memref<80xi32, #tpu.memory_space<hbm>>) target(%arg8 : memref<80xi32, #tpu.memory_space<vmem>>) target_semaphore(%arg22 : memref<!tpu.dma_semaphore, #tpu.memory_space<semaphore_mem>>)
      %add3A_400 = arith.constant 2 : i32
      %add3A_401 = arith.addi %add3A_384, %add3A_400 : i32
      %mul3A_402 = arith.constant 80 : i32
      %mul3A_403 = arith.muli %add3A_401, %mul3A_402 : i32
      %dma_start3A_404 = tpu.memref_slice %arg6[%mul3A_403] : memref<10000xi32, #tpu.memory_space<vmem>> -> memref<80xi32, #tpu.memory_space<vmem>>
      %dma_start3A_405 = arith.constant 0 : i32
      %dma_start3A_406 = arith.constant 0 : i32
      %dma_start3A_407 = tpu.memref_slice %arg2[%dma_start3A_405, %dma_start3A_406] : memref<10000x128xf32, #tpu.memory_space<hbm>> -> memref<10000x128xf32, #tpu.memory_space<hbm>>
      tpu.enqueue_indirect_dma source(%dma_start3A_407 : memref<10000x128xf32, #tpu.memory_space<hbm>>) target(%arg11 : memref<80x128xf32, #tpu.memory_space<vmem>>) offsets(%dma_start3A_404 : memref<80xi32, #tpu.memory_space<vmem>>) semaphore(%arg16 : memref<!tpu.dma_semaphore, #tpu.memory_space<semaphore_mem>>)
      %dma_wait3A_408 = tpu.memref_slice %arg4[%mul3A_2] : memref<320000xi32, #tpu.memory_space<hbm>> -> memref<80xi32, #tpu.memory_space<hbm>>
      %dma_wait3A_409 = tpu.memref_slice %arg4[%mul3A_2] : memref<320000xi32, #tpu.memory_space<hbm>> -> memref<80xi32, #tpu.memory_space<hbm>>
      tpu.wait_dma2 semaphore(%arg23 : memref<!tpu.dma_semaphore, #tpu.memory_space<semaphore_mem>>) src(%dma_wait3A_409 : memref<80xi32, #tpu.memory_space<hbm>>) dst(%arg9 : memref<80xi32, #tpu.memory_space<vmem>>)
      %dma_start3A_410 = arith.constant 0 : i32
      %dma_start3A_411 = arith.constant 0 : i32
      %dma_start3A_412 = tpu.memref_slice %arg14[%dma_start3A_410, %dma_start3A_411] : memref<10000x128xf32, #tpu.memory_space<vmem_shared>> -> memref<10000x128xf32, #tpu.memory_space<vmem_shared>>
      tpu.enqueue_indirect_dma source(%arg12 : memref<80x128xf32, #tpu.memory_space<vmem>>) target(%dma_start3A_412 : memref<10000x128xf32, #tpu.memory_space<vmem_shared>>) offsets(%arg9 : memref<80xi32, #tpu.memory_space<vmem>>) semaphore(%arg20 : memref<!tpu.dma_semaphore, #tpu.memory_space<semaphore_mem>>) {add = true}
    }
    %scan3A_274 = arith.constant 40 : i32
    %dma_wait3A_275 = arith.constant 0 : i32
    %dma_wait3A_276 = tpu.memref_slice %arg6[%dma_wait3A_275] : memref<10000xi32, #tpu.memory_space<vmem>> -> memref<80xi32, #tpu.memory_space<vmem>>
    %dma_wait3A_277 = arith.constant 0 : i32
    %dma_wait3A_278 = arith.constant 0 : i32
    %dma_wait3A_279 = tpu.memref_slice %arg2[%dma_wait3A_277, %dma_wait3A_278] : memref<10000x128xf32, #tpu.memory_space<hbm>> -> memref<10000x128xf32, #tpu.memory_space<hbm>>
    tpu.wait_indirect_dma semaphore(%arg15 : memref<!tpu.dma_semaphore, #tpu.memory_space<semaphore_mem>>) src(%dma_wait3A_279 : memref<10000x128xf32, #tpu.memory_space<hbm>>) dst(%arg10 : memref<80x128xf32, #tpu.memory_space<vmem>>)
    %dma_wait3A_280 = tpu.memref_slice %arg4[%mul3A_2] : memref<320000xi32, #tpu.memory_space<hbm>> -> memref<80xi32, #tpu.memory_space<hbm>>
    %dma_wait3A_281 = tpu.memref_slice %arg4[%mul3A_2] : memref<320000xi32, #tpu.memory_space<hbm>> -> memref<80xi32, #tpu.memory_space<hbm>>
    tpu.wait_dma2 semaphore(%arg21 : memref<!tpu.dma_semaphore, #tpu.memory_space<semaphore_mem>>) src(%dma_wait3A_281 : memref<80xi32, #tpu.memory_space<hbm>>) dst(%arg7 : memref<80xi32, #tpu.memory_space<vmem>>)
    %dma_start3A_282 = arith.constant 0 : i32
    %dma_start3A_283 = arith.constant 0 : i32
    %dma_start3A_284 = tpu.memref_slice %arg14[%dma_start3A_282, %dma_start3A_283] : memref<10000x128xf32, #tpu.memory_space<vmem_shared>> -> memref<10000x128xf32, #tpu.memory_space<vmem_shared>>
    tpu.enqueue_indirect_dma source(%arg10 : memref<80x128xf32, #tpu.memory_space<vmem>>) target(%dma_start3A_284 : memref<10000x128xf32, #tpu.memory_space<vmem_shared>>) offsets(%arg7 : memref<80xi32, #tpu.memory_space<vmem>>) semaphore(%arg18 : memref<!tpu.dma_semaphore, #tpu.memory_space<semaphore_mem>>) {add = true}
    %dma_wait3A_285 = arith.constant 0 : i32
    %dma_wait3A_286 = tpu.memref_slice %arg6[%dma_wait3A_285] : memref<10000xi32, #tpu.memory_space<vmem>> -> memref<80xi32, #tpu.memory_space<vmem>>
    %dma_wait3A_287 = arith.constant 0 : i32
    %dma_wait3A_288 = arith.constant 0 : i32
    %dma_wait3A_289 = tpu.memref_slice %arg2[%dma_wait3A_287, %dma_wait3A_288] : memref<10000x128xf32, #tpu.memory_space<hbm>> -> memref<10000x128xf32, #tpu.memory_space<hbm>>
    tpu.wait_indirect_dma semaphore(%arg16 : memref<!tpu.dma_semaphore, #tpu.memory_space<semaphore_mem>>) src(%dma_wait3A_289 : memref<10000x128xf32, #tpu.memory_space<hbm>>) dst(%arg11 : memref<80x128xf32, #tpu.memory_space<vmem>>)
    %dma_wait3A_290 = tpu.memref_slice %arg4[%mul3A_2] : memref<320000xi32, #tpu.memory_space<hbm>> -> memref<80xi32, #tpu.memory_space<hbm>>
    %dma_wait3A_291 = tpu.memref_slice %arg4[%mul3A_2] : memref<320000xi32, #tpu.memory_space<hbm>> -> memref<80xi32, #tpu.memory_space<hbm>>
    tpu.wait_dma2 semaphore(%arg22 : memref<!tpu.dma_semaphore, #tpu.memory_space<semaphore_mem>>) src(%dma_wait3A_291 : memref<80xi32, #tpu.memory_space<hbm>>) dst(%arg8 : memref<80xi32, #tpu.memory_space<vmem>>)
    %dma_start3A_292 = arith.constant 0 : i32
    %dma_start3A_293 = arith.constant 0 : i32
    %dma_start3A_294 = tpu.memref_slice %arg14[%dma_start3A_292, %dma_start3A_293] : memref<10000x128xf32, #tpu.memory_space<vmem_shared>> -> memref<10000x128xf32, #tpu.memory_space<vmem_shared>>
    tpu.enqueue_indirect_dma source(%arg11 : memref<80x128xf32, #tpu.memory_space<vmem>>) target(%dma_start3A_294 : memref<10000x128xf32, #tpu.memory_space<vmem_shared>>) offsets(%arg8 : memref<80xi32, #tpu.memory_space<vmem>>) semaphore(%arg19 : memref<!tpu.dma_semaphore, #tpu.memory_space<semaphore_mem>>) {add = true}
    %dma_wait3A_295 = arith.constant 0 : i32
    %dma_wait3A_296 = arith.constant 0 : i32
    %dma_wait3A_297 = tpu.memref_slice %arg14[%dma_wait3A_295, %dma_wait3A_296] : memref<10000x128xf32, #tpu.memory_space<vmem_shared>> -> memref<10000x128xf32, #tpu.memory_space<vmem_shared>>
    tpu.wait_indirect_dma semaphore(%arg18 : memref<!tpu.dma_semaphore, #tpu.memory_space<semaphore_mem>>) src(%arg10 : memref<80x128xf32, #tpu.memory_space<vmem>>) dst(%dma_wait3A_297 : memref<10000x128xf32, #tpu.memory_space<vmem_shared>>)
    %dma_wait3A_298 = arith.constant 0 : i32
    %dma_wait3A_299 = arith.constant 0 : i32
    %dma_wait3A_300 = tpu.memref_slice %arg14[%dma_wait3A_298, %dma_wait3A_299] : memref<10000x128xf32, #tpu.memory_space<vmem_shared>> -> memref<10000x128xf32, #tpu.memory_space<vmem_shared>>
    tpu.wait_indirect_dma semaphore(%arg19 : memref<!tpu.dma_semaphore, #tpu.memory_space<semaphore_mem>>) src(%arg11 : memref<80x128xf32, #tpu.memory_space<vmem>>) dst(%dma_wait3A_300 : memref<10000x128xf32, #tpu.memory_space<vmem_shared>>)
    %dma_wait3A_301 = arith.constant 0 : i32
    %dma_wait3A_302 = arith.constant 0 : i32
    %dma_wait3A_303 = tpu.memref_slice %arg14[%dma_wait3A_301, %dma_wait3A_302] : memref<10000x128xf32, #tpu.memory_space<vmem_shared>> -> memref<10000x128xf32, #tpu.memory_space<vmem_shared>>
    tpu.wait_indirect_dma semaphore(%arg20 : memref<!tpu.dma_semaphore, #tpu.memory_space<semaphore_mem>>) src(%arg12 : memref<80x128xf32, #tpu.memory_space<vmem>>) dst(%dma_wait3A_303 : memref<10000x128xf32, #tpu.memory_space<vmem_shared>>)
    %barrier3A_304 = arith.constant 0 : index
    tpu.barrier barrier_id(%barrier3A_304)
    %mul3A_305 = arith.constant 624 : i32
    %mul3A_306 = arith.muli %arg1, %mul3A_305 : i32
    %mul3A_307 = arith.constant 624 : i32
    %mul3A_308 = arith.muli %arg1, %mul3A_307 : i32
    "tpu.region"() ({
      %run_scoped3A = tpu.sem_alloc : memref<!tpu.dma_semaphore, #tpu.memory_space<semaphore_mem>>
      %dma_start3A_314 = arith.constant 0 : i32
      %dma_start3A_315 = tpu.memref_slice %arg5[%arg0, %mul3A_308, %dma_start3A_314] : memref<2x10000x128xf32, #tpu.memory_space<hbm>> -> memref<1x624x128xf32, #tpu.memory_space<hbm>>
      %dma_start3A_316 = tpu.memref_squeeze %dma_start3A_315 : memref<1x624x128xf32, #tpu.memory_space<hbm>> -> memref<624x128xf32, #tpu.memory_space<hbm>>
      %dma_start3A_317 = arith.constant 0 : i32
      %dma_start3A_318 = tpu.memref_slice %arg14[%mul3A_306, %dma_start3A_317] : memref<10000x128xf32, #tpu.memory_space<vmem_shared>> -> memref<624x128xf32, #tpu.memory_space<vmem_shared>>
      tpu.enqueue_dma source(%dma_start3A_318 : memref<624x128xf32, #tpu.memory_space<vmem_shared>>) target(%dma_start3A_316 : memref<624x128xf32, #tpu.memory_space<hbm>>) target_semaphore(%run_scoped3A : memref<!tpu.dma_semaphore, #tpu.memory_space<semaphore_mem>>)
      %dma_wait3A_319 = arith.constant 0 : i32
      %dma_wait3A_320 = tpu.memref_slice %arg5[%arg0, %mul3A_308, %dma_wait3A_319] : memref<2x10000x128xf32, #tpu.memory_space<hbm>> -> memref<1x624x128xf32, #tpu.memory_space<hbm>>
      %dma_wait3A_321 = tpu.memref_squeeze %dma_wait3A_320 : memref<1x624x128xf32, #tpu.memory_space<hbm>> -> memref<624x128xf32, #tpu.memory_space<hbm>>
      %dma_wait3A_322 = arith.constant 0 : i32
      %dma_wait3A_323 = tpu.memref_slice %arg14[%mul3A_306, %dma_wait3A_322] : memref<10000x128xf32, #tpu.memory_space<vmem_shared>> -> memref<624x128xf32, #tpu.memory_space<vmem_shared>>
      tpu.wait_dma2 semaphore(%run_scoped3A : memref<!tpu.dma_semaphore, #tpu.memory_space<semaphore_mem>>) src(%dma_wait3A_323 : memref<624x128xf32, #tpu.memory_space<vmem_shared>>) dst(%dma_wait3A_321 : memref<624x128xf32, #tpu.memory_space<hbm>>)
      tpu.yield
    }) : () -> ()
    %eq3A_309 = arith.constant 0 : i32
    %eq3A_310 = arith.cmpi eq, %arg1, %eq3A_309 : i32
    %convert_element_type3A_311 = arith.extui %eq3A_310 : i1 to i32
    %cond3A_312 = arith.constant 0 : i32
    %cond3A_313 = arith.cmpi ne, %convert_element_type3A_311, %cond3A_312 : i32
    scf.if %cond3A_313 {
      "tpu.region"() ({
        %run_scoped3A = tpu.sem_alloc : memref<!tpu.dma_semaphore, #tpu.memory_space<semaphore_mem>>
        %dma_start3A_314 = arith.constant 9984 : i32
        %dma_start3A_315 = arith.constant 0 : i32
        %dma_start3A_316 = tpu.memref_slice %arg5[%arg0, %dma_start3A_314, %dma_start3A_315] : memref<2x10000x128xf32, #tpu.memory_space<hbm>> -> memref<1x16x128xf32, #tpu.memory_space<hbm>>
        %dma_start3A_317 = tpu.memref_squeeze %dma_start3A_316 : memref<1x16x128xf32, #tpu.memory_space<hbm>> -> memref<16x128xf32, #tpu.memory_space<hbm>>
        %dma_start3A_318 = arith.constant 9984 : i32
        %dma_start3A_319 = arith.constant 0 : i32
        %dma_start3A_320 = tpu.memref_slice %arg14[%dma_start3A_318, %dma_start3A_319] : memref<10000x128xf32, #tpu.memory_space<vmem_shared>> -> memref<16x128xf32, #tpu.memory_space<vmem_shared>>
        tpu.enqueue_dma source(%dma_start3A_320 : memref<16x128xf32, #tpu.memory_space<vmem_shared>>) target(%dma_start3A_317 : memref<16x128xf32, #tpu.memory_space<hbm>>) target_semaphore(%run_scoped3A : memref<!tpu.dma_semaphore, #tpu.memory_space<semaphore_mem>>)
        %dma_wait3A_321 = arith.constant 9984 : i32
        %dma_wait3A_322 = arith.constant 0 : i32
        %dma_wait3A_323 = tpu.memref_slice %arg5[%arg0, %dma_wait3A_321, %dma_wait3A_322] : memref<2x10000x128xf32, #tpu.memory_space<hbm>> -> memref<1x16x128xf32, #tpu.memory_space<hbm>>
        %dma_wait3A_324 = tpu.memref_squeeze %dma_wait3A_323 : memref<1x16x128xf32, #tpu.memory_space<hbm>> -> memref<16x128xf32, #tpu.memory_space<hbm>>
        %dma_wait3A_325 = arith.constant 9984 : i32
        %dma_wait3A_326 = arith.constant 0 : i32
        %dma_wait3A_327 = tpu.memref_slice %arg14[%dma_wait3A_325, %dma_wait3A_326] : memref<10000x128xf32, #tpu.memory_space<vmem_shared>> -> memref<16x128xf32, #tpu.memory_space<vmem_shared>>
        tpu.wait_dma2 semaphore(%run_scoped3A : memref<!tpu.dma_semaphore, #tpu.memory_space<semaphore_mem>>) src(%dma_wait3A_327 : memref<16x128xf32, #tpu.memory_space<vmem_shared>>) dst(%dma_wait3A_324 : memref<16x128xf32, #tpu.memory_space<hbm>>)
        tpu.yield
      }) : () -> ()
    } else {
    }
    return
  }
}

module attributes {stable_mosaic.version = 14 : i64} {
  func.func @body(%arg0: i32, %arg1: memref<2000x128xf32, #tpu.memory_space<vmem>>, %arg2: memref<128x128xf32, #tpu.memory_space<vmem>>, %arg3: memref<2000x128xf32, #tpu.memory_space<vmem>>) attributes {dimension_semantics = [#tpu.dimension_semantics<arbitrary>], iteration_bounds = array<i64: 5>, scalar_prefetch = 0 : i64, scratch_operands = 0 : i64, tpu.core_type = #tpu.core_type<tc>, window_params = [{transform_indices = @transform_0, window_bounds = array<i64: 2000, 128>}, {pipeline_mode = #tpu.pipeline_mode<synchronous>, transform_indices = @transform_1, window_bounds = array<i64: 128, 128>}, {transform_indices = @transform_2, window_bounds = array<i64: 2000, 128>}]} {
    %get3A = arith.constant 0 : index
    %get3A_0 = arith.constant 0 : index
    %get3A_1 = vector.load %arg1[%get3A, %get3A_0] : memref<2000x128xf32, #tpu.memory_space<vmem>>, vector<2000x128xf32>
    %get3A_2 = arith.constant 0 : index
    %get3A_3 = arith.constant 0 : index
    %get3A_4 = vector.load %arg2[%get3A_2, %get3A_3] : memref<128x128xf32, #tpu.memory_space<vmem>>, vector<128x128xf32>
    %dot_general3A = arith.constant dense<0.000000e+00> : vector<2000x128xf32>
    %dot_general3A_5 = tpu.matmul %get3A_1, %get3A_4, %dot_general3A {dimension_numbers = #tpu.dot_dimension_numbers<[1], [0], [0], [1], [0, 0, 1, 1], [], []>, transpose_lhs_hint = false} : vector<2000x128xf32>, vector<128x128xf32>, vector<2000x128xf32> -> vector<2000x128xf32>
    %swap3A = arith.constant 0 : index
    %swap3A_6 = arith.constant 0 : index
    %swap3A_7 = vector.load %arg3[%swap3A, %swap3A_6] : memref<2000x128xf32, #tpu.memory_space<vmem>>, vector<2000x128xf32>
    tpu.vector_store %arg3[%swap3A, %swap3A_6], %dot_general3A_5 {strides = array<i32>} : memref<2000x128xf32, #tpu.memory_space<vmem>>, vector<2000x128xf32>,
    return
  }
  func.func @transform_0(%arg0: i32) -> (i32, i32) {
    %c0_i32 = arith.constant 0 : i32
    %c0_i32_0 = arith.constant 0 : i32
    return %arg0, %c0_i32 : i32, i32
  }
  func.func @transform_1(%arg0: i32) -> (i32, i32) {
    %c0_i32 = arith.constant 0 : i32
    %c0_i32_0 = arith.constant 0 : i32
    %c0_i32_1 = arith.constant 0 : i32
    return %c0_i32, %c0_i32_0 : i32, i32
  }
  func.func @transform_2(%arg0: i32) -> (i32, i32) {
    %c0_i32 = arith.constant 0 : i32
    %c0_i32_0 = arith.constant 0 : i32
    return %arg0, %c0_i32 : i32, i32
  }
}

module attributes {stable_mosaic.version = 14 : i64} {
  func.func @body(%arg0: i32, %arg1: memref<2000x2xf32, #tpu.memory_space<vmem>>, %arg2: memref<2000x128xf32, #tpu.memory_space<vmem>>, %arg3: memref<2000x1xf32, #tpu.memory_space<vmem>>, %arg4: memref<2000x128xf32, #tpu.memory_space<vmem>>) attributes {dimension_semantics = [#tpu.dimension_semantics<arbitrary>], iteration_bounds = array<i64: 5>, scalar_prefetch = 0 : i64, scratch_operands = 0 : i64, tpu.core_type = #tpu.core_type<tc>, window_params = [{transform_indices = @transform_0, window_bounds = array<i64: 2000, 2>}, {transform_indices = @transform_1, window_bounds = array<i64: 2000, 128>}, {transform_indices = @transform_2, window_bounds = array<i64: 2000, 1>}, {transform_indices = @transform_3, window_bounds = array<i64: 2000, 128>}]} {
    %get3A = arith.constant 0 : index
    %get3A_0 = arith.constant 0 : index
    %get3A_1 = vector.load %arg1[%get3A, %get3A_0] : memref<2000x2xf32, #tpu.memory_space<vmem>>, vector<2000x2xf32>
    %reduce_sum3A = arith.constant dense<0.000000e+00> : vector<2000xf32>
    %reduce_sum3A_2 = vector.multi_reduction <add>, %get3A_1, %reduce_sum3A [1] : vector<2000x2xf32> to vector<2000xf32>
    %broadcast_in_dim3A = vector.shape_cast %reduce_sum3A_2 : vector<2000xf32> to vector<2000x1xf32>
    %add3A = arith.constant 1.000000e+00 : f32
    %add3A_3 = vector.broadcast %add3A : f32 to vector<2000x1xf32>
    %add3A_4 = arith.addf %broadcast_in_dim3A, %add3A_3 : vector<2000x1xf32>
    %rsqrt3A = math.rsqrt %add3A_4 : vector<2000x1xf32>
    %swap3A = arith.constant 0 : index
    %swap3A_5 = arith.constant 0 : index
    %swap3A_6 = vector.load %arg3[%swap3A, %swap3A_5] : memref<2000x1xf32, #tpu.memory_space<vmem>>, vector<2000x1xf32>
    tpu.vector_store %arg3[%swap3A, %swap3A_5], %rsqrt3A {strides = array<i32>} : memref<2000x1xf32, #tpu.memory_space<vmem>>, vector<2000x1xf32>,
    %get3A_7 = arith.constant 0 : index
    %get3A_8 = arith.constant 0 : index
    %get3A_9 = vector.load %arg2[%get3A_7, %get3A_8] : memref<2000x128xf32, #tpu.memory_space<vmem>>, vector<2000x128xf32>
    %mul3A = vector.broadcast %rsqrt3A : vector<2000x1xf32> to vector<2000x128xf32>
    %mul3A_10 = arith.mulf %get3A_9, %mul3A : vector<2000x128xf32>
    %swap3A_11 = arith.constant 0 : index
    %swap3A_12 = arith.constant 0 : index
    %swap3A_13 = vector.load %arg4[%swap3A_11, %swap3A_12] : memref<2000x128xf32, #tpu.memory_space<vmem>>, vector<2000x128xf32>
    tpu.vector_store %arg4[%swap3A_11, %swap3A_12], %mul3A_10 {strides = array<i32>} : memref<2000x128xf32, #tpu.memory_space<vmem>>, vector<2000x128xf32>,
    return
  }
  func.func @transform_0(%arg0: i32) -> (i32, i32) {
    %c0_i32 = arith.constant 0 : i32
    %c0_i32_0 = arith.constant 0 : i32
    return %arg0, %c0_i32 : i32, i32
  }
  func.func @transform_1(%arg0: i32) -> (i32, i32) {
    %c0_i32 = arith.constant 0 : i32
    %c0_i32_0 = arith.constant 0 : i32
    return %arg0, %c0_i32 : i32, i32
  }
  func.func @transform_2(%arg0: i32) -> (i32, i32) {
    %c0_i32 = arith.constant 0 : i32
    %c0_i32_0 = arith.constant 0 : i32
    return %arg0, %c0_i32 : i32, i32
  }
  func.func @transform_3(%arg0: i32) -> (i32, i32) {
    %c0_i32 = arith.constant 0 : i32
    %c0_i32_0 = arith.constant 0 : i32
    return %arg0, %c0_i32 : i32, i32
  }
}

module attributes {stable_mosaic.version = 14 : i64} {
  func.func @body(%arg0: i32, %arg1: memref<2x2000x128xf32, #tpu.memory_space<vmem>>, %arg2: memref<2000x128xf32, #tpu.memory_space<vmem>>, %arg3: memref<2000x1xf32, #tpu.memory_space<vmem>>, %arg4: memref<1x128xf32, #tpu.memory_space<vmem>>, %arg5: memref<128x128xf32, #tpu.memory_space<vmem>>, %arg6: memref<2000x128xf32, #tpu.memory_space<vmem>>) attributes {dimension_semantics = [#tpu.dimension_semantics<arbitrary>], iteration_bounds = array<i64: 5>, scalar_prefetch = 0 : i64, scratch_operands = 0 : i64, tpu.core_type = #tpu.core_type<tc>, window_params = [{transform_indices = @transform_0, window_bounds = array<i64: 2, 2000, 128>}, {transform_indices = @transform_1, window_bounds = array<i64: 2000, 128>}, {transform_indices = @transform_2, window_bounds = array<i64: 2000, 1>}, {pipeline_mode = #tpu.pipeline_mode<synchronous>, transform_indices = @transform_3, window_bounds = array<i64: 1, 128>}, {pipeline_mode = #tpu.pipeline_mode<synchronous>, transform_indices = @transform_4, window_bounds = array<i64: 128, 128>}, {transform_indices = @transform_5, window_bounds = array<i64: 2000, 128>}]} {
    %get3A = arith.constant 0 : index
    %get3A_0 = arith.constant 0 : index
    %get3A_1 = arith.constant 0 : index
    %get3A_2 = vector.load %arg1[%get3A, %get3A_0, %get3A_1] : memref<2x2000x128xf32, #tpu.memory_space<vmem>>, vector<1x2000x128xf32>
    %get3A_3 = vector.shape_cast %get3A_2 : vector<1x2000x128xf32> to vector<2000x128xf32>
    %get3A_4 = arith.constant 1 : index
    %get3A_5 = arith.constant 0 : index
    %get3A_6 = arith.constant 0 : index
    %get3A_7 = vector.load %arg1[%get3A_4, %get3A_5, %get3A_6] : memref<2x2000x128xf32, #tpu.memory_space<vmem>>, vector<1x2000x128xf32>
    %get3A_8 = vector.shape_cast %get3A_7 : vector<1x2000x128xf32> to vector<2000x128xf32>
    %add3A = arith.addf %get3A_3, %get3A_8 : vector<2000x128xf32>
    %get3A_9 = arith.constant 0 : index
    %get3A_10 = arith.constant 0 : index
    %get3A_11 = vector.load %arg2[%get3A_9, %get3A_10] : memref<2000x128xf32, #tpu.memory_space<vmem>>, vector<2000x128xf32>
    %add3A_12 = arith.addf %add3A, %get3A_11 : vector<2000x128xf32>
    %get3A_13 = arith.constant 0 : index
    %get3A_14 = arith.constant 0 : index
    %get3A_15 = vector.load %arg3[%get3A_13, %get3A_14] : memref<2000x1xf32, #tpu.memory_space<vmem>>, vector<2000x1xf32>
    %mul3A = vector.broadcast %get3A_15 : vector<2000x1xf32> to vector<2000x128xf32>
    %mul3A_16 = arith.mulf %add3A_12, %mul3A : vector<2000x128xf32>
    %get3A_17 = arith.constant 0 : index
    %get3A_18 = arith.constant 0 : index
    %get3A_19 = vector.load %arg4[%get3A_17, %get3A_18] : memref<1x128xf32, #tpu.memory_space<vmem>>, vector<1x128xf32>
    %add3A_20 = vector.broadcast %get3A_19 : vector<1x128xf32> to vector<2000x128xf32>
    %add3A_21 = arith.addf %mul3A_16, %add3A_20 : vector<2000x128xf32>
    %max3A = arith.constant 0.000000e+00 : f32
    %max3A_22 = vector.broadcast %max3A : f32 to vector<2000x128xf32>
    %max3A_23 = arith.maximumf %add3A_21, %max3A_22 : vector<2000x128xf32>
    %get3A_24 = arith.constant 0 : index
    %get3A_25 = arith.constant 0 : index
    %get3A_26 = vector.load %arg5[%get3A_24, %get3A_25] : memref<128x128xf32, #tpu.memory_space<vmem>>, vector<128x128xf32>
    %dot_general3A = arith.constant dense<0.000000e+00> : vector<2000x128xf32>
    %dot_general3A_27 = tpu.matmul %max3A_23, %get3A_26, %dot_general3A {dimension_numbers = #tpu.dot_dimension_numbers<[1], [0], [0], [1], [0, 0, 1, 1], [], []>, transpose_lhs_hint = false} : vector<2000x128xf32>, vector<128x128xf32>, vector<2000x128xf32> -> vector<2000x128xf32>
    %get3A_28 = arith.constant 0 : index
    %get3A_29 = arith.constant 0 : index
    %get3A_30 = vector.load %arg3[%get3A_28, %get3A_29] : memref<2000x1xf32, #tpu.memory_space<vmem>>, vector<2000x1xf32>
    %mul3A_31 = vector.broadcast %get3A_30 : vector<2000x1xf32> to vector<2000x128xf32>
    %mul3A_32 = arith.mulf %dot_general3A_27, %mul3A_31 : vector<2000x128xf32>
    %swap3A = arith.constant 0 : index
    %swap3A_33 = arith.constant 0 : index
    %swap3A_34 = vector.load %arg6[%swap3A, %swap3A_33] : memref<2000x128xf32, #tpu.memory_space<vmem>>, vector<2000x128xf32>
    tpu.vector_store %arg6[%swap3A, %swap3A_33], %mul3A_32 {strides = array<i32>} : memref<2000x128xf32, #tpu.memory_space<vmem>>, vector<2000x128xf32>,
    return
  }
  func.func @transform_0(%arg0: i32) -> (i32, i32, i32) {
    %c0_i32 = arith.constant 0 : i32
    %c0_i32_0 = arith.constant 0 : i32
    %c0_i32_1 = arith.constant 0 : i32
    return %c0_i32, %arg0, %c0_i32_0 : i32, i32, i32
  }
  func.func @transform_1(%arg0: i32) -> (i32, i32) {
    %c0_i32 = arith.constant 0 : i32
    %c0_i32_0 = arith.constant 0 : i32
    return %arg0, %c0_i32 : i32, i32
  }
  func.func @transform_2(%arg0: i32) -> (i32, i32) {
    %c0_i32 = arith.constant 0 : i32
    %c0_i32_0 = arith.constant 0 : i32
    return %arg0, %c0_i32 : i32, i32
  }
  func.func @transform_3(%arg0: i32) -> (i32, i32) {
    %c0_i32 = arith.constant 0 : i32
    %c0_i32_0 = arith.constant 0 : i32
    %c0_i32_1 = arith.constant 0 : i32
    return %c0_i32, %c0_i32_0 : i32, i32
  }
  func.func @transform_4(%arg0: i32) -> (i32, i32) {
    %c0_i32 = arith.constant 0 : i32
    %c0_i32_0 = arith.constant 0 : i32
    %c0_i32_1 = arith.constant 0 : i32
    return %c0_i32, %c0_i32_0 : i32, i32
  }
  func.func @transform_5(%arg0: i32) -> (i32, i32) {
    %c0_i32 = arith.constant 0 : i32
    %c0_i32_0 = arith.constant 0 : i32
    return %arg0, %c0_i32 : i32, i32
  }
}

module attributes {stable_mosaic.version = 14 : i64} {
  func.func @body(%arg0: i32, %arg1: memref<2x400x128xf32, #tpu.memory_space<vmem>>, %arg2: memref<400x128xf32, #tpu.memory_space<vmem>>, %arg3: memref<400x1xf32, #tpu.memory_space<vmem>>, %arg4: memref<1x128xf32, #tpu.memory_space<vmem>>, %arg5: memref<1x1x400xi32, #tpu.memory_space<vmem>>, %arg6: memref<400x1xi32, #tpu.memory_space<vmem>>, %arg7: memref<16x3xf32, #tpu.memory_space<vmem>>, %arg8: memref<128x64xf32, #tpu.memory_space<vmem>>, %arg9: memref<128x64xf32, #tpu.memory_space<vmem>>, %arg10: memref<128x64xf32, #tpu.memory_space<vmem>>, %arg11: memref<3x64xf32, #tpu.memory_space<vmem>>, %arg12: memref<1x64xf32, #tpu.memory_space<vmem>>, %arg13: memref<64x1xf32, #tpu.memory_space<vmem>>, %arg14: memref<1x1xf32, #tpu.memory_space<vmem>>, %arg15: memref<16x1xf32, #tpu.memory_space<vmem>>, %arg16: memref<16x128xf32, #tpu.memory_space<vmem>>, %arg17: memref<16x128xf32, #tpu.memory_space<vmem>>, %arg18: memref<16x1xf32, #tpu.memory_space<vmem>>) attributes {dimension_semantics = [#tpu.dimension_semantics<arbitrary>], iteration_bounds = array<i64: 25>, scalar_prefetch = 0 : i64, scratch_operands = 3 : i64, tpu.core_type = #tpu.core_type<tc>, window_params = [{transform_indices = @transform_0, window_bounds = array<i64: 2, 400, 128>}, {transform_indices = @transform_1, window_bounds = array<i64: 400, 128>}, {transform_indices = @transform_2, window_bounds = array<i64: 400, 1>}, {pipeline_mode = #tpu.pipeline_mode<synchronous>, transform_indices = @transform_3, window_bounds = array<i64: 1, 128>}, {transform_indices = @transform_4, window_bounds = array<i64: 1, 1, 400>}, {transform_indices = @transform_5, window_bounds = array<i64: 400, 1>}, {pipeline_mode = #tpu.pipeline_mode<synchronous>, transform_indices = @transform_6, window_bounds = array<i64: 16, 3>}, {pipeline_mode = #tpu.pipeline_mode<synchronous>, transform_indices = @transform_7, window_bounds = array<i64: 128, 64>}, {pipeline_mode = #tpu.pipeline_mode<synchronous>, transform_indices = @transform_8, window_bounds = array<i64: 128, 64>}, {pipeline_mode = #tpu.pipeline_mode<synchronous>, transform_indices = @transform_9, window_bounds = array<i64: 128, 64>}, {pipeline_mode = #tpu.pipeline_mode<synchronous>, transform_indices = @transform_10, window_bounds = array<i64: 3, 64>}, {pipeline_mode = #tpu.pipeline_mode<synchronous>, transform_indices = @transform_11, window_bounds = array<i64: 1, 64>}, {pipeline_mode = #tpu.pipeline_mode<synchronous>, transform_indices = @transform_12, window_bounds = array<i64: 64, 1>}, {pipeline_mode = #tpu.pipeline_mode<synchronous>, transform_indices = @transform_13, window_bounds = array<i64: 1, 1>}, {pipeline_mode = #tpu.pipeline_mode<synchronous>, transform_indices = @transform_14, window_bounds = array<i64: 16, 1>}]} {
    %eq3A = arith.constant 0 : i32
    %eq3A_0 = arith.cmpi eq, %arg0, %eq3A : i32
    %convert_element_type3A = arith.extui %eq3A_0 : i1 to i32
    %cond3A = arith.constant 0 : i32
    %cond3A_1 = arith.cmpi ne, %convert_element_type3A, %cond3A : i32
    scf.if %cond3A_1 {
      %broadcast_in_dim3A_239 = arith.constant 0.000000e+00 : f32
      %broadcast_in_dim3A_240 = vector.broadcast %broadcast_in_dim3A_239 : f32 to vector<16x128xf32>
      %swap3A_241 = arith.constant 0 : index
      %swap3A_242 = arith.constant 0 : index
      %swap3A_243 = vector.load %arg16[%swap3A_241, %swap3A_242] : memref<16x128xf32, #tpu.memory_space<vmem>>, vector<16x128xf32>
      tpu.vector_store %arg16[%swap3A_241, %swap3A_242], %broadcast_in_dim3A_240 {strides = array<i32>} : memref<16x128xf32, #tpu.memory_space<vmem>>, vector<16x128xf32>,
      %broadcast_in_dim3A_244 = arith.constant 0xFF800000 : f32
      %broadcast_in_dim3A_245 = vector.broadcast %broadcast_in_dim3A_244 : f32 to vector<16x128xf32>
      %swap3A_246 = arith.constant 0 : index
      %swap3A_247 = arith.constant 0 : index
      %swap3A_248 = vector.load %arg17[%swap3A_246, %swap3A_247] : memref<16x128xf32, #tpu.memory_space<vmem>>, vector<16x128xf32>
      tpu.vector_store %arg17[%swap3A_246, %swap3A_247], %broadcast_in_dim3A_245 {strides = array<i32>} : memref<16x128xf32, #tpu.memory_space<vmem>>, vector<16x128xf32>,
      %broadcast_in_dim3A_249 = arith.constant 0.000000e+00 : f32
      %broadcast_in_dim3A_250 = vector.broadcast %broadcast_in_dim3A_249 : f32 to vector<16x1xf32>
      %swap3A_251 = arith.constant 0 : index
      %swap3A_252 = arith.constant 0 : index
      %swap3A_253 = vector.load %arg18[%swap3A_251, %swap3A_252] : memref<16x1xf32, #tpu.memory_space<vmem>>, vector<16x1xf32>
      tpu.vector_store %arg18[%swap3A_251, %swap3A_252], %broadcast_in_dim3A_250 {strides = array<i32>} : memref<16x1xf32, #tpu.memory_space<vmem>>, vector<16x1xf32>,
    } else {
    }
    %get3A = arith.constant 0 : index
    %get3A_2 = arith.constant 0 : index
    %get3A_3 = arith.constant 0 : index
    %get3A_4 = vector.load %arg1[%get3A, %get3A_2, %get3A_3] : memref<2x400x128xf32, #tpu.memory_space<vmem>>, vector<1x400x128xf32>
    %get3A_5 = vector.shape_cast %get3A_4 : vector<1x400x128xf32> to vector<400x128xf32>
    %get3A_6 = arith.constant 1 : index
    %get3A_7 = arith.constant 0 : index
    %get3A_8 = arith.constant 0 : index
    %get3A_9 = vector.load %arg1[%get3A_6, %get3A_7, %get3A_8] : memref<2x400x128xf32, #tpu.memory_space<vmem>>, vector<1x400x128xf32>
    %get3A_10 = vector.shape_cast %get3A_9 : vector<1x400x128xf32> to vector<400x128xf32>
    %add3A = arith.addf %get3A_5, %get3A_10 : vector<400x128xf32>
    %get3A_11 = arith.constant 0 : index
    %get3A_12 = arith.constant 0 : index
    %get3A_13 = vector.load %arg2[%get3A_11, %get3A_12] : memref<400x128xf32, #tpu.memory_space<vmem>>, vector<400x128xf32>
    %add3A_14 = arith.addf %add3A, %get3A_13 : vector<400x128xf32>
    %get3A_15 = arith.constant 0 : index
    %get3A_16 = arith.constant 0 : index
    %get3A_17 = vector.load %arg3[%get3A_15, %get3A_16] : memref<400x1xf32, #tpu.memory_space<vmem>>, vector<400x1xf32>
    %mul3A = vector.broadcast %get3A_17 : vector<400x1xf32> to vector<400x128xf32>
    %mul3A_18 = arith.mulf %add3A_14, %mul3A : vector<400x128xf32>
    %get3A_19 = arith.constant 0 : index
    %get3A_20 = arith.constant 0 : index
    %get3A_21 = vector.load %arg4[%get3A_19, %get3A_20] : memref<1x128xf32, #tpu.memory_space<vmem>>, vector<1x128xf32>
    %add3A_22 = vector.broadcast %get3A_21 : vector<1x128xf32> to vector<400x128xf32>
    %add3A_23 = arith.addf %mul3A_18, %add3A_22 : vector<400x128xf32>
    %max3A = arith.constant 0.000000e+00 : f32
    %max3A_24 = vector.broadcast %max3A : f32 to vector<400x128xf32>
    %max3A_25 = arith.maximumf %add3A_23, %max3A_24 : vector<400x128xf32>
    %iota3A = tpu.iota {dimensions = array<i32: 0>} : vector<16x1xi32>
    %get3A_26 = arith.constant 0 : index
    %get3A_27 = arith.constant 0 : index
    %get3A_28 = arith.constant 0 : index
    %get3A_29 = vector.load %arg5[%get3A_26, %get3A_27, %get3A_28] : memref<1x1x400xi32, #tpu.memory_space<vmem>>, vector<1x1x400xi32>
    %get3A_30 = vector.shape_cast %get3A_29 : vector<1x1x400xi32> to vector<1x400xi32>
    %eq3A_31 = vector.broadcast %get3A_30 : vector<1x400xi32> to vector<16x400xi32>
    %eq3A_32 = vector.broadcast %iota3A : vector<16x1xi32> to vector<16x400xi32>
    %eq3A_33 = arith.cmpi eq, %eq3A_31, %eq3A_32 : vector<16x400xi32>
    %convert_element_type3A_34 = arith.extui %eq3A_33 : vector<16x400xi1> to vector<16x400xi32>
    %convert_element_type3A_35 = arith.sitofp %convert_element_type3A_34 : vector<16x400xi32> to vector<16x400xf32>
    %get3A_36 = arith.constant 0 : index
    %get3A_37 = arith.constant 0 : index
    %get3A_38 = vector.load %arg16[%get3A_36, %get3A_37] : memref<16x128xf32, #tpu.memory_space<vmem>>, vector<16x128xf32>
    %dot_general3A = arith.constant dense<0.000000e+00> : vector<16x128xf32>
    %dot_general3A_39 = tpu.matmul %convert_element_type3A_35, %max3A_25, %dot_general3A {dimension_numbers = #tpu.dot_dimension_numbers<[1], [0], [0], [1], [0, 0, 1, 1], [], []>, transpose_lhs_hint = false} : vector<16x400xf32>, vector<400x128xf32>, vector<16x128xf32> -> vector<16x128xf32>
    %add3A_40 = arith.addf %get3A_38, %dot_general3A_39 : vector<16x128xf32>
    %swap3A = arith.constant 0 : index
    %swap3A_41 = arith.constant 0 : index
    %swap3A_42 = vector.load %arg16[%swap3A, %swap3A_41] : memref<16x128xf32, #tpu.memory_space<vmem>>, vector<16x128xf32>
    tpu.vector_store %arg16[%swap3A, %swap3A_41], %add3A_40 {strides = array<i32>} : memref<16x128xf32, #tpu.memory_space<vmem>>, vector<16x128xf32>,
    %get3A_43 = arith.constant 0 : index
    %get3A_44 = arith.constant 0 : index
    %get3A_45 = vector.load %arg18[%get3A_43, %get3A_44] : memref<16x1xf32, #tpu.memory_space<vmem>>, vector<16x1xf32>
    %reduce_sum3A = arith.constant dense<0.000000e+00> : vector<16xf32>
    %reduce_sum3A_46 = vector.multi_reduction <add>, %convert_element_type3A_35, %reduce_sum3A [1] : vector<16x400xf32> to vector<16xf32>
    %broadcast_in_dim3A = vector.shape_cast %reduce_sum3A_46 : vector<16xf32> to vector<16x1xf32>
    %add3A_47 = arith.addf %get3A_45, %broadcast_in_dim3A : vector<16x1xf32>
    %swap3A_48 = arith.constant 0 : index
    %swap3A_49 = arith.constant 0 : index
    %swap3A_50 = vector.load %arg18[%swap3A_48, %swap3A_49] : memref<16x1xf32, #tpu.memory_space<vmem>>, vector<16x1xf32>
    tpu.vector_store %arg18[%swap3A_48, %swap3A_49], %add3A_47 {strides = array<i32>} : memref<16x1xf32, #tpu.memory_space<vmem>>, vector<16x1xf32>,
    %get3A_51 = arith.constant 0 : index
    %get3A_52 = arith.constant 0 : index
    %get3A_53 = vector.load %arg6[%get3A_51, %get3A_52] : memref<400x1xi32, #tpu.memory_space<vmem>>, vector<400x1xi32>
    %eq3A_54 = arith.constant 0 : i32
    %eq3A_55 = vector.broadcast %eq3A_54 : i32 to vector<400x1xi32>
    %eq3A_56 = arith.cmpi eq, %get3A_53, %eq3A_55 : vector<400x1xi32>
    %jit3A = arith.constant 0xFF800000 : f32
    %broadcast_in_dim3A_57 = vector.shape_cast %eq3A_56 : vector<400x1xi1> to vector<400x1xi1>
    %broadcast_in_dim3A_58 = vector.broadcast %broadcast_in_dim3A_57 : vector<400x1xi1> to vector<400x128xi1>
    %broadcast_in_dim3A_59 = vector.broadcast %jit3A : f32 to vector<400x128xf32>
    %select_n3A = arith.select %broadcast_in_dim3A_58, %max3A_25, %broadcast_in_dim3A_59 : vector<400x128xi1>, vector<400x128xf32>
    %reduce_max3A = arith.constant dense<0xFF800000> : vector<128xf32>
    %reduce_max3A_60 = vector.multi_reduction <maximumf>, %select_n3A, %reduce_max3A [0] : vector<400x128xf32> to vector<128xf32>
    %broadcast_in_dim3A_61 = vector.shape_cast %reduce_max3A_60 : vector<128xf32> to vector<1x128xf32>
    %eq3A_62 = arith.constant 1 : i32
    %eq3A_63 = vector.broadcast %eq3A_62 : i32 to vector<400x1xi32>
    %eq3A_64 = arith.cmpi eq, %get3A_53, %eq3A_63 : vector<400x1xi32>
    %jit3A_65 = arith.constant 0xFF800000 : f32
    %broadcast_in_dim3A_66 = vector.shape_cast %eq3A_64 : vector<400x1xi1> to vector<400x1xi1>
    %broadcast_in_dim3A_67 = vector.broadcast %broadcast_in_dim3A_66 : vector<400x1xi1> to vector<400x128xi1>
    %broadcast_in_dim3A_68 = vector.broadcast %jit3A_65 : f32 to vector<400x128xf32>
    %select_n3A_69 = arith.select %broadcast_in_dim3A_67, %max3A_25, %broadcast_in_dim3A_68 : vector<400x128xi1>, vector<400x128xf32>
    %reduce_max3A_70 = arith.constant dense<0xFF800000> : vector<128xf32>
    %reduce_max3A_71 = vector.multi_reduction <maximumf>, %select_n3A_69, %reduce_max3A_70 [0] : vector<400x128xf32> to vector<128xf32>
    %broadcast_in_dim3A_72 = vector.shape_cast %reduce_max3A_71 : vector<128xf32> to vector<1x128xf32>
    %eq3A_73 = arith.constant 2 : i32
    %eq3A_74 = vector.broadcast %eq3A_73 : i32 to vector<400x1xi32>
    %eq3A_75 = arith.cmpi eq, %get3A_53, %eq3A_74 : vector<400x1xi32>
    %jit3A_76 = arith.constant 0xFF800000 : f32
    %broadcast_in_dim3A_77 = vector.shape_cast %eq3A_75 : vector<400x1xi1> to vector<400x1xi1>
    %broadcast_in_dim3A_78 = vector.broadcast %broadcast_in_dim3A_77 : vector<400x1xi1> to vector<400x128xi1>
    %broadcast_in_dim3A_79 = vector.broadcast %jit3A_76 : f32 to vector<400x128xf32>
    %select_n3A_80 = arith.select %broadcast_in_dim3A_78, %max3A_25, %broadcast_in_dim3A_79 : vector<400x128xi1>, vector<400x128xf32>
    %reduce_max3A_81 = arith.constant dense<0xFF800000> : vector<128xf32>
    %reduce_max3A_82 = vector.multi_reduction <maximumf>, %select_n3A_80, %reduce_max3A_81 [0] : vector<400x128xf32> to vector<128xf32>
    %broadcast_in_dim3A_83 = vector.shape_cast %reduce_max3A_82 : vector<128xf32> to vector<1x128xf32>
    %eq3A_84 = arith.constant 3 : i32
    %eq3A_85 = vector.broadcast %eq3A_84 : i32 to vector<400x1xi32>
    %eq3A_86 = arith.cmpi eq, %get3A_53, %eq3A_85 : vector<400x1xi32>
    %jit3A_87 = arith.constant 0xFF800000 : f32
    %broadcast_in_dim3A_88 = vector.shape_cast %eq3A_86 : vector<400x1xi1> to vector<400x1xi1>
    %broadcast_in_dim3A_89 = vector.broadcast %broadcast_in_dim3A_88 : vector<400x1xi1> to vector<400x128xi1>
    %broadcast_in_dim3A_90 = vector.broadcast %jit3A_87 : f32 to vector<400x128xf32>
    %select_n3A_91 = arith.select %broadcast_in_dim3A_89, %max3A_25, %broadcast_in_dim3A_90 : vector<400x128xi1>, vector<400x128xf32>
    %reduce_max3A_92 = arith.constant dense<0xFF800000> : vector<128xf32>
    %reduce_max3A_93 = vector.multi_reduction <maximumf>, %select_n3A_91, %reduce_max3A_92 [0] : vector<400x128xf32> to vector<128xf32>
    %broadcast_in_dim3A_94 = vector.shape_cast %reduce_max3A_93 : vector<128xf32> to vector<1x128xf32>
    %eq3A_95 = arith.constant 4 : i32
    %eq3A_96 = vector.broadcast %eq3A_95 : i32 to vector<400x1xi32>
    %eq3A_97 = arith.cmpi eq, %get3A_53, %eq3A_96 : vector<400x1xi32>
    %jit3A_98 = arith.constant 0xFF800000 : f32
    %broadcast_in_dim3A_99 = vector.shape_cast %eq3A_97 : vector<400x1xi1> to vector<400x1xi1>
    %broadcast_in_dim3A_100 = vector.broadcast %broadcast_in_dim3A_99 : vector<400x1xi1> to vector<400x128xi1>
    %broadcast_in_dim3A_101 = vector.broadcast %jit3A_98 : f32 to vector<400x128xf32>
    %select_n3A_102 = arith.select %broadcast_in_dim3A_100, %max3A_25, %broadcast_in_dim3A_101 : vector<400x128xi1>, vector<400x128xf32>
    %reduce_max3A_103 = arith.constant dense<0xFF800000> : vector<128xf32>
    %reduce_max3A_104 = vector.multi_reduction <maximumf>, %select_n3A_102, %reduce_max3A_103 [0] : vector<400x128xf32> to vector<128xf32>
    %broadcast_in_dim3A_105 = vector.shape_cast %reduce_max3A_104 : vector<128xf32> to vector<1x128xf32>
    %eq3A_106 = arith.constant 5 : i32
    %eq3A_107 = vector.broadcast %eq3A_106 : i32 to vector<400x1xi32>
    %eq3A_108 = arith.cmpi eq, %get3A_53, %eq3A_107 : vector<400x1xi32>
    %jit3A_109 = arith.constant 0xFF800000 : f32
    %broadcast_in_dim3A_110 = vector.shape_cast %eq3A_108 : vector<400x1xi1> to vector<400x1xi1>
    %broadcast_in_dim3A_111 = vector.broadcast %broadcast_in_dim3A_110 : vector<400x1xi1> to vector<400x128xi1>
    %broadcast_in_dim3A_112 = vector.broadcast %jit3A_109 : f32 to vector<400x128xf32>
    %select_n3A_113 = arith.select %broadcast_in_dim3A_111, %max3A_25, %broadcast_in_dim3A_112 : vector<400x128xi1>, vector<400x128xf32>
    %reduce_max3A_114 = arith.constant dense<0xFF800000> : vector<128xf32>
    %reduce_max3A_115 = vector.multi_reduction <maximumf>, %select_n3A_113, %reduce_max3A_114 [0] : vector<400x128xf32> to vector<128xf32>
    %broadcast_in_dim3A_116 = vector.shape_cast %reduce_max3A_115 : vector<128xf32> to vector<1x128xf32>
    %eq3A_117 = arith.constant 6 : i32
    %eq3A_118 = vector.broadcast %eq3A_117 : i32 to vector<400x1xi32>
    %eq3A_119 = arith.cmpi eq, %get3A_53, %eq3A_118 : vector<400x1xi32>
    %jit3A_120 = arith.constant 0xFF800000 : f32
    %broadcast_in_dim3A_121 = vector.shape_cast %eq3A_119 : vector<400x1xi1> to vector<400x1xi1>
    %broadcast_in_dim3A_122 = vector.broadcast %broadcast_in_dim3A_121 : vector<400x1xi1> to vector<400x128xi1>
    %broadcast_in_dim3A_123 = vector.broadcast %jit3A_120 : f32 to vector<400x128xf32>
    %select_n3A_124 = arith.select %broadcast_in_dim3A_122, %max3A_25, %broadcast_in_dim3A_123 : vector<400x128xi1>, vector<400x128xf32>
    %reduce_max3A_125 = arith.constant dense<0xFF800000> : vector<128xf32>
    %reduce_max3A_126 = vector.multi_reduction <maximumf>, %select_n3A_124, %reduce_max3A_125 [0] : vector<400x128xf32> to vector<128xf32>
    %broadcast_in_dim3A_127 = vector.shape_cast %reduce_max3A_126 : vector<128xf32> to vector<1x128xf32>
    %eq3A_128 = arith.constant 7 : i32
    %eq3A_129 = vector.broadcast %eq3A_128 : i32 to vector<400x1xi32>
    %eq3A_130 = arith.cmpi eq, %get3A_53, %eq3A_129 : vector<400x1xi32>
    %jit3A_131 = arith.constant 0xFF800000 : f32
    %broadcast_in_dim3A_132 = vector.shape_cast %eq3A_130 : vector<400x1xi1> to vector<400x1xi1>
    %broadcast_in_dim3A_133 = vector.broadcast %broadcast_in_dim3A_132 : vector<400x1xi1> to vector<400x128xi1>
    %broadcast_in_dim3A_134 = vector.broadcast %jit3A_131 : f32 to vector<400x128xf32>
    %select_n3A_135 = arith.select %broadcast_in_dim3A_133, %max3A_25, %broadcast_in_dim3A_134 : vector<400x128xi1>, vector<400x128xf32>
    %reduce_max3A_136 = arith.constant dense<0xFF800000> : vector<128xf32>
    %reduce_max3A_137 = vector.multi_reduction <maximumf>, %select_n3A_135, %reduce_max3A_136 [0] : vector<400x128xf32> to vector<128xf32>
    %broadcast_in_dim3A_138 = vector.shape_cast %reduce_max3A_137 : vector<128xf32> to vector<1x128xf32>
    %eq3A_139 = arith.constant 8 : i32
    %eq3A_140 = vector.broadcast %eq3A_139 : i32 to vector<400x1xi32>
    %eq3A_141 = arith.cmpi eq, %get3A_53, %eq3A_140 : vector<400x1xi32>
    %jit3A_142 = arith.constant 0xFF800000 : f32
    %broadcast_in_dim3A_143 = vector.shape_cast %eq3A_141 : vector<400x1xi1> to vector<400x1xi1>
    %broadcast_in_dim3A_144 = vector.broadcast %broadcast_in_dim3A_143 : vector<400x1xi1> to vector<400x128xi1>
    %broadcast_in_dim3A_145 = vector.broadcast %jit3A_142 : f32 to vector<400x128xf32>
    %select_n3A_146 = arith.select %broadcast_in_dim3A_144, %max3A_25, %broadcast_in_dim3A_145 : vector<400x128xi1>, vector<400x128xf32>
    %reduce_max3A_147 = arith.constant dense<0xFF800000> : vector<128xf32>
    %reduce_max3A_148 = vector.multi_reduction <maximumf>, %select_n3A_146, %reduce_max3A_147 [0] : vector<400x128xf32> to vector<128xf32>
    %broadcast_in_dim3A_149 = vector.shape_cast %reduce_max3A_148 : vector<128xf32> to vector<1x128xf32>
    %eq3A_150 = arith.constant 9 : i32
    %eq3A_151 = vector.broadcast %eq3A_150 : i32 to vector<400x1xi32>
    %eq3A_152 = arith.cmpi eq, %get3A_53, %eq3A_151 : vector<400x1xi32>
    %jit3A_153 = arith.constant 0xFF800000 : f32
    %broadcast_in_dim3A_154 = vector.shape_cast %eq3A_152 : vector<400x1xi1> to vector<400x1xi1>
    %broadcast_in_dim3A_155 = vector.broadcast %broadcast_in_dim3A_154 : vector<400x1xi1> to vector<400x128xi1>
    %broadcast_in_dim3A_156 = vector.broadcast %jit3A_153 : f32 to vector<400x128xf32>
    %select_n3A_157 = arith.select %broadcast_in_dim3A_155, %max3A_25, %broadcast_in_dim3A_156 : vector<400x128xi1>, vector<400x128xf32>
    %reduce_max3A_158 = arith.constant dense<0xFF800000> : vector<128xf32>
    %reduce_max3A_159 = vector.multi_reduction <maximumf>, %select_n3A_157, %reduce_max3A_158 [0] : vector<400x128xf32> to vector<128xf32>
    %broadcast_in_dim3A_160 = vector.shape_cast %reduce_max3A_159 : vector<128xf32> to vector<1x128xf32>
    %eq3A_161 = arith.constant 10 : i32
    %eq3A_162 = vector.broadcast %eq3A_161 : i32 to vector<400x1xi32>
    %eq3A_163 = arith.cmpi eq, %get3A_53, %eq3A_162 : vector<400x1xi32>
    %jit3A_164 = arith.constant 0xFF800000 : f32
    %broadcast_in_dim3A_165 = vector.shape_cast %eq3A_163 : vector<400x1xi1> to vector<400x1xi1>
    %broadcast_in_dim3A_166 = vector.broadcast %broadcast_in_dim3A_165 : vector<400x1xi1> to vector<400x128xi1>
    %broadcast_in_dim3A_167 = vector.broadcast %jit3A_164 : f32 to vector<400x128xf32>
    %select_n3A_168 = arith.select %broadcast_in_dim3A_166, %max3A_25, %broadcast_in_dim3A_167 : vector<400x128xi1>, vector<400x128xf32>
    %reduce_max3A_169 = arith.constant dense<0xFF800000> : vector<128xf32>
    %reduce_max3A_170 = vector.multi_reduction <maximumf>, %select_n3A_168, %reduce_max3A_169 [0] : vector<400x128xf32> to vector<128xf32>
    %broadcast_in_dim3A_171 = vector.shape_cast %reduce_max3A_170 : vector<128xf32> to vector<1x128xf32>
    %eq3A_172 = arith.constant 11 : i32
    %eq3A_173 = vector.broadcast %eq3A_172 : i32 to vector<400x1xi32>
    %eq3A_174 = arith.cmpi eq, %get3A_53, %eq3A_173 : vector<400x1xi32>
    %jit3A_175 = arith.constant 0xFF800000 : f32
    %broadcast_in_dim3A_176 = vector.shape_cast %eq3A_174 : vector<400x1xi1> to vector<400x1xi1>
    %broadcast_in_dim3A_177 = vector.broadcast %broadcast_in_dim3A_176 : vector<400x1xi1> to vector<400x128xi1>
    %broadcast_in_dim3A_178 = vector.broadcast %jit3A_175 : f32 to vector<400x128xf32>
    %select_n3A_179 = arith.select %broadcast_in_dim3A_177, %max3A_25, %broadcast_in_dim3A_178 : vector<400x128xi1>, vector<400x128xf32>
    %reduce_max3A_180 = arith.constant dense<0xFF800000> : vector<128xf32>
    %reduce_max3A_181 = vector.multi_reduction <maximumf>, %select_n3A_179, %reduce_max3A_180 [0] : vector<400x128xf32> to vector<128xf32>
    %broadcast_in_dim3A_182 = vector.shape_cast %reduce_max3A_181 : vector<128xf32> to vector<1x128xf32>
    %eq3A_183 = arith.constant 12 : i32
    %eq3A_184 = vector.broadcast %eq3A_183 : i32 to vector<400x1xi32>
    %eq3A_185 = arith.cmpi eq, %get3A_53, %eq3A_184 : vector<400x1xi32>
    %jit3A_186 = arith.constant 0xFF800000 : f32
    %broadcast_in_dim3A_187 = vector.shape_cast %eq3A_185 : vector<400x1xi1> to vector<400x1xi1>
    %broadcast_in_dim3A_188 = vector.broadcast %broadcast_in_dim3A_187 : vector<400x1xi1> to vector<400x128xi1>
    %broadcast_in_dim3A_189 = vector.broadcast %jit3A_186 : f32 to vector<400x128xf32>
    %select_n3A_190 = arith.select %broadcast_in_dim3A_188, %max3A_25, %broadcast_in_dim3A_189 : vector<400x128xi1>, vector<400x128xf32>
    %reduce_max3A_191 = arith.constant dense<0xFF800000> : vector<128xf32>
    %reduce_max3A_192 = vector.multi_reduction <maximumf>, %select_n3A_190, %reduce_max3A_191 [0] : vector<400x128xf32> to vector<128xf32>
    %broadcast_in_dim3A_193 = vector.shape_cast %reduce_max3A_192 : vector<128xf32> to vector<1x128xf32>
    %eq3A_194 = arith.constant 13 : i32
    %eq3A_195 = vector.broadcast %eq3A_194 : i32 to vector<400x1xi32>
    %eq3A_196 = arith.cmpi eq, %get3A_53, %eq3A_195 : vector<400x1xi32>
    %jit3A_197 = arith.constant 0xFF800000 : f32
    %broadcast_in_dim3A_198 = vector.shape_cast %eq3A_196 : vector<400x1xi1> to vector<400x1xi1>
    %broadcast_in_dim3A_199 = vector.broadcast %broadcast_in_dim3A_198 : vector<400x1xi1> to vector<400x128xi1>
    %broadcast_in_dim3A_200 = vector.broadcast %jit3A_197 : f32 to vector<400x128xf32>
    %select_n3A_201 = arith.select %broadcast_in_dim3A_199, %max3A_25, %broadcast_in_dim3A_200 : vector<400x128xi1>, vector<400x128xf32>
    %reduce_max3A_202 = arith.constant dense<0xFF800000> : vector<128xf32>
    %reduce_max3A_203 = vector.multi_reduction <maximumf>, %select_n3A_201, %reduce_max3A_202 [0] : vector<400x128xf32> to vector<128xf32>
    %broadcast_in_dim3A_204 = vector.shape_cast %reduce_max3A_203 : vector<128xf32> to vector<1x128xf32>
    %eq3A_205 = arith.constant 14 : i32
    %eq3A_206 = vector.broadcast %eq3A_205 : i32 to vector<400x1xi32>
    %eq3A_207 = arith.cmpi eq, %get3A_53, %eq3A_206 : vector<400x1xi32>
    %jit3A_208 = arith.constant 0xFF800000 : f32
    %broadcast_in_dim3A_209 = vector.shape_cast %eq3A_207 : vector<400x1xi1> to vector<400x1xi1>
    %broadcast_in_dim3A_210 = vector.broadcast %broadcast_in_dim3A_209 : vector<400x1xi1> to vector<400x128xi1>
    %broadcast_in_dim3A_211 = vector.broadcast %jit3A_208 : f32 to vector<400x128xf32>
    %select_n3A_212 = arith.select %broadcast_in_dim3A_210, %max3A_25, %broadcast_in_dim3A_211 : vector<400x128xi1>, vector<400x128xf32>
    %reduce_max3A_213 = arith.constant dense<0xFF800000> : vector<128xf32>
    %reduce_max3A_214 = vector.multi_reduction <maximumf>, %select_n3A_212, %reduce_max3A_213 [0] : vector<400x128xf32> to vector<128xf32>
    %broadcast_in_dim3A_215 = vector.shape_cast %reduce_max3A_214 : vector<128xf32> to vector<1x128xf32>
    %eq3A_216 = arith.constant 15 : i32
    %eq3A_217 = vector.broadcast %eq3A_216 : i32 to vector<400x1xi32>
    %eq3A_218 = arith.cmpi eq, %get3A_53, %eq3A_217 : vector<400x1xi32>
    %jit3A_219 = arith.constant 0xFF800000 : f32
    %broadcast_in_dim3A_220 = vector.shape_cast %eq3A_218 : vector<400x1xi1> to vector<400x1xi1>
    %broadcast_in_dim3A_221 = vector.broadcast %broadcast_in_dim3A_220 : vector<400x1xi1> to vector<400x128xi1>
    %broadcast_in_dim3A_222 = vector.broadcast %jit3A_219 : f32 to vector<400x128xf32>
    %select_n3A_223 = arith.select %broadcast_in_dim3A_221, %max3A_25, %broadcast_in_dim3A_222 : vector<400x128xi1>, vector<400x128xf32>
    %reduce_max3A_224 = arith.constant dense<0xFF800000> : vector<128xf32>
    %reduce_max3A_225 = vector.multi_reduction <maximumf>, %select_n3A_223, %reduce_max3A_224 [0] : vector<400x128xf32> to vector<128xf32>
    %broadcast_in_dim3A_226 = vector.shape_cast %reduce_max3A_225 : vector<128xf32> to vector<1x128xf32>
    %get3A_227 = arith.constant 0 : index
    %get3A_228 = arith.constant 0 : index
    %get3A_229 = vector.load %arg17[%get3A_227, %get3A_228] : memref<16x128xf32, #tpu.memory_space<vmem>>, vector<16x128xf32>
    %concatenate3A = tpu.concatenate %broadcast_in_dim3A_61, %broadcast_in_dim3A_72, %broadcast_in_dim3A_83, %broadcast_in_dim3A_94, %broadcast_in_dim3A_105, %broadcast_in_dim3A_116, %broadcast_in_dim3A_127, %broadcast_in_dim3A_138, %broadcast_in_dim3A_149, %broadcast_in_dim3A_160, %broadcast_in_dim3A_171, %broadcast_in_dim3A_182, %broadcast_in_dim3A_193, %broadcast_in_dim3A_204, %broadcast_in_dim3A_215, %broadcast_in_dim3A_226 in 0 : vector<1x128xf32>, vector<1x128xf32>, vector<1x128xf32>, vector<1x128xf32>, vector<1x128xf32>, vector<1x128xf32>, vector<1x128xf32>, vector<1x128xf32>, vector<1x128xf32>, vector<1x128xf32>, vector<1x128xf32>, vector<1x128xf32>, vector<1x128xf32>, vector<1x128xf32>, vector<1x128xf32>, vector<1x128xf32> -> vector<16x128xf32>
    %max3A_230 = arith.maximumf %get3A_229, %concatenate3A : vector<16x128xf32>
    %swap3A_231 = arith.constant 0 : index
    %swap3A_232 = arith.constant 0 : index
    %swap3A_233 = vector.load %arg17[%swap3A_231, %swap3A_232] : memref<16x128xf32, #tpu.memory_space<vmem>>, vector<16x128xf32>
    tpu.vector_store %arg17[%swap3A_231, %swap3A_232], %max3A_230 {strides = array<i32>} : memref<16x128xf32, #tpu.memory_space<vmem>>, vector<16x128xf32>,
    %eq3A_234 = arith.constant 24 : i32
    %eq3A_235 = arith.cmpi eq, %arg0, %eq3A_234 : i32
    %convert_element_type3A_236 = arith.extui %eq3A_235 : i1 to i32
    %cond3A_237 = arith.constant 0 : i32
    %cond3A_238 = arith.cmpi ne, %convert_element_type3A_236, %cond3A_237 : i32
    scf.if %cond3A_238 {
      %get3A_239 = arith.constant 0 : index
      %get3A_240 = arith.constant 0 : index
      %get3A_241 = vector.load %arg16[%get3A_239, %get3A_240] : memref<16x128xf32, #tpu.memory_space<vmem>>, vector<16x128xf32>
      %get3A_242 = arith.constant 0 : index
      %get3A_243 = arith.constant 0 : index
      %get3A_244 = vector.load %arg18[%get3A_242, %get3A_243] : memref<16x1xf32, #tpu.memory_space<vmem>>, vector<16x1xf32>
      %max3A_245 = arith.constant 1.000000e+00 : f32
      %max3A_246 = vector.broadcast %max3A_245 : f32 to vector<16x1xf32>
      %max3A_247 = arith.maximumf %get3A_244, %max3A_246 : vector<16x1xf32>
      %div3A = vector.broadcast %max3A_247 : vector<16x1xf32> to vector<16x128xf32>
      %div3A_248 = arith.divf %get3A_241, %div3A : vector<16x128xf32>
      %get3A_249 = arith.constant 0 : index
      %get3A_250 = arith.constant 0 : index
      %get3A_251 = vector.load %arg8[%get3A_249, %get3A_250] : memref<128x64xf32, #tpu.memory_space<vmem>>, vector<128x64xf32>
      %dot_general3A_252 = arith.constant dense<0.000000e+00> : vector<16x64xf32>
      %dot_general3A_253 = tpu.matmul %div3A_248, %get3A_251, %dot_general3A_252 {dimension_numbers = #tpu.dot_dimension_numbers<[1], [0], [0], [1], [0, 0, 1, 1], [], []>, transpose_lhs_hint = false} : vector<16x128xf32>, vector<128x64xf32>, vector<16x64xf32> -> vector<16x64xf32>
      %get3A_254 = arith.constant 0 : index
      %get3A_255 = arith.constant 0 : index
      %get3A_256 = vector.load %arg17[%get3A_254, %get3A_255] : memref<16x128xf32, #tpu.memory_space<vmem>>, vector<16x128xf32>
      %get3A_257 = arith.constant 0 : index
      %get3A_258 = arith.constant 0 : index
      %get3A_259 = vector.load %arg9[%get3A_257, %get3A_258] : memref<128x64xf32, #tpu.memory_space<vmem>>, vector<128x64xf32>
      %dot_general3A_260 = arith.constant dense<0.000000e+00> : vector<16x64xf32>
      %dot_general3A_261 = tpu.matmul %get3A_256, %get3A_259, %dot_general3A_260 {dimension_numbers = #tpu.dot_dimension_numbers<[1], [0], [0], [1], [0, 0, 1, 1], [], []>, transpose_lhs_hint = false} : vector<16x128xf32>, vector<128x64xf32>, vector<16x64xf32> -> vector<16x64xf32>
      %add3A_262 = arith.addf %dot_general3A_253, %dot_general3A_261 : vector<16x64xf32>
      %get3A_263 = arith.constant 0 : index
      %get3A_264 = arith.constant 0 : index
      %get3A_265 = vector.load %arg10[%get3A_263, %get3A_264] : memref<128x64xf32, #tpu.memory_space<vmem>>, vector<128x64xf32>
      %dot_general3A_266 = arith.constant dense<0.000000e+00> : vector<16x64xf32>
      %dot_general3A_267 = tpu.matmul %get3A_241, %get3A_265, %dot_general3A_266 {dimension_numbers = #tpu.dot_dimension_numbers<[1], [0], [0], [1], [0, 0, 1, 1], [], []>, transpose_lhs_hint = false} : vector<16x128xf32>, vector<128x64xf32>, vector<16x64xf32> -> vector<16x64xf32>
      %add3A_268 = arith.addf %add3A_262, %dot_general3A_267 : vector<16x64xf32>
      %get3A_269 = arith.constant 0 : index
      %get3A_270 = arith.constant 0 : index
      %get3A_271 = vector.load %arg12[%get3A_269, %get3A_270] : memref<1x64xf32, #tpu.memory_space<vmem>>, vector<1x64xf32>
      %add3A_272 = vector.broadcast %get3A_271 : vector<1x64xf32> to vector<16x64xf32>
      %add3A_273 = arith.addf %add3A_268, %add3A_272 : vector<16x64xf32>
      %get3A_274 = arith.constant 0 : index
      %get3A_275 = arith.constant 0 : index
      %get3A_276 = vector.load %arg7[%get3A_274, %get3A_275] : memref<16x3xf32, #tpu.memory_space<vmem>>, vector<16x3xf32>
      %slice3A = vector.extract_strided_slice %get3A_276 {offsets = [0, 0], sizes = [16, 1], strides = [1, 1]} : vector<16x3xf32> to vector<16x1xf32>
      %get3A_277 = arith.constant 0 : index
      %get3A_278 = arith.constant 0 : index
      %get3A_279 = vector.load %arg11[%get3A_277, %get3A_278] : memref<3x64xf32, #tpu.memory_space<vmem>>, vector<1x64xf32>
      %mul3A_280 = vector.broadcast %slice3A : vector<16x1xf32> to vector<16x64xf32>
      %mul3A_281 = vector.broadcast %get3A_279 : vector<1x64xf32> to vector<16x64xf32>
      %mul3A_282 = arith.mulf %mul3A_280, %mul3A_281 : vector<16x64xf32>
      %add3A_283 = arith.addf %add3A_273, %mul3A_282 : vector<16x64xf32>
      %slice3A_284 = vector.extract_strided_slice %get3A_276 {offsets = [0, 1], sizes = [16, 1], strides = [1, 1]} : vector<16x3xf32> to vector<16x1xf32>
      %get3A_285 = arith.constant 1 : index
      %get3A_286 = arith.constant 0 : index
      %get3A_287 = vector.load %arg11[%get3A_285, %get3A_286] : memref<3x64xf32, #tpu.memory_space<vmem>>, vector<1x64xf32>
      %mul3A_288 = vector.broadcast %slice3A_284 : vector<16x1xf32> to vector<16x64xf32>
      %mul3A_289 = vector.broadcast %get3A_287 : vector<1x64xf32> to vector<16x64xf32>
      %mul3A_290 = arith.mulf %mul3A_288, %mul3A_289 : vector<16x64xf32>
      %add3A_291 = arith.addf %add3A_283, %mul3A_290 : vector<16x64xf32>
      %slice3A_292 = vector.extract_strided_slice %get3A_276 {offsets = [0, 2], sizes = [16, 1], strides = [1, 1]} : vector<16x3xf32> to vector<16x1xf32>
      %get3A_293 = arith.constant 2 : index
      %get3A_294 = arith.constant 0 : index
      %get3A_295 = vector.load %arg11[%get3A_293, %get3A_294] : memref<3x64xf32, #tpu.memory_space<vmem>>, vector<1x64xf32>
      %mul3A_296 = vector.broadcast %slice3A_292 : vector<16x1xf32> to vector<16x64xf32>
      %mul3A_297 = vector.broadcast %get3A_295 : vector<1x64xf32> to vector<16x64xf32>
      %mul3A_298 = arith.mulf %mul3A_296, %mul3A_297 : vector<16x64xf32>
      %add3A_299 = arith.addf %add3A_291, %mul3A_298 : vector<16x64xf32>
      %max3A_300 = arith.constant 0.000000e+00 : f32
      %max3A_301 = vector.broadcast %max3A_300 : f32 to vector<16x64xf32>
      %max3A_302 = arith.maximumf %add3A_299, %max3A_301 : vector<16x64xf32>
      %get3A_303 = arith.constant 0 : index
      %get3A_304 = arith.constant 0 : index
      %get3A_305 = vector.load %arg13[%get3A_303, %get3A_304] : memref<64x1xf32, #tpu.memory_space<vmem>>, vector<64x1xf32>
      %dot_general3A_306 = arith.constant dense<0.000000e+00> : vector<16x1xf32>
      %dot_general3A_307 = tpu.matmul %max3A_302, %get3A_305, %dot_general3A_306 {dimension_numbers = #tpu.dot_dimension_numbers<[1], [0], [0], [1], [0, 0, 1, 1], [], []>, transpose_lhs_hint = false} : vector<16x64xf32>, vector<64x1xf32>, vector<16x1xf32> -> vector<16x1xf32>
      %get3A_308 = arith.constant 0 : index
      %get3A_309 = arith.constant 0 : index
      %get3A_310 = vector.load %arg14[%get3A_308, %get3A_309] : memref<1x1xf32, #tpu.memory_space<vmem>>, vector<1x1xf32>
      %add3A_311 = vector.broadcast %get3A_310 : vector<1x1xf32> to vector<16x1xf32>
      %add3A_312 = arith.addf %dot_general3A_307, %add3A_311 : vector<16x1xf32>
      %swap3A_313 = arith.constant 0 : index
      %swap3A_314 = arith.constant 0 : index
      %swap3A_315 = vector.load %arg15[%swap3A_313, %swap3A_314] : memref<16x1xf32, #tpu.memory_space<vmem>>, vector<16x1xf32>
      tpu.vector_store %arg15[%swap3A_313, %swap3A_314], %add3A_312 {strides = array<i32>} : memref<16x1xf32, #tpu.memory_space<vmem>>, vector<16x1xf32>,
    } else {
    }
    return
  }
  func.func @transform_0(%arg0: i32) -> (i32, i32, i32) {
    %c0_i32 = arith.constant 0 : i32
    %c0_i32_0 = arith.constant 0 : i32
    %c0_i32_1 = arith.constant 0 : i32
    return %c0_i32, %arg0, %c0_i32_0 : i32, i32, i32
  }
  func.func @transform_1(%arg0: i32) -> (i32, i32) {
    %c0_i32 = arith.constant 0 : i32
    %c0_i32_0 = arith.constant 0 : i32
    return %arg0, %c0_i32 : i32, i32
  }
  func.func @transform_2(%arg0: i32) -> (i32, i32) {
    %c0_i32 = arith.constant 0 : i32
    %c0_i32_0 = arith.constant 0 : i32
    return %arg0, %c0_i32 : i32, i32
  }
  func.func @transform_3(%arg0: i32) -> (i32, i32) {
    %c0_i32 = arith.constant 0 : i32
    %c0_i32_0 = arith.constant 0 : i32
    %c0_i32_1 = arith.constant 0 : i32
    return %c0_i32, %c0_i32_0 : i32, i32
  }
  func.func @transform_4(%arg0: i32) -> (i32, i32, i32) {
    %c0_i32 = arith.constant 0 : i32
    %c0_i32_0 = arith.constant 0 : i32
    %c0_i32_1 = arith.constant 0 : i32
    return %arg0, %c0_i32, %c0_i32_0 : i32, i32, i32
  }
  func.func @transform_5(%arg0: i32) -> (i32, i32) {
    %c0_i32 = arith.constant 0 : i32
    %c0_i32_0 = arith.constant 0 : i32
    return %arg0, %c0_i32 : i32, i32
  }
  func.func @transform_6(%arg0: i32) -> (i32, i32) {
    %c0_i32 = arith.constant 0 : i32
    %c0_i32_0 = arith.constant 0 : i32
    %c0_i32_1 = arith.constant 0 : i32
    return %c0_i32, %c0_i32_0 : i32, i32
  }
  func.func @transform_7(%arg0: i32) -> (i32, i32) {
    %c0_i32 = arith.constant 0 : i32
    %c0_i32_0 = arith.constant 0 : i32
    %c0_i32_1 = arith.constant 0 : i32
    return %c0_i32, %c0_i32_0 : i32, i32
  }
  func.func @transform_8(%arg0: i32) -> (i32, i32) {
    %c0_i32 = arith.constant 0 : i32
    %c0_i32_0 = arith.constant 0 : i32
    %c0_i32_1 = arith.constant 0 : i32
    return %c0_i32, %c0_i32_0 : i32, i32
  }
  func.func @transform_9(%arg0: i32) -> (i32, i32) {
    %c0_i32 = arith.constant 0 : i32
    %c0_i32_0 = arith.constant 0 : i32
    %c0_i32_1 = arith.constant 0 : i32
    return %c0_i32, %c0_i32_0 : i32, i32
  }
  func.func @transform_10(%arg0: i32) -> (i32, i32) {
    %c0_i32 = arith.constant 0 : i32
    %c0_i32_0 = arith.constant 0 : i32
    %c0_i32_1 = arith.constant 0 : i32
    return %c0_i32, %c0_i32_0 : i32, i32
  }
  func.func @transform_11(%arg0: i32) -> (i32, i32) {
    %c0_i32 = arith.constant 0 : i32
    %c0_i32_0 = arith.constant 0 : i32
    %c0_i32_1 = arith.constant 0 : i32
    return %c0_i32, %c0_i32_0 : i32, i32
  }
  func.func @transform_12(%arg0: i32) -> (i32, i32) {
    %c0_i32 = arith.constant 0 : i32
    %c0_i32_0 = arith.constant 0 : i32
    %c0_i32_1 = arith.constant 0 : i32
    return %c0_i32, %c0_i32_0 : i32, i32
  }
  func.func @transform_13(%arg0: i32) -> (i32, i32) {
    %c0_i32 = arith.constant 0 : i32
    %c0_i32_0 = arith.constant 0 : i32
    %c0_i32_1 = arith.constant 0 : i32
    return %c0_i32, %c0_i32_0 : i32, i32
  }
  func.func @transform_14(%arg0: i32) -> (i32, i32) {
    %c0_i32 = arith.constant 0 : i32
    %c0_i32_0 = arith.constant 0 : i32
    %c0_i32_1 = arith.constant 0 : i32
    return %c0_i32, %c0_i32_0 : i32, i32
  }
}

</mosaic_0001>

<sc_bundles>
// kernel: kernel.11.cloned.1.call-start
scs
__scs_entry_jumppad:
0x0: {  	(pc) =	sbr.rel $0x88, $3  }
0x1: {  	(tag) =	ssettag $0x0;
	lr =	simm.s32 $0x1  }
0x2: {  	[smem:$0x3F93] =	sst lr;
	_ =	strace $0xD0000000  }
0x3: {  	_ = 	snop  }
0x4: {  	_ = 	snop  }
0x5: {  	_ = 	snop  }
0x6: {  	_ = 	snop  }
0x7: {  	_ = 	snop  }
__scs_overlays_trampoline_lowered:
0x8: {  	[smem:$0x3FA2] =	sst s0  }
0x9: {  	[smem:$0x3FA3] =	sst s1  }
0xa: {  	[smem:$0x3FA4] =	sst s2  }
0xb: {  	[smem:$0x3FA5] =	sst s3  }
0xc: {  	[smem:$0x3FA6] =	sst s4  }
0xd: {  	[smem:$0x3FA7] =	sst s5  }
0xe: {  	[smem:$0x3FA8] =	sst s6  }
0xf: {  	[smem:$0x3FA9] =	sst s7  }
0x10: {  	[smem:$0x3FAA] =	sst s8  }
0x11: {  	[smem:$0x3FAB] =	sst s9;
	s0 =	simm.s32 @!p0 $0x0  }
0x12: {  	s1 =	sld [smem:$0x3F91];
	s0 =	simm.s32 @p0 $0x1  }
0x13: {  	[smem:$0x3FAC] =	sst s0;
	s0 =	simm.s32 @!p1 $0x0  }
0x14: {  	s2 =	sld [smem:$0x3F90];
	s0 =	simm.s32 @p1 $0x1  }
0x15: {  	[smem:$0x3FAD] =	sst s0;
	s0 =	simm.s32 @!p2 $0x0  }
0x16: {  	s3 =	sld [smem:$0x3FDB];
	s0 =	simm.s32 @p2 $0x1  }
0x17: {  	s4 =	simm.s32 $0x1BF5;
	[smem:$0x3FAF] =	sst s0  }
0x18: {  	s0 =	sld [smem:$0x3F92];
	_ =	swait.ge [sflag:s4], $0x0  }
0x19: {  	s7 =	sld [smem:$0x3F93]  }
0x1a: {  	s8 =	sadd.s32 $0xFFFFE003, lr  }
0x1b: {  	s9 =	sadd.s32 $0xFFFFFEF7, lr;
	s5 =	simm.s32 $0xFFFFFFFF;
	p2 =	slt.u32 s8, $0xFFFFF086  }
0x1c: {  	p1 =	slt.u32 s9, $0xF7A;
	s5 =	simm.s32 @!p2 $0x0  }
0x1d: {  	s5 =	simm.s32 @p1 $0x1;
	p0 =	seq.s32 s7, s2  }
0x1e: {  	s7 =	smul.u32 @!p0 $0xF7A, s2;
	p2 =	seq.s32 @!p0 s5, $0x0  }
0x1f: {  	s9 =	smul.u32 $0xF7A, s1;
	s8 =	simm.s32 @!p0 $0x1BF5;
	p2 =	por !p2, p0  }
0x20: {  	[sflag:s8] =	ssyncset.s32 @!p0 $0xFFFFF086;
	s6 =	sadd.s32 @!p0 s3, s7;
	s7 =	simm.s32 @!p0 $0x108  }
0x21: {  	s3 =	sadd.s32 s3, s9;
	s6 =	sadd.s32 @!p0 $0x88, s6;
	s7 =	simm.s32 @p2 $0x1082  }
0x22: {  	[simem:s7], [sflag:s8] =	dma.local @!p0 [hbm:s6], $0xF7A  }
0x23: {  	s9 =	sor.u32 $0xD0000000, s2;
	s6 =	simm.s32 $0x108;
	_ =	swait.ge @!p0 [sflag:s8], $0x0  }
0x24: {  	s3 =	sadd.s32 $0x88, s3;
	s6 =	simm.s32 @!p1 $0x1082;
	[sflag:s4] =	ssyncset.s32 $0xFFFFF086  }
0x25: {  	[simem:s6], [sflag:s4] =	dma.local [hbm:s3], $0xF7A  }
0x26: {  	[smem:$0x3F93] =	sst s1;
	(tag) =	ssettag s2;
	_ =	strace s9  }
0x27: {  	s1 =	sld [smem:$0x3FA3]  }
0x28: {  	s2 =	sld [smem:$0x3FA4]  }
0x29: {  	s4 =	sld [smem:$0x3FA6]  }
0x2a: {  	p0 =	seq.s32 s5, $0x0;
	s5 =	sld [smem:$0x3FA7]  }
0x2b: {  	s6 =	sld [smem:$0x3FA8]  }
0x2c: {  	s7 =	sld [smem:$0x3FA9]  }
0x2d: {  	s3 =	simm.s32 $0x108;
	s8 =	sld [smem:$0x3FAA]  }
0x2e: {  	s3 =	simm.s32 @!p0 $0x1082;
	s9 =	sld [smem:$0x3FAB]  }
0x2f: {  	lr =	sadd.s32 s0, s3;
	s0 =	sld [smem:$0x3FA2]  }
0x30: {  	s3 =	sld [smem:$0x3FA5]  }
0x31: {  	[smem:$0x3FAE] =	sst s10  }
0x32: {  	s10 =	sld [smem:$0x3FAC];
	_ =	sdelay $0x3  }
0x33: {  	p0 =	seq.s32 s10, $0x1;
	s10 =	sld [smem:$0x3FAE];
	_ =	sdelay $0x3  }
0x34: {  	[smem:$0x3FAE] =	sst s10  }
0x35: {  	s10 =	sld [smem:$0x3FAD];
	_ =	sdelay $0x3  }
0x36: {  	p1 =	seq.s32 s10, $0x1;
	s10 =	sld [smem:$0x3FAE];
	_ =	sdelay $0x3  }
0x37: {  	[smem:$0x3FAE] =	sst s10  }
0x38: {  	s10 =	sld [smem:$0x3FAF]  }
0x39: {  	_ = 	snop;
	(pc) =	sbr.ind lr, $3  }
0x3a: {  	_ = 	snop  }
0x3b: {  	_ = 	snop  }
0x3c: {  	p2 =	seq.s32 s10, $0x1;
	s10 =	sld [smem:$0x3FAE]  }
0x3d: {  	_ =	shalt  }
0x3e: {  	_ =	shalt  }
0x3f: {  	_ =	shalt  }
0x40: {  	_ =	shalt  }
0x41: {  	_ =	shalt  }
0x42: {  	_ =	shalt  }
0x43: {  	_ =	shalt  }
0x44: {  	_ =	shalt  }
0x45: {  	_ =	shalt  }
0x46: {  	_ =	shalt  }
0x47: {  	_ =	shalt  }
0x48: {  	_ =	shalt  }
0x49: {  	_ =	shalt  }
0x4a: {  	_ =	shalt  }
0x4b: {  	_ =	shalt  }
0x4c: {  	_ =	shalt  }
0x4d: {  	_ =	shalt  }
0x4e: {  	_ =	shalt  }
0x4f: {  	_ =	shalt  }
0x50: {  	_ =	shalt  }
0x51: {  	_ =	shalt  }
0x52: {  	_ =	shalt  }
0x53: {  	_ =	shalt  }
0x54: {  	_ =	shalt  }
0x55: {  	_ =	shalt  }
0x56: {  	_ =	shalt  }
0x57: {  	_ =	shalt  }
0x58: {  	_ =	shalt  }
0x59: {  	_ =	shalt  }
0x5a: {  	_ =	shalt  }
0x5b: {  	_ =	shalt  }
0x5c: {  	_ =	shalt  }
0x5d: {  	_ =	shalt  }
0x5e: {  	_ =	shalt  }
0x5f: {  	_ =	shalt  }
0x60: {  	_ =	shalt  }
0x61: {  	_ =	shalt  }
0x62: {  	_ =	shalt  }
0x63: {  	_ =	shalt  }
0x64: {  	_ =	shalt  }
0x65: {  	_ =	shalt  }
0x66: {  	_ =	shalt  }
0x67: {  	_ =	shalt  }
0x68: {  	_ =	shalt  }
0x69: {  	_ =	shalt  }
0x6a: {  	_ =	shalt  }
0x6b: {  	_ =	shalt  }
0x6c: {  	_ =	shalt  }
0x6d: {  	_ =	shalt  }
0x6e: {  	_ =	shalt  }
0x6f: {  	_ =	shalt  }
0x70: {  	_ =	shalt  }
0x71: {  	_ =	shalt  }
0x72: {  	_ =	shalt  }
0x73: {  	_ =	shalt  }
0x74: {  	_ =	shalt  }
0x75: {  	_ =	shalt  }
0x76: {  	_ =	shalt  }
0x77: {  	_ =	shalt  }
0x78: {  	_ =	shalt  }
0x79: {  	_ =	shalt  }
0x7a: {  	_ =	shalt  }
0x7b: {  	_ =	shalt  }
0x7c: {  	_ =	shalt  }
0x7d: {  	_ =	shalt  }
0x7e: {  	_ =	shalt  }
0x7f: {  	_ =	shalt  }
0x80: {  	_ =	shalt  }
0x81: {  	_ =	shalt  }
0x82: {  	_ =	shalt  }
0x83: {  	_ =	shalt  }
0x84: {  	_ =	shalt  }
0x85: {  	_ =	shalt  }
0x86: {  	_ =	shalt  }
0x87: {  	_ =	shalt  }
.Lfunc_end0:
.L_simem_size_0:
called_computation_lowered:
.L_overlay_start_0:
0x88: {  	s2 =	sld [smem:$0x3FD9]  }
0x89: {  	s3 =	sld [smem:$0x3FFE];
	_ =	sdelay $0x1  }
0x8a: {  	s1 =	srdreg.scid  }
0x8b: {  	s0 =	sand.u32 $0x1, s1  }
0x8c: {  	s16 =	sshll.u32 s0, $0xA;
	s2 =	sadd.s32 s3, s2  }
0x8d: {  	s2 =	sadd.s32 s2, s16  }
0x8e: {  	[smem:$0x3FBA] =	sst s2  }
0x8f: {  	_ = 	snop  }
0x90: {  	(tm) =	ssettm $0x1  }
0x91: {  	s17 =	sld [smem:$0x3FFB];
	_ =	sdelay $0x3  }
0x92: {  	_ =	strace s17  }
0x93: {  	s2 =	sld [smem:$0x3FFC];
	_ =	sdelay $0x3  }
0x94: {  	_ =	strace s2  }
0x95: {  	s2 =	sld [smem:$0x3FFD];
	_ =	sdelay $0x3  }
0x96: {  	_ =	strace s2  }
0x97: {  	_ =	strace $0x8FFFFFFF  }
0x98: {  	s18 =	sld [smem:$0x3FDB];
	_ =	sdelay $0x1  }
0x99: {  	s19 =	simm.s32 $_scs_section_size  }
0x9a: {  	s4 =	simm.s32 $_size__tile_overlayer_lowered;
	s5 =	simm.s32 $_tile_overlayer_lowered  }
0x9b: {  	s22 =	simm.s32 $0x1BFF;
	s21 =	sshll.u32 s5, $0x1;
	s2 =	sadd.s32 s19, s18  }
0x9c: {  	s6 =	simm.s32 $0x0;
	s20 =	sshll.u32 s4, $0x1;
	s4 =	sadd.s32 s21, s2  }
0x9d: {  	[timem:s6], [sflag:s22] =	dma.local [hbm:s4], s20  }
0x9e: {  	_ =	swait.ge [sflag:s22], s20  }
0x9f: {  	s3 =	ssub.s32 $0x0, s20;
	[sflag:s22] =	ssyncset.done $0x0  }
0xa0: {  	[sflag:s22] =	ssyncadd.s32 s3;
	_ =	sdelay $0x1  }
0xa1: {  	s23 =	simm.s32 $0x1B8B  }
0xa2: {  	_ =	swait.ge [sflag:s23], $0x1  }
0xa3: {  	[sflag:s23] =	ssyncset.done $0x0  }
0xa4: {  	s25 =	simm.s32 $0x1B8E;
	s24 =	sld [smem:$0x3FFE];
	[sflag:s23] =	ssyncadd.s32 $0xFFFFFFFF  }
0xa5: {  	s26 =	simm.s32 $execute0_lowered;
	[smem:$0x3FD2] =	sst s25  }
0xa6: {  	s4 =	sshll.u32 s26, $0x1;
	_ =	strace $0x80000046;
	[dreg:$0x1] =	wrdreg $0xFFFFFFFF  }
0xa7: {  	s28 =	simm.s32 $_size_execute0_lowered;
	s2 =	sadd.s32 s2, s4;
	[dreg:$0x0] =	wrdreg $0x0  }
0xa8: {  	s4 =	sshll.u32 s28, $0x1;
	[dreg:$0x2] =	wrdreg s2  }
0xa9: {  	[dreg:$0x3] =	wrdreg s4  }
0xaa: {  	[dreg:$0x4] =	wrdreg $0xC0  }
0xab: {  	_ =	task [dreg:s6], $0x5FFFF  }
0xac: {  	[dreg:$0x1] =	wrdreg $0xFFFFFFFF  }
0xad: {  	[dreg:$0x0] =	wrdreg $0x60  }
0xae: {  	[dreg:$0x2] =	wrdreg s24  }
0xaf: {  	[dreg:$0x3] =	wrdreg $0x77800  }
0xb0: {  	[dreg:$0x4] =	wrdreg $0x9  }
0xb1: {  	_ =	task.clear_ibuf [dreg:s6], $0x5FFFF;
	_ =	strace $0x90000046  }
0xb2: {  	s29 =	simm.s32 $0x9;
	_ =	strace $0x80000048  }
0xb3: {  	_ =	swait.ge [sflag:s29], $0x1  }
0xb4: {  	[sflag:s29] =	ssyncadd.s32 $0xFFFFFFFF  }
0xb5: {  	_ =	strace $0x90000048  }
0xb6: {  	_ =	sfence  }
0xb7: {  	s30 =	sld [smem:$0x0];
	_ =	sdelay $0x2  }
0xb8: {  	s31 =	sshll.u32 s1, $0xD;
	s1 =	sshrl.u32 s1, $0x2  }
0xb9: {  	s3 =	sand.u32 $0x4000, s31;
	s1 =	sadd.s32 s1, s30  }
0xba: {  	s0 =	sor.u32 s3, s0;
	s1 =	sshll.u32 s1, $0x11  }
0xbb: {  	s0 =	sor.u32 s1, s0  }
0xbc: {  	s0 =	sadd.s32 $0x8F2B, s0  }
0xbd: {  	[sflag:s0] =	ssyncadd.remote.s32 $0x1  }
0xbe: {  	_ =	sfence.sel $0xFFFF  }
0xbf: {  	[dreg:$0x0] =	wrdreg $0xFFFFFFFF;
	(pc) =	sbr.abs _section_cstart, $3  }
0xc0: {  	[dreg:$0x1] =	wrdreg $0xFFFFFFFF  }
0xc1: {  	_ =	task.clear_ibuf [dreg:s6], $0x2FFFF;
	_ =	strace $0x9FFFFFFF  }
0xc2: {  	(tm) =	ssettm $0x7FFFFFFF  }
0xc3: {  	_ =	shalt  }
tec
execute0_lowered:
.L_overlay_start_1:
0x0: {  	(tag) =	ssettag $0x1  }
0x1: {  	s0 =	rddreg [dreg:$0x0]  }
0x2: {  	s1 =	rddreg [dreg:$0x1];
	s3 =	srdreg.scid  }
0x3: {  	s8 =	stileid.u32;
	s2 =	simm.s32 $0x0;
	s14 =	simm.s32 $0x4F80  }
0x4: {  	s16 =	simm.s32 $0x5780;
	s17 =	simm.s32 $0x5B80;
	s18 =	simm.s32 $0x5F80  }
0x5: {  	s19 =	simm.s32 $0x0;
	s3 =	sand.u32 $0x1, s3;
	s4 =	smul.u32 $0x280, s8  }
0x6: {  	[smem:$0x7FF] =	sst s2;
	s28 =	sshrl.u32 s8, $0x3;
	s7 =	sshll.u32 s8, $0x7  }
0x7: {  	s5 =	sshll.u32 s3, $0x4;
	s6 =	smul.u32 $0x2800, s3;
	_ =	strace $0x80000047  }
0x8: {  	s3 =	ssub.s32 $0x2, s3;
	s5 =	sor.u32 s8, s5;
	s8 =	smul.u32 $0x5000, s8  }
0x9: {  	s30 =	sand.u32 $0x380, s7;
	s29 =	sshrl.u32 s3, $0x1;
	s5 =	smul.u32 $0x4E2, s5  }
0xa: {  	s4 =	sadd.s32 s4, s6;
	s6 =	smul.u32 $0x50000, s28;
	s9 =	ssub.s32 s3, s29  }
0xb: {  	s4 =	sshrl.u32 s4, $0x3;
	s31 =	sshrl.u32 s8, $0x2;
	s7 =	smax.u32 s9, $0x1  }
0xc: {  	s9 =	simm.s32 $0x1;
	s5 =	sadd.s32 s5, s0;
	s6 =	sshrl.u32 s6, $0x2  }
0xd: {  	s0 =	sadd.s32 s4, s0;
	s6 =	sadd.s32 s6, s1;
	s3 =	sadd.s32 $0xD200, s5  }
0xe: {  	v0 =	vimm.f32 $0.0e+00;
	v1 =	vimm.f32 $1.000000000e+00;
	s5 =	sadd.s32 s31, s1;
	s4 =	sadd.s32 s30, s6;
	s6 =	sadd.s32 $0x17000, s0  }
.LBB2_1:
0xf: {  	s0 =	simm.s32 $0x40;
	s1 =	simm.s32 $0x0  }
.LBB2_2:
0x10: {  	p0 =	sne.s32 s0, $0x9FC0;
	[tilespmem:s1+$0x0] =	vst v0;
	s1 =	smov.u32 s0;
	s0 =	sadd.s32 $0x40, s0  }
.Ltmp0:
0x11: {  	(pc) =	sbr.rel @p0 .LBB2_2-.Ltmp0, $2  }
0x12: {  	_ =	sdelay $0x2  }
0x13: {  	s1 =	sshra.s32 s1, $0x2  }
0x14: {  	[tilespmem:s1+$0x0] =	vst v0;
	s0 =	simm.s32 $0x2800  }
0x15: {  	[tilespmem:s0], [sflag:$0x1] =	stream.linear.gather [hbm4b:s3+s2], $0x2710, $0x38;
	[tilespmem:$0x9F80] =	vst v63  }
0x16: {  	_ =	swait.ge [sflag:s9], $0x2710  }
0x17: {  	[sflag:s9] =	ssyncset.done $0x0  }
0x18: {  	s1 =	simm.s32 $0x2820;
	s0 =	simm.s32 $0xFFFFFFFC;
	[sflag:s9] =	ssyncadd.s32 $0xFFFFD8F0  }
.LBB2_4:
0x19: {  	v2 =	vld [tilespmem:s1+$0xFFFFFFE0];
	_ =	sdelay $0x7  }
0x1a: {  	[tilespmem:v2+s2+$0x0] =	vst.idx.add.f32.msk $0xffff, v1  }
0x1b: {  	v2 =	vld [tilespmem:s1+$0xFFFFFFF0];
	_ =	sdelay $0x7  }
0x1c: {  	[tilespmem:v2+s2+$0x0] =	vst.idx.add.f32.msk $0xffff, v1  }
0x1d: {  	v2 =	vld [tilespmem:s1+$0x0];
	_ =	sdelay $0x7  }
0x1e: {  	[tilespmem:v2+s2+$0x0] =	vst.idx.add.f32.msk $0xffff, v1  }
0x1f: {  	v2 =	vld [tilespmem:s1+$0x10];
	_ =	sdelay $0x1  }
0x20: {  	s0 =	sadd.s32 $0x4, s0  }
0x21: {  	p0 =	slt.u32 s0, $0x26C  }
.Ltmp1:
0x22: {  	_ = 	snop;
	(pc) =	sbr.rel @p0 .LBB2_4-.Ltmp1, $2  }
0x23: {  	_ =	sdelay $0x2  }
0x24: {  	s1 =	sadd.s32 $0x40, s1;
	[tilespmem:v2+s2+$0x0] =	vst.idx.add.f32.msk $0xffff, v1  }
0x25: {  	v2 =	vld [tilespmem:$0x4F00];
	_ =	sdelay $0x6  }
0x26: {  	s8 =	simm.s32 $0x0  }
0x27: {  	s0 =	simm.s32 $0x80;
	s1 =	simm.s32 $0x400;
	[tilespmem:v2+s8+$0x0] =	vst.idx.add.f32.msk $0xffff, v1  }
0x28: {  	[spmem:s4] =	stream.strided.scatter [tilespmem:s8], [sflag:$0x1], $0x2800, s1, s0, $0x38;
	[tilespmem:$0x9F80] =	vst v63  }
0x29: {  	_ =	swait.ge [sflag:s9], $0x2800  }
0x2a: {  	[sflag:s9] =	ssyncset.done $0x0  }
0x2b: {  	[sflag:s9] =	ssyncadd.s32 $0xFFFFD800  }
0x2c: {  	s20 =	simm.s32 $0x1400;
	s21 =	simm.s32 $0x14000;
	[bflag:$0x0] =	sbarrier.arrive $0xFFFF  }
0x2d: {  	[tilespmem:s14], [sflag:$0x1] =	stream.strided.gather [spmem:s5], $0x2800, s21, s20, $0x38;
	[tilespmem:$0x9F80] =	vst v63  }
0x2e: {  	s10 =	sand.u32 $0x1C00, s8;
	_ =	swait.ge [sflag:s9], $0x2800  }
0x2f: {  	s1 =	sand.u32 $0x40, s8;
	s0 =	sadd.s32 $0x4F80, s10;
	[sflag:s9] =	ssyncset.done $0x0  }
0x30: {  	s11 =	sor.u32 s1, s0;
	[sflag:s9] =	ssyncadd.s32 $0xFFFFD800  }
0x31: {  	v2 =	vld [tilespmem:s11+$0x80]  }
0x32: {  	v3 =	vld [tilespmem:s11+$0x0]  }
0x33: {  	p0 =	por $0x0, $0x0;
	s12 =	simm.s32 $0x1  }
0x34: {  	s12 =	simm.s32 @!p0 $0x0;
	v4 =	vld [tilespmem:s11+$0x100]  }
0x35: {  	s12 =	sshll.u32 s12, $0x6  }
0x36: {  	s21 =	sadd.s32 $0x0, s12;
	v5 =	vld [tilespmem:s11+$0x180]  }
0x37: {  	s12 =	sor.u32 $0x200, s21;
	v2 =	vadd.f32 v2, v3  }
0x38: {  	v3 =	vld [tilespmem:s12+$0x4F80]  }
0x39: {  	s22 =	sor.u32 $0x280, s21;
	v2 =	vadd.f32 v4, v2  }
0x3a: {  	v4 =	vld [tilespmem:s22+$0x4F80]  }
0x3b: {  	s23 =	sor.u32 $0x300, s21;
	v2 =	vadd.f32 v5, v2  }
0x3c: {  	s8 =	sor.u32 s8, s8;
	v5 =	vld [tilespmem:s23+$0x4F80]  }
0x3d: {  	s24 =	sor.u32 $0x380, s8;
	v2 =	vadd.f32 v3, v2  }
0x3e: {  	s8 =	sor.u32 $0x6380, s10;
	v3 =	vld [tilespmem:s24+$0x4F80]  }
0x3f: {  	s25 =	sor.u32 s1, s8;
	v2 =	vadd.f32 v4, v2  }
0x40: {  	s20 =	sadd.s32 $0x6400, s10;
	v4 =	vld [tilespmem:s25+$0x0]  }
0x41: {  	s26 =	sor.u32 s1, s20;
	v2 =	vadd.f32 v5, v2  }
0x42: {  	s22 =	sadd.s32 $0x6480, s10;
	v5 =	vld [tilespmem:s26+$0x0]  }
0x43: {  	s28 =	sor.u32 s1, s22;
	v2 =	vadd.f32 v3, v2  }
0x44: {  	s23 =	sadd.s32 $0x6500, s10;
	v3 =	vld [tilespmem:s28+$0x0]  }
0x45: {  	s29 =	sor.u32 s1, s23;
	v2 =	vadd.f32 v4, v2  }
0x46: {  	s24 =	sadd.s32 $0x6580, s10;
	v4 =	vld [tilespmem:s29+$0x0]  }
0x47: {  	s30 =	sor.u32 s1, s24;
	v2 =	vadd.f32 v5, v2  }
0x48: {  	s25 =	sadd.s32 $0x6600, s10;
	v5 =	vld [tilespmem:s30+$0x0]  }
0x49: {  	s31 =	sor.u32 s1, s25;
	v2 =	vadd.f32 v3, v2  }
0x4a: {  	s26 =	sadd.s32 $0x6680, s10;
	v3 =	vld [tilespmem:s31+$0x0]  }
0x4b: {  	s13 =	sor.u32 s1, s26;
	v2 =	vadd.f32 v4, v2  }
0x4c: {  	s28 =	sadd.s32 $0x6700, s10;
	v4 =	vld [tilespmem:s13+$0x0]  }
0x4d: {  	s10 =	sor.u32 s1, s28;
	v2 =	vadd.f32 v5, v2  }
0x4e: {  	v5 =	vld [tilespmem:s10+$0x0]  }
0x4f: {  	v2 =	vadd.f32 v3, v2;
	_ =	sdelay $0x1  }
0x50: {  	v2 =	vadd.f32 v4, v2;
	_ =	sdelay $0x1  }
0x51: {  	s10 =	sor.u32 $0x10, s1;
	v2 =	vadd.f32 v5, v2  }
0x52: {  	s12 =	sor.u32 s10, s0  }
0x53: {  	v3 =	vld [tilespmem:s12+$0x80];
	[tilespmem:s11+$0x0] =	vst v2  }
0x54: {  	v2 =	vld [tilespmem:s12+$0x0];
	_ =	sdelay $0x1  }
0x55: {  	v4 =	vld [tilespmem:s12+$0x100];
	_ =	sdelay $0x1  }
0x56: {  	s15 =	sadd.s32 $0x10, s21;
	v5 =	vld [tilespmem:s12+$0x180]  }
0x57: {  	s13 =	sor.u32 $0x200, s15;
	v2 =	vadd.f32 v3, v2  }
0x58: {  	v3 =	vld [tilespmem:s13+$0x4F80]  }
0x59: {  	s29 =	sor.u32 $0x280, s15;
	v2 =	vadd.f32 v4, v2  }
0x5a: {  	v4 =	vld [tilespmem:s29+$0x4F80]  }
0x5b: {  	s30 =	sor.u32 $0x300, s15;
	v2 =	vadd.f32 v5, v2  }
0x5c: {  	v5 =	vld [tilespmem:s30+$0x4F80]  }
0x5d: {  	s11 =	sor.u32 $0x380, s15;
	v2 =	vadd.f32 v3, v2  }
0x5e: {  	v3 =	vld [tilespmem:s11+$0x4F80]  }
0x5f: {  	s31 =	sor.u32 s10, s8;
	v2 =	vadd.f32 v4, v2  }
0x60: {  	v4 =	vld [tilespmem:s31+$0x0]  }
0x61: {  	s13 =	sor.u32 s10, s20;
	v2 =	vadd.f32 v5, v2  }
0x62: {  	v5 =	vld [tilespmem:s13+$0x0]  }
0x63: {  	s15 =	sor.u32 s10, s22;
	v2 =	vadd.f32 v3, v2  }
0x64: {  	v3 =	vld [tilespmem:s15+$0x0]  }
0x65: {  	s29 =	sor.u32 s10, s23;
	v2 =	vadd.f32 v4, v2  }
0x66: {  	v4 =	vld [tilespmem:s29+$0x0]  }
0x67: {  	s30 =	sor.u32 s10, s24;
	v2 =	vadd.f32 v5, v2  }
0x68: {  	v5 =	vld [tilespmem:s30+$0x0]  }
0x69: {  	s31 =	sor.u32 s10, s25;
	v2 =	vadd.f32 v3, v2  }
0x6a: {  	v3 =	vld [tilespmem:s31+$0x0]  }
0x6b: {  	s13 =	sor.u32 s10, s26;
	v2 =	vadd.f32 v4, v2  }
0x6c: {  	v4 =	vld [tilespmem:s13+$0x0]  }
0x6d: {  	s10 =	sor.u32 s10, s28;
	v2 =	vadd.f32 v5, v2  }
0x6e: {  	v5 =	vld [tilespmem:s10+$0x0]  }
0x6f: {  	v2 =	vadd.f32 v3, v2;
	_ =	sdelay $0x1  }
0x70: {  	v2 =	vadd.f32 v4, v2;
	_ =	sdelay $0x1  }
0x71: {  	s10 =	sor.u32 $0x20, s1;
	v2 =	vadd.f32 v5, v2  }
0x72: {  	s11 =	sor.u32 s10, s0  }
0x73: {  	v3 =	vld [tilespmem:s11+$0x80];
	[tilespmem:s12+$0x0] =	vst v2  }
0x74: {  	v2 =	vld [tilespmem:s11+$0x0];
	_ =	sdelay $0x1  }
0x75: {  	v4 =	vld [tilespmem:s11+$0x100];
	_ =	sdelay $0x1  }
0x76: {  	s15 =	sadd.s32 $0x20, s21;
	v5 =	vld [tilespmem:s11+$0x180]  }
0x77: {  	s29 =	sor.u32 $0x200, s15;
	v2 =	vadd.f32 v3, v2  }
0x78: {  	v3 =	vld [tilespmem:s29+$0x4F80]  }
0x79: {  	s30 =	sor.u32 $0x280, s15;
	v2 =	vadd.f32 v4, v2  }
0x7a: {  	v4 =	vld [tilespmem:s30+$0x4F80]  }
0x7b: {  	s31 =	sor.u32 $0x300, s15;
	v2 =	vadd.f32 v5, v2  }
0x7c: {  	v5 =	vld [tilespmem:s31+$0x4F80]  }
0x7d: {  	s12 =	sor.u32 $0x380, s15;
	v2 =	vadd.f32 v3, v2  }
0x7e: {  	v3 =	vld [tilespmem:s12+$0x4F80]  }
0x7f: {  	s15 =	sor.u32 s10, s8;
	v2 =	vadd.f32 v4, v2  }
0x80: {  	v4 =	vld [tilespmem:s15+$0x0]  }
0x81: {  	s29 =	sor.u32 s10, s20;
	v2 =	vadd.f32 v5, v2  }
0x82: {  	v5 =	vld [tilespmem:s29+$0x0]  }
0x83: {  	s30 =	sor.u32 s10, s22;
	v2 =	vadd.f32 v3, v2  }
0x84: {  	v3 =	vld [tilespmem:s30+$0x0]  }
0x85: {  	s31 =	sor.u32 s10, s23;
	v2 =	vadd.f32 v4, v2  }
0x86: {  	v4 =	vld [tilespmem:s31+$0x0]  }
0x87: {  	s13 =	sor.u32 s10, s24;
	v2 =	vadd.f32 v5, v2  }
0x88: {  	v5 =	vld [tilespmem:s13+$0x0]  }
0x89: {  	s15 =	sor.u32 s10, s25;
	v2 =	vadd.f32 v3, v2  }
0x8a: {  	v3 =	vld [tilespmem:s15+$0x0]  }
0x8b: {  	s29 =	sor.u32 s10, s26;
	v2 =	vadd.f32 v4, v2  }
0x8c: {  	v4 =	vld [tilespmem:s29+$0x0]  }
0x8d: {  	s10 =	sor.u32 s10, s28;
	v2 =	vadd.f32 v5, v2  }
0x8e: {  	v5 =	vld [tilespmem:s10+$0x0]  }
0x8f: {  	v2 =	vadd.f32 v3, v2;
	_ =	sdelay $0x1  }
0x90: {  	v2 =	vadd.f32 v4, v2;
	_ =	sdelay $0x1  }
0x91: {  	s1 =	sor.u32 $0x30, s1;
	v2 =	vadd.f32 v5, v2  }
0x92: {  	s10 =	sor.u32 s1, s0  }
0x93: {  	[tilespmem:s11+$0x0] =	vst v2;
	v2 =	vld [tilespmem:s10+$0x80]  }
0x94: {  	v3 =	vld [tilespmem:s10+$0x0];
	_ =	sdelay $0x1  }
0x95: {  	v4 =	vld [tilespmem:s10+$0x100];
	_ =	sdelay $0x1  }
0x96: {  	s30 =	sadd.s32 $0x30, s21;
	v5 =	vld [tilespmem:s10+$0x180]  }
0x97: {  	s31 =	sor.u32 $0x200, s30;
	v2 =	vadd.f32 v2, v3  }
0x98: {  	v3 =	vld [tilespmem:s31+$0x4F80]  }
0x99: {  	s12 =	sor.u32 $0x280, s30;
	v2 =	vadd.f32 v4, v2  }
0x9a: {  	v4 =	vld [tilespmem:s12+$0x4F80]  }
0x9b: {  	s13 =	sor.u32 $0x300, s30;
	v2 =	vadd.f32 v5, v2  }
0x9c: {  	v5 =	vld [tilespmem:s13+$0x4F80]  }
0x9d: {  	s0 =	sor.u32 $0x380, s30;
	v2 =	vadd.f32 v3, v2  }
0x9e: {  	v3 =	vld [tilespmem:s0+$0x4F80]  }
0x9f: {  	s15 =	sor.u32 s1, s8;
	v2 =	vadd.f32 v4, v2  }
0xa0: {  	v4 =	vld [tilespmem:s15+$0x0]  }
0xa1: {  	s21 =	sor.u32 s1, s20;
	v2 =	vadd.f32 v5, v2  }
0xa2: {  	v5 =	vld [tilespmem:s21+$0x0]  }
0xa3: {  	s22 =	sor.u32 s1, s22;
	v2 =	vadd.f32 v3, v2  }
0xa4: {  	v3 =	vld [tilespmem:s22+$0x0]  }
0xa5: {  	s23 =	sor.u32 s1, s23;
	v2 =	vadd.f32 v4, v2  }
0xa6: {  	v4 =	vld [tilespmem:s23+$0x0]  }
0xa7: {  	s24 =	sor.u32 s1, s24;
	v2 =	vadd.f32 v5, v2  }
0xa8: {  	v5 =	vld [tilespmem:s24+$0x0]  }
0xa9: {  	s29 =	sor.u32 s1, s25;
	v2 =	vadd.f32 v3, v2  }
0xaa: {  	v3 =	vld [tilespmem:s29+$0x0]  }
0xab: {  	v2 =	vadd.f32 v4, v2  }
0xac: {  	s30 =	sor.u32 s1, s26  }
0xad: {  	v4 =	vld [tilespmem:s30+$0x0];
	v2 =	vadd.f32 v5, v2  }
0xae: {  	s31 =	sor.u32 s1, s28  }
0xaf: {  	v3 =	vadd.f32 v3, v2;
	v2 =	vld [tilespmem:s31+$0x0];
	_ =	sdelay $0x1  }
0xb0: {  	p0 =	por !p0, !p0;
	s25 =	simm.s32 $0x40;
	s24 =	simm.s32 $0x200  }
0xb1: {  	s26 =	simm.s32 $0x4;
	s22 =	sand.u32 $0x40, s25;
	s12 =	sand.u32 $0x1C00, s24;
	v3 =	vadd.f32 v4, v3  }
0xb2: {  	s23 =	sadd.s32 $0x4F80, s12;
	s21 =	sor.u32 $0x6380, s12;
	s20 =	sadd.s32 $0x6400, s12  }
.LBB2_6:
0xb3: {  	s11 =	sor.u32 s22, s23;
	s1 =	sadd.s32 $0x6480, s12;
	s31 =	sadd.s32 $0x6500, s12;
	v2 =	vadd.f32 v2, v3  }
0xb4: {  	s0 =	sadd.s32 $0x6580, s12;
	s30 =	sadd.s32 $0x6600, s12;
	s28 =	sadd.s32 $0x6680, s12;
	v3 =	vld [tilespmem:s11+$0x80]  }
0xb5: {  	s26 =	sadd.s32 $0x4, s26;
	s29 =	sadd.s32 $0x6700, s12;
	s8 =	simm.s32 $0x1;
	[tilespmem:s10+$0x0] =	vst v2  }
0xb6: {  	p1 =	slt.u32 s26, $0x24;
	s8 =	simm.s32 @!p0 $0x0;
	v2 =	vld [tilespmem:s11+$0x0]  }
0xb7: {  	s8 =	sshll.u32 s8, $0x6;
	v4 =	vld [tilespmem:s11+$0x100]  }
0xb8: {  	s13 =	sadd.s32 s8, s24;
	v5 =	vld [tilespmem:s11+$0x180]  }
0xb9: {  	s8 =	sor.u32 $0x200, s13;
	s12 =	sadd.s32 $0x10, s13;
	s10 =	sadd.s32 $0x20, s13  }
0xba: {  	v6 =	vld [tilespmem:s8+$0x4F80];
	s8 =	sadd.s32 $0x30, s13  }
0xbb: {  	s15 =	sor.u32 $0x280, s13;
	v2 =	vadd.f32 v3, v2  }
0xbc: {  	v3 =	vld [tilespmem:s15+$0x4F80]  }
0xbd: {  	s13 =	sor.u32 $0x300, s13;
	v2 =	vadd.f32 v4, v2  }
0xbe: {  	v4 =	vld [tilespmem:s13+$0x4F80];
	s13 =	sor.u32 s24, s25  }
0xbf: {  	v2 =	vadd.f32 v5, v2;
	s13 =	sor.u32 $0x380, s13  }
0xc0: {  	v5 =	vld [tilespmem:s13+$0x4F80]  }
0xc1: {  	s13 =	sor.u32 s22, s21;
	v2 =	vadd.f32 v6, v2  }
0xc2: {  	v6 =	vld [tilespmem:s13+$0x0]  }
0xc3: {  	s13 =	sor.u32 s22, s20;
	v2 =	vadd.f32 v3, v2  }
0xc4: {  	v3 =	vld [tilespmem:s13+$0x0]  }
0xc5: {  	s13 =	sor.u32 s22, s1;
	v2 =	vadd.f32 v4, v2  }
0xc6: {  	v4 =	vld [tilespmem:s13+$0x0]  }
0xc7: {  	s13 =	sor.u32 s22, s31;
	v2 =	vadd.f32 v5, v2  }
0xc8: {  	v5 =	vld [tilespmem:s13+$0x0]  }
0xc9: {  	s13 =	sor.u32 s22, s0;
	v2 =	vadd.f32 v6, v2  }
0xca: {  	v6 =	vld [tilespmem:s13+$0x0]  }
0xcb: {  	s13 =	sor.u32 s22, s30;
	v2 =	vadd.f32 v3, v2  }
0xcc: {  	v3 =	vld [tilespmem:s13+$0x0]  }
0xcd: {  	s13 =	sor.u32 s22, s28;
	v2 =	vadd.f32 v4, v2  }
0xce: {  	v4 =	vld [tilespmem:s13+$0x0]  }
0xcf: {  	s13 =	sor.u32 s22, s29;
	v2 =	vadd.f32 v5, v2  }
0xd0: {  	v5 =	vld [tilespmem:s13+$0x0]  }
0xd1: {  	v2 =	vadd.f32 v6, v2;
	_ =	sdelay $0x1  }
0xd2: {  	v2 =	vadd.f32 v3, v2;
	_ =	sdelay $0x1  }
0xd3: {  	v2 =	vadd.f32 v4, v2  }
0xd4: {  	s15 =	sor.u32 $0x10, s22  }
0xd5: {  	s13 =	sor.u32 s15, s23;
	v2 =	vadd.f32 v5, v2  }
0xd6: {  	v3 =	vld [tilespmem:s13+$0x80]  }
0xd7: {  	[tilespmem:s11+$0x0] =	vst v2  }
0xd8: {  	v2 =	vld [tilespmem:s13+$0x0]  }
0xd9: {  	v4 =	vld [tilespmem:s13+$0x100]  }
0xda: {  	v5 =	vld [tilespmem:s13+$0x180]  }
0xdb: {  	s11 =	sor.u32 $0x200, s12  }
0xdc: {  	v6 =	vld [tilespmem:s11+$0x4F80]  }
0xdd: {  	s11 =	sor.u32 $0x280, s12;
	v2 =	vadd.f32 v3, v2  }
0xde: {  	v3 =	vld [tilespmem:s11+$0x4F80]  }
0xdf: {  	s11 =	sor.u32 $0x300, s12;
	v2 =	vadd.f32 v4, v2  }
0xe0: {  	v4 =	vld [tilespmem:s11+$0x4F80]  }
0xe1: {  	s11 =	sor.u32 $0x380, s12;
	v2 =	vadd.f32 v5, v2  }
0xe2: {  	v5 =	vld [tilespmem:s11+$0x4F80]  }
0xe3: {  	s11 =	sor.u32 s15, s21;
	v2 =	vadd.f32 v6, v2  }
0xe4: {  	v6 =	vld [tilespmem:s11+$0x0]  }
0xe5: {  	s11 =	sor.u32 s15, s20;
	v2 =	vadd.f32 v3, v2  }
0xe6: {  	v3 =	vld [tilespmem:s11+$0x0]  }
0xe7: {  	s11 =	sor.u32 s15, s1;
	v2 =	vadd.f32 v4, v2  }
0xe8: {  	v4 =	vld [tilespmem:s11+$0x0]  }
0xe9: {  	s11 =	sor.u32 s15, s31;
	v2 =	vadd.f32 v5, v2  }
0xea: {  	v5 =	vld [tilespmem:s11+$0x0]  }
0xeb: {  	s11 =	sor.u32 s15, s0;
	v2 =	vadd.f32 v6, v2  }
0xec: {  	v6 =	vld [tilespmem:s11+$0x0]  }
0xed: {  	s11 =	sor.u32 s15, s30;
	v2 =	vadd.f32 v3, v2  }
0xee: {  	v3 =	vld [tilespmem:s11+$0x0]  }
0xef: {  	s11 =	sor.u32 s15, s28;
	v2 =	vadd.f32 v4, v2  }
0xf0: {  	v4 =	vld [tilespmem:s11+$0x0]  }
0xf1: {  	s11 =	sor.u32 s15, s29;
	v2 =	vadd.f32 v5, v2  }
0xf2: {  	v5 =	vld [tilespmem:s11+$0x0]  }
0xf3: {  	v2 =	vadd.f32 v6, v2;
	_ =	sdelay $0x1  }
0xf4: {  	v2 =	vadd.f32 v3, v2;
	_ =	sdelay $0x1  }
0xf5: {  	v2 =	vadd.f32 v4, v2  }
0xf6: {  	s12 =	sor.u32 $0x20, s22  }
0xf7: {  	s11 =	sor.u32 s12, s23;
	v2 =	vadd.f32 v5, v2  }
0xf8: {  	v3 =	vld [tilespmem:s11+$0x80]  }
0xf9: {  	[tilespmem:s13+$0x0] =	vst v2  }
0xfa: {  	v2 =	vld [tilespmem:s11+$0x0]  }
0xfb: {  	v4 =	vld [tilespmem:s11+$0x100]  }
0xfc: {  	v5 =	vld [tilespmem:s11+$0x180]  }
0xfd: {  	s13 =	sor.u32 $0x200, s10  }
0xfe: {  	v6 =	vld [tilespmem:s13+$0x4F80]  }
0xff: {  	s13 =	sor.u32 $0x280, s10;
	v2 =	vadd.f32 v3, v2  }
0x100: {  	v3 =	vld [tilespmem:s13+$0x4F80]  }
0x101: {  	s13 =	sor.u32 $0x300, s10;
	v2 =	vadd.f32 v4, v2  }
0x102: {  	v4 =	vld [tilespmem:s13+$0x4F80]  }
0x103: {  	s10 =	sor.u32 $0x380, s10;
	v2 =	vadd.f32 v5, v2  }
0x104: {  	v5 =	vld [tilespmem:s10+$0x4F80]  }
0x105: {  	s10 =	sor.u32 s12, s21;
	v2 =	vadd.f32 v6, v2  }
0x106: {  	v6 =	vld [tilespmem:s10+$0x0]  }
0x107: {  	s10 =	sor.u32 s12, s20;
	v2 =	vadd.f32 v3, v2  }
0x108: {  	v3 =	vld [tilespmem:s10+$0x0]  }
0x109: {  	s10 =	sor.u32 s12, s1;
	v2 =	vadd.f32 v4, v2  }
0x10a: {  	v4 =	vld [tilespmem:s10+$0x0]  }
0x10b: {  	s10 =	sor.u32 s12, s31;
	v2 =	vadd.f32 v5, v2  }
0x10c: {  	v5 =	vld [tilespmem:s10+$0x0]  }
0x10d: {  	s10 =	sor.u32 s12, s0;
	v2 =	vadd.f32 v6, v2  }
0x10e: {  	v6 =	vld [tilespmem:s10+$0x0]  }
0x10f: {  	s10 =	sor.u32 s12, s30;
	v2 =	vadd.f32 v3, v2  }
0x110: {  	v3 =	vld [tilespmem:s10+$0x0]  }
0x111: {  	s10 =	sor.u32 s12, s28;
	v2 =	vadd.f32 v4, v2  }
0x112: {  	v4 =	vld [tilespmem:s10+$0x0]  }
0x113: {  	s10 =	sor.u32 s12, s29;
	v2 =	vadd.f32 v5, v2  }
0x114: {  	v5 =	vld [tilespmem:s10+$0x0]  }
0x115: {  	v2 =	vadd.f32 v6, v2;
	_ =	sdelay $0x1  }
0x116: {  	v2 =	vadd.f32 v3, v2;
	_ =	sdelay $0x1  }
0x117: {  	v2 =	vadd.f32 v4, v2  }
0x118: {  	s12 =	sor.u32 $0x30, s22  }
0x119: {  	s10 =	sor.u32 s12, s23;
	v2 =	vadd.f32 v5, v2  }
0x11a: {  	v3 =	vld [tilespmem:s10+$0x180]  }
0x11b: {  	[tilespmem:s11+$0x0] =	vst v2;
	v2 =	vld [tilespmem:s10+$0x80]  }
0x11c: {  	v4 =	vld [tilespmem:s10+$0x0]  }
0x11d: {  	s11 =	sor.u32 $0x200, s8;
	v5 =	vld [tilespmem:s10+$0x100]  }
0x11e: {  	v6 =	vld [tilespmem:s11+$0x4F80];
	s11 =	sor.u32 $0x280, s8  }
0x11f: {  	v7 =	vld [tilespmem:s11+$0x4F80];
	s11 =	sor.u32 $0x300, s8  }
0x120: {  	s8 =	sor.u32 $0x380, s8;
	v8 =	vld [tilespmem:s11+$0x4F80]  }
0x121: {  	v2 =	vadd.f32 v2, v4;
	v4 =	vld [tilespmem:s8+$0x4F80];
	s8 =	sor.u32 s12, s21  }
0x122: {  	v9 =	vld [tilespmem:s8+$0x0];
	s8 =	sor.u32 s12, s20  }
0x123: {  	s1 =	sor.u32 s12, s1;
	v2 =	vadd.f32 v5, v2;
	v5 =	vld [tilespmem:s8+$0x0]  }
0x124: {  	v10 =	vld [tilespmem:s1+$0x0];
	s1 =	sor.u32 s12, s31  }
0x125: {  	s0 =	sor.u32 s12, s0;
	v2 =	vadd.f32 v3, v2;
	v3 =	vld [tilespmem:s1+$0x0]  }
0x126: {  	v11 =	vld [tilespmem:s0+$0x0];
	s0 =	sor.u32 s12, s30  }
0x127: {  	v2 =	vadd.f32 v6, v2;
	v6 =	vld [tilespmem:s0+$0x0];
	s0 =	sor.u32 s12, s28  }
0x128: {  	v12 =	vld [tilespmem:s0+$0x0];
	s0 =	sor.u32 s12, s29  }
0x129: {  	v7 =	vadd.f32 v7, v2;
	v2 =	vld [tilespmem:s0+$0x0];
	_ =	sdelay $0x1  }
0x12a: {  	v7 =	vadd.f32 v8, v7;
	_ =	sdelay $0x1  }
0x12b: {  	v4 =	vadd.f32 v4, v7;
	_ =	sdelay $0x1  }
0x12c: {  	v4 =	vadd.f32 v9, v4;
	_ =	sdelay $0x1  }
0x12d: {  	v4 =	vadd.f32 v5, v4;
	_ =	sdelay $0x1  }
0x12e: {  	v4 =	vadd.f32 v10, v4;
	_ =	sdelay $0x1  }
0x12f: {  	v3 =	vadd.f32 v3, v4;
	_ =	sdelay $0x1  }
0x130: {  	v3 =	vadd.f32 v11, v3  }
.Ltmp2:
0x131: {  	(pc) =	sbr.rel @p1 .LBB2_6-.Ltmp2, $4  }
0x132: {  	v3 =	vadd.f32 v6, v3  }
0x133: {  	s24 =	sadd.s32 $0x200, s24;
	s25 =	sadd.s32 $0x40, s25  }
0x134: {  	p0 =	por !p0, !p0;
	s22 =	sand.u32 $0x40, s25;
	s12 =	sand.u32 $0x1C00, s24;
	v3 =	vadd.f32 v12, v3  }
0x135: {  	s23 =	sadd.s32 $0x4F80, s12;
	s21 =	sor.u32 $0x6380, s12;
	s20 =	sadd.s32 $0x6400, s12  }
0x136: {  	v2 =	vadd.f32 v2, v3  }
0x137: {  	s11 =	sor.u32 s22, s23  }
0x138: {  	v3 =	vld [tilespmem:s11+$0x80];
	[tilespmem:s10+$0x0] =	vst v2  }
0x139: {  	v2 =	vld [tilespmem:s11+$0x0]  }
0x13a: {  	s0 =	simm.s32 $0x1  }
0x13b: {  	s0 =	simm.s32 @!p0 $0x0;
	v4 =	vld [tilespmem:s11+$0x100]  }
0x13c: {  	s0 =	sshll.u32 s0, $0x6  }
0x13d: {  	v5 =	vld [tilespmem:s11+$0x180];
	s8 =	sadd.s32 s0, s24  }
0x13e: {  	s0 =	sor.u32 $0x200, s8;
	v2 =	vadd.f32 v3, v2  }
0x13f: {  	v3 =	vld [tilespmem:s0+$0x4F80]  }
0x140: {  	s1 =	sor.u32 $0x280, s8;
	v2 =	vadd.f32 v4, v2  }
0x141: {  	v26 =	vld [tilespmem:s1+$0x4F80]  }
0x142: {  	s10 =	sor.u32 $0x300, s8;
	v2 =	vadd.f32 v5, v2  }
0x143: {  	s13 =	sor.u32 s24, s25;
	v27 =	vld [tilespmem:s10+$0x4F80]  }
0x144: {  	s0 =	sor.u32 $0x380, s13;
	v2 =	vadd.f32 v3, v2  }
0x145: {  	v3 =	vld [tilespmem:s0+$0x4F80]  }
0x146: {  	s15 =	sor.u32 s22, s21;
	v2 =	vadd.f32 v26, v2  }
0x147: {  	v28 =	vld [tilespmem:s15+$0x0]  }
0x148: {  	s1 =	sor.u32 s22, s20;
	v2 =	vadd.f32 v27, v2  }
0x149: {  	v29 =	vld [tilespmem:s1+$0x0];
	s0 =	sadd.s32 $0x6480, s12  }
0x14a: {  	s24 =	sor.u32 s22, s0;
	v2 =	vadd.f32 v3, v2  }
0x14b: {  	s1 =	sadd.s32 $0x6500, s12;
	v3 =	vld [tilespmem:s24+$0x0]  }
0x14c: {  	s13 =	sor.u32 s22, s1;
	v2 =	vadd.f32 v28, v2  }
0x14d: {  	s10 =	sadd.s32 $0x6580, s12;
	v30 =	vld [tilespmem:s13+$0x0]  }
0x14e: {  	s25 =	sor.u32 s22, s10;
	v2 =	vadd.f32 v29, v2  }
0x14f: {  	v31 =	vld [tilespmem:s25+$0x0];
	s24 =	sadd.s32 $0x6600, s12  }
0x150: {  	s26 =	sor.u32 s22, s24;
	v2 =	vadd.f32 v3, v2  }
0x151: {  	s25 =	sadd.s32 $0x6680, s12;
	v3 =	vld [tilespmem:s26+$0x0]  }
0x152: {  	s28 =	sor.u32 s22, s25;
	v2 =	vadd.f32 v30, v2  }
0x153: {  	v32 =	vld [tilespmem:s28+$0x0];
	s26 =	sadd.s32 $0x6700, s12  }
0x154: {  	s12 =	sor.u32 s22, s26;
	v2 =	vadd.f32 v31, v2  }
0x155: {  	v33 =	vld [tilespmem:s12+$0x0]  }
0x156: {  	v2 =	vadd.f32 v3, v2;
	_ =	sdelay $0x1  }
0x157: {  	v2 =	vadd.f32 v32, v2;
	_ =	sdelay $0x1  }
0x158: {  	s12 =	sor.u32 $0x10, s22;
	v2 =	vadd.f32 v33, v2  }
0x159: {  	s13 =	sor.u32 s12, s23  }
0x15a: {  	v3 =	vld [tilespmem:s13+$0x80];
	[tilespmem:s11+$0x0] =	vst v2  }
0x15b: {  	v2 =	vld [tilespmem:s13+$0x0];
	_ =	sdelay $0x1  }
0x15c: {  	v34 =	vld [tilespmem:s13+$0x100];
	_ =	sdelay $0x1  }
0x15d: {  	s29 =	sadd.s32 $0x10, s8;
	v35 =	vld [tilespmem:s13+$0x180]  }
0x15e: {  	s15 =	sor.u32 $0x200, s29;
	v2 =	vadd.f32 v3, v2  }
0x15f: {  	v3 =	vld [tilespmem:s15+$0x4F80]  }
0x160: {  	s30 =	sor.u32 $0x280, s29;
	v2 =	vadd.f32 v34, v2  }
0x161: {  	v36 =	vld [tilespmem:s30+$0x4F80]  }
0x162: {  	s31 =	sor.u32 $0x300, s29;
	v2 =	vadd.f32 v35, v2  }
0x163: {  	v37 =	vld [tilespmem:s31+$0x4F80]  }
0x164: {  	s11 =	sor.u32 $0x380, s29;
	v2 =	vadd.f32 v3, v2  }
0x165: {  	v3 =	vld [tilespmem:s11+$0x4F80]  }
0x166: {  	s15 =	sor.u32 s12, s21;
	v2 =	vadd.f32 v36, v2  }
0x167: {  	v38 =	vld [tilespmem:s15+$0x0]  }
0x168: {  	s28 =	sor.u32 s12, s20;
	v2 =	vadd.f32 v37, v2  }
0x169: {  	v39 =	vld [tilespmem:s28+$0x0]  }
0x16a: {  	s29 =	sor.u32 s12, s0;
	v2 =	vadd.f32 v3, v2  }
0x16b: {  	v3 =	vld [tilespmem:s29+$0x0]  }
0x16c: {  	s30 =	sor.u32 s12, s1;
	v2 =	vadd.f32 v38, v2  }
0x16d: {  	v40 =	vld [tilespmem:s30+$0x0]  }
0x16e: {  	s31 =	sor.u32 s12, s10;
	v2 =	vadd.f32 v39, v2  }
0x16f: {  	v41 =	vld [tilespmem:s31+$0x0]  }
0x170: {  	s15 =	sor.u32 s12, s24;
	v2 =	vadd.f32 v3, v2  }
0x171: {  	v3 =	vld [tilespmem:s15+$0x0]  }
0x172: {  	s28 =	sor.u32 s12, s25;
	v2 =	vadd.f32 v40, v2  }
0x173: {  	v42 =	vld [tilespmem:s28+$0x0]  }
0x174: {  	s29 =	sor.u32 s12, s26;
	v2 =	vadd.f32 v41, v2  }
0x175: {  	v43 =	vld [tilespmem:s29+$0x0]  }
0x176: {  	v2 =	vadd.f32 v3, v2;
	_ =	sdelay $0x1  }
0x177: {  	v2 =	vadd.f32 v42, v2;
	_ =	sdelay $0x1  }
0x178: {  	s11 =	sor.u32 $0x20, s22;
	v2 =	vadd.f32 v43, v2  }
0x179: {  	s12 =	sor.u32 s11, s23  }
0x17a: {  	v3 =	vld [tilespmem:s12+$0x80];
	[tilespmem:s13+$0x0] =	vst v2  }
0x17b: {  	v2 =	vld [tilespmem:s12+$0x0];
	_ =	sdelay $0x1  }
0x17c: {  	v44 =	vld [tilespmem:s12+$0x100];
	_ =	sdelay $0x1  }
0x17d: {  	s30 =	sadd.s32 $0x20, s8;
	v45 =	vld [tilespmem:s12+$0x180]  }
0x17e: {  	s31 =	sor.u32 $0x200, s30;
	v2 =	vadd.f32 v3, v2  }
0x17f: {  	v3 =	vld [tilespmem:s31+$0x4F80]  }
0x180: {  	s28 =	sor.u32 $0x280, s30;
	v2 =	vadd.f32 v44, v2  }
0x181: {  	v46 =	vld [tilespmem:s28+$0x4F80]  }
0x182: {  	s29 =	sor.u32 $0x300, s30;
	v2 =	vadd.f32 v45, v2  }
0x183: {  	v47 =	vld [tilespmem:s29+$0x4F80]  }
0x184: {  	s13 =	sor.u32 $0x380, s30;
	v2 =	vadd.f32 v3, v2  }
0x185: {  	v3 =	vld [tilespmem:s13+$0x4F80]  }
0x186: {  	s30 =	sor.u32 s11, s21;
	v2 =	vadd.f32 v46, v2  }
0x187: {  	v48 =	vld [tilespmem:s30+$0x0]  }
0x188: {  	s31 =	sor.u32 s11, s20;
	v2 =	vadd.f32 v47, v2  }
0x189: {  	v49 =	vld [tilespmem:s31+$0x0]  }
0x18a: {  	s15 =	sor.u32 s11, s0;
	v2 =	vadd.f32 v3, v2  }
0x18b: {  	v3 =	vld [tilespmem:s15+$0x0]  }
0x18c: {  	s28 =	sor.u32 s11, s1;
	v2 =	vadd.f32 v48, v2  }
0x18d: {  	v50 =	vld [tilespmem:s28+$0x0]  }
0x18e: {  	s29 =	sor.u32 s11, s10;
	v2 =	vadd.f32 v49, v2  }
0x18f: {  	v51 =	vld [tilespmem:s29+$0x0]  }
0x190: {  	s30 =	sor.u32 s11, s24;
	v2 =	vadd.f32 v3, v2  }
0x191: {  	v3 =	vld [tilespmem:s30+$0x0]  }
0x192: {  	s31 =	sor.u32 s11, s25;
	v2 =	vadd.f32 v50, v2  }
0x193: {  	v52 =	vld [tilespmem:s31+$0x0]  }
0x194: {  	s11 =	sor.u32 s11, s26;
	v2 =	vadd.f32 v51, v2  }
0x195: {  	v53 =	vld [tilespmem:s11+$0x0]  }
0x196: {  	v2 =	vadd.f32 v3, v2;
	_ =	sdelay $0x1  }
0x197: {  	v2 =	vadd.f32 v52, v2;
	_ =	sdelay $0x1  }
0x198: {  	s13 =	sor.u32 $0x30, s22;
	v2 =	vadd.f32 v53, v2  }
0x199: {  	s28 =	sor.u32 s13, s23  }
0x19a: {  	[tilespmem:s12+$0x0] =	vst v2;
	v2 =	vld [tilespmem:s28+$0x80]  }
0x19b: {  	v3 =	vld [tilespmem:s28+$0x0];
	_ =	sdelay $0x1  }
0x19c: {  	v54 =	vld [tilespmem:s28+$0x100];
	_ =	sdelay $0x1  }
0x19d: {  	s8 =	sadd.s32 $0x30, s8;
	v55 =	vld [tilespmem:s28+$0x180]  }
0x19e: {  	s29 =	sor.u32 $0x200, s8;
	v2 =	vadd.f32 v2, v3  }
0x19f: {  	v3 =	vld [tilespmem:s29+$0x4F80]  }
0x1a0: {  	s30 =	sor.u32 $0x280, s8;
	v2 =	vadd.f32 v54, v2  }
0x1a1: {  	v56 =	vld [tilespmem:s30+$0x4F80]  }
0x1a2: {  	s31 =	sor.u32 $0x300, s8;
	v2 =	vadd.f32 v55, v2  }
0x1a3: {  	v57 =	vld [tilespmem:s31+$0x4F80]  }
0x1a4: {  	s8 =	sor.u32 $0x380, s8;
	v2 =	vadd.f32 v3, v2  }
0x1a5: {  	v3 =	vld [tilespmem:s8+$0x4F80]  }
0x1a6: {  	s15 =	sor.u32 s13, s21;
	v2 =	vadd.f32 v56, v2  }
0x1a7: {  	v58 =	vld [tilespmem:s15+$0x0]  }
0x1a8: {  	s20 =	sor.u32 s13, s20;
	v2 =	vadd.f32 v57, v2  }
0x1a9: {  	v59 =	vld [tilespmem:s20+$0x0]  }
0x1aa: {  	s0 =	sor.u32 s13, s0;
	v2 =	vadd.f32 v3, v2  }
0x1ab: {  	v3 =	vld [tilespmem:s0+$0x0]  }
0x1ac: {  	s21 =	sor.u32 s13, s1;
	v2 =	vadd.f32 v58, v2  }
0x1ad: {  	v60 =	vld [tilespmem:s21+$0x0]  }
0x1ae: {  	s22 =	sor.u32 s13, s10;
	v2 =	vadd.f32 v59, v2  }
0x1af: {  	v61 =	vld [tilespmem:s22+$0x0]  }
0x1b0: {  	s23 =	sor.u32 s13, s24;
	v2 =	vadd.f32 v3, v2  }
0x1b1: {  	v3 =	vld [tilespmem:s23+$0x0]  }
0x1b2: {  	s24 =	sor.u32 s13, s25;
	v2 =	vadd.f32 v60, v2  }
0x1b3: {  	v62 =	vld [tilespmem:s24+$0x0]  }
0x1b4: {  	s25 =	sor.u32 s13, s26;
	v2 =	vadd.f32 v61, v2  }
0x1b5: {  	v63 =	vld [tilespmem:s25+$0x0]  }
0x1b6: {  	v2 =	vadd.f32 v3, v2;
	_ =	sdelay $0x1  }
0x1b7: {  	v2 =	vadd.f32 v62, v2;
	_ =	sdelay $0x1  }
0x1b8: {  	v2 =	vadd.f32 v63, v2;
	_ =	sdelay $0x1  }
0x1b9: {  	[tilespmem:s28+$0x0] =	vst v2  }
0x1ba: {  	[hbm4b:s6+s2] =	stream.linear.scatter [tilespmem:s14], [sflag:$0x1], $0x80, $0x38;
	[tilespmem:$0x9F80] =	vst v63  }
0x1bb: {  	s26 =	sadd.s32 $0x10, s6;
	s28 =	simm.s32 $0x5380  }
0x1bc: {  	[hbm4b:s26+s2] =	stream.linear.scatter [tilespmem:s28], [sflag:$0x1], $0x80, $0x38;
	[tilespmem:$0x9F80] =	vst v63  }
0x1bd: {  	s19 =	sadd.s32 $0x1, s19;
	s29 =	sadd.s32 $0x20, s6  }
0x1be: {  	[hbm4b:s29+s2] =	stream.linear.scatter [tilespmem:s16], [sflag:$0x1], $0x80, $0x38;
	[tilespmem:$0x9F80] =	vst v63  }
0x1bf: {  	p0 =	sne.s32 s19, s7;
	s30 =	sadd.s32 $0x30, s6  }
0x1c0: {  	[hbm4b:s30+s2] =	stream.linear.scatter [tilespmem:s17], [sflag:$0x1], $0x80, $0x38;
	[tilespmem:$0x9F80] =	vst v63  }
.Ltmp3:
0x1c1: {  	s31 =	sadd.s32 $0x40, s6;
	(pc) =	sbr.rel @p0 .LBB2_1-.Ltmp3, $4  }
0x1c2: {  	[hbm4b:s31+s2] =	stream.linear.scatter [tilespmem:s18], [sflag:$0x1], $0x80, $0x38;
	[tilespmem:$0x9F80] =	vst v63  }
0x1c3: {  	_ =	swait.ge [sflag:s9], $0x280  }
0x1c4: {  	[sflag:s9] =	ssyncset.done $0x0  }
0x1c5: {  	[sflag:s9] =	ssyncadd.s32 $0xFFFFFD80  }
0x1c6: {  	_ =	sfence.sel $0x180000  }
0x1c7: {  	[bflag:$0x0] =	sbarrier.arrive $0xFFFF  }
0x1c8: {  	_ =	strace $0x90000047  }
0x1c9: {  	s0 =	stileid.u32;
	[bflag:$0x2] =	sbarrier.arrive $0xFFFF  }
0x1ca: {  	p0 =	sne.s32 s0, $0x0;
	s0 =	rddreg [dreg:$0x2]  }
0x1cb: {  	s0 =	sadd.s32 @!p0 $0x100000, s0  }
0x1cc: {  	[sflag:s0] =	ssyncadd.tile.s32 @!p0 $0x1;
	_ =	shalt  }
.Lfunc_end2:
_tile_overlayer_lowered:
.L_overlay_start_2:
0x1cd: {  	(tag) =	ssettag $0x2  }
0x1ce: {  	s0 =	rddreg [dreg:$0x0];
	s2 =	stileid.u32  }
0x1cf: {  	s1 =	rddreg [dreg:$0x1];
	p0 =	sne.s32 s2, $0x0  }
0x1d0: {  	s3 =	rddreg [dreg:$0x2];
	[bflag:$0x3] =	sbarrier.arrive $0xFFFF;
	s2 =	simm.s32 @!p0 $0x1C01  }
0x1d1: {  	[timem:s3], [sflag:s2] =	dma.local @!p0 [hbm:s0], s1  }
0x1d2: {  	s0 =	simm.s32 @!p0 $0x1  }
0x1d3: {  	_ =	swait.ge @!p0 [sflag:s0], s1  }
0x1d4: {  	s1 =	ssub.s32 @!p0 $0x0, s1;
	[sflag:s0] =	ssyncset.done @!p0 $0x0  }
0x1d5: {  	[sflag:s0] =	ssyncadd.s32 @!p0 s1  }
0x1d6: {  	[bflag:$0x3] =	sbarrier.arrive $0xFFFF  }
0x1d7: {  	_ =	shalt  }

// kernel: kernel.14.cloned.1.call-start
scs
__scs_entry_jumppad:
0x0: {  	(pc) =	sbr.rel $0x88, $3  }
0x1: {  	(tag) =	ssettag $0x0;
	lr =	simm.s32 $0x1  }
0x2: {  	[smem:$0x3F93] =	sst lr;
	_ =	strace $0xD0000000  }
0x3: {  	_ = 	snop  }
0x4: {  	_ = 	snop  }
0x5: {  	_ = 	snop  }
0x6: {  	_ = 	snop  }
0x7: {  	_ = 	snop  }
__scs_overlays_trampoline_lowered:
0x8: {  	[smem:$0x3FA2] =	sst s0  }
0x9: {  	[smem:$0x3FA3] =	sst s1  }
0xa: {  	[smem:$0x3FA4] =	sst s2  }
0xb: {  	[smem:$0x3FA5] =	sst s3  }
0xc: {  	[smem:$0x3FA6] =	sst s4  }
0xd: {  	[smem:$0x3FA7] =	sst s5  }
0xe: {  	[smem:$0x3FA8] =	sst s6  }
0xf: {  	[smem:$0x3FA9] =	sst s7  }
0x10: {  	[smem:$0x3FAA] =	sst s8  }
0x11: {  	[smem:$0x3FAB] =	sst s9;
	s0 =	simm.s32 @!p0 $0x0  }
0x12: {  	s1 =	sld [smem:$0x3F91];
	s0 =	simm.s32 @p0 $0x1  }
0x13: {  	[smem:$0x3FAC] =	sst s0;
	s0 =	simm.s32 @!p1 $0x0  }
0x14: {  	s2 =	sld [smem:$0x3F90];
	s0 =	simm.s32 @p1 $0x1  }
0x15: {  	[smem:$0x3FAD] =	sst s0;
	s0 =	simm.s32 @!p2 $0x0  }
0x16: {  	s3 =	sld [smem:$0x3FDB];
	s0 =	simm.s32 @p2 $0x1  }
0x17: {  	s4 =	simm.s32 $0x1BF5;
	[smem:$0x3FAF] =	sst s0  }
0x18: {  	s0 =	sld [smem:$0x3F92];
	_ =	swait.ge [sflag:s4], $0x0  }
0x19: {  	s7 =	sld [smem:$0x3F93]  }
0x1a: {  	s8 =	sadd.s32 $0xFFFFE003, lr  }
0x1b: {  	s9 =	sadd.s32 $0xFFFFFEF7, lr;
	s5 =	simm.s32 $0xFFFFFFFF;
	p2 =	slt.u32 s8, $0xFFFFF086  }
0x1c: {  	p1 =	slt.u32 s9, $0xF7A;
	s5 =	simm.s32 @!p2 $0x0  }
0x1d: {  	s5 =	simm.s32 @p1 $0x1;
	p0 =	seq.s32 s7, s2  }
0x1e: {  	s7 =	smul.u32 @!p0 $0xF7A, s2;
	p2 =	seq.s32 @!p0 s5, $0x0  }
0x1f: {  	s9 =	smul.u32 $0xF7A, s1;
	s8 =	simm.s32 @!p0 $0x1BF5;
	p2 =	por !p2, p0  }
0x20: {  	[sflag:s8] =	ssyncset.s32 @!p0 $0xFFFFF086;
	s6 =	sadd.s32 @!p0 s3, s7;
	s7 =	simm.s32 @!p0 $0x108  }
0x21: {  	s3 =	sadd.s32 s3, s9;
	s6 =	sadd.s32 @!p0 $0x88, s6;
	s7 =	simm.s32 @p2 $0x1082  }
0x22: {  	[simem:s7], [sflag:s8] =	dma.local @!p0 [hbm:s6], $0xF7A  }
0x23: {  	s9 =	sor.u32 $0xD0000000, s2;
	s6 =	simm.s32 $0x108;
	_ =	swait.ge @!p0 [sflag:s8], $0x0  }
0x24: {  	s3 =	sadd.s32 $0x88, s3;
	s6 =	simm.s32 @!p1 $0x1082;
	[sflag:s4] =	ssyncset.s32 $0xFFFFF086  }
0x25: {  	[simem:s6], [sflag:s4] =	dma.local [hbm:s3], $0xF7A  }
0x26: {  	[smem:$0x3F93] =	sst s1;
	(tag) =	ssettag s2;
	_ =	strace s9  }
0x27: {  	s1 =	sld [smem:$0x3FA3]  }
0x28: {  	s2 =	sld [smem:$0x3FA4]  }
0x29: {  	s4 =	sld [smem:$0x3FA6]  }
0x2a: {  	p0 =	seq.s32 s5, $0x0;
	s5 =	sld [smem:$0x3FA7]  }
0x2b: {  	s6 =	sld [smem:$0x3FA8]  }
0x2c: {  	s7 =	sld [smem:$0x3FA9]  }
0x2d: {  	s3 =	simm.s32 $0x108;
	s8 =	sld [smem:$0x3FAA]  }
0x2e: {  	s3 =	simm.s32 @!p0 $0x1082;
	s9 =	sld [smem:$0x3FAB]  }
0x2f: {  	lr =	sadd.s32 s0, s3;
	s0 =	sld [smem:$0x3FA2]  }
0x30: {  	s3 =	sld [smem:$0x3FA5]  }
0x31: {  	[smem:$0x3FAE] =	sst s10  }
0x32: {  	s10 =	sld [smem:$0x3FAC];
	_ =	sdelay $0x3  }
0x33: {  	p0 =	seq.s32 s10, $0x1;
	s10 =	sld [smem:$0x3FAE];
	_ =	sdelay $0x3  }
0x34: {  	[smem:$0x3FAE] =	sst s10  }
0x35: {  	s10 =	sld [smem:$0x3FAD];
	_ =	sdelay $0x3  }
0x36: {  	p1 =	seq.s32 s10, $0x1;
	s10 =	sld [smem:$0x3FAE];
	_ =	sdelay $0x3  }
0x37: {  	[smem:$0x3FAE] =	sst s10  }
0x38: {  	s10 =	sld [smem:$0x3FAF]  }
0x39: {  	_ = 	snop;
	(pc) =	sbr.ind lr, $3  }
0x3a: {  	_ = 	snop  }
0x3b: {  	_ = 	snop  }
0x3c: {  	p2 =	seq.s32 s10, $0x1;
	s10 =	sld [smem:$0x3FAE]  }
0x3d: {  	_ =	shalt  }
0x3e: {  	_ =	shalt  }
0x3f: {  	_ =	shalt  }
0x40: {  	_ =	shalt  }
0x41: {  	_ =	shalt  }
0x42: {  	_ =	shalt  }
0x43: {  	_ =	shalt  }
0x44: {  	_ =	shalt  }
0x45: {  	_ =	shalt  }
0x46: {  	_ =	shalt  }
0x47: {  	_ =	shalt  }
0x48: {  	_ =	shalt  }
0x49: {  	_ =	shalt  }
0x4a: {  	_ =	shalt  }
0x4b: {  	_ =	shalt  }
0x4c: {  	_ =	shalt  }
0x4d: {  	_ =	shalt  }
0x4e: {  	_ =	shalt  }
0x4f: {  	_ =	shalt  }
0x50: {  	_ =	shalt  }
0x51: {  	_ =	shalt  }
0x52: {  	_ =	shalt  }
0x53: {  	_ =	shalt  }
0x54: {  	_ =	shalt  }
0x55: {  	_ =	shalt  }
0x56: {  	_ =	shalt  }
0x57: {  	_ =	shalt  }
0x58: {  	_ =	shalt  }
0x59: {  	_ =	shalt  }
0x5a: {  	_ =	shalt  }
0x5b: {  	_ =	shalt  }
0x5c: {  	_ =	shalt  }
0x5d: {  	_ =	shalt  }
0x5e: {  	_ =	shalt  }
0x5f: {  	_ =	shalt  }
0x60: {  	_ =	shalt  }
0x61: {  	_ =	shalt  }
0x62: {  	_ =	shalt  }
0x63: {  	_ =	shalt  }
0x64: {  	_ =	shalt  }
0x65: {  	_ =	shalt  }
0x66: {  	_ =	shalt  }
0x67: {  	_ =	shalt  }
0x68: {  	_ =	shalt  }
0x69: {  	_ =	shalt  }
0x6a: {  	_ =	shalt  }
0x6b: {  	_ =	shalt  }
0x6c: {  	_ =	shalt  }
0x6d: {  	_ =	shalt  }
0x6e: {  	_ =	shalt  }
0x6f: {  	_ =	shalt  }
0x70: {  	_ =	shalt  }
0x71: {  	_ =	shalt  }
0x72: {  	_ =	shalt  }
0x73: {  	_ =	shalt  }
0x74: {  	_ =	shalt  }
0x75: {  	_ =	shalt  }
0x76: {  	_ =	shalt  }
0x77: {  	_ =	shalt  }
0x78: {  	_ =	shalt  }
0x79: {  	_ =	shalt  }
0x7a: {  	_ =	shalt  }
0x7b: {  	_ =	shalt  }
0x7c: {  	_ =	shalt  }
0x7d: {  	_ =	shalt  }
0x7e: {  	_ =	shalt  }
0x7f: {  	_ =	shalt  }
0x80: {  	_ =	shalt  }
0x81: {  	_ =	shalt  }
0x82: {  	_ =	shalt  }
0x83: {  	_ =	shalt  }
0x84: {  	_ =	shalt  }
0x85: {  	_ =	shalt  }
0x86: {  	_ =	shalt  }
0x87: {  	_ =	shalt  }
.Lfunc_end0:
.L_simem_size_0:
called_computation.1_lowered:
.L_overlay_start_0:
0x88: {  	s2 =	sld [smem:$0x3FD9]  }
0x89: {  	s3 =	sld [smem:$0x3FFE];
	_ =	sdelay $0x1  }
0x8a: {  	s1 =	srdreg.scid  }
0x8b: {  	s0 =	sand.u32 $0x1, s1  }
0x8c: {  	s16 =	sshll.u32 s0, $0xA;
	s2 =	sadd.s32 s3, s2  }
0x8d: {  	s2 =	sadd.s32 s2, s16  }
0x8e: {  	[smem:$0x3FBA] =	sst s2  }
0x8f: {  	_ = 	snop  }
0x90: {  	(tm) =	ssettm $0x1  }
0x91: {  	s17 =	sld [smem:$0x3FFB];
	_ =	sdelay $0x3  }
0x92: {  	_ =	strace s17  }
0x93: {  	s2 =	sld [smem:$0x3FFC];
	_ =	sdelay $0x3  }
0x94: {  	_ =	strace s2  }
0x95: {  	s2 =	sld [smem:$0x3FFD];
	_ =	sdelay $0x3  }
0x96: {  	_ =	strace s2  }
0x97: {  	_ =	strace $0x8FFFFFFF  }
0x98: {  	s18 =	sld [smem:$0x3FDB];
	_ =	sdelay $0x1  }
0x99: {  	s19 =	simm.s32 $_scs_section_size  }
0x9a: {  	s4 =	simm.s32 $_size__tile_overlayer_lowered;
	s5 =	simm.s32 $_tile_overlayer_lowered  }
0x9b: {  	s22 =	simm.s32 $0x1BFF;
	s21 =	sshll.u32 s5, $0x1;
	s2 =	sadd.s32 s19, s18  }
0x9c: {  	s6 =	simm.s32 $0x0;
	s20 =	sshll.u32 s4, $0x1;
	s4 =	sadd.s32 s21, s2  }
0x9d: {  	[timem:s6], [sflag:s22] =	dma.local [hbm:s4], s20  }
0x9e: {  	_ =	swait.ge [sflag:s22], s20  }
0x9f: {  	s3 =	ssub.s32 $0x0, s20;
	[sflag:s22] =	ssyncset.done $0x0  }
0xa0: {  	[sflag:s22] =	ssyncadd.s32 s3;
	_ =	sdelay $0x1  }
0xa1: {  	s23 =	simm.s32 $0x1B8B  }
0xa2: {  	_ =	swait.ge [sflag:s23], $0x1  }
0xa3: {  	[sflag:s23] =	ssyncset.done $0x0  }
0xa4: {  	s25 =	simm.s32 $0x1B8E;
	s24 =	sld [smem:$0x3FFE];
	[sflag:s23] =	ssyncadd.s32 $0xFFFFFFFF  }
0xa5: {  	s26 =	simm.s32 $execute0_lowered;
	[smem:$0x3FD2] =	sst s25  }
0xa6: {  	s4 =	sshll.u32 s26, $0x1;
	_ =	strace $0x80000049;
	[dreg:$0x1] =	wrdreg $0xFFFFFFFF  }
0xa7: {  	s28 =	simm.s32 $_size_execute0_lowered;
	s2 =	sadd.s32 s2, s4;
	[dreg:$0x0] =	wrdreg $0x0  }
0xa8: {  	s4 =	sshll.u32 s28, $0x1;
	[dreg:$0x2] =	wrdreg s2  }
0xa9: {  	[dreg:$0x3] =	wrdreg s4  }
0xaa: {  	[dreg:$0x4] =	wrdreg $0xC0  }
0xab: {  	_ =	task [dreg:s6], $0x5FFFF  }
0xac: {  	[dreg:$0x1] =	wrdreg $0xFFFFFFFF  }
0xad: {  	[dreg:$0x0] =	wrdreg $0x60  }
0xae: {  	[dreg:$0x2] =	wrdreg s24  }
0xaf: {  	[dreg:$0x3] =	wrdreg $0xB9000  }
0xb0: {  	[dreg:$0x4] =	wrdreg $0x9  }
0xb1: {  	_ =	task.clear_ibuf [dreg:s6], $0x5FFFF;
	_ =	strace $0x90000049  }
0xb2: {  	s29 =	simm.s32 $0x9;
	_ =	strace $0x8000004B  }
0xb3: {  	_ =	swait.ge [sflag:s29], $0x1  }
0xb4: {  	[sflag:s29] =	ssyncadd.s32 $0xFFFFFFFF  }
0xb5: {  	_ =	strace $0x9000004B  }
0xb6: {  	_ =	sfence  }
0xb7: {  	s30 =	sld [smem:$0x0];
	_ =	sdelay $0x2  }
0xb8: {  	s31 =	sshll.u32 s1, $0xD;
	s1 =	sshrl.u32 s1, $0x2  }
0xb9: {  	s3 =	sand.u32 $0x4000, s31;
	s1 =	sadd.s32 s1, s30  }
0xba: {  	s0 =	sor.u32 s3, s0;
	s1 =	sshll.u32 s1, $0x11  }
0xbb: {  	s0 =	sor.u32 s1, s0  }
0xbc: {  	s0 =	sadd.s32 $0x8F2B, s0  }
0xbd: {  	[sflag:s0] =	ssyncadd.remote.s32 $0x1  }
0xbe: {  	_ =	sfence.sel $0xFFFF  }
0xbf: {  	[dreg:$0x0] =	wrdreg $0xFFFFFFFF;
	(pc) =	sbr.abs _section_cstart, $3  }
0xc0: {  	[dreg:$0x1] =	wrdreg $0xFFFFFFFF  }
0xc1: {  	_ =	task.clear_ibuf [dreg:s6], $0x2FFFF;
	_ =	strace $0x9FFFFFFF  }
0xc2: {  	(tm) =	ssettm $0x7FFFFFFF  }
0xc3: {  	_ =	shalt  }
tec
execute0_lowered:
.L_overlay_start_1:
0x0: {  	(tag) =	ssettag $0x1  }
0x1: {  	s0 =	srdreg.scid  }
0x2: {  	s2 =	rddreg [dreg:$0x0];
	s11 =	stileid.u32  }
0x3: {  	s1 =	rddreg [dreg:$0x1];
	s3 =	simm.s32 $0x0;
	s6 =	smul.u32 $0x4E000, s11  }
0x4: {  	s29 =	simm.s32 $0x0;
	s0 =	sand.u32 $0x1, s0;
	s28 =	smul.u32 $0x13800, s11  }
0x5: {  	[smem:$0x7FF] =	sst s3;
	s8 =	sadd.s32 $0xD200, s2;
	s15 =	smul.u32 $0x2710, s11  }
0x6: {  	p0 =	sne.s32 s11, $0x0;
	s31 =	sadd.s32 $0x138000, s1;
	s4 =	sshll.u32 s0, $0x4  }
0x7: {  	_ =	strace $0x8000004A;
	s9 =	ssub.s32 $0x2, s0;
	s24 =	smul.u32 $0x138800, s0  }
0x8: {  	s0 =	smul.u32 $0x27100, s0;
	s4 =	sor.u32 s11, s4;
	s6 =	sshrl.u32 s6, $0x2  }
0x9: {  	s10 =	sshrl.u32 s9, $0x1;
	s11 =	simm.s32 $0xA100;
	s6 =	sadd.s32 s6, s1  }
0xa: {  	s5 =	smul.u32 $0x2710, s4;
	s21 =	sadd.s32 $0x1800, s6;
	[dreg:$0x15] =	wrdreg s6  }
0xb: {  	s4 =	sadd.s32 $0x17000, s2;
	s22 =	sadd.s32 $0x3000, s6;
	[dreg:$0x6] =	wrdreg s21  }
0xc: {  	s9 =	ssub.s32 s9, s10;
	s23 =	sadd.s32 $0x4800, s6;
	[dreg:$0x7] =	wrdreg s22  }
0xd: {  	s0 =	sadd.s32 s15, s0;
	s25 =	sadd.s32 $0x6000, s6;
	[dreg:$0x8] =	wrdreg s23  }
0xe: {  	s10 =	simm.s32 $0x5100;
	s26 =	sadd.s32 $0x7800, s6;
	[dreg:$0x9] =	wrdreg s25  }
0xf: {  	s15 =	simm.s32 $0x7900;
	s30 =	sadd.s32 $0x9000, s6;
	[dreg:$0xa] =	wrdreg s26  }
0x10: {  	s13 =	sadd.s32 $0xA800, s6;
	s14 =	sadd.s32 $0xC000, s6;
	[dreg:$0xb] =	wrdreg s30  }
0x11: {  	s16 =	sadd.s32 $0xF000, s6;
	s17 =	sadd.s32 $0x230, s0;
	[dreg:$0xc] =	wrdreg s13  }
0x12: {  	s18 =	sadd.s32 $0x1E0, s0;
	s0 =	sadd.s32 $0x190, s0;
	[dreg:$0xd] =	wrdreg s14  }
0x13: {  	s5 =	sshrl.u32 s5, $0x3;
	s13 =	sadd.s32 $0xD800, s6;
	[dreg:$0xf] =	wrdreg s16  }
0x14: {  	s0 =	sshrl.u32 s0, $0x3;
	s25 =	sadd.s32 $0x12000, s6;
	s14 =	simm.s32 $0x2880  }
0x15: {  	s16 =	simm.s32 $0x7;
	s7 =	sadd.s32 s5, s2;
	s2 =	sadd.s32 $0x3E200, s2  }
0x16: {  	s12 =	sadd.s32 s8, s5;
	[dreg:$0xe] =	wrdreg s13;
	s5 =	sshrl.u32 s24, $0x3  }
0x17: {  	s22 =	sadd.s32 s0, s8;
	[dreg:$0x14] =	wrdreg s25;
	s0 =	simm.s32 $0xB  }
0x18: {  	s13 =	simm.s32 $0x1;
	s19 =	sadd.s32 $0x3400, s7;
	[dreg:$0x3] =	wrdreg s12  }
0x19: {  	s25 =	simm.s32 $0x9;
	s20 =	sadd.s32 $0xA, s12;
	[dreg:$0x4] =	wrdreg s19  }
0x1a: {  	s7 =	sadd.s32 s28, s24;
	s24 =	smax.u32 s9, $0x1;
	[dreg:$0x5] =	wrdreg s20  }
0x1b: {  	s26 =	sadd.s32 $0x14, s12;
	s28 =	sadd.s32 $0x1E, s12;
	[dreg:$0x13] =	wrdreg s24  }
0x1c: {  	s30 =	sadd.s32 $0x28, s12;
	s9 =	simm.s32 $0x2800;
	[dreg:$0x16] =	wrdreg s26  }
0x1d: {  	s12 =	simm.s32 $0xA;
	s7 =	sshrl.u32 s7, $0x3;
	[dreg:$0x17] =	wrdreg s28  }
0x1e: {  	s19 =	sadd.s32 $0x10800, s6;
	[dreg:$0x18] =	wrdreg s30;
	s24 =	simm.s32 $0x5  }
0x1f: {  	s26 =	simm.s32 $0x6;
	s7 =	sadd.s32 s2, s7;
	s2 =	sadd.s32 s2, s5  }
0x20: {  	s5 =	sshrl.u32 s17, $0x3;
	[dreg:$0x11] =	wrdreg s19;
	s17 =	simm.s32 $0x2  }
0x21: {  	s19 =	simm.s32 $0x8;
	[dreg:$0x10] =	wrdreg s7;
	s7 =	sshrl.u32 s18, $0x3  }
0x22: {  	s20 =	sadd.s32 s5, s8;
	s23 =	sadd.s32 $0x27000, s2;
	s2 =	simm.s32 $0x2780  }
0x23: {  	s18 =	simm.s32 $0x4;
	s21 =	sadd.s32 s7, s8;
	[dreg:$0x12] =	wrdreg s23  }
0x24: {  	v0 =	vimm.f32 $0.0e+00;
	s7 =	simm.s32 $0x50;
	s8 =	simm.s32 $0x2900;
	s23 =	simm.s32 $0x3  }
.LBB2_1:
0x25: {  	s5 =	rddreg [dreg:$0x4]  }
0x26: {  	[tilespmem:s3], [sflag:$0xB] =	stream.linear.gather [hbm4b:s5+s3], $0x2710, $0x38;
	[tilespmem:$0x1F180] =	vst v63  }
0x27: {  	_ =	swait.ge [sflag:s0], $0x2710  }
0x28: {  	[sflag:s0] =	ssyncset.done $0x0  }
0x29: {  	s6 =	rddreg [dreg:$0x3];
	[sflag:s0] =	ssyncadd.s32 $0xFFFFD8F0  }
0x2a: {  	[tilespmem:s2], [sflag:$0x7] =	stream.linear.gather [hbm4b:s6+s3], $0x50, $0x38;
	[tilespmem:$0x1F180] =	vst v63  }
0x2b: {  	_ = 	snop  }
0x2c: {  	[tilespmem:s8], [sflag:$0x1] =	stream.indirect.gather [hbm4b:s4+s7], $0x80, s3, s7, $0xb8;
	[tilespmem:$0x1F180] =	vst v63  }
0x2d: {  	s28 =	rddreg [dreg:$0x5]  }
0x2e: {  	[tilespmem:s9], [sflag:$0x8] =	stream.linear.gather [hbm4b:s28+s3], $0x50, $0x38;
	[tilespmem:$0x1F180] =	vst v63  }
0x2f: {  	s30 =	simm.s32 $0x200;
	s5 =	simm.s32 $0x0  }
0x30: {  	[tilespmem:s10], [sflag:$0x2] =	stream.indirect.gather [hbm4b:s4+s7], $0x80, s7, s7, $0xb8;
	[tilespmem:$0x1F180] =	vst v63  }
.LBB2_2:
0x31: {  	p1 =	sne.s32 s30, $0x5E00;
	[tilespmem:s5+$0xA170] =	vst v0  }
0x32: {  	[tilespmem:s5+$0xA100] =	vst v0  }
0x33: {  	[tilespmem:s5+$0xA110] =	vst v0  }
.Ltmp0:
0x34: {  	[tilespmem:s5+$0xA120] =	vst v0;
	(pc) =	sbr.rel @p1 .LBB2_2-.Ltmp0, $4  }
0x35: {  	[tilespmem:s5+$0xA130] =	vst v0  }
0x36: {  	[tilespmem:s5+$0xA140] =	vst v0  }
0x37: {  	[tilespmem:s5+$0xA150] =	vst v0  }
0x38: {  	[tilespmem:s5+$0xA160] =	vst v0;
	s5 =	sshra.s32 s30, $0x2;
	s30 =	sadd.s32 $0x200, s30  }
0x39: {  	[tilespmem:s5+$0xA170] =	vst v0  }
0x3a: {  	[tilespmem:s5+$0xA100] =	vst v0  }
0x3b: {  	[tilespmem:s5+$0xA110] =	vst v0  }
0x3c: {  	[tilespmem:s5+$0xA120] =	vst v0  }
0x3d: {  	[tilespmem:s5+$0xA130] =	vst v0  }
0x3e: {  	[tilespmem:s5+$0xA140] =	vst v0  }
0x3f: {  	[tilespmem:s5+$0xA150] =	vst v0  }
0x40: {  	[tilespmem:s5+$0xA160] =	vst v0;
	s6 =	rddreg [dreg:$0x15]  }
0x41: {  	[spmem:s6] =	stream.linear.scatter [tilespmem:s11], [sflag:$0xA], $0x1800, $0x38;
	[tilespmem:$0x1F180] =	vst v63  }
0x42: {  	s28 =	rddreg [dreg:$0x6]  }
0x43: {  	[spmem:s28] =	stream.linear.scatter [tilespmem:s11], [sflag:$0xA], $0x1800, $0x38;
	[tilespmem:$0x1F180] =	vst v63  }
0x44: {  	s6 =	rddreg [dreg:$0x7]  }
0x45: {  	[spmem:s6] =	stream.linear.scatter [tilespmem:s11], [sflag:$0xA], $0x1800, $0x38;
	[tilespmem:$0x1F180] =	vst v63  }
0x46: {  	s28 =	rddreg [dreg:$0x8]  }
0x47: {  	[spmem:s28] =	stream.linear.scatter [tilespmem:s11], [sflag:$0xA], $0x1800, $0x38;
	[tilespmem:$0x1F180] =	vst v63  }
0x48: {  	s6 =	rddreg [dreg:$0x9]  }
0x49: {  	[spmem:s6] =	stream.linear.scatter [tilespmem:s11], [sflag:$0xA], $0x1800, $0x38;
	[tilespmem:$0x1F180] =	vst v63  }
0x4a: {  	s28 =	rddreg [dreg:$0xa]  }
0x4b: {  	[spmem:s28] =	stream.linear.scatter [tilespmem:s11], [sflag:$0xA], $0x1800, $0x38;
	[tilespmem:$0x1F180] =	vst v63  }
0x4c: {  	s6 =	rddreg [dreg:$0xb]  }
0x4d: {  	[spmem:s6] =	stream.linear.scatter [tilespmem:s11], [sflag:$0xA], $0x1800, $0x38;
	[tilespmem:$0x1F180] =	vst v63  }
0x4e: {  	s28 =	rddreg [dreg:$0xc]  }
0x4f: {  	[spmem:s28] =	stream.linear.scatter [tilespmem:s11], [sflag:$0xA], $0x1800, $0x38;
	[tilespmem:$0x1F180] =	vst v63  }
0x50: {  	s6 =	rddreg [dreg:$0xd]  }
0x51: {  	[spmem:s6] =	stream.linear.scatter [tilespmem:s11], [sflag:$0xA], $0x1800, $0x38;
	[tilespmem:$0x1F180] =	vst v63  }
0x52: {  	s28 =	rddreg [dreg:$0xe]  }
0x53: {  	[spmem:s28] =	stream.linear.scatter [tilespmem:s11], [sflag:$0xA], $0x1800, $0x38;
	[tilespmem:$0x1F180] =	vst v63  }
0x54: {  	s6 =	rddreg [dreg:$0xf]  }
0x55: {  	[spmem:s6] =	stream.linear.scatter [tilespmem:s11], [sflag:$0xA], $0x1800, $0x38;
	[tilespmem:$0x1F180] =	vst v63  }
0x56: {  	s28 =	rddreg [dreg:$0x11]  }
0x57: {  	[spmem:s28] =	stream.linear.scatter [tilespmem:s11], [sflag:$0xA], $0x1800, $0x38;
	[tilespmem:$0x1F180] =	vst v63  }
0x58: {  	s6 =	rddreg [dreg:$0x14]  }
0x59: {  	[spmem:s6] =	stream.linear.scatter [tilespmem:s11], [sflag:$0xA], $0x1800, $0x38;
	[tilespmem:$0x1F180] =	vst v63  }
0x5a: {  	_ =	swait.ge [sflag:s12], $0x1800  }
0x5b: {  	[sflag:s12] =	ssyncset.done $0x0  }
0x5c: {  	[sflag:s12] =	ssyncadd.s32 $0xFFFFE800  }
0x5d: {  	_ =	swait.ge [sflag:s12], $0x1800  }
0x5e: {  	[sflag:s12] =	ssyncset.done $0x0  }
0x5f: {  	[sflag:s12] =	ssyncadd.s32 $0xFFFFE800  }
0x60: {  	_ =	swait.ge [sflag:s12], $0x1800  }
0x61: {  	[sflag:s12] =	ssyncset.done $0x0  }
0x62: {  	[sflag:s12] =	ssyncadd.s32 $0xFFFFE800  }
0x63: {  	_ =	swait.ge [sflag:s12], $0x1800  }
0x64: {  	[sflag:s12] =	ssyncset.done $0x0  }
0x65: {  	[sflag:s12] =	ssyncadd.s32 $0xFFFFE800  }
0x66: {  	_ =	swait.ge [sflag:s12], $0x1800  }
0x67: {  	[sflag:s12] =	ssyncset.done $0x0  }
0x68: {  	[sflag:s12] =	ssyncadd.s32 $0xFFFFE800  }
0x69: {  	_ =	swait.ge [sflag:s12], $0x1800  }
0x6a: {  	[sflag:s12] =	ssyncset.done $0x0  }
0x6b: {  	[sflag:s12] =	ssyncadd.s32 $0xFFFFE800  }
0x6c: {  	_ =	swait.ge [sflag:s12], $0x1800  }
0x6d: {  	[sflag:s12] =	ssyncset.done $0x0  }
0x6e: {  	[sflag:s12] =	ssyncadd.s32 $0xFFFFE800  }
0x6f: {  	_ =	swait.ge [sflag:s12], $0x1800  }
0x70: {  	[sflag:s12] =	ssyncset.done $0x0  }
0x71: {  	[sflag:s12] =	ssyncadd.s32 $0xFFFFE800  }
0x72: {  	_ =	swait.ge [sflag:s12], $0x1800  }
0x73: {  	[sflag:s12] =	ssyncset.done $0x0  }
0x74: {  	[sflag:s12] =	ssyncadd.s32 $0xFFFFE800  }
0x75: {  	_ =	swait.ge [sflag:s12], $0x1800  }
0x76: {  	[sflag:s12] =	ssyncset.done $0x0  }
0x77: {  	[sflag:s12] =	ssyncadd.s32 $0xFFFFE800  }
0x78: {  	_ =	swait.ge [sflag:s12], $0x1800  }
0x79: {  	[sflag:s12] =	ssyncset.done $0x0  }
0x7a: {  	[sflag:s12] =	ssyncadd.s32 $0xFFFFE800  }
0x7b: {  	_ =	swait.ge [sflag:s12], $0x1800  }
0x7c: {  	[sflag:s12] =	ssyncset.done $0x0  }
0x7d: {  	[sflag:s12] =	ssyncadd.s32 $0xFFFFE800  }
0x7e: {  	_ =	swait.ge [sflag:s12], $0x1800  }
0x7f: {  	[sflag:s12] =	ssyncset.done $0x0  }
0x80: {  	s5 =	simm.s32 @!p0 $0xA100;
	[sflag:s12] =	ssyncadd.s32 $0xFFFFE800  }
0x81: {  	[spmem:s31] =	stream.linear.scatter @!p0 [tilespmem:s5], [sflag:$0xA], $0x800, $0x38;
	[tilespmem:$0x1F180] =	vst v63  }
0x82: {  	s5 =	simm.s32 @!p0 $0xA  }
0x83: {  	_ =	swait.ge @!p0 [sflag:s5], $0x800  }
0x84: {  	[sflag:s5] =	ssyncset.done @!p0 $0x0  }
0x85: {  	[sflag:s5] =	ssyncadd.s32 @!p0 $0xFFFFF800  }
0x86: {  	[bflag:$0x0] =	sbarrier.arrive $0xFFFF  }
0x87: {  	_ =	swait.ge [sflag:s13], $0x2800  }
0x88: {  	[sflag:s13] =	ssyncset.done $0x0  }
0x89: {  	s5 =	simm.s32 $0x0;
	s28 =	rddreg [dreg:$0x16];
	[sflag:s13] =	ssyncadd.s32 $0xFFFFD800  }
0x8a: {  	[tilespmem:s14], [sflag:$0x9] =	stream.linear.gather [hbm4b:s28+s5], $0x50, $0x38;
	[tilespmem:$0x1F180] =	vst v63  }
0x8b: {  	s28 =	simm.s32 $0xA0  }
0x8c: {  	[tilespmem:s15], [sflag:$0x3] =	stream.indirect.gather [hbm4b:s4+s7], $0x80, s28, s7, $0xb8;
	[tilespmem:$0x1F180] =	vst v63  }
0x8d: {  	_ =	swait.ge [sflag:s16], $0x50  }
0x8e: {  	[sflag:s16] =	ssyncset.done $0x0  }
0x8f: {  	[sflag:s16] =	ssyncadd.s32 $0xFFFFFFB0  }
0x90: {  	[spmem:s1] =	stream.indirect.scatter.add.f32 [tilespmem:s8], [sflag:$0x4], $0x80, s2, s7, $0xb8;
	[tilespmem:$0x1F180] =	vst v63  }
0x91: {  	_ =	swait.ge [sflag:s17], $0x2800  }
0x92: {  	[sflag:s17] =	ssyncset.done $0x0  }
0x93: {  	[sflag:s17] =	ssyncadd.s32 $0xFFFFD800  }
0x94: {  	_ =	swait.ge [sflag:s18], $0x2800  }
0x95: {  	[sflag:s18] =	ssyncset.done $0x0  }
0x96: {  	s28 =	rddreg [dreg:$0x17];
	[sflag:s18] =	ssyncadd.s32 $0xFFFFD800  }
0x97: {  	[tilespmem:s2], [sflag:$0x7] =	stream.linear.gather [hbm4b:s28+s5], $0x50, $0x38;
	[tilespmem:$0x1F180] =	vst v63  }
0x98: {  	s28 =	simm.s32 $0xF0  }
0x99: {  	[tilespmem:s8], [sflag:$0x1] =	stream.indirect.gather [hbm4b:s4+s7], $0x80, s28, s7, $0xb8;
	[tilespmem:$0x1F180] =	vst v63  }
0x9a: {  	_ =	swait.ge [sflag:s19], $0x50  }
0x9b: {  	[sflag:s19] =	ssyncset.done $0x0  }
0x9c: {  	[sflag:s19] =	ssyncadd.s32 $0xFFFFFFB0  }
0x9d: {  	[spmem:s1] =	stream.indirect.scatter.add.f32 [tilespmem:s10], [sflag:$0x5], $0x80, s9, s7, $0xb8;
	[tilespmem:$0x1F180] =	vst v63  }
0x9e: {  	_ =	swait.ge [sflag:s23], $0x2800  }
0x9f: {  	[sflag:s23] =	ssyncset.done $0x0  }
0xa0: {  	[sflag:s23] =	ssyncadd.s32 $0xFFFFD800  }
0xa1: {  	_ =	swait.ge [sflag:s24], $0x2800  }
0xa2: {  	[sflag:s24] =	ssyncset.done $0x0  }
0xa3: {  	s28 =	rddreg [dreg:$0x18];
	[sflag:s24] =	ssyncadd.s32 $0xFFFFD800  }
0xa4: {  	[tilespmem:s9], [sflag:$0x8] =	stream.linear.gather [hbm4b:s28+s5], $0x50, $0x38;
	[tilespmem:$0x1F180] =	vst v63  }
0xa5: {  	s28 =	simm.s32 $0x140  }
0xa6: {  	[tilespmem:s10], [sflag:$0x2] =	stream.indirect.gather [hbm4b:s4+s7], $0x80, s28, s7, $0xb8;
	[tilespmem:$0x1F180] =	vst v63  }
0xa7: {  	_ =	swait.ge [sflag:s25], $0x50  }
0xa8: {  	[sflag:s25] =	ssyncset.done $0x0  }
0xa9: {  	[sflag:s25] =	ssyncadd.s32 $0xFFFFFFB0  }
0xaa: {  	[spmem:s1] =	stream.indirect.scatter.add.f32 [tilespmem:s15], [sflag:$0x6], $0x80, s14, s7, $0xb8;
	[tilespmem:$0x1F180] =	vst v63  }
0xab: {  	_ =	swait.ge [sflag:s13], $0x2800  }
0xac: {  	[sflag:s13] =	ssyncset.done $0x0  }
0xad: {  	[sflag:s13] =	ssyncadd.s32 $0xFFFFD800  }
0xae: {  	_ =	swait.ge [sflag:s26], $0x2800  }
0xaf: {  	[sflag:s26] =	ssyncset.done $0x0  }
0xb0: {  	s28 =	sadd.s32 $0x0, s22;
	[sflag:s26] =	ssyncadd.s32 $0xFFFFD800  }
0xb1: {  	[tilespmem:s14], [sflag:$0x9] =	stream.linear.gather [hbm4b:s28+s3], $0x50, $0x38;
	[tilespmem:$0x1F180] =	vst v63  }
0xb2: {  	s28 =	simm.s32 $0x190  }
0xb3: {  	[tilespmem:s15], [sflag:$0x3] =	stream.indirect.gather [hbm4b:s4+s7], $0x80, s28, s7, $0xb8;
	[tilespmem:$0x1F180] =	vst v63  }
0xb4: {  	_ =	swait.ge [sflag:s16], $0x50  }
0xb5: {  	[sflag:s16] =	ssyncset.done $0x0  }
0xb6: {  	[sflag:s16] =	ssyncadd.s32 $0xFFFFFFB0  }
0xb7: {  	[spmem:s1] =	stream.indirect.scatter.add.f32 [tilespmem:s8], [sflag:$0x4], $0x80, s2, s7, $0xb8;
	[tilespmem:$0x1F180] =	vst v63  }
0xb8: {  	_ =	swait.ge [sflag:s17], $0x2800  }
0xb9: {  	[sflag:s17] =	ssyncset.done $0x0  }
0xba: {  	[sflag:s17] =	ssyncadd.s32 $0xFFFFD800  }
0xbb: {  	_ =	swait.ge [sflag:s18], $0x2800  }
0xbc: {  	[sflag:s18] =	ssyncset.done $0x0  }
0xbd: {  	s28 =	sadd.s32 $0x0, s21;
	[sflag:s18] =	ssyncadd.s32 $0xFFFFD800  }
0xbe: {  	[tilespmem:s2], [sflag:$0x7] =	stream.linear.gather [hbm4b:s28+s3], $0x50, $0x38;
	[tilespmem:$0x1F180] =	vst v63  }
0xbf: {  	s28 =	simm.s32 $0x1E0  }
0xc0: {  	[tilespmem:s8], [sflag:$0x1] =	stream.indirect.gather [hbm4b:s4+s7], $0x80, s28, s7, $0xb8;
	[tilespmem:$0x1F180] =	vst v63  }
0xc1: {  	_ =	swait.ge [sflag:s19], $0x50  }
0xc2: {  	[sflag:s19] =	ssyncset.done $0x0  }
0xc3: {  	[sflag:s19] =	ssyncadd.s32 $0xFFFFFFB0  }
0xc4: {  	[spmem:s1] =	stream.indirect.scatter.add.f32 [tilespmem:s10], [sflag:$0x5], $0x80, s9, s7, $0xb8;
	[tilespmem:$0x1F180] =	vst v63  }
0xc5: {  	_ =	swait.ge [sflag:s23], $0x2800  }
0xc6: {  	[sflag:s23] =	ssyncset.done $0x0  }
0xc7: {  	[sflag:s23] =	ssyncadd.s32 $0xFFFFD800  }
0xc8: {  	_ =	swait.ge [sflag:s24], $0x2800  }
0xc9: {  	[sflag:s24] =	ssyncset.done $0x0  }
0xca: {  	s28 =	sadd.s32 $0x0, s20;
	[sflag:s24] =	ssyncadd.s32 $0xFFFFD800  }
0xcb: {  	[tilespmem:s9], [sflag:$0x8] =	stream.linear.gather [hbm4b:s28+s3], $0x50, $0x38;
	[tilespmem:$0x1F180] =	vst v63  }
0xcc: {  	s28 =	simm.s32 $0x230  }
0xcd: {  	[tilespmem:s10], [sflag:$0x2] =	stream.indirect.gather [hbm4b:s4+s7], $0x80, s28, s7, $0xb8;
	[tilespmem:$0x1F180] =	vst v63  }
0xce: {  	_ =	swait.ge [sflag:s25], $0x50  }
0xcf: {  	s30 =	simm.s32 $0x1E;
	[sflag:s25] =	ssyncset.done $0x0  }
0xd0: {  	s6 =	smov.u32 s31;
	s31 =	simm.s32 $0x320;
	[sflag:s25] =	ssyncadd.s32 $0xFFFFFFB0  }
.LBB2_4:
0xd1: {  	[spmem:s1] =	stream.indirect.scatter.add.f32 [tilespmem:s15], [sflag:$0x6], $0x80, s14, s7, $0xb8;
	[tilespmem:$0x1F180] =	vst v63  }
0xd2: {  	s5 =	smov.u32 s30  }
0xd3: {  	p1 =	sne.s32 s30, $0x492;
	s30 =	sadd.s32 $0x1E, s30;
	_ =	swait.ge [sflag:s13], $0x2800  }
0xd4: {  	[sflag:s13] =	ssyncset.done $0x0  }
0xd5: {  	[sflag:s13] =	ssyncadd.s32 $0xFFFFD800  }
0xd6: {  	_ =	swait.ge [sflag:s26], $0x2800  }
0xd7: {  	[sflag:s26] =	ssyncset.done $0x0  }
0xd8: {  	s28 =	sadd.s32 s5, s22;
	[sflag:s26] =	ssyncadd.s32 $0xFFFFD800  }
0xd9: {  	[tilespmem:s14], [sflag:$0x9] =	stream.linear.gather [hbm4b:s28+s3], $0x50, $0x38;
	[tilespmem:$0x1F180] =	vst v63  }
0xda: {  	s28 =	sadd.s32 $0xFFFFFF60, s31  }
0xdb: {  	[tilespmem:s15], [sflag:$0x3] =	stream.indirect.gather [hbm4b:s4+s7], $0x80, s28, s7, $0xb8;
	[tilespmem:$0x1F180] =	vst v63  }
0xdc: {  	_ =	swait.ge [sflag:s16], $0x50  }
0xdd: {  	[sflag:s16] =	ssyncset.done $0x0  }
0xde: {  	[sflag:s16] =	ssyncadd.s32 $0xFFFFFFB0  }
0xdf: {  	[spmem:s1] =	stream.indirect.scatter.add.f32 [tilespmem:s8], [sflag:$0x4], $0x80, s2, s7, $0xb8;
	[tilespmem:$0x1F180] =	vst v63  }
0xe0: {  	_ =	swait.ge [sflag:s17], $0x2800  }
0xe1: {  	[sflag:s17] =	ssyncset.done $0x0  }
0xe2: {  	[sflag:s17] =	ssyncadd.s32 $0xFFFFD800  }
0xe3: {  	_ =	swait.ge [sflag:s18], $0x2800  }
0xe4: {  	[sflag:s18] =	ssyncset.done $0x0  }
0xe5: {  	s28 =	sadd.s32 s5, s21;
	[sflag:s18] =	ssyncadd.s32 $0xFFFFD800  }
0xe6: {  	[tilespmem:s2], [sflag:$0x7] =	stream.linear.gather [hbm4b:s28+s3], $0x50, $0x38;
	[tilespmem:$0x1F180] =	vst v63  }
0xe7: {  	s28 =	sadd.s32 $0xFFFFFFB0, s31  }
0xe8: {  	[tilespmem:s8], [sflag:$0x1] =	stream.indirect.gather [hbm4b:s4+s7], $0x80, s28, s7, $0xb8;
	[tilespmem:$0x1F180] =	vst v63  }
0xe9: {  	_ =	swait.ge [sflag:s19], $0x50  }
0xea: {  	[sflag:s19] =	ssyncset.done $0x0  }
0xeb: {  	[sflag:s19] =	ssyncadd.s32 $0xFFFFFFB0  }
0xec: {  	[spmem:s1] =	stream.indirect.scatter.add.f32 [tilespmem:s10], [sflag:$0x5], $0x80, s9, s7, $0xb8;
	[tilespmem:$0x1F180] =	vst v63  }
0xed: {  	_ =	swait.ge [sflag:s23], $0x2800  }
0xee: {  	[sflag:s23] =	ssyncset.done $0x0  }
0xef: {  	[sflag:s23] =	ssyncadd.s32 $0xFFFFD800  }
0xf0: {  	_ =	swait.ge [sflag:s24], $0x2800  }
0xf1: {  	[sflag:s24] =	ssyncset.done $0x0  }
0xf2: {  	s5 =	sadd.s32 s5, s20;
	[sflag:s24] =	ssyncadd.s32 $0xFFFFD800  }
0xf3: {  	[tilespmem:s9], [sflag:$0x8] =	stream.linear.gather [hbm4b:s5+s3], $0x50, $0x38;
	[tilespmem:$0x1F180] =	vst v63  }
.Ltmp1:
0xf4: {  	(pc) =	sbr.rel @p1 .LBB2_4-.Ltmp1, $4  }
0xf5: {  	[tilespmem:s10], [sflag:$0x2] =	stream.indirect.gather [hbm4b:s4+s7], $0x80, s31, s7, $0xb8;
	[tilespmem:$0x1F180] =	vst v63  }
0xf6: {  	_ =	swait.ge [sflag:s25], $0x50  }
0xf7: {  	[sflag:s25] =	ssyncset.done $0x0  }
0xf8: {  	s31 =	sadd.s32 $0xF0, s31;
	[sflag:s25] =	ssyncadd.s32 $0xFFFFFFB0  }
0xf9: {  	[spmem:s1] =	stream.indirect.scatter.add.f32 [tilespmem:s15], [sflag:$0x6], $0x80, s14, s7, $0xb8;
	[tilespmem:$0x1F180] =	vst v63  }
0xfa: {  	_ =	swait.ge [sflag:s13], $0x2800  }
0xfb: {  	[sflag:s13] =	ssyncset.done $0x0  }
0xfc: {  	[sflag:s13] =	ssyncadd.s32 $0xFFFFD800  }
0xfd: {  	_ =	swait.ge [sflag:s16], $0x50  }
0xfe: {  	[sflag:s16] =	ssyncset.done $0x0  }
0xff: {  	[sflag:s16] =	ssyncadd.s32 $0xFFFFFFB0  }
0x100: {  	[spmem:s1] =	stream.indirect.scatter.add.f32 [tilespmem:s8], [sflag:$0x4], $0x80, s2, s7, $0xb8;
	[tilespmem:$0x1F180] =	vst v63  }
0x101: {  	_ =	swait.ge [sflag:s17], $0x2800  }
0x102: {  	[sflag:s17] =	ssyncset.done $0x0  }
0x103: {  	[sflag:s17] =	ssyncadd.s32 $0xFFFFD800  }
0x104: {  	_ =	swait.ge [sflag:s19], $0x50  }
0x105: {  	[sflag:s19] =	ssyncset.done $0x0  }
0x106: {  	[sflag:s19] =	ssyncadd.s32 $0xFFFFFFB0  }
0x107: {  	[spmem:s1] =	stream.indirect.scatter.add.f32 [tilespmem:s10], [sflag:$0x5], $0x80, s9, s7, $0xb8;
	[tilespmem:$0x1F180] =	vst v63  }
0x108: {  	_ =	swait.ge [sflag:s18], $0x2800  }
0x109: {  	[sflag:s18] =	ssyncset.done $0x0  }
0x10a: {  	[sflag:s18] =	ssyncadd.s32 $0xFFFFD800  }
0x10b: {  	_ =	swait.ge [sflag:s24], $0x2800  }
0x10c: {  	[sflag:s24] =	ssyncset.done $0x0  }
0x10d: {  	[sflag:s24] =	ssyncadd.s32 $0xFFFFD800  }
0x10e: {  	_ =	swait.ge [sflag:s26], $0x2800  }
0x10f: {  	[sflag:s26] =	ssyncset.done $0x0  }
0x110: {  	[sflag:s26] =	ssyncadd.s32 $0xFFFFD800  }
0x111: {  	s5 =	stileid.u32;
	[bflag:$0x0] =	sbarrier.arrive $0xFFFF  }
0x112: {  	s5 =	sshll.u32 s5, $0x6;
	s28 =	rddreg [dreg:$0x15]  }
0x113: {  	s5 =	sor.u32 $0x1C0B, s5;
	s30 =	rddreg [dreg:$0x10];
	s28 =	sshrl.u32 s28, $0x3  }
0x114: {  	[hbm:s30], [sflag:s5] =	dma.local [spmem:s28], $0x2700  }
0x115: {  	_ =	swait.ge [sflag:s0], $0x2700  }
0x116: {  	[sflag:s0] =	ssyncset.done $0x0  }
0x117: {  	s28 =	sshrl.u32 @!p0 s6, $0x3;
	s30 =	rddreg [dreg:$0x12];
	[sflag:s0] =	ssyncadd.s32 $0xFFFFD900  }
0x118: {  	[hbm:s30], [sflag:s5] =	dma.local @!p0 [spmem:s28], $0x100  }
0x119: {  	s5 =	simm.s32 @!p0 $0xB  }
0x11a: {  	_ =	swait.ge @!p0 [sflag:s5], $0x100  }
0x11b: {  	s29 =	sadd.s32 $0x1, s29;
	s30 =	rddreg [dreg:$0x13]  }
0x11c: {  	p1 =	sne.s32 s29, s30  }
.Ltmp2:
0x11d: {  	_ = 	snop;
	(pc) =	sbr.rel @p1 .LBB2_1-.Ltmp2, $3  }
0x11e: {  	_ =	sdelay $0x1  }
0x11f: {  	[sflag:s5] =	ssyncset.done @!p0 $0x0  }
0x120: {  	s31 =	smov.u32 s6;
	[sflag:s5] =	ssyncadd.s32 @!p0 $0xFFFFFF00  }
0x121: {  	_ =	sfence.sel $0x180000  }
0x122: {  	[bflag:$0x0] =	sbarrier.arrive $0xFFFF  }
0x123: {  	_ =	strace $0x9000004A  }
0x124: {  	[bflag:$0x2] =	sbarrier.arrive $0xFFFF  }
0x125: {  	s0 =	rddreg [dreg:$0x2]  }
0x126: {  	s0 =	sadd.s32 @!p0 $0x100000, s0  }
0x127: {  	[sflag:s0] =	ssyncadd.tile.s32 @!p0 $0x1;
	_ =	shalt  }
.Lfunc_end2:
_tile_overlayer_lowered:
.L_overlay_start_2:
0x128: {  	(tag) =	ssettag $0x2  }
0x129: {  	s0 =	rddreg [dreg:$0x0];
	s2 =	stileid.u32  }
0x12a: {  	s1 =	rddreg [dreg:$0x1];
	p0 =	sne.s32 s2, $0x0  }
0x12b: {  	s3 =	rddreg [dreg:$0x2];
	[bflag:$0x3] =	sbarrier.arrive $0xFFFF;
	s2 =	simm.s32 @!p0 $0x1C0B  }
0x12c: {  	[timem:s3], [sflag:s2] =	dma.local @!p0 [hbm:s0], s1  }
0x12d: {  	s0 =	simm.s32 @!p0 $0xB  }
0x12e: {  	_ =	swait.ge @!p0 [sflag:s0], s1  }
0x12f: {  	s1 =	ssub.s32 @!p0 $0x0, s1;
	[sflag:s0] =	ssyncset.done @!p0 $0x0  }
0x130: {  	[sflag:s0] =	ssyncadd.s32 @!p0 s1  }
0x131: {  	[bflag:$0x3] =	sbarrier.arrive $0xFFFF  }
0x132: {  	_ =	shalt  }

// kernel: kernel.17.cloned.1.call-start
scs
__scs_entry_jumppad:
0x0: {  	(pc) =	sbr.rel $0x88, $3  }
0x1: {  	(tag) =	ssettag $0x0;
	lr =	simm.s32 $0x1  }
0x2: {  	[smem:$0x3F93] =	sst lr;
	_ =	strace $0xD0000000  }
0x3: {  	_ = 	snop  }
0x4: {  	_ = 	snop  }
0x5: {  	_ = 	snop  }
0x6: {  	_ = 	snop  }
0x7: {  	_ = 	snop  }
__scs_overlays_trampoline_lowered:
0x8: {  	[smem:$0x3FA2] =	sst s0  }
0x9: {  	[smem:$0x3FA3] =	sst s1  }
0xa: {  	[smem:$0x3FA4] =	sst s2  }
0xb: {  	[smem:$0x3FA5] =	sst s3  }
0xc: {  	[smem:$0x3FA6] =	sst s4  }
0xd: {  	[smem:$0x3FA7] =	sst s5  }
0xe: {  	[smem:$0x3FA8] =	sst s6  }
0xf: {  	[smem:$0x3FA9] =	sst s7  }
0x10: {  	[smem:$0x3FAA] =	sst s8  }
0x11: {  	[smem:$0x3FAB] =	sst s9;
	s0 =	simm.s32 @!p0 $0x0  }
0x12: {  	s1 =	sld [smem:$0x3F91];
	s0 =	simm.s32 @p0 $0x1  }
0x13: {  	[smem:$0x3FAC] =	sst s0;
	s0 =	simm.s32 @!p1 $0x0  }
0x14: {  	s2 =	sld [smem:$0x3F90];
	s0 =	simm.s32 @p1 $0x1  }
0x15: {  	[smem:$0x3FAD] =	sst s0;
	s0 =	simm.s32 @!p2 $0x0  }
0x16: {  	s3 =	sld [smem:$0x3FDB];
	s0 =	simm.s32 @p2 $0x1  }
0x17: {  	s4 =	simm.s32 $0x1BF5;
	[smem:$0x3FAF] =	sst s0  }
0x18: {  	s0 =	sld [smem:$0x3F92];
	_ =	swait.ge [sflag:s4], $0x0  }
0x19: {  	s7 =	sld [smem:$0x3F93]  }
0x1a: {  	s8 =	sadd.s32 $0xFFFFE003, lr  }
0x1b: {  	s9 =	sadd.s32 $0xFFFFFEF7, lr;
	s5 =	simm.s32 $0xFFFFFFFF;
	p2 =	slt.u32 s8, $0xFFFFF086  }
0x1c: {  	p1 =	slt.u32 s9, $0xF7A;
	s5 =	simm.s32 @!p2 $0x0  }
0x1d: {  	s5 =	simm.s32 @p1 $0x1;
	p0 =	seq.s32 s7, s2  }
0x1e: {  	s7 =	smul.u32 @!p0 $0xF7A, s2;
	p2 =	seq.s32 @!p0 s5, $0x0  }
0x1f: {  	s9 =	smul.u32 $0xF7A, s1;
	s8 =	simm.s32 @!p0 $0x1BF5;
	p2 =	por !p2, p0  }
0x20: {  	[sflag:s8] =	ssyncset.s32 @!p0 $0xFFFFF086;
	s6 =	sadd.s32 @!p0 s3, s7;
	s7 =	simm.s32 @!p0 $0x108  }
0x21: {  	s3 =	sadd.s32 s3, s9;
	s6 =	sadd.s32 @!p0 $0x88, s6;
	s7 =	simm.s32 @p2 $0x1082  }
0x22: {  	[simem:s7], [sflag:s8] =	dma.local @!p0 [hbm:s6], $0xF7A  }
0x23: {  	s9 =	sor.u32 $0xD0000000, s2;
	s6 =	simm.s32 $0x108;
	_ =	swait.ge @!p0 [sflag:s8], $0x0  }
0x24: {  	s3 =	sadd.s32 $0x88, s3;
	s6 =	simm.s32 @!p1 $0x1082;
	[sflag:s4] =	ssyncset.s32 $0xFFFFF086  }
0x25: {  	[simem:s6], [sflag:s4] =	dma.local [hbm:s3], $0xF7A  }
0x26: {  	[smem:$0x3F93] =	sst s1;
	(tag) =	ssettag s2;
	_ =	strace s9  }
0x27: {  	s1 =	sld [smem:$0x3FA3]  }
0x28: {  	s2 =	sld [smem:$0x3FA4]  }
0x29: {  	s4 =	sld [smem:$0x3FA6]  }
0x2a: {  	p0 =	seq.s32 s5, $0x0;
	s5 =	sld [smem:$0x3FA7]  }
0x2b: {  	s6 =	sld [smem:$0x3FA8]  }
0x2c: {  	s7 =	sld [smem:$0x3FA9]  }
0x2d: {  	s3 =	simm.s32 $0x108;
	s8 =	sld [smem:$0x3FAA]  }
0x2e: {  	s3 =	simm.s32 @!p0 $0x1082;
	s9 =	sld [smem:$0x3FAB]  }
0x2f: {  	lr =	sadd.s32 s0, s3;
	s0 =	sld [smem:$0x3FA2]  }
0x30: {  	s3 =	sld [smem:$0x3FA5]  }
0x31: {  	[smem:$0x3FAE] =	sst s10  }
0x32: {  	s10 =	sld [smem:$0x3FAC];
	_ =	sdelay $0x3  }
0x33: {  	p0 =	seq.s32 s10, $0x1;
	s10 =	sld [smem:$0x3FAE];
	_ =	sdelay $0x3  }
0x34: {  	[smem:$0x3FAE] =	sst s10  }
0x35: {  	s10 =	sld [smem:$0x3FAD];
	_ =	sdelay $0x3  }
0x36: {  	p1 =	seq.s32 s10, $0x1;
	s10 =	sld [smem:$0x3FAE];
	_ =	sdelay $0x3  }
0x37: {  	[smem:$0x3FAE] =	sst s10  }
0x38: {  	s10 =	sld [smem:$0x3FAF]  }
0x39: {  	_ = 	snop;
	(pc) =	sbr.ind lr, $3  }
0x3a: {  	_ = 	snop  }
0x3b: {  	_ = 	snop  }
0x3c: {  	p2 =	seq.s32 s10, $0x1;
	s10 =	sld [smem:$0x3FAE]  }
0x3d: {  	_ =	shalt  }
0x3e: {  	_ =	shalt  }
0x3f: {  	_ =	shalt  }
0x40: {  	_ =	shalt  }
0x41: {  	_ =	shalt  }
0x42: {  	_ =	shalt  }
0x43: {  	_ =	shalt  }
0x44: {  	_ =	shalt  }
0x45: {  	_ =	shalt  }
0x46: {  	_ =	shalt  }
0x47: {  	_ =	shalt  }
0x48: {  	_ =	shalt  }
0x49: {  	_ =	shalt  }
0x4a: {  	_ =	shalt  }
0x4b: {  	_ =	shalt  }
0x4c: {  	_ =	shalt  }
0x4d: {  	_ =	shalt  }
0x4e: {  	_ =	shalt  }
0x4f: {  	_ =	shalt  }
0x50: {  	_ =	shalt  }
0x51: {  	_ =	shalt  }
0x52: {  	_ =	shalt  }
0x53: {  	_ =	shalt  }
0x54: {  	_ =	shalt  }
0x55: {  	_ =	shalt  }
0x56: {  	_ =	shalt  }
0x57: {  	_ =	shalt  }
0x58: {  	_ =	shalt  }
0x59: {  	_ =	shalt  }
0x5a: {  	_ =	shalt  }
0x5b: {  	_ =	shalt  }
0x5c: {  	_ =	shalt  }
0x5d: {  	_ =	shalt  }
0x5e: {  	_ =	shalt  }
0x5f: {  	_ =	shalt  }
0x60: {  	_ =	shalt  }
0x61: {  	_ =	shalt  }
0x62: {  	_ =	shalt  }
0x63: {  	_ =	shalt  }
0x64: {  	_ =	shalt  }
0x65: {  	_ =	shalt  }
0x66: {  	_ =	shalt  }
0x67: {  	_ =	shalt  }
0x68: {  	_ =	shalt  }
0x69: {  	_ =	shalt  }
0x6a: {  	_ =	shalt  }
0x6b: {  	_ =	shalt  }
0x6c: {  	_ =	shalt  }
0x6d: {  	_ =	shalt  }
0x6e: {  	_ =	shalt  }
0x6f: {  	_ =	shalt  }
0x70: {  	_ =	shalt  }
0x71: {  	_ =	shalt  }
0x72: {  	_ =	shalt  }
0x73: {  	_ =	shalt  }
0x74: {  	_ =	shalt  }
0x75: {  	_ =	shalt  }
0x76: {  	_ =	shalt  }
0x77: {  	_ =	shalt  }
0x78: {  	_ =	shalt  }
0x79: {  	_ =	shalt  }
0x7a: {  	_ =	shalt  }
0x7b: {  	_ =	shalt  }
0x7c: {  	_ =	shalt  }
0x7d: {  	_ =	shalt  }
0x7e: {  	_ =	shalt  }
0x7f: {  	_ =	shalt  }
0x80: {  	_ =	shalt  }
0x81: {  	_ =	shalt  }
0x82: {  	_ =	shalt  }
0x83: {  	_ =	shalt  }
0x84: {  	_ =	shalt  }
0x85: {  	_ =	shalt  }
0x86: {  	_ =	shalt  }
0x87: {  	_ =	shalt  }
.Lfunc_end0:
.L_simem_size_0:
called_computation.2_lowered:
.L_overlay_start_0:
0x88: {  	s2 =	sld [smem:$0x3FD9]  }
0x89: {  	s3 =	sld [smem:$0x3FFE];
	_ =	sdelay $0x1  }
0x8a: {  	s1 =	srdreg.scid  }
0x8b: {  	s0 =	sand.u32 $0x1, s1  }
0x8c: {  	s16 =	sshll.u32 s0, $0xA;
	s2 =	sadd.s32 s3, s2  }
0x8d: {  	s2 =	sadd.s32 s2, s16  }
0x8e: {  	[smem:$0x3FBA] =	sst s2  }
0x8f: {  	_ = 	snop  }
0x90: {  	(tm) =	ssettm $0x1  }
0x91: {  	s17 =	sld [smem:$0x3FFB];
	_ =	sdelay $0x3  }
0x92: {  	_ =	strace s17  }
0x93: {  	s2 =	sld [smem:$0x3FFC];
	_ =	sdelay $0x3  }
0x94: {  	_ =	strace s2  }
0x95: {  	s2 =	sld [smem:$0x3FFD];
	_ =	sdelay $0x3  }
0x96: {  	_ =	strace s2  }
0x97: {  	_ =	strace $0x8FFFFFFF  }
0x98: {  	s18 =	sld [smem:$0x3FDB];
	_ =	sdelay $0x1  }
0x99: {  	s19 =	simm.s32 $_scs_section_size  }
0x9a: {  	s4 =	simm.s32 $_size__tile_overlayer_lowered;
	s5 =	simm.s32 $_tile_overlayer_lowered  }
0x9b: {  	s22 =	simm.s32 $0x1BFF;
	s21 =	sshll.u32 s5, $0x1;
	s2 =	sadd.s32 s19, s18  }
0x9c: {  	s6 =	simm.s32 $0x0;
	s20 =	sshll.u32 s4, $0x1;
	s4 =	sadd.s32 s21, s2  }
0x9d: {  	[timem:s6], [sflag:s22] =	dma.local [hbm:s4], s20  }
0x9e: {  	_ =	swait.ge [sflag:s22], s20  }
0x9f: {  	s3 =	ssub.s32 $0x0, s20;
	[sflag:s22] =	ssyncset.done $0x0  }
0xa0: {  	[sflag:s22] =	ssyncadd.s32 s3;
	_ =	sdelay $0x1  }
0xa1: {  	s23 =	simm.s32 $0x1B8B  }
0xa2: {  	_ =	swait.ge [sflag:s23], $0x1  }
0xa3: {  	[sflag:s23] =	ssyncset.done $0x0  }
0xa4: {  	s25 =	simm.s32 $0x1B8E;
	s24 =	sld [smem:$0x3FFE];
	[sflag:s23] =	ssyncadd.s32 $0xFFFFFFFF  }
0xa5: {  	s26 =	simm.s32 $execute0_lowered;
	[smem:$0x3FD2] =	sst s25  }
0xa6: {  	s4 =	sshll.u32 s26, $0x1;
	_ =	strace $0x8000004C;
	[dreg:$0x1] =	wrdreg $0xFFFFFFFF  }
0xa7: {  	s28 =	simm.s32 $_size_execute0_lowered;
	s2 =	sadd.s32 s2, s4;
	[dreg:$0x0] =	wrdreg $0x0  }
0xa8: {  	s4 =	sshll.u32 s28, $0x1;
	[dreg:$0x2] =	wrdreg s2  }
0xa9: {  	[dreg:$0x3] =	wrdreg s4  }
0xaa: {  	[dreg:$0x4] =	wrdreg $0xC0  }
0xab: {  	_ =	task [dreg:s6], $0x5FFFF  }
0xac: {  	[dreg:$0x1] =	wrdreg $0xFFFFFFFF  }
0xad: {  	[dreg:$0x0] =	wrdreg $0x60  }
0xae: {  	[dreg:$0x2] =	wrdreg s24  }
0xaf: {  	[dreg:$0x3] =	wrdreg $0xB9000  }
0xb0: {  	[dreg:$0x4] =	wrdreg $0x9  }
0xb1: {  	_ =	task.clear_ibuf [dreg:s6], $0x5FFFF;
	_ =	strace $0x9000004C  }
0xb2: {  	s29 =	simm.s32 $0x9;
	_ =	strace $0x8000004E  }
0xb3: {  	_ =	swait.ge [sflag:s29], $0x1  }
0xb4: {  	[sflag:s29] =	ssyncadd.s32 $0xFFFFFFFF  }
0xb5: {  	_ =	strace $0x9000004E  }
0xb6: {  	_ =	sfence  }
0xb7: {  	s30 =	sld [smem:$0x0];
	_ =	sdelay $0x2  }
0xb8: {  	s31 =	sshll.u32 s1, $0xD;
	s1 =	sshrl.u32 s1, $0x2  }
0xb9: {  	s3 =	sand.u32 $0x4000, s31;
	s1 =	sadd.s32 s1, s30  }
0xba: {  	s0 =	sor.u32 s3, s0;
	s1 =	sshll.u32 s1, $0x11  }
0xbb: {  	s0 =	sor.u32 s1, s0  }
0xbc: {  	s0 =	sadd.s32 $0x8F2B, s0  }
0xbd: {  	[sflag:s0] =	ssyncadd.remote.s32 $0x1  }
0xbe: {  	_ =	sfence.sel $0xFFFF  }
0xbf: {  	[dreg:$0x0] =	wrdreg $0xFFFFFFFF;
	(pc) =	sbr.abs _section_cstart, $3  }
0xc0: {  	[dreg:$0x1] =	wrdreg $0xFFFFFFFF  }
0xc1: {  	_ =	task.clear_ibuf [dreg:s6], $0x2FFFF;
	_ =	strace $0x9FFFFFFF  }
0xc2: {  	(tm) =	ssettm $0x7FFFFFFF  }
0xc3: {  	_ =	shalt  }
tec
execute0_lowered:
.L_overlay_start_1:
0x0: {  	(tag) =	ssettag $0x1  }
0x1: {  	s0 =	srdreg.scid  }
0x2: {  	s2 =	rddreg [dreg:$0x0];
	s11 =	stileid.u32  }
0x3: {  	s1 =	rddreg [dreg:$0x1];
	s3 =	simm.s32 $0x0;
	s6 =	smul.u32 $0x4E000, s11  }
0x4: {  	s29 =	simm.s32 $0x0;
	s0 =	sand.u32 $0x1, s0;
	s28 =	smul.u32 $0x13800, s11  }
0x5: {  	[smem:$0x7FF] =	sst s3;
	s8 =	sadd.s32 $0xD200, s2;
	s15 =	smul.u32 $0x2710, s11  }
0x6: {  	p0 =	sne.s32 s11, $0x0;
	s31 =	sadd.s32 $0x138000, s1;
	s4 =	sshll.u32 s0, $0x4  }
0x7: {  	_ =	strace $0x8000004D;
	s9 =	ssub.s32 $0x2, s0;
	s24 =	smul.u32 $0x138800, s0  }
0x8: {  	s0 =	smul.u32 $0x27100, s0;
	s4 =	sor.u32 s11, s4;
	s6 =	sshrl.u32 s6, $0x2  }
0x9: {  	s10 =	sshrl.u32 s9, $0x1;
	s11 =	simm.s32 $0xA100;
	s6 =	sadd.s32 s6, s1  }
0xa: {  	s5 =	smul.u32 $0x2710, s4;
	s21 =	sadd.s32 $0x1800, s6;
	[dreg:$0x15] =	wrdreg s6  }
0xb: {  	s4 =	sadd.s32 $0x17000, s2;
	s22 =	sadd.s32 $0x3000, s6;
	[dreg:$0x6] =	wrdreg s21  }
0xc: {  	s9 =	ssub.s32 s9, s10;
	s23 =	sadd.s32 $0x4800, s6;
	[dreg:$0x7] =	wrdreg s22  }
0xd: {  	s0 =	sadd.s32 s15, s0;
	s25 =	sadd.s32 $0x6000, s6;
	[dreg:$0x8] =	wrdreg s23  }
0xe: {  	s10 =	simm.s32 $0x5100;
	s26 =	sadd.s32 $0x7800, s6;
	[dreg:$0x9] =	wrdreg s25  }
0xf: {  	s15 =	simm.s32 $0x7900;
	s30 =	sadd.s32 $0x9000, s6;
	[dreg:$0xa] =	wrdreg s26  }
0x10: {  	s13 =	sadd.s32 $0xA800, s6;
	s14 =	sadd.s32 $0xC000, s6;
	[dreg:$0xb] =	wrdreg s30  }
0x11: {  	s16 =	sadd.s32 $0xF000, s6;
	s17 =	sadd.s32 $0x230, s0;
	[dreg:$0xc] =	wrdreg s13  }
0x12: {  	s18 =	sadd.s32 $0x1E0, s0;
	s0 =	sadd.s32 $0x190, s0;
	[dreg:$0xd] =	wrdreg s14  }
0x13: {  	s5 =	sshrl.u32 s5, $0x3;
	s13 =	sadd.s32 $0xD800, s6;
	[dreg:$0xf] =	wrdreg s16  }
0x14: {  	s0 =	sshrl.u32 s0, $0x3;
	s25 =	sadd.s32 $0x12000, s6;
	s14 =	simm.s32 $0x2880  }
0x15: {  	s16 =	simm.s32 $0x7;
	s7 =	sadd.s32 s5, s2;
	s2 =	sadd.s32 $0x3E200, s2  }
0x16: {  	s12 =	sadd.s32 s8, s5;
	[dreg:$0xe] =	wrdreg s13;
	s5 =	sshrl.u32 s24, $0x3  }
0x17: {  	s22 =	sadd.s32 s0, s8;
	[dreg:$0x14] =	wrdreg s25;
	s0 =	simm.s32 $0xB  }
0x18: {  	s13 =	simm.s32 $0x1;
	s19 =	sadd.s32 $0x3400, s7;
	[dreg:$0x3] =	wrdreg s12  }
0x19: {  	s25 =	simm.s32 $0x9;
	s20 =	sadd.s32 $0xA, s12;
	[dreg:$0x4] =	wrdreg s19  }
0x1a: {  	s7 =	sadd.s32 s28, s24;
	s24 =	smax.u32 s9, $0x1;
	[dreg:$0x5] =	wrdreg s20  }
0x1b: {  	s26 =	sadd.s32 $0x14, s12;
	s28 =	sadd.s32 $0x1E, s12;
	[dreg:$0x13] =	wrdreg s24  }
0x1c: {  	s30 =	sadd.s32 $0x28, s12;
	s9 =	simm.s32 $0x2800;
	[dreg:$0x16] =	wrdreg s26  }
0x1d: {  	s12 =	simm.s32 $0xA;
	s7 =	sshrl.u32 s7, $0x3;
	[dreg:$0x17] =	wrdreg s28  }
0x1e: {  	s19 =	sadd.s32 $0x10800, s6;
	[dreg:$0x18] =	wrdreg s30;
	s24 =	simm.s32 $0x5  }
0x1f: {  	s26 =	simm.s32 $0x6;
	s7 =	sadd.s32 s2, s7;
	s2 =	sadd.s32 s2, s5  }
0x20: {  	s5 =	sshrl.u32 s17, $0x3;
	[dreg:$0x11] =	wrdreg s19;
	s17 =	simm.s32 $0x2  }
0x21: {  	s19 =	simm.s32 $0x8;
	[dreg:$0x10] =	wrdreg s7;
	s7 =	sshrl.u32 s18, $0x3  }
0x22: {  	s20 =	sadd.s32 s5, s8;
	s23 =	sadd.s32 $0x27000, s2;
	s2 =	simm.s32 $0x2780  }
0x23: {  	s18 =	simm.s32 $0x4;
	s21 =	sadd.s32 s7, s8;
	[dreg:$0x12] =	wrdreg s23  }
0x24: {  	v0 =	vimm.f32 $0.0e+00;
	s7 =	simm.s32 $0x50;
	s8 =	simm.s32 $0x2900;
	s23 =	simm.s32 $0x3  }
.LBB2_1:
0x25: {  	s5 =	rddreg [dreg:$0x4]  }
0x26: {  	[tilespmem:s3], [sflag:$0xB] =	stream.linear.gather [hbm4b:s5+s3], $0x2710, $0x38;
	[tilespmem:$0x1F180] =	vst v63  }
0x27: {  	_ =	swait.ge [sflag:s0], $0x2710  }
0x28: {  	[sflag:s0] =	ssyncset.done $0x0  }
0x29: {  	s6 =	rddreg [dreg:$0x3];
	[sflag:s0] =	ssyncadd.s32 $0xFFFFD8F0  }
0x2a: {  	[tilespmem:s2], [sflag:$0x7] =	stream.linear.gather [hbm4b:s6+s3], $0x50, $0x38;
	[tilespmem:$0x1F180] =	vst v63  }
0x2b: {  	_ = 	snop  }
0x2c: {  	[tilespmem:s8], [sflag:$0x1] =	stream.indirect.gather [hbm4b:s4+s7], $0x80, s3, s7, $0xb8;
	[tilespmem:$0x1F180] =	vst v63  }
0x2d: {  	s28 =	rddreg [dreg:$0x5]  }
0x2e: {  	[tilespmem:s9], [sflag:$0x8] =	stream.linear.gather [hbm4b:s28+s3], $0x50, $0x38;
	[tilespmem:$0x1F180] =	vst v63  }
0x2f: {  	s30 =	simm.s32 $0x200;
	s5 =	simm.s32 $0x0  }
0x30: {  	[tilespmem:s10], [sflag:$0x2] =	stream.indirect.gather [hbm4b:s4+s7], $0x80, s7, s7, $0xb8;
	[tilespmem:$0x1F180] =	vst v63  }
.LBB2_2:
0x31: {  	p1 =	sne.s32 s30, $0x5E00;
	[tilespmem:s5+$0xA170] =	vst v0  }
0x32: {  	[tilespmem:s5+$0xA100] =	vst v0  }
0x33: {  	[tilespmem:s5+$0xA110] =	vst v0  }
.Ltmp0:
0x34: {  	[tilespmem:s5+$0xA120] =	vst v0;
	(pc) =	sbr.rel @p1 .LBB2_2-.Ltmp0, $4  }
0x35: {  	[tilespmem:s5+$0xA130] =	vst v0  }
0x36: {  	[tilespmem:s5+$0xA140] =	vst v0  }
0x37: {  	[tilespmem:s5+$0xA150] =	vst v0  }
0x38: {  	[tilespmem:s5+$0xA160] =	vst v0;
	s5 =	sshra.s32 s30, $0x2;
	s30 =	sadd.s32 $0x200, s30  }
0x39: {  	[tilespmem:s5+$0xA170] =	vst v0  }
0x3a: {  	[tilespmem:s5+$0xA100] =	vst v0  }
0x3b: {  	[tilespmem:s5+$0xA110] =	vst v0  }
0x3c: {  	[tilespmem:s5+$0xA120] =	vst v0  }
0x3d: {  	[tilespmem:s5+$0xA130] =	vst v0  }
0x3e: {  	[tilespmem:s5+$0xA140] =	vst v0  }
0x3f: {  	[tilespmem:s5+$0xA150] =	vst v0  }
0x40: {  	[tilespmem:s5+$0xA160] =	vst v0;
	s6 =	rddreg [dreg:$0x15]  }
0x41: {  	[spmem:s6] =	stream.linear.scatter [tilespmem:s11], [sflag:$0xA], $0x1800, $0x38;
	[tilespmem:$0x1F180] =	vst v63  }
0x42: {  	s28 =	rddreg [dreg:$0x6]  }
0x43: {  	[spmem:s28] =	stream.linear.scatter [tilespmem:s11], [sflag:$0xA], $0x1800, $0x38;
	[tilespmem:$0x1F180] =	vst v63  }
0x44: {  	s6 =	rddreg [dreg:$0x7]  }
0x45: {  	[spmem:s6] =	stream.linear.scatter [tilespmem:s11], [sflag:$0xA], $0x1800, $0x38;
	[tilespmem:$0x1F180] =	vst v63  }
0x46: {  	s28 =	rddreg [dreg:$0x8]  }
0x47: {  	[spmem:s28] =	stream.linear.scatter [tilespmem:s11], [sflag:$0xA], $0x1800, $0x38;
	[tilespmem:$0x1F180] =	vst v63  }
0x48: {  	s6 =	rddreg [dreg:$0x9]  }
0x49: {  	[spmem:s6] =	stream.linear.scatter [tilespmem:s11], [sflag:$0xA], $0x1800, $0x38;
	[tilespmem:$0x1F180] =	vst v63  }
0x4a: {  	s28 =	rddreg [dreg:$0xa]  }
0x4b: {  	[spmem:s28] =	stream.linear.scatter [tilespmem:s11], [sflag:$0xA], $0x1800, $0x38;
	[tilespmem:$0x1F180] =	vst v63  }
0x4c: {  	s6 =	rddreg [dreg:$0xb]  }
0x4d: {  	[spmem:s6] =	stream.linear.scatter [tilespmem:s11], [sflag:$0xA], $0x1800, $0x38;
	[tilespmem:$0x1F180] =	vst v63  }
0x4e: {  	s28 =	rddreg [dreg:$0xc]  }
0x4f: {  	[spmem:s28] =	stream.linear.scatter [tilespmem:s11], [sflag:$0xA], $0x1800, $0x38;
	[tilespmem:$0x1F180] =	vst v63  }
0x50: {  	s6 =	rddreg [dreg:$0xd]  }
0x51: {  	[spmem:s6] =	stream.linear.scatter [tilespmem:s11], [sflag:$0xA], $0x1800, $0x38;
	[tilespmem:$0x1F180] =	vst v63  }
0x52: {  	s28 =	rddreg [dreg:$0xe]  }
0x53: {  	[spmem:s28] =	stream.linear.scatter [tilespmem:s11], [sflag:$0xA], $0x1800, $0x38;
	[tilespmem:$0x1F180] =	vst v63  }
0x54: {  	s6 =	rddreg [dreg:$0xf]  }
0x55: {  	[spmem:s6] =	stream.linear.scatter [tilespmem:s11], [sflag:$0xA], $0x1800, $0x38;
	[tilespmem:$0x1F180] =	vst v63  }
0x56: {  	s28 =	rddreg [dreg:$0x11]  }
0x57: {  	[spmem:s28] =	stream.linear.scatter [tilespmem:s11], [sflag:$0xA], $0x1800, $0x38;
	[tilespmem:$0x1F180] =	vst v63  }
0x58: {  	s6 =	rddreg [dreg:$0x14]  }
0x59: {  	[spmem:s6] =	stream.linear.scatter [tilespmem:s11], [sflag:$0xA], $0x1800, $0x38;
	[tilespmem:$0x1F180] =	vst v63  }
0x5a: {  	_ =	swait.ge [sflag:s12], $0x1800  }
0x5b: {  	[sflag:s12] =	ssyncset.done $0x0  }
0x5c: {  	[sflag:s12] =	ssyncadd.s32 $0xFFFFE800  }
0x5d: {  	_ =	swait.ge [sflag:s12], $0x1800  }
0x5e: {  	[sflag:s12] =	ssyncset.done $0x0  }
0x5f: {  	[sflag:s12] =	ssyncadd.s32 $0xFFFFE800  }
0x60: {  	_ =	swait.ge [sflag:s12], $0x1800  }
0x61: {  	[sflag:s12] =	ssyncset.done $0x0  }
0x62: {  	[sflag:s12] =	ssyncadd.s32 $0xFFFFE800  }
0x63: {  	_ =	swait.ge [sflag:s12], $0x1800  }
0x64: {  	[sflag:s12] =	ssyncset.done $0x0  }
0x65: {  	[sflag:s12] =	ssyncadd.s32 $0xFFFFE800  }
0x66: {  	_ =	swait.ge [sflag:s12], $0x1800  }
0x67: {  	[sflag:s12] =	ssyncset.done $0x0  }
0x68: {  	[sflag:s12] =	ssyncadd.s32 $0xFFFFE800  }
0x69: {  	_ =	swait.ge [sflag:s12], $0x1800  }
0x6a: {  	[sflag:s12] =	ssyncset.done $0x0  }
0x6b: {  	[sflag:s12] =	ssyncadd.s32 $0xFFFFE800  }
0x6c: {  	_ =	swait.ge [sflag:s12], $0x1800  }
0x6d: {  	[sflag:s12] =	ssyncset.done $0x0  }
0x6e: {  	[sflag:s12] =	ssyncadd.s32 $0xFFFFE800  }
0x6f: {  	_ =	swait.ge [sflag:s12], $0x1800  }
0x70: {  	[sflag:s12] =	ssyncset.done $0x0  }
0x71: {  	[sflag:s12] =	ssyncadd.s32 $0xFFFFE800  }
0x72: {  	_ =	swait.ge [sflag:s12], $0x1800  }
0x73: {  	[sflag:s12] =	ssyncset.done $0x0  }
0x74: {  	[sflag:s12] =	ssyncadd.s32 $0xFFFFE800  }
0x75: {  	_ =	swait.ge [sflag:s12], $0x1800  }
0x76: {  	[sflag:s12] =	ssyncset.done $0x0  }
0x77: {  	[sflag:s12] =	ssyncadd.s32 $0xFFFFE800  }
0x78: {  	_ =	swait.ge [sflag:s12], $0x1800  }
0x79: {  	[sflag:s12] =	ssyncset.done $0x0  }
0x7a: {  	[sflag:s12] =	ssyncadd.s32 $0xFFFFE800  }
0x7b: {  	_ =	swait.ge [sflag:s12], $0x1800  }
0x7c: {  	[sflag:s12] =	ssyncset.done $0x0  }
0x7d: {  	[sflag:s12] =	ssyncadd.s32 $0xFFFFE800  }
0x7e: {  	_ =	swait.ge [sflag:s12], $0x1800  }
0x7f: {  	[sflag:s12] =	ssyncset.done $0x0  }
0x80: {  	s5 =	simm.s32 @!p0 $0xA100;
	[sflag:s12] =	ssyncadd.s32 $0xFFFFE800  }
0x81: {  	[spmem:s31] =	stream.linear.scatter @!p0 [tilespmem:s5], [sflag:$0xA], $0x800, $0x38;
	[tilespmem:$0x1F180] =	vst v63  }
0x82: {  	s5 =	simm.s32 @!p0 $0xA  }
0x83: {  	_ =	swait.ge @!p0 [sflag:s5], $0x800  }
0x84: {  	[sflag:s5] =	ssyncset.done @!p0 $0x0  }
0x85: {  	[sflag:s5] =	ssyncadd.s32 @!p0 $0xFFFFF800  }
0x86: {  	[bflag:$0x0] =	sbarrier.arrive $0xFFFF  }
0x87: {  	_ =	swait.ge [sflag:s13], $0x2800  }
0x88: {  	[sflag:s13] =	ssyncset.done $0x0  }
0x89: {  	s5 =	simm.s32 $0x0;
	s28 =	rddreg [dreg:$0x16];
	[sflag:s13] =	ssyncadd.s32 $0xFFFFD800  }
0x8a: {  	[tilespmem:s14], [sflag:$0x9] =	stream.linear.gather [hbm4b:s28+s5], $0x50, $0x38;
	[tilespmem:$0x1F180] =	vst v63  }
0x8b: {  	s28 =	simm.s32 $0xA0  }
0x8c: {  	[tilespmem:s15], [sflag:$0x3] =	stream.indirect.gather [hbm4b:s4+s7], $0x80, s28, s7, $0xb8;
	[tilespmem:$0x1F180] =	vst v63  }
0x8d: {  	_ =	swait.ge [sflag:s16], $0x50  }
0x8e: {  	[sflag:s16] =	ssyncset.done $0x0  }
0x8f: {  	[sflag:s16] =	ssyncadd.s32 $0xFFFFFFB0  }
0x90: {  	[spmem:s1] =	stream.indirect.scatter.add.f32 [tilespmem:s8], [sflag:$0x4], $0x80, s2, s7, $0xb8;
	[tilespmem:$0x1F180] =	vst v63  }
0x91: {  	_ =	swait.ge [sflag:s17], $0x2800  }
0x92: {  	[sflag:s17] =	ssyncset.done $0x0  }
0x93: {  	[sflag:s17] =	ssyncadd.s32 $0xFFFFD800  }
0x94: {  	_ =	swait.ge [sflag:s18], $0x2800  }
0x95: {  	[sflag:s18] =	ssyncset.done $0x0  }
0x96: {  	s28 =	rddreg [dreg:$0x17];
	[sflag:s18] =	ssyncadd.s32 $0xFFFFD800  }
0x97: {  	[tilespmem:s2], [sflag:$0x7] =	stream.linear.gather [hbm4b:s28+s5], $0x50, $0x38;
	[tilespmem:$0x1F180] =	vst v63  }
0x98: {  	s28 =	simm.s32 $0xF0  }
0x99: {  	[tilespmem:s8], [sflag:$0x1] =	stream.indirect.gather [hbm4b:s4+s7], $0x80, s28, s7, $0xb8;
	[tilespmem:$0x1F180] =	vst v63  }
0x9a: {  	_ =	swait.ge [sflag:s19], $0x50  }
0x9b: {  	[sflag:s19] =	ssyncset.done $0x0  }
0x9c: {  	[sflag:s19] =	ssyncadd.s32 $0xFFFFFFB0  }
0x9d: {  	[spmem:s1] =	stream.indirect.scatter.add.f32 [tilespmem:s10], [sflag:$0x5], $0x80, s9, s7, $0xb8;
	[tilespmem:$0x1F180] =	vst v63  }
0x9e: {  	_ =	swait.ge [sflag:s23], $0x2800  }
0x9f: {  	[sflag:s23] =	ssyncset.done $0x0  }
0xa0: {  	[sflag:s23] =	ssyncadd.s32 $0xFFFFD800  }
0xa1: {  	_ =	swait.ge [sflag:s24], $0x2800  }
0xa2: {  	[sflag:s24] =	ssyncset.done $0x0  }
0xa3: {  	s28 =	rddreg [dreg:$0x18];
	[sflag:s24] =	ssyncadd.s32 $0xFFFFD800  }
0xa4: {  	[tilespmem:s9], [sflag:$0x8] =	stream.linear.gather [hbm4b:s28+s5], $0x50, $0x38;
	[tilespmem:$0x1F180] =	vst v63  }
0xa5: {  	s28 =	simm.s32 $0x140  }
0xa6: {  	[tilespmem:s10], [sflag:$0x2] =	stream.indirect.gather [hbm4b:s4+s7], $0x80, s28, s7, $0xb8;
	[tilespmem:$0x1F180] =	vst v63  }
0xa7: {  	_ =	swait.ge [sflag:s25], $0x50  }
0xa8: {  	[sflag:s25] =	ssyncset.done $0x0  }
0xa9: {  	[sflag:s25] =	ssyncadd.s32 $0xFFFFFFB0  }
0xaa: {  	[spmem:s1] =	stream.indirect.scatter.add.f32 [tilespmem:s15], [sflag:$0x6], $0x80, s14, s7, $0xb8;
	[tilespmem:$0x1F180] =	vst v63  }
0xab: {  	_ =	swait.ge [sflag:s13], $0x2800  }
0xac: {  	[sflag:s13] =	ssyncset.done $0x0  }
0xad: {  	[sflag:s13] =	ssyncadd.s32 $0xFFFFD800  }
0xae: {  	_ =	swait.ge [sflag:s26], $0x2800  }
0xaf: {  	[sflag:s26] =	ssyncset.done $0x0  }
0xb0: {  	s28 =	sadd.s32 $0x0, s22;
	[sflag:s26] =	ssyncadd.s32 $0xFFFFD800  }
0xb1: {  	[tilespmem:s14], [sflag:$0x9] =	stream.linear.gather [hbm4b:s28+s3], $0x50, $0x38;
	[tilespmem:$0x1F180] =	vst v63  }
0xb2: {  	s28 =	simm.s32 $0x190  }
0xb3: {  	[tilespmem:s15], [sflag:$0x3] =	stream.indirect.gather [hbm4b:s4+s7], $0x80, s28, s7, $0xb8;
	[tilespmem:$0x1F180] =	vst v63  }
0xb4: {  	_ =	swait.ge [sflag:s16], $0x50  }
0xb5: {  	[sflag:s16] =	ssyncset.done $0x0  }
0xb6: {  	[sflag:s16] =	ssyncadd.s32 $0xFFFFFFB0  }
0xb7: {  	[spmem:s1] =	stream.indirect.scatter.add.f32 [tilespmem:s8], [sflag:$0x4], $0x80, s2, s7, $0xb8;
	[tilespmem:$0x1F180] =	vst v63  }
0xb8: {  	_ =	swait.ge [sflag:s17], $0x2800  }
0xb9: {  	[sflag:s17] =	ssyncset.done $0x0  }
0xba: {  	[sflag:s17] =	ssyncadd.s32 $0xFFFFD800  }
0xbb: {  	_ =	swait.ge [sflag:s18], $0x2800  }
0xbc: {  	[sflag:s18] =	ssyncset.done $0x0  }
0xbd: {  	s28 =	sadd.s32 $0x0, s21;
	[sflag:s18] =	ssyncadd.s32 $0xFFFFD800  }
0xbe: {  	[tilespmem:s2], [sflag:$0x7] =	stream.linear.gather [hbm4b:s28+s3], $0x50, $0x38;
	[tilespmem:$0x1F180] =	vst v63  }
0xbf: {  	s28 =	simm.s32 $0x1E0  }
0xc0: {  	[tilespmem:s8], [sflag:$0x1] =	stream.indirect.gather [hbm4b:s4+s7], $0x80, s28, s7, $0xb8;
	[tilespmem:$0x1F180] =	vst v63  }
0xc1: {  	_ =	swait.ge [sflag:s19], $0x50  }
0xc2: {  	[sflag:s19] =	ssyncset.done $0x0  }
0xc3: {  	[sflag:s19] =	ssyncadd.s32 $0xFFFFFFB0  }
0xc4: {  	[spmem:s1] =	stream.indirect.scatter.add.f32 [tilespmem:s10], [sflag:$0x5], $0x80, s9, s7, $0xb8;
	[tilespmem:$0x1F180] =	vst v63  }
0xc5: {  	_ =	swait.ge [sflag:s23], $0x2800  }
0xc6: {  	[sflag:s23] =	ssyncset.done $0x0  }
0xc7: {  	[sflag:s23] =	ssyncadd.s32 $0xFFFFD800  }
0xc8: {  	_ =	swait.ge [sflag:s24], $0x2800  }
0xc9: {  	[sflag:s24] =	ssyncset.done $0x0  }
0xca: {  	s28 =	sadd.s32 $0x0, s20;
	[sflag:s24] =	ssyncadd.s32 $0xFFFFD800  }
0xcb: {  	[tilespmem:s9], [sflag:$0x8] =	stream.linear.gather [hbm4b:s28+s3], $0x50, $0x38;
	[tilespmem:$0x1F180] =	vst v63  }
0xcc: {  	s28 =	simm.s32 $0x230  }
0xcd: {  	[tilespmem:s10], [sflag:$0x2] =	stream.indirect.gather [hbm4b:s4+s7], $0x80, s28, s7, $0xb8;
	[tilespmem:$0x1F180] =	vst v63  }
0xce: {  	_ =	swait.ge [sflag:s25], $0x50  }
0xcf: {  	s30 =	simm.s32 $0x1E;
	[sflag:s25] =	ssyncset.done $0x0  }
0xd0: {  	s6 =	smov.u32 s31;
	s31 =	simm.s32 $0x320;
	[sflag:s25] =	ssyncadd.s32 $0xFFFFFFB0  }
.LBB2_4:
0xd1: {  	[spmem:s1] =	stream.indirect.scatter.add.f32 [tilespmem:s15], [sflag:$0x6], $0x80, s14, s7, $0xb8;
	[tilespmem:$0x1F180] =	vst v63  }
0xd2: {  	s5 =	smov.u32 s30  }
0xd3: {  	p1 =	sne.s32 s30, $0x492;
	s30 =	sadd.s32 $0x1E, s30;
	_ =	swait.ge [sflag:s13], $0x2800  }
0xd4: {  	[sflag:s13] =	ssyncset.done $0x0  }
0xd5: {  	[sflag:s13] =	ssyncadd.s32 $0xFFFFD800  }
0xd6: {  	_ =	swait.ge [sflag:s26], $0x2800  }
0xd7: {  	[sflag:s26] =	ssyncset.done $0x0  }
0xd8: {  	s28 =	sadd.s32 s5, s22;
	[sflag:s26] =	ssyncadd.s32 $0xFFFFD800  }
0xd9: {  	[tilespmem:s14], [sflag:$0x9] =	stream.linear.gather [hbm4b:s28+s3], $0x50, $0x38;
	[tilespmem:$0x1F180] =	vst v63  }
0xda: {  	s28 =	sadd.s32 $0xFFFFFF60, s31  }
0xdb: {  	[tilespmem:s15], [sflag:$0x3] =	stream.indirect.gather [hbm4b:s4+s7], $0x80, s28, s7, $0xb8;
	[tilespmem:$0x1F180] =	vst v63  }
0xdc: {  	_ =	swait.ge [sflag:s16], $0x50  }
0xdd: {  	[sflag:s16] =	ssyncset.done $0x0  }
0xde: {  	[sflag:s16] =	ssyncadd.s32 $0xFFFFFFB0  }
0xdf: {  	[spmem:s1] =	stream.indirect.scatter.add.f32 [tilespmem:s8], [sflag:$0x4], $0x80, s2, s7, $0xb8;
	[tilespmem:$0x1F180] =	vst v63  }
0xe0: {  	_ =	swait.ge [sflag:s17], $0x2800  }
0xe1: {  	[sflag:s17] =	ssyncset.done $0x0  }
0xe2: {  	[sflag:s17] =	ssyncadd.s32 $0xFFFFD800  }
0xe3: {  	_ =	swait.ge [sflag:s18], $0x2800  }
0xe4: {  	[sflag:s18] =	ssyncset.done $0x0  }
0xe5: {  	s28 =	sadd.s32 s5, s21;
	[sflag:s18] =	ssyncadd.s32 $0xFFFFD800  }
0xe6: {  	[tilespmem:s2], [sflag:$0x7] =	stream.linear.gather [hbm4b:s28+s3], $0x50, $0x38;
	[tilespmem:$0x1F180] =	vst v63  }
0xe7: {  	s28 =	sadd.s32 $0xFFFFFFB0, s31  }
0xe8: {  	[tilespmem:s8], [sflag:$0x1] =	stream.indirect.gather [hbm4b:s4+s7], $0x80, s28, s7, $0xb8;
	[tilespmem:$0x1F180] =	vst v63  }
0xe9: {  	_ =	swait.ge [sflag:s19], $0x50  }
0xea: {  	[sflag:s19] =	ssyncset.done $0x0  }
0xeb: {  	[sflag:s19] =	ssyncadd.s32 $0xFFFFFFB0  }
0xec: {  	[spmem:s1] =	stream.indirect.scatter.add.f32 [tilespmem:s10], [sflag:$0x5], $0x80, s9, s7, $0xb8;
	[tilespmem:$0x1F180] =	vst v63  }
0xed: {  	_ =	swait.ge [sflag:s23], $0x2800  }
0xee: {  	[sflag:s23] =	ssyncset.done $0x0  }
0xef: {  	[sflag:s23] =	ssyncadd.s32 $0xFFFFD800  }
0xf0: {  	_ =	swait.ge [sflag:s24], $0x2800  }
0xf1: {  	[sflag:s24] =	ssyncset.done $0x0  }
0xf2: {  	s5 =	sadd.s32 s5, s20;
	[sflag:s24] =	ssyncadd.s32 $0xFFFFD800  }
0xf3: {  	[tilespmem:s9], [sflag:$0x8] =	stream.linear.gather [hbm4b:s5+s3], $0x50, $0x38;
	[tilespmem:$0x1F180] =	vst v63  }
.Ltmp1:
0xf4: {  	(pc) =	sbr.rel @p1 .LBB2_4-.Ltmp1, $4  }
0xf5: {  	[tilespmem:s10], [sflag:$0x2] =	stream.indirect.gather [hbm4b:s4+s7], $0x80, s31, s7, $0xb8;
	[tilespmem:$0x1F180] =	vst v63  }
0xf6: {  	_ =	swait.ge [sflag:s25], $0x50  }
0xf7: {  	[sflag:s25] =	ssyncset.done $0x0  }
0xf8: {  	s31 =	sadd.s32 $0xF0, s31;
	[sflag:s25] =	ssyncadd.s32 $0xFFFFFFB0  }
0xf9: {  	[spmem:s1] =	stream.indirect.scatter.add.f32 [tilespmem:s15], [sflag:$0x6], $0x80, s14, s7, $0xb8;
	[tilespmem:$0x1F180] =	vst v63  }
0xfa: {  	_ =	swait.ge [sflag:s13], $0x2800  }
0xfb: {  	[sflag:s13] =	ssyncset.done $0x0  }
0xfc: {  	[sflag:s13] =	ssyncadd.s32 $0xFFFFD800  }
0xfd: {  	_ =	swait.ge [sflag:s16], $0x50  }
0xfe: {  	[sflag:s16] =	ssyncset.done $0x0  }
0xff: {  	[sflag:s16] =	ssyncadd.s32 $0xFFFFFFB0  }
0x100: {  	[spmem:s1] =	stream.indirect.scatter.add.f32 [tilespmem:s8], [sflag:$0x4], $0x80, s2, s7, $0xb8;
	[tilespmem:$0x1F180] =	vst v63  }
0x101: {  	_ =	swait.ge [sflag:s17], $0x2800  }
0x102: {  	[sflag:s17] =	ssyncset.done $0x0  }
0x103: {  	[sflag:s17] =	ssyncadd.s32 $0xFFFFD800  }
0x104: {  	_ =	swait.ge [sflag:s19], $0x50  }
0x105: {  	[sflag:s19] =	ssyncset.done $0x0  }
0x106: {  	[sflag:s19] =	ssyncadd.s32 $0xFFFFFFB0  }
0x107: {  	[spmem:s1] =	stream.indirect.scatter.add.f32 [tilespmem:s10], [sflag:$0x5], $0x80, s9, s7, $0xb8;
	[tilespmem:$0x1F180] =	vst v63  }
0x108: {  	_ =	swait.ge [sflag:s18], $0x2800  }
0x109: {  	[sflag:s18] =	ssyncset.done $0x0  }
0x10a: {  	[sflag:s18] =	ssyncadd.s32 $0xFFFFD800  }
0x10b: {  	_ =	swait.ge [sflag:s24], $0x2800  }
0x10c: {  	[sflag:s24] =	ssyncset.done $0x0  }
0x10d: {  	[sflag:s24] =	ssyncadd.s32 $0xFFFFD800  }
0x10e: {  	_ =	swait.ge [sflag:s26], $0x2800  }
0x10f: {  	[sflag:s26] =	ssyncset.done $0x0  }
0x110: {  	[sflag:s26] =	ssyncadd.s32 $0xFFFFD800  }
0x111: {  	s5 =	stileid.u32;
	[bflag:$0x0] =	sbarrier.arrive $0xFFFF  }
0x112: {  	s5 =	sshll.u32 s5, $0x6;
	s28 =	rddreg [dreg:$0x15]  }
0x113: {  	s5 =	sor.u32 $0x1C0B, s5;
	s30 =	rddreg [dreg:$0x10];
	s28 =	sshrl.u32 s28, $0x3  }
0x114: {  	[hbm:s30], [sflag:s5] =	dma.local [spmem:s28], $0x2700  }
0x115: {  	_ =	swait.ge [sflag:s0], $0x2700  }
0x116: {  	[sflag:s0] =	ssyncset.done $0x0  }
0x117: {  	s28 =	sshrl.u32 @!p0 s6, $0x3;
	s30 =	rddreg [dreg:$0x12];
	[sflag:s0] =	ssyncadd.s32 $0xFFFFD900  }
0x118: {  	[hbm:s30], [sflag:s5] =	dma.local @!p0 [spmem:s28], $0x100  }
0x119: {  	s5 =	simm.s32 @!p0 $0xB  }
0x11a: {  	_ =	swait.ge @!p0 [sflag:s5], $0x100  }
0x11b: {  	s29 =	sadd.s32 $0x1, s29;
	s30 =	rddreg [dreg:$0x13]  }
0x11c: {  	p1 =	sne.s32 s29, s30  }
.Ltmp2:
0x11d: {  	_ = 	snop;
	(pc) =	sbr.rel @p1 .LBB2_1-.Ltmp2, $3  }
0x11e: {  	_ =	sdelay $0x1  }
0x11f: {  	[sflag:s5] =	ssyncset.done @!p0 $0x0  }
0x120: {  	s31 =	smov.u32 s6;
	[sflag:s5] =	ssyncadd.s32 @!p0 $0xFFFFFF00  }
0x121: {  	_ =	sfence.sel $0x180000  }
0x122: {  	[bflag:$0x0] =	sbarrier.arrive $0xFFFF  }
0x123: {  	_ =	strace $0x9000004D  }
0x124: {  	[bflag:$0x2] =	sbarrier.arrive $0xFFFF  }
0x125: {  	s0 =	rddreg [dreg:$0x2]  }
0x126: {  	s0 =	sadd.s32 @!p0 $0x100000, s0  }
0x127: {  	[sflag:s0] =	ssyncadd.tile.s32 @!p0 $0x1;
	_ =	shalt  }
.Lfunc_end2:
_tile_overlayer_lowered:
.L_overlay_start_2:
0x128: {  	(tag) =	ssettag $0x2  }
0x129: {  	s0 =	rddreg [dreg:$0x0];
	s2 =	stileid.u32  }
0x12a: {  	s1 =	rddreg [dreg:$0x1];
	p0 =	sne.s32 s2, $0x0  }
0x12b: {  	s3 =	rddreg [dreg:$0x2];
	[bflag:$0x3] =	sbarrier.arrive $0xFFFF;
	s2 =	simm.s32 @!p0 $0x1C0B  }
0x12c: {  	[timem:s3], [sflag:s2] =	dma.local @!p0 [hbm:s0], s1  }
0x12d: {  	s0 =	simm.s32 @!p0 $0xB  }
0x12e: {  	_ =	swait.ge @!p0 [sflag:s0], s1  }
0x12f: {  	s1 =	ssub.s32 @!p0 $0x0, s1;
	[sflag:s0] =	ssyncset.done @!p0 $0x0  }
0x130: {  	[sflag:s0] =	ssyncadd.s32 @!p0 s1  }
0x131: {  	[bflag:$0x3] =	sbarrier.arrive $0xFFFF  }
0x132: {  	_ =	shalt  }

// kernel: kernel.20.cloned.1.call-start
scs
__scs_entry_jumppad:
0x0: {  	(pc) =	sbr.rel $0x88, $3  }
0x1: {  	(tag) =	ssettag $0x0;
	lr =	simm.s32 $0x1  }
0x2: {  	[smem:$0x3F93] =	sst lr;
	_ =	strace $0xD0000000  }
0x3: {  	_ = 	snop  }
0x4: {  	_ = 	snop  }
0x5: {  	_ = 	snop  }
0x6: {  	_ = 	snop  }
0x7: {  	_ = 	snop  }
__scs_overlays_trampoline_lowered:
0x8: {  	[smem:$0x3FA2] =	sst s0  }
0x9: {  	[smem:$0x3FA3] =	sst s1  }
0xa: {  	[smem:$0x3FA4] =	sst s2  }
0xb: {  	[smem:$0x3FA5] =	sst s3  }
0xc: {  	[smem:$0x3FA6] =	sst s4  }
0xd: {  	[smem:$0x3FA7] =	sst s5  }
0xe: {  	[smem:$0x3FA8] =	sst s6  }
0xf: {  	[smem:$0x3FA9] =	sst s7  }
0x10: {  	[smem:$0x3FAA] =	sst s8  }
0x11: {  	[smem:$0x3FAB] =	sst s9;
	s0 =	simm.s32 @!p0 $0x0  }
0x12: {  	s1 =	sld [smem:$0x3F91];
	s0 =	simm.s32 @p0 $0x1  }
0x13: {  	[smem:$0x3FAC] =	sst s0;
	s0 =	simm.s32 @!p1 $0x0  }
0x14: {  	s2 =	sld [smem:$0x3F90];
	s0 =	simm.s32 @p1 $0x1  }
0x15: {  	[smem:$0x3FAD] =	sst s0;
	s0 =	simm.s32 @!p2 $0x0  }
0x16: {  	s3 =	sld [smem:$0x3FDB];
	s0 =	simm.s32 @p2 $0x1  }
0x17: {  	s4 =	simm.s32 $0x1BF5;
	[smem:$0x3FAF] =	sst s0  }
0x18: {  	s0 =	sld [smem:$0x3F92];
	_ =	swait.ge [sflag:s4], $0x0  }
0x19: {  	s7 =	sld [smem:$0x3F93]  }
0x1a: {  	s8 =	sadd.s32 $0xFFFFE003, lr  }
0x1b: {  	s9 =	sadd.s32 $0xFFFFFEF7, lr;
	s5 =	simm.s32 $0xFFFFFFFF;
	p2 =	slt.u32 s8, $0xFFFFF086  }
0x1c: {  	p1 =	slt.u32 s9, $0xF7A;
	s5 =	simm.s32 @!p2 $0x0  }
0x1d: {  	s5 =	simm.s32 @p1 $0x1;
	p0 =	seq.s32 s7, s2  }
0x1e: {  	s7 =	smul.u32 @!p0 $0xF7A, s2;
	p2 =	seq.s32 @!p0 s5, $0x0  }
0x1f: {  	s9 =	smul.u32 $0xF7A, s1;
	s8 =	simm.s32 @!p0 $0x1BF5;
	p2 =	por !p2, p0  }
0x20: {  	[sflag:s8] =	ssyncset.s32 @!p0 $0xFFFFF086;
	s6 =	sadd.s32 @!p0 s3, s7;
	s7 =	simm.s32 @!p0 $0x108  }
0x21: {  	s3 =	sadd.s32 s3, s9;
	s6 =	sadd.s32 @!p0 $0x88, s6;
	s7 =	simm.s32 @p2 $0x1082  }
0x22: {  	[simem:s7], [sflag:s8] =	dma.local @!p0 [hbm:s6], $0xF7A  }
0x23: {  	s9 =	sor.u32 $0xD0000000, s2;
	s6 =	simm.s32 $0x108;
	_ =	swait.ge @!p0 [sflag:s8], $0x0  }
0x24: {  	s3 =	sadd.s32 $0x88, s3;
	s6 =	simm.s32 @!p1 $0x1082;
	[sflag:s4] =	ssyncset.s32 $0xFFFFF086  }
0x25: {  	[simem:s6], [sflag:s4] =	dma.local [hbm:s3], $0xF7A  }
0x26: {  	[smem:$0x3F93] =	sst s1;
	(tag) =	ssettag s2;
	_ =	strace s9  }
0x27: {  	s1 =	sld [smem:$0x3FA3]  }
0x28: {  	s2 =	sld [smem:$0x3FA4]  }
0x29: {  	s4 =	sld [smem:$0x3FA6]  }
0x2a: {  	p0 =	seq.s32 s5, $0x0;
	s5 =	sld [smem:$0x3FA7]  }
0x2b: {  	s6 =	sld [smem:$0x3FA8]  }
0x2c: {  	s7 =	sld [smem:$0x3FA9]  }
0x2d: {  	s3 =	simm.s32 $0x108;
	s8 =	sld [smem:$0x3FAA]  }
0x2e: {  	s3 =	simm.s32 @!p0 $0x1082;
	s9 =	sld [smem:$0x3FAB]  }
0x2f: {  	lr =	sadd.s32 s0, s3;
	s0 =	sld [smem:$0x3FA2]  }
0x30: {  	s3 =	sld [smem:$0x3FA5]  }
0x31: {  	[smem:$0x3FAE] =	sst s10  }
0x32: {  	s10 =	sld [smem:$0x3FAC];
	_ =	sdelay $0x3  }
0x33: {  	p0 =	seq.s32 s10, $0x1;
	s10 =	sld [smem:$0x3FAE];
	_ =	sdelay $0x3  }
0x34: {  	[smem:$0x3FAE] =	sst s10  }
0x35: {  	s10 =	sld [smem:$0x3FAD];
	_ =	sdelay $0x3  }
0x36: {  	p1 =	seq.s32 s10, $0x1;
	s10 =	sld [smem:$0x3FAE];
	_ =	sdelay $0x3  }
0x37: {  	[smem:$0x3FAE] =	sst s10  }
0x38: {  	s10 =	sld [smem:$0x3FAF]  }
0x39: {  	_ = 	snop;
	(pc) =	sbr.ind lr, $3  }
0x3a: {  	_ = 	snop  }
0x3b: {  	_ = 	snop  }
0x3c: {  	p2 =	seq.s32 s10, $0x1;
	s10 =	sld [smem:$0x3FAE]  }
0x3d: {  	_ =	shalt  }
0x3e: {  	_ =	shalt  }
0x3f: {  	_ =	shalt  }
0x40: {  	_ =	shalt  }
0x41: {  	_ =	shalt  }
0x42: {  	_ =	shalt  }
0x43: {  	_ =	shalt  }
0x44: {  	_ =	shalt  }
0x45: {  	_ =	shalt  }
0x46: {  	_ =	shalt  }
0x47: {  	_ =	shalt  }
0x48: {  	_ =	shalt  }
0x49: {  	_ =	shalt  }
0x4a: {  	_ =	shalt  }
0x4b: {  	_ =	shalt  }
0x4c: {  	_ =	shalt  }
0x4d: {  	_ =	shalt  }
0x4e: {  	_ =	shalt  }
0x4f: {  	_ =	shalt  }
0x50: {  	_ =	shalt  }
0x51: {  	_ =	shalt  }
0x52: {  	_ =	shalt  }
0x53: {  	_ =	shalt  }
0x54: {  	_ =	shalt  }
0x55: {  	_ =	shalt  }
0x56: {  	_ =	shalt  }
0x57: {  	_ =	shalt  }
0x58: {  	_ =	shalt  }
0x59: {  	_ =	shalt  }
0x5a: {  	_ =	shalt  }
0x5b: {  	_ =	shalt  }
0x5c: {  	_ =	shalt  }
0x5d: {  	_ =	shalt  }
0x5e: {  	_ =	shalt  }
0x5f: {  	_ =	shalt  }
0x60: {  	_ =	shalt  }
0x61: {  	_ =	shalt  }
0x62: {  	_ =	shalt  }
0x63: {  	_ =	shalt  }
0x64: {  	_ =	shalt  }
0x65: {  	_ =	shalt  }
0x66: {  	_ =	shalt  }
0x67: {  	_ =	shalt  }
0x68: {  	_ =	shalt  }
0x69: {  	_ =	shalt  }
0x6a: {  	_ =	shalt  }
0x6b: {  	_ =	shalt  }
0x6c: {  	_ =	shalt  }
0x6d: {  	_ =	shalt  }
0x6e: {  	_ =	shalt  }
0x6f: {  	_ =	shalt  }
0x70: {  	_ =	shalt  }
0x71: {  	_ =	shalt  }
0x72: {  	_ =	shalt  }
0x73: {  	_ =	shalt  }
0x74: {  	_ =	shalt  }
0x75: {  	_ =	shalt  }
0x76: {  	_ =	shalt  }
0x77: {  	_ =	shalt  }
0x78: {  	_ =	shalt  }
0x79: {  	_ =	shalt  }
0x7a: {  	_ =	shalt  }
0x7b: {  	_ =	shalt  }
0x7c: {  	_ =	shalt  }
0x7d: {  	_ =	shalt  }
0x7e: {  	_ =	shalt  }
0x7f: {  	_ =	shalt  }
0x80: {  	_ =	shalt  }
0x81: {  	_ =	shalt  }
0x82: {  	_ =	shalt  }
0x83: {  	_ =	shalt  }
0x84: {  	_ =	shalt  }
0x85: {  	_ =	shalt  }
0x86: {  	_ =	shalt  }
0x87: {  	_ =	shalt  }
.Lfunc_end0:
.L_simem_size_0:
called_computation.3_lowered:
.L_overlay_start_0:
0x88: {  	s2 =	sld [smem:$0x3FD9]  }
0x89: {  	s3 =	sld [smem:$0x3FFE];
	_ =	sdelay $0x1  }
0x8a: {  	s1 =	srdreg.scid  }
0x8b: {  	s0 =	sand.u32 $0x1, s1  }
0x8c: {  	s16 =	sshll.u32 s0, $0xA;
	s2 =	sadd.s32 s3, s2  }
0x8d: {  	s2 =	sadd.s32 s2, s16  }
0x8e: {  	[smem:$0x3FBA] =	sst s2  }
0x8f: {  	_ = 	snop  }
0x90: {  	(tm) =	ssettm $0x1  }
0x91: {  	s17 =	sld [smem:$0x3FFB];
	_ =	sdelay $0x3  }
0x92: {  	_ =	strace s17  }
0x93: {  	s2 =	sld [smem:$0x3FFC];
	_ =	sdelay $0x3  }
0x94: {  	_ =	strace s2  }
0x95: {  	s2 =	sld [smem:$0x3FFD];
	_ =	sdelay $0x3  }
0x96: {  	_ =	strace s2  }
0x97: {  	_ =	strace $0x8FFFFFFF  }
0x98: {  	s18 =	sld [smem:$0x3FDB];
	_ =	sdelay $0x1  }
0x99: {  	s19 =	simm.s32 $_scs_section_size  }
0x9a: {  	s4 =	simm.s32 $_size__tile_overlayer_lowered;
	s5 =	simm.s32 $_tile_overlayer_lowered  }
0x9b: {  	s22 =	simm.s32 $0x1BFF;
	s21 =	sshll.u32 s5, $0x1;
	s2 =	sadd.s32 s19, s18  }
0x9c: {  	s6 =	simm.s32 $0x0;
	s20 =	sshll.u32 s4, $0x1;
	s4 =	sadd.s32 s21, s2  }
0x9d: {  	[timem:s6], [sflag:s22] =	dma.local [hbm:s4], s20  }
0x9e: {  	_ =	swait.ge [sflag:s22], s20  }
0x9f: {  	s3 =	ssub.s32 $0x0, s20;
	[sflag:s22] =	ssyncset.done $0x0  }
0xa0: {  	[sflag:s22] =	ssyncadd.s32 s3;
	_ =	sdelay $0x1  }
0xa1: {  	s23 =	simm.s32 $0x1B8B  }
0xa2: {  	_ =	swait.ge [sflag:s23], $0x1  }
0xa3: {  	[sflag:s23] =	ssyncset.done $0x0  }
0xa4: {  	s25 =	simm.s32 $0x1B8E;
	s24 =	sld [smem:$0x3FFE];
	[sflag:s23] =	ssyncadd.s32 $0xFFFFFFFF  }
0xa5: {  	s26 =	simm.s32 $execute0_lowered;
	[smem:$0x3FD2] =	sst s25  }
0xa6: {  	s4 =	sshll.u32 s26, $0x1;
	_ =	strace $0x8000004F;
	[dreg:$0x1] =	wrdreg $0xFFFFFFFF  }
0xa7: {  	s28 =	simm.s32 $_size_execute0_lowered;
	s2 =	sadd.s32 s2, s4;
	[dreg:$0x0] =	wrdreg $0x0  }
0xa8: {  	s4 =	sshll.u32 s28, $0x1;
	[dreg:$0x2] =	wrdreg s2  }
0xa9: {  	[dreg:$0x3] =	wrdreg s4  }
0xaa: {  	[dreg:$0x4] =	wrdreg $0xC0  }
0xab: {  	_ =	task [dreg:s6], $0x5FFFF  }
0xac: {  	[dreg:$0x1] =	wrdreg $0xFFFFFFFF  }
0xad: {  	[dreg:$0x0] =	wrdreg $0x60  }
0xae: {  	[dreg:$0x2] =	wrdreg s24  }
0xaf: {  	[dreg:$0x3] =	wrdreg $0xB9000  }
0xb0: {  	[dreg:$0x4] =	wrdreg $0x9  }
0xb1: {  	_ =	task.clear_ibuf [dreg:s6], $0x5FFFF;
	_ =	strace $0x9000004F  }
0xb2: {  	s29 =	simm.s32 $0x9;
	_ =	strace $0x80000051  }
0xb3: {  	_ =	swait.ge [sflag:s29], $0x1  }
0xb4: {  	[sflag:s29] =	ssyncadd.s32 $0xFFFFFFFF  }
0xb5: {  	_ =	strace $0x90000051  }
0xb6: {  	_ =	sfence  }
0xb7: {  	s30 =	sld [smem:$0x0];
	_ =	sdelay $0x2  }
0xb8: {  	s31 =	sshll.u32 s1, $0xD;
	s1 =	sshrl.u32 s1, $0x2  }
0xb9: {  	s3 =	sand.u32 $0x4000, s31;
	s1 =	sadd.s32 s1, s30  }
0xba: {  	s0 =	sor.u32 s3, s0;
	s1 =	sshll.u32 s1, $0x11  }
0xbb: {  	s0 =	sor.u32 s1, s0  }
0xbc: {  	s0 =	sadd.s32 $0x8F2B, s0  }
0xbd: {  	[sflag:s0] =	ssyncadd.remote.s32 $0x1  }
0xbe: {  	_ =	sfence.sel $0xFFFF  }
0xbf: {  	[dreg:$0x0] =	wrdreg $0xFFFFFFFF;
	(pc) =	sbr.abs _section_cstart, $3  }
0xc0: {  	[dreg:$0x1] =	wrdreg $0xFFFFFFFF  }
0xc1: {  	_ =	task.clear_ibuf [dreg:s6], $0x2FFFF;
	_ =	strace $0x9FFFFFFF  }
0xc2: {  	(tm) =	ssettm $0x7FFFFFFF  }
0xc3: {  	_ =	shalt  }
tec
execute0_lowered:
.L_overlay_start_1:
0x0: {  	(tag) =	ssettag $0x1  }
0x1: {  	s0 =	srdreg.scid  }
0x2: {  	s2 =	rddreg [dreg:$0x0];
	s11 =	stileid.u32  }
0x3: {  	s1 =	rddreg [dreg:$0x1];
	s3 =	simm.s32 $0x0;
	s6 =	smul.u32 $0x4E000, s11  }
0x4: {  	s29 =	simm.s32 $0x0;
	s0 =	sand.u32 $0x1, s0;
	s28 =	smul.u32 $0x13800, s11  }
0x5: {  	[smem:$0x7FF] =	sst s3;
	s8 =	sadd.s32 $0xD200, s2;
	s15 =	smul.u32 $0x2710, s11  }
0x6: {  	p0 =	sne.s32 s11, $0x0;
	s31 =	sadd.s32 $0x138000, s1;
	s4 =	sshll.u32 s0, $0x4  }
0x7: {  	_ =	strace $0x80000050;
	s9 =	ssub.s32 $0x2, s0;
	s24 =	smul.u32 $0x138800, s0  }
0x8: {  	s0 =	smul.u32 $0x27100, s0;
	s4 =	sor.u32 s11, s4;
	s6 =	sshrl.u32 s6, $0x2  }
0x9: {  	s10 =	sshrl.u32 s9, $0x1;
	s11 =	simm.s32 $0xA100;
	s6 =	sadd.s32 s6, s1  }
0xa: {  	s5 =	smul.u32 $0x2710, s4;
	s21 =	sadd.s32 $0x1800, s6;
	[dreg:$0x15] =	wrdreg s6  }
0xb: {  	s4 =	sadd.s32 $0x17000, s2;
	s22 =	sadd.s32 $0x3000, s6;
	[dreg:$0x6] =	wrdreg s21  }
0xc: {  	s9 =	ssub.s32 s9, s10;
	s23 =	sadd.s32 $0x4800, s6;
	[dreg:$0x7] =	wrdreg s22  }
0xd: {  	s0 =	sadd.s32 s15, s0;
	s25 =	sadd.s32 $0x6000, s6;
	[dreg:$0x8] =	wrdreg s23  }
0xe: {  	s10 =	simm.s32 $0x5100;
	s26 =	sadd.s32 $0x7800, s6;
	[dreg:$0x9] =	wrdreg s25  }
0xf: {  	s15 =	simm.s32 $0x7900;
	s30 =	sadd.s32 $0x9000, s6;
	[dreg:$0xa] =	wrdreg s26  }
0x10: {  	s13 =	sadd.s32 $0xA800, s6;
	s14 =	sadd.s32 $0xC000, s6;
	[dreg:$0xb] =	wrdreg s30  }
0x11: {  	s16 =	sadd.s32 $0xF000, s6;
	s17 =	sadd.s32 $0x230, s0;
	[dreg:$0xc] =	wrdreg s13  }
0x12: {  	s18 =	sadd.s32 $0x1E0, s0;
	s0 =	sadd.s32 $0x190, s0;
	[dreg:$0xd] =	wrdreg s14  }
0x13: {  	s5 =	sshrl.u32 s5, $0x3;
	s13 =	sadd.s32 $0xD800, s6;
	[dreg:$0xf] =	wrdreg s16  }
0x14: {  	s0 =	sshrl.u32 s0, $0x3;
	s25 =	sadd.s32 $0x12000, s6;
	s14 =	simm.s32 $0x2880  }
0x15: {  	s16 =	simm.s32 $0x7;
	s7 =	sadd.s32 s5, s2;
	s2 =	sadd.s32 $0x3E200, s2  }
0x16: {  	s12 =	sadd.s32 s8, s5;
	[dreg:$0xe] =	wrdreg s13;
	s5 =	sshrl.u32 s24, $0x3  }
0x17: {  	s22 =	sadd.s32 s0, s8;
	[dreg:$0x14] =	wrdreg s25;
	s0 =	simm.s32 $0xB  }
0x18: {  	s13 =	simm.s32 $0x1;
	s19 =	sadd.s32 $0x3400, s7;
	[dreg:$0x3] =	wrdreg s12  }
0x19: {  	s25 =	simm.s32 $0x9;
	s20 =	sadd.s32 $0xA, s12;
	[dreg:$0x4] =	wrdreg s19  }
0x1a: {  	s7 =	sadd.s32 s28, s24;
	s24 =	smax.u32 s9, $0x1;
	[dreg:$0x5] =	wrdreg s20  }
0x1b: {  	s26 =	sadd.s32 $0x14, s12;
	s28 =	sadd.s32 $0x1E, s12;
	[dreg:$0x13] =	wrdreg s24  }
0x1c: {  	s30 =	sadd.s32 $0x28, s12;
	s9 =	simm.s32 $0x2800;
	[dreg:$0x16] =	wrdreg s26  }
0x1d: {  	s12 =	simm.s32 $0xA;
	s7 =	sshrl.u32 s7, $0x3;
	[dreg:$0x17] =	wrdreg s28  }
0x1e: {  	s19 =	sadd.s32 $0x10800, s6;
	[dreg:$0x18] =	wrdreg s30;
	s24 =	simm.s32 $0x5  }
0x1f: {  	s26 =	simm.s32 $0x6;
	s7 =	sadd.s32 s2, s7;
	s2 =	sadd.s32 s2, s5  }
0x20: {  	s5 =	sshrl.u32 s17, $0x3;
	[dreg:$0x11] =	wrdreg s19;
	s17 =	simm.s32 $0x2  }
0x21: {  	s19 =	simm.s32 $0x8;
	[dreg:$0x10] =	wrdreg s7;
	s7 =	sshrl.u32 s18, $0x3  }
0x22: {  	s20 =	sadd.s32 s5, s8;
	s23 =	sadd.s32 $0x27000, s2;
	s2 =	simm.s32 $0x2780  }
0x23: {  	s18 =	simm.s32 $0x4;
	s21 =	sadd.s32 s7, s8;
	[dreg:$0x12] =	wrdreg s23  }
0x24: {  	v0 =	vimm.f32 $0.0e+00;
	s7 =	simm.s32 $0x50;
	s8 =	simm.s32 $0x2900;
	s23 =	simm.s32 $0x3  }
.LBB2_1:
0x25: {  	s5 =	rddreg [dreg:$0x4]  }
0x26: {  	[tilespmem:s3], [sflag:$0xB] =	stream.linear.gather [hbm4b:s5+s3], $0x2710, $0x38;
	[tilespmem:$0x1F180] =	vst v63  }
0x27: {  	_ =	swait.ge [sflag:s0], $0x2710  }
0x28: {  	[sflag:s0] =	ssyncset.done $0x0  }
0x29: {  	s6 =	rddreg [dreg:$0x3];
	[sflag:s0] =	ssyncadd.s32 $0xFFFFD8F0  }
0x2a: {  	[tilespmem:s2], [sflag:$0x7] =	stream.linear.gather [hbm4b:s6+s3], $0x50, $0x38;
	[tilespmem:$0x1F180] =	vst v63  }
0x2b: {  	_ = 	snop  }
0x2c: {  	[tilespmem:s8], [sflag:$0x1] =	stream.indirect.gather [hbm4b:s4+s7], $0x80, s3, s7, $0xb8;
	[tilespmem:$0x1F180] =	vst v63  }
0x2d: {  	s28 =	rddreg [dreg:$0x5]  }
0x2e: {  	[tilespmem:s9], [sflag:$0x8] =	stream.linear.gather [hbm4b:s28+s3], $0x50, $0x38;
	[tilespmem:$0x1F180] =	vst v63  }
0x2f: {  	s30 =	simm.s32 $0x200;
	s5 =	simm.s32 $0x0  }
0x30: {  	[tilespmem:s10], [sflag:$0x2] =	stream.indirect.gather [hbm4b:s4+s7], $0x80, s7, s7, $0xb8;
	[tilespmem:$0x1F180] =	vst v63  }
.LBB2_2:
0x31: {  	p1 =	sne.s32 s30, $0x5E00;
	[tilespmem:s5+$0xA170] =	vst v0  }
0x32: {  	[tilespmem:s5+$0xA100] =	vst v0  }
0x33: {  	[tilespmem:s5+$0xA110] =	vst v0  }
.Ltmp0:
0x34: {  	[tilespmem:s5+$0xA120] =	vst v0;
	(pc) =	sbr.rel @p1 .LBB2_2-.Ltmp0, $4  }
0x35: {  	[tilespmem:s5+$0xA130] =	vst v0  }
0x36: {  	[tilespmem:s5+$0xA140] =	vst v0  }
0x37: {  	[tilespmem:s5+$0xA150] =	vst v0  }
0x38: {  	[tilespmem:s5+$0xA160] =	vst v0;
	s5 =	sshra.s32 s30, $0x2;
	s30 =	sadd.s32 $0x200, s30  }
0x39: {  	[tilespmem:s5+$0xA170] =	vst v0  }
0x3a: {  	[tilespmem:s5+$0xA100] =	vst v0  }
0x3b: {  	[tilespmem:s5+$0xA110] =	vst v0  }
0x3c: {  	[tilespmem:s5+$0xA120] =	vst v0  }
0x3d: {  	[tilespmem:s5+$0xA130] =	vst v0  }
0x3e: {  	[tilespmem:s5+$0xA140] =	vst v0  }
0x3f: {  	[tilespmem:s5+$0xA150] =	vst v0  }
0x40: {  	[tilespmem:s5+$0xA160] =	vst v0;
	s6 =	rddreg [dreg:$0x15]  }
0x41: {  	[spmem:s6] =	stream.linear.scatter [tilespmem:s11], [sflag:$0xA], $0x1800, $0x38;
	[tilespmem:$0x1F180] =	vst v63  }
0x42: {  	s28 =	rddreg [dreg:$0x6]  }
0x43: {  	[spmem:s28] =	stream.linear.scatter [tilespmem:s11], [sflag:$0xA], $0x1800, $0x38;
	[tilespmem:$0x1F180] =	vst v63  }
0x44: {  	s6 =	rddreg [dreg:$0x7]  }
0x45: {  	[spmem:s6] =	stream.linear.scatter [tilespmem:s11], [sflag:$0xA], $0x1800, $0x38;
	[tilespmem:$0x1F180] =	vst v63  }
0x46: {  	s28 =	rddreg [dreg:$0x8]  }
0x47: {  	[spmem:s28] =	stream.linear.scatter [tilespmem:s11], [sflag:$0xA], $0x1800, $0x38;
	[tilespmem:$0x1F180] =	vst v63  }
0x48: {  	s6 =	rddreg [dreg:$0x9]  }
0x49: {  	[spmem:s6] =	stream.linear.scatter [tilespmem:s11], [sflag:$0xA], $0x1800, $0x38;
	[tilespmem:$0x1F180] =	vst v63  }
0x4a: {  	s28 =	rddreg [dreg:$0xa]  }
0x4b: {  	[spmem:s28] =	stream.linear.scatter [tilespmem:s11], [sflag:$0xA], $0x1800, $0x38;
	[tilespmem:$0x1F180] =	vst v63  }
0x4c: {  	s6 =	rddreg [dreg:$0xb]  }
0x4d: {  	[spmem:s6] =	stream.linear.scatter [tilespmem:s11], [sflag:$0xA], $0x1800, $0x38;
	[tilespmem:$0x1F180] =	vst v63  }
0x4e: {  	s28 =	rddreg [dreg:$0xc]  }
0x4f: {  	[spmem:s28] =	stream.linear.scatter [tilespmem:s11], [sflag:$0xA], $0x1800, $0x38;
	[tilespmem:$0x1F180] =	vst v63  }
0x50: {  	s6 =	rddreg [dreg:$0xd]  }
0x51: {  	[spmem:s6] =	stream.linear.scatter [tilespmem:s11], [sflag:$0xA], $0x1800, $0x38;
	[tilespmem:$0x1F180] =	vst v63  }
0x52: {  	s28 =	rddreg [dreg:$0xe]  }
0x53: {  	[spmem:s28] =	stream.linear.scatter [tilespmem:s11], [sflag:$0xA], $0x1800, $0x38;
	[tilespmem:$0x1F180] =	vst v63  }
0x54: {  	s6 =	rddreg [dreg:$0xf]  }
0x55: {  	[spmem:s6] =	stream.linear.scatter [tilespmem:s11], [sflag:$0xA], $0x1800, $0x38;
	[tilespmem:$0x1F180] =	vst v63  }
0x56: {  	s28 =	rddreg [dreg:$0x11]  }
0x57: {  	[spmem:s28] =	stream.linear.scatter [tilespmem:s11], [sflag:$0xA], $0x1800, $0x38;
	[tilespmem:$0x1F180] =	vst v63  }
0x58: {  	s6 =	rddreg [dreg:$0x14]  }
0x59: {  	[spmem:s6] =	stream.linear.scatter [tilespmem:s11], [sflag:$0xA], $0x1800, $0x38;
	[tilespmem:$0x1F180] =	vst v63  }
0x5a: {  	_ =	swait.ge [sflag:s12], $0x1800  }
0x5b: {  	[sflag:s12] =	ssyncset.done $0x0  }
0x5c: {  	[sflag:s12] =	ssyncadd.s32 $0xFFFFE800  }
0x5d: {  	_ =	swait.ge [sflag:s12], $0x1800  }
0x5e: {  	[sflag:s12] =	ssyncset.done $0x0  }
0x5f: {  	[sflag:s12] =	ssyncadd.s32 $0xFFFFE800  }
0x60: {  	_ =	swait.ge [sflag:s12], $0x1800  }
0x61: {  	[sflag:s12] =	ssyncset.done $0x0  }
0x62: {  	[sflag:s12] =	ssyncadd.s32 $0xFFFFE800  }
0x63: {  	_ =	swait.ge [sflag:s12], $0x1800  }
0x64: {  	[sflag:s12] =	ssyncset.done $0x0  }
0x65: {  	[sflag:s12] =	ssyncadd.s32 $0xFFFFE800  }
0x66: {  	_ =	swait.ge [sflag:s12], $0x1800  }
0x67: {  	[sflag:s12] =	ssyncset.done $0x0  }
0x68: {  	[sflag:s12] =	ssyncadd.s32 $0xFFFFE800  }
0x69: {  	_ =	swait.ge [sflag:s12], $0x1800  }
0x6a: {  	[sflag:s12] =	ssyncset.done $0x0  }
0x6b: {  	[sflag:s12] =	ssyncadd.s32 $0xFFFFE800  }
0x6c: {  	_ =	swait.ge [sflag:s12], $0x1800  }
0x6d: {  	[sflag:s12] =	ssyncset.done $0x0  }
0x6e: {  	[sflag:s12] =	ssyncadd.s32 $0xFFFFE800  }
0x6f: {  	_ =	swait.ge [sflag:s12], $0x1800  }
0x70: {  	[sflag:s12] =	ssyncset.done $0x0  }
0x71: {  	[sflag:s12] =	ssyncadd.s32 $0xFFFFE800  }
0x72: {  	_ =	swait.ge [sflag:s12], $0x1800  }
0x73: {  	[sflag:s12] =	ssyncset.done $0x0  }
0x74: {  	[sflag:s12] =	ssyncadd.s32 $0xFFFFE800  }
0x75: {  	_ =	swait.ge [sflag:s12], $0x1800  }
0x76: {  	[sflag:s12] =	ssyncset.done $0x0  }
0x77: {  	[sflag:s12] =	ssyncadd.s32 $0xFFFFE800  }
0x78: {  	_ =	swait.ge [sflag:s12], $0x1800  }
0x79: {  	[sflag:s12] =	ssyncset.done $0x0  }
0x7a: {  	[sflag:s12] =	ssyncadd.s32 $0xFFFFE800  }
0x7b: {  	_ =	swait.ge [sflag:s12], $0x1800  }
0x7c: {  	[sflag:s12] =	ssyncset.done $0x0  }
0x7d: {  	[sflag:s12] =	ssyncadd.s32 $0xFFFFE800  }
0x7e: {  	_ =	swait.ge [sflag:s12], $0x1800  }
0x7f: {  	[sflag:s12] =	ssyncset.done $0x0  }
0x80: {  	s5 =	simm.s32 @!p0 $0xA100;
	[sflag:s12] =	ssyncadd.s32 $0xFFFFE800  }
0x81: {  	[spmem:s31] =	stream.linear.scatter @!p0 [tilespmem:s5], [sflag:$0xA], $0x800, $0x38;
	[tilespmem:$0x1F180] =	vst v63  }
0x82: {  	s5 =	simm.s32 @!p0 $0xA  }
0x83: {  	_ =	swait.ge @!p0 [sflag:s5], $0x800  }
0x84: {  	[sflag:s5] =	ssyncset.done @!p0 $0x0  }
0x85: {  	[sflag:s5] =	ssyncadd.s32 @!p0 $0xFFFFF800  }
0x86: {  	[bflag:$0x0] =	sbarrier.arrive $0xFFFF  }
0x87: {  	_ =	swait.ge [sflag:s13], $0x2800  }
0x88: {  	[sflag:s13] =	ssyncset.done $0x0  }
0x89: {  	s5 =	simm.s32 $0x0;
	s28 =	rddreg [dreg:$0x16];
	[sflag:s13] =	ssyncadd.s32 $0xFFFFD800  }
0x8a: {  	[tilespmem:s14], [sflag:$0x9] =	stream.linear.gather [hbm4b:s28+s5], $0x50, $0x38;
	[tilespmem:$0x1F180] =	vst v63  }
0x8b: {  	s28 =	simm.s32 $0xA0  }
0x8c: {  	[tilespmem:s15], [sflag:$0x3] =	stream.indirect.gather [hbm4b:s4+s7], $0x80, s28, s7, $0xb8;
	[tilespmem:$0x1F180] =	vst v63  }
0x8d: {  	_ =	swait.ge [sflag:s16], $0x50  }
0x8e: {  	[sflag:s16] =	ssyncset.done $0x0  }
0x8f: {  	[sflag:s16] =	ssyncadd.s32 $0xFFFFFFB0  }
0x90: {  	[spmem:s1] =	stream.indirect.scatter.add.f32 [tilespmem:s8], [sflag:$0x4], $0x80, s2, s7, $0xb8;
	[tilespmem:$0x1F180] =	vst v63  }
0x91: {  	_ =	swait.ge [sflag:s17], $0x2800  }
0x92: {  	[sflag:s17] =	ssyncset.done $0x0  }
0x93: {  	[sflag:s17] =	ssyncadd.s32 $0xFFFFD800  }
0x94: {  	_ =	swait.ge [sflag:s18], $0x2800  }
0x95: {  	[sflag:s18] =	ssyncset.done $0x0  }
0x96: {  	s28 =	rddreg [dreg:$0x17];
	[sflag:s18] =	ssyncadd.s32 $0xFFFFD800  }
0x97: {  	[tilespmem:s2], [sflag:$0x7] =	stream.linear.gather [hbm4b:s28+s5], $0x50, $0x38;
	[tilespmem:$0x1F180] =	vst v63  }
0x98: {  	s28 =	simm.s32 $0xF0  }
0x99: {  	[tilespmem:s8], [sflag:$0x1] =	stream.indirect.gather [hbm4b:s4+s7], $0x80, s28, s7, $0xb8;
	[tilespmem:$0x1F180] =	vst v63  }
0x9a: {  	_ =	swait.ge [sflag:s19], $0x50  }
0x9b: {  	[sflag:s19] =	ssyncset.done $0x0  }
0x9c: {  	[sflag:s19] =	ssyncadd.s32 $0xFFFFFFB0  }
0x9d: {  	[spmem:s1] =	stream.indirect.scatter.add.f32 [tilespmem:s10], [sflag:$0x5], $0x80, s9, s7, $0xb8;
	[tilespmem:$0x1F180] =	vst v63  }
0x9e: {  	_ =	swait.ge [sflag:s23], $0x2800  }
0x9f: {  	[sflag:s23] =	ssyncset.done $0x0  }
0xa0: {  	[sflag:s23] =	ssyncadd.s32 $0xFFFFD800  }
0xa1: {  	_ =	swait.ge [sflag:s24], $0x2800  }
0xa2: {  	[sflag:s24] =	ssyncset.done $0x0  }
0xa3: {  	s28 =	rddreg [dreg:$0x18];
	[sflag:s24] =	ssyncadd.s32 $0xFFFFD800  }
0xa4: {  	[tilespmem:s9], [sflag:$0x8] =	stream.linear.gather [hbm4b:s28+s5], $0x50, $0x38;
	[tilespmem:$0x1F180] =	vst v63  }
0xa5: {  	s28 =	simm.s32 $0x140  }
0xa6: {  	[tilespmem:s10], [sflag:$0x2] =	stream.indirect.gather [hbm4b:s4+s7], $0x80, s28, s7, $0xb8;
	[tilespmem:$0x1F180] =	vst v63  }
0xa7: {  	_ =	swait.ge [sflag:s25], $0x50  }
0xa8: {  	[sflag:s25] =	ssyncset.done $0x0  }
0xa9: {  	[sflag:s25] =	ssyncadd.s32 $0xFFFFFFB0  }
0xaa: {  	[spmem:s1] =	stream.indirect.scatter.add.f32 [tilespmem:s15], [sflag:$0x6], $0x80, s14, s7, $0xb8;
	[tilespmem:$0x1F180] =	vst v63  }
0xab: {  	_ =	swait.ge [sflag:s13], $0x2800  }
0xac: {  	[sflag:s13] =	ssyncset.done $0x0  }
0xad: {  	[sflag:s13] =	ssyncadd.s32 $0xFFFFD800  }
0xae: {  	_ =	swait.ge [sflag:s26], $0x2800  }
0xaf: {  	[sflag:s26] =	ssyncset.done $0x0  }
0xb0: {  	s28 =	sadd.s32 $0x0, s22;
	[sflag:s26] =	ssyncadd.s32 $0xFFFFD800  }
0xb1: {  	[tilespmem:s14], [sflag:$0x9] =	stream.linear.gather [hbm4b:s28+s3], $0x50, $0x38;
	[tilespmem:$0x1F180] =	vst v63  }
0xb2: {  	s28 =	simm.s32 $0x190  }
0xb3: {  	[tilespmem:s15], [sflag:$0x3] =	stream.indirect.gather [hbm4b:s4+s7], $0x80, s28, s7, $0xb8;
	[tilespmem:$0x1F180] =	vst v63  }
0xb4: {  	_ =	swait.ge [sflag:s16], $0x50  }
0xb5: {  	[sflag:s16] =	ssyncset.done $0x0  }
0xb6: {  	[sflag:s16] =	ssyncadd.s32 $0xFFFFFFB0  }
0xb7: {  	[spmem:s1] =	stream.indirect.scatter.add.f32 [tilespmem:s8], [sflag:$0x4], $0x80, s2, s7, $0xb8;
	[tilespmem:$0x1F180] =	vst v63  }
0xb8: {  	_ =	swait.ge [sflag:s17], $0x2800  }
0xb9: {  	[sflag:s17] =	ssyncset.done $0x0  }
0xba: {  	[sflag:s17] =	ssyncadd.s32 $0xFFFFD800  }
0xbb: {  	_ =	swait.ge [sflag:s18], $0x2800  }
0xbc: {  	[sflag:s18] =	ssyncset.done $0x0  }
0xbd: {  	s28 =	sadd.s32 $0x0, s21;
	[sflag:s18] =	ssyncadd.s32 $0xFFFFD800  }
0xbe: {  	[tilespmem:s2], [sflag:$0x7] =	stream.linear.gather [hbm4b:s28+s3], $0x50, $0x38;
	[tilespmem:$0x1F180] =	vst v63  }
0xbf: {  	s28 =	simm.s32 $0x1E0  }
0xc0: {  	[tilespmem:s8], [sflag:$0x1] =	stream.indirect.gather [hbm4b:s4+s7], $0x80, s28, s7, $0xb8;
	[tilespmem:$0x1F180] =	vst v63  }
0xc1: {  	_ =	swait.ge [sflag:s19], $0x50  }
0xc2: {  	[sflag:s19] =	ssyncset.done $0x0  }
0xc3: {  	[sflag:s19] =	ssyncadd.s32 $0xFFFFFFB0  }
0xc4: {  	[spmem:s1] =	stream.indirect.scatter.add.f32 [tilespmem:s10], [sflag:$0x5], $0x80, s9, s7, $0xb8;
	[tilespmem:$0x1F180] =	vst v63  }
0xc5: {  	_ =	swait.ge [sflag:s23], $0x2800  }
0xc6: {  	[sflag:s23] =	ssyncset.done $0x0  }
0xc7: {  	[sflag:s23] =	ssyncadd.s32 $0xFFFFD800  }
0xc8: {  	_ =	swait.ge [sflag:s24], $0x2800  }
0xc9: {  	[sflag:s24] =	ssyncset.done $0x0  }
0xca: {  	s28 =	sadd.s32 $0x0, s20;
	[sflag:s24] =	ssyncadd.s32 $0xFFFFD800  }
0xcb: {  	[tilespmem:s9], [sflag:$0x8] =	stream.linear.gather [hbm4b:s28+s3], $0x50, $0x38;
	[tilespmem:$0x1F180] =	vst v63  }
0xcc: {  	s28 =	simm.s32 $0x230  }
0xcd: {  	[tilespmem:s10], [sflag:$0x2] =	stream.indirect.gather [hbm4b:s4+s7], $0x80, s28, s7, $0xb8;
	[tilespmem:$0x1F180] =	vst v63  }
0xce: {  	_ =	swait.ge [sflag:s25], $0x50  }
0xcf: {  	s30 =	simm.s32 $0x1E;
	[sflag:s25] =	ssyncset.done $0x0  }
0xd0: {  	s6 =	smov.u32 s31;
	s31 =	simm.s32 $0x320;
	[sflag:s25] =	ssyncadd.s32 $0xFFFFFFB0  }
.LBB2_4:
0xd1: {  	[spmem:s1] =	stream.indirect.scatter.add.f32 [tilespmem:s15], [sflag:$0x6], $0x80, s14, s7, $0xb8;
	[tilespmem:$0x1F180] =	vst v63  }
0xd2: {  	s5 =	smov.u32 s30  }
0xd3: {  	p1 =	sne.s32 s30, $0x492;
	s30 =	sadd.s32 $0x1E, s30;
	_ =	swait.ge [sflag:s13], $0x2800  }
0xd4: {  	[sflag:s13] =	ssyncset.done $0x0  }
0xd5: {  	[sflag:s13] =	ssyncadd.s32 $0xFFFFD800  }
0xd6: {  	_ =	swait.ge [sflag:s26], $0x2800  }
0xd7: {  	[sflag:s26] =	ssyncset.done $0x0  }
0xd8: {  	s28 =	sadd.s32 s5, s22;
	[sflag:s26] =	ssyncadd.s32 $0xFFFFD800  }
0xd9: {  	[tilespmem:s14], [sflag:$0x9] =	stream.linear.gather [hbm4b:s28+s3], $0x50, $0x38;
	[tilespmem:$0x1F180] =	vst v63  }
0xda: {  	s28 =	sadd.s32 $0xFFFFFF60, s31  }
0xdb: {  	[tilespmem:s15], [sflag:$0x3] =	stream.indirect.gather [hbm4b:s4+s7], $0x80, s28, s7, $0xb8;
	[tilespmem:$0x1F180] =	vst v63  }
0xdc: {  	_ =	swait.ge [sflag:s16], $0x50  }
0xdd: {  	[sflag:s16] =	ssyncset.done $0x0  }
0xde: {  	[sflag:s16] =	ssyncadd.s32 $0xFFFFFFB0  }
0xdf: {  	[spmem:s1] =	stream.indirect.scatter.add.f32 [tilespmem:s8], [sflag:$0x4], $0x80, s2, s7, $0xb8;
	[tilespmem:$0x1F180] =	vst v63  }
0xe0: {  	_ =	swait.ge [sflag:s17], $0x2800  }
0xe1: {  	[sflag:s17] =	ssyncset.done $0x0  }
0xe2: {  	[sflag:s17] =	ssyncadd.s32 $0xFFFFD800  }
0xe3: {  	_ =	swait.ge [sflag:s18], $0x2800  }
0xe4: {  	[sflag:s18] =	ssyncset.done $0x0  }
0xe5: {  	s28 =	sadd.s32 s5, s21;
	[sflag:s18] =	ssyncadd.s32 $0xFFFFD800  }
0xe6: {  	[tilespmem:s2], [sflag:$0x7] =	stream.linear.gather [hbm4b:s28+s3], $0x50, $0x38;
	[tilespmem:$0x1F180] =	vst v63  }
0xe7: {  	s28 =	sadd.s32 $0xFFFFFFB0, s31  }
0xe8: {  	[tilespmem:s8], [sflag:$0x1] =	stream.indirect.gather [hbm4b:s4+s7], $0x80, s28, s7, $0xb8;
	[tilespmem:$0x1F180] =	vst v63  }
0xe9: {  	_ =	swait.ge [sflag:s19], $0x50  }
0xea: {  	[sflag:s19] =	ssyncset.done $0x0  }
0xeb: {  	[sflag:s19] =	ssyncadd.s32 $0xFFFFFFB0  }
0xec: {  	[spmem:s1] =	stream.indirect.scatter.add.f32 [tilespmem:s10], [sflag:$0x5], $0x80, s9, s7, $0xb8;
	[tilespmem:$0x1F180] =	vst v63  }
0xed: {  	_ =	swait.ge [sflag:s23], $0x2800  }
0xee: {  	[sflag:s23] =	ssyncset.done $0x0  }
0xef: {  	[sflag:s23] =	ssyncadd.s32 $0xFFFFD800  }
0xf0: {  	_ =	swait.ge [sflag:s24], $0x2800  }
0xf1: {  	[sflag:s24] =	ssyncset.done $0x0  }
0xf2: {  	s5 =	sadd.s32 s5, s20;
	[sflag:s24] =	ssyncadd.s32 $0xFFFFD800  }
0xf3: {  	[tilespmem:s9], [sflag:$0x8] =	stream.linear.gather [hbm4b:s5+s3], $0x50, $0x38;
	[tilespmem:$0x1F180] =	vst v63  }
.Ltmp1:
0xf4: {  	(pc) =	sbr.rel @p1 .LBB2_4-.Ltmp1, $4  }
0xf5: {  	[tilespmem:s10], [sflag:$0x2] =	stream.indirect.gather [hbm4b:s4+s7], $0x80, s31, s7, $0xb8;
	[tilespmem:$0x1F180] =	vst v63  }
0xf6: {  	_ =	swait.ge [sflag:s25], $0x50  }
0xf7: {  	[sflag:s25] =	ssyncset.done $0x0  }
0xf8: {  	s31 =	sadd.s32 $0xF0, s31;
	[sflag:s25] =	ssyncadd.s32 $0xFFFFFFB0  }
0xf9: {  	[spmem:s1] =	stream.indirect.scatter.add.f32 [tilespmem:s15], [sflag:$0x6], $0x80, s14, s7, $0xb8;
	[tilespmem:$0x1F180] =	vst v63  }
0xfa: {  	_ =	swait.ge [sflag:s13], $0x2800  }
0xfb: {  	[sflag:s13] =	ssyncset.done $0x0  }
0xfc: {  	[sflag:s13] =	ssyncadd.s32 $0xFFFFD800  }
0xfd: {  	_ =	swait.ge [sflag:s16], $0x50  }
0xfe: {  	[sflag:s16] =	ssyncset.done $0x0  }
0xff: {  	[sflag:s16] =	ssyncadd.s32 $0xFFFFFFB0  }
0x100: {  	[spmem:s1] =	stream.indirect.scatter.add.f32 [tilespmem:s8], [sflag:$0x4], $0x80, s2, s7, $0xb8;
	[tilespmem:$0x1F180] =	vst v63  }
0x101: {  	_ =	swait.ge [sflag:s17], $0x2800  }
0x102: {  	[sflag:s17] =	ssyncset.done $0x0  }
0x103: {  	[sflag:s17] =	ssyncadd.s32 $0xFFFFD800  }
0x104: {  	_ =	swait.ge [sflag:s19], $0x50  }
0x105: {  	[sflag:s19] =	ssyncset.done $0x0  }
0x106: {  	[sflag:s19] =	ssyncadd.s32 $0xFFFFFFB0  }
0x107: {  	[spmem:s1] =	stream.indirect.scatter.add.f32 [tilespmem:s10], [sflag:$0x5], $0x80, s9, s7, $0xb8;
	[tilespmem:$0x1F180] =	vst v63  }
0x108: {  	_ =	swait.ge [sflag:s18], $0x2800  }
0x109: {  	[sflag:s18] =	ssyncset.done $0x0  }
0x10a: {  	[sflag:s18] =	ssyncadd.s32 $0xFFFFD800  }
0x10b: {  	_ =	swait.ge [sflag:s24], $0x2800  }
0x10c: {  	[sflag:s24] =	ssyncset.done $0x0  }
0x10d: {  	[sflag:s24] =	ssyncadd.s32 $0xFFFFD800  }
0x10e: {  	_ =	swait.ge [sflag:s26], $0x2800  }
0x10f: {  	[sflag:s26] =	ssyncset.done $0x0  }
0x110: {  	[sflag:s26] =	ssyncadd.s32 $0xFFFFD800  }
0x111: {  	s5 =	stileid.u32;
	[bflag:$0x0] =	sbarrier.arrive $0xFFFF  }
0x112: {  	s5 =	sshll.u32 s5, $0x6;
	s28 =	rddreg [dreg:$0x15]  }
0x113: {  	s5 =	sor.u32 $0x1C0B, s5;
	s30 =	rddreg [dreg:$0x10];
	s28 =	sshrl.u32 s28, $0x3  }
0x114: {  	[hbm:s30], [sflag:s5] =	dma.local [spmem:s28], $0x2700  }
0x115: {  	_ =	swait.ge [sflag:s0], $0x2700  }
0x116: {  	[sflag:s0] =	ssyncset.done $0x0  }
0x117: {  	s28 =	sshrl.u32 @!p0 s6, $0x3;
	s30 =	rddreg [dreg:$0x12];
	[sflag:s0] =	ssyncadd.s32 $0xFFFFD900  }
0x118: {  	[hbm:s30], [sflag:s5] =	dma.local @!p0 [spmem:s28], $0x100  }
0x119: {  	s5 =	simm.s32 @!p0 $0xB  }
0x11a: {  	_ =	swait.ge @!p0 [sflag:s5], $0x100  }
0x11b: {  	s29 =	sadd.s32 $0x1, s29;
	s30 =	rddreg [dreg:$0x13]  }
0x11c: {  	p1 =	sne.s32 s29, s30  }
.Ltmp2:
0x11d: {  	_ = 	snop;
	(pc) =	sbr.rel @p1 .LBB2_1-.Ltmp2, $3  }
0x11e: {  	_ =	sdelay $0x1  }
0x11f: {  	[sflag:s5] =	ssyncset.done @!p0 $0x0  }
0x120: {  	s31 =	smov.u32 s6;
	[sflag:s5] =	ssyncadd.s32 @!p0 $0xFFFFFF00  }
0x121: {  	_ =	sfence.sel $0x180000  }
0x122: {  	[bflag:$0x0] =	sbarrier.arrive $0xFFFF  }
0x123: {  	_ =	strace $0x90000050  }
0x124: {  	[bflag:$0x2] =	sbarrier.arrive $0xFFFF  }
0x125: {  	s0 =	rddreg [dreg:$0x2]  }
0x126: {  	s0 =	sadd.s32 @!p0 $0x100000, s0  }
0x127: {  	[sflag:s0] =	ssyncadd.tile.s32 @!p0 $0x1;
	_ =	shalt  }
.Lfunc_end2:
_tile_overlayer_lowered:
.L_overlay_start_2:
0x128: {  	(tag) =	ssettag $0x2  }
0x129: {  	s0 =	rddreg [dreg:$0x0];
	s2 =	stileid.u32  }
0x12a: {  	s1 =	rddreg [dreg:$0x1];
	p0 =	sne.s32 s2, $0x0  }
0x12b: {  	s3 =	rddreg [dreg:$0x2];
	[bflag:$0x3] =	sbarrier.arrive $0xFFFF;
	s2 =	simm.s32 @!p0 $0x1C0B  }
0x12c: {  	[timem:s3], [sflag:s2] =	dma.local @!p0 [hbm:s0], s1  }
0x12d: {  	s0 =	simm.s32 @!p0 $0xB  }
0x12e: {  	_ =	swait.ge @!p0 [sflag:s0], s1  }
0x12f: {  	s1 =	ssub.s32 @!p0 $0x0, s1;
	[sflag:s0] =	ssyncset.done @!p0 $0x0  }
0x130: {  	[sflag:s0] =	ssyncadd.s32 @!p0 s1  }
0x131: {  	[bflag:$0x3] =	sbarrier.arrive $0xFFFF  }
0x132: {  	_ =	shalt  }

</sc_bundles>
